<compile_context>
chip_gen: v7x
topology: tpu7x:2x2x1
jax: 0.10.2.dev20260603
libtpu: 0.0.44.dev20260713+nightly
codegen_flags: <defaults>
</compile_context>

<pallas_src>
import functools

import jax
import jax.numpy as jnp
from jax import lax
from jax.experimental import pallas as pl
from jax.experimental.pallas import tpu as pltpu
from jax.experimental.pallas import tpu_sc as plsc

_ALPHA = 0.1
_NC = 2
_NS = 16
_NW = _NC * _NS
_C = 128


def _proj_body(tab_rows, e_ref, w_ref, b_ref, px_ref, py_ref, pw_ref, ph_ref):
    p = lax.dot_general(
        e_ref[...], w_ref[...],
        dimension_numbers=(((1,), (1,)), ((), ())),
        preferred_element_type=jnp.float32,
    ) * _ALPHA
    px_ref[...] = p[0:tab_rows]
    py_ref[...] = p[tab_rows:2 * tab_rows]
    pw_ref[...] = p[2 * tab_rows:3 * tab_rows]
    ph_ref[...] = p[3 * tab_rows:4 * tab_rows] + b_ref[...] * _ALPHA


def _project_tables(ecat, w_mlp, b2d, tab_rows):
    emb = ecat.shape[1]
    shp = jax.ShapeDtypeStruct((tab_rows, emb), jnp.float32)
    return pl.pallas_call(
        functools.partial(_proj_body, tab_rows),
        out_shape=[shp, shp, shp, shp],
    )(ecat, w_mlp, b2d)


def _sc_body(n_chunks, l_tiles, b_tiles,
             px_hbm, py_hbm, pw_hbm, ph_hbm,
             i0_hbm, i1_hbm, i2_hbm, i3_hbm, i4_hbm, i5_hbm, i6_hbm,
             eocr_hbm, out_hbm,
             idx0_v, idx1_v, acc0_v, acc1_v, tokrows0_v, tokrows1_v,
             outt_v,
             semi0, semi1, semf0, semf1, semg0, semg1, semo):
    wid = lax.axis_index("s") * _NC + lax.axis_index("c")
    per_w = n_chunks * _C
    idx_hbm = (i0_hbm, i1_hbm, i2_hbm, i3_hbm, i4_hbm, i5_hbm, i6_hbm)
    tabs = (px_hbm, py_hbm, px_hbm, py_hbm, pw_hbm, ph_hbm)
    idx_v = (idx0_v, idx1_v)
    acc_v = (acc0_v, acc1_v)
    tokrows_v = (tokrows0_v, tokrows1_v)
    semi = (semi0, semi1)
    semf = (semf0, semf1)
    semg = (semg0, semg1)
    ebase = lax.iota(jnp.int32, 16)

    def fire_idx(t, s):
        base = wid * per_w + t * _C
        for j in range(7):
            pltpu.async_copy(idx_hbm[j].at[pl.ds(base, _C)],
                             idx_v[s].at[j], semi[s])

    def wait_idx(s):
        for j in range(7):
            pltpu.make_async_copy(
                idx_hbm[j].at[pl.ds(0, _C)], idx_v[s].at[j], semi[s]).wait()

    def fire_first(s):
        pltpu.async_copy(tabs[0].at[idx_v[s].at[0]], acc_v[s], semf[s])
        pltpu.async_copy(eocr_hbm.at[idx_v[s].at[6]], tokrows_v[s], semg[s])

    def wait_first(s):
        pltpu.make_async_copy(
            tabs[0].at[idx_v[s].at[0]], acc_v[s], semf[s]).wait()

    def fire_rest(s):
        for j in range(1, 6):
            pltpu.async_copy(
                tabs[j].at[idx_v[s].at[j]], acc_v[s], semg[s], add=True)

    def wait_rest(s):
        for j in range(1, 6):
            pltpu.make_async_copy(
                tabs[j].at[idx_v[s].at[j]], acc_v[s], semg[s]).wait()
        pltpu.make_async_copy(
            eocr_hbm.at[idx_v[s].at[6]], tokrows_v[s], semg[s]).wait()

    def fire_out(t):
        c = wid * n_chunks + t
        lt = c // (b_tiles * 8)
        rem = c % (b_tiles * 8)
        bt = rem // 8
        li = rem % 8
        ell = lt * 8 + li
        for et in range(8):
            off = ell * (8 * b_tiles * 8) + et * (b_tiles * 8) + bt * 8
            pltpu.async_copy(
                outt_v.at[pl.ds(et * 8, 8), pl.ds(0, _C)],
                out_hbm.at[pl.ds(off, 8)], semo)

    def wait_out():
        for et in range(8):
            pltpu.make_async_copy(
                outt_v.at[pl.ds(et * 8, 8), pl.ds(0, _C)],
                out_hbm.at[pl.ds(0, 8)], semo).wait()

    def compute(s):
        rv = acc_v[s]
        tv = tokrows_v[s]

        def tok_body(i, carry2):
            for k in range(4):
                sl = pl.ds(k * 16, 16)
                z = tv[i, sl] + jnp.maximum(rv[i, sl], 0.0)
                plsc.store_scatter(outt_v, [k * 16 + ebase, ebase * 0 + i], z)
            return carry2

        lax.fori_loop(0, _C, tok_body, 0, unroll=4)

    fire_idx(0, 0)
    fire_idx(1, 1)
    wait_idx(0)
    fire_first(0)
    wait_first(0)
    fire_rest(0)

    def outer(c, carry):
        for b in range(2):
            t = c + b
            sn = 1 - b

            @pl.when(t + 1 < n_chunks)
            def _():
                wait_idx(sn)
                fire_first(sn)

            wait_rest(b)

            @pl.when(t + 2 < n_chunks)
            def _():
                fire_idx(t + 2, b)

            @pl.when(t >= 1)
            def _():
                wait_out()

            @pl.when(t + 1 < n_chunks)
            def _():
                wait_first(sn)
                fire_rest(sn)

            compute(b)
            fire_out(t)
        return carry

    lax.fori_loop(0, n_chunks // 2, lambda c, carry: outer(2 * c, carry), 0)
    wait_out()


def _sc_lookup(tables, e_ocr, n, l_tiles, b_tiles, idx_flat):
    n_chunks = n // (_NW * _C)
    mesh = plsc.VectorSubcoreMesh(
        core_axis_name="c", subcore_axis_name="s",
        num_cores=_NC, num_subcores=_NS)
    emb = e_ocr.shape[1]
    f = pl.kernel(
        functools.partial(_sc_body, n_chunks, l_tiles, b_tiles),
        out_type=jax.ShapeDtypeStruct((n * emb // _C, _C), jnp.float32),
        mesh=mesh,
        compiler_params=pltpu.CompilerParams(
            use_tc_tiling_on_sc=False, needs_layout_passes=False),
        scratch_types=[
            pltpu.VMEM((7, _C), jnp.int32),
            pltpu.VMEM((7, _C), jnp.int32),
            pltpu.VMEM((_C, emb), jnp.float32),
            pltpu.VMEM((_C, emb), jnp.float32),
            pltpu.VMEM((_C, emb), jnp.float32),
            pltpu.VMEM((_C, emb), jnp.float32),
            pltpu.VMEM((emb, _C + 1), jnp.float32),
            pltpu.SemaphoreType.DMA,
            pltpu.SemaphoreType.DMA,
            pltpu.SemaphoreType.DMA,
            pltpu.SemaphoreType.DMA,
            pltpu.SemaphoreType.DMA,
            pltpu.SemaphoreType.DMA,
            pltpu.SemaphoreType.DMA,
        ],
    )
    return f(*tables, *idx_flat, e_ocr)


def kernel(tok, x0, y0, x1, y1, w, h, E_ocr, E_x, E_y, E_w, E_h, W_mlp, b_mlp):
    b, l = tok.shape
    n = b * l
    emb = E_ocr.shape[1]
    tab_rows = E_x.shape[0]
    l_tiles = l // 8
    b_tiles = b // _C

    ecat = jnp.concatenate([E_x, E_y, E_w, E_h], axis=0)
    tables = _project_tables(ecat, W_mlp, b_mlp.reshape(1, -1), tab_rows)

    def phys(a):
        return (a.astype(jnp.int32).transpose(1, 0)
                .reshape(l_tiles, 8, b_tiles, _C)
                .transpose(0, 2, 1, 3)
                .reshape(-1))

    idx_flat = [phys(x0), phys(y0), phys(x1), phys(y1),
                phys(w), phys(h), phys(tok)]
    out = _sc_lookup(tables, E_ocr, n, l_tiles, b_tiles, idx_flat)

    return (out.reshape(l, emb // 8, b_tiles, 8, _C)
            .transpose(2, 4, 0, 1, 3)
            .reshape(b, l, emb))

# --- scband reference (transcript-rebuilt; emitter-appended) ---
"""Pipeline reference for scband-ocr-embedding-24747601560196 (READ-ONLY COPY).

The authoritative reference and input builder live on the scoring server;
editing this copy changes nothing except your own understanding.
"""

import jax, jax.numpy as jnp
import numpy as np

N_TOK = 100000
EMB_DIM = 64
IMG_W = 1000
IMG_H = 1000
ALPHA = 0.1
B, L = 4096, 200


def setup_inputs(seed: int = 0) -> dict:
    key = jax.random.key(seed)
    ks = jax.random.split(key, 16)
    tok = jax.random.randint(ks[0], (B, L), 0, N_TOK, dtype=jnp.int64 if jax.config.jax_enable_x64 else jnp.int32)
    x0 = jax.random.randint(ks[1], (B, L), 0, IMG_W)
    y0 = jax.random.randint(ks[2], (B, L), 0, IMG_H)
    x1 = jax.random.randint(ks[3], (B, L), 0, IMG_W)
    y1 = jax.random.randint(ks[4], (B, L), 0, IMG_H)
    w = jax.random.randint(ks[5], (B, L), 0, IMG_W)
    h = jax.random.randint(ks[6], (B, L), 0, IMG_H)
    E_ocr = jax.random.normal(ks[7], (N_TOK, EMB_DIM), dtype=jnp.float32)
    E_x = jax.random.normal(ks[8], (IMG_W, EMB_DIM), dtype=jnp.float32)
    E_y = jax.random.normal(ks[9], (IMG_H, EMB_DIM), dtype=jnp.float32)
    E_w = jax.random.normal(ks[10], (IMG_W, EMB_DIM), dtype=jnp.float32)
    E_h = jax.random.normal(ks[11], (IMG_H, EMB_DIM), dtype=jnp.float32)
    W_mlp = jax.random.normal(ks[12], (EMB_DIM, EMB_DIM), dtype=jnp.float32) * (1.0 / np.sqrt(EMB_DIM))
    b_mlp = jnp.zeros((EMB_DIM,), dtype=jnp.float32)
    return {"tok": tok, "x0": x0, "y0": y0, "x1": x1, "y1": y1, "w": w, "h": h,
            "E_ocr": E_ocr, "E_x": E_x, "E_y": E_y, "E_w": E_w, "E_h": E_h,
            "W_mlp": W_mlp, "b_mlp": b_mlp}


def reference(tok, x0, y0, x1, y1, w, h, E_ocr, E_x, E_y, E_w, E_h, W_mlp, b_mlp):
    tok_emb = jnp.take(E_ocr, tok, axis=0)
    bbox = (jnp.take(E_x, x0, axis=0) + jnp.take(E_y, y0, axis=0)
            + jnp.take(E_x, x1, axis=0) + jnp.take(E_y, y1, axis=0)
            + jnp.take(E_w, w, axis=0) + jnp.take(E_h, h, axis=0))
    bbox_emb = jax.nn.relu(bbox @ W_mlp.T + b_mlp)
    y = tok_emb + ALPHA * bbox_emb
    return y

if __name__ == "__main__":
    import jax
    _d = setup_inputs()
    print(jax.jit(kernel)(*tuple(_d.values())))

</pallas_src>

<mosaic_0001>
#map = affine_map<(d0, d1) -> (0, 0)>
#map1 = affine_map<(d0, d1) -> (0)>
module attributes {stable_mosaic.version = 14 : i64} {
  func.func @_sc_body(%arg0: i32, %arg1: i32, %arg2: memref<1000x64xf32, #tpu.memory_space<hbm>>, %arg3: memref<1000x64xf32, #tpu.memory_space<hbm>>, %arg4: memref<1000x64xf32, #tpu.memory_space<hbm>>, %arg5: memref<1000x64xf32, #tpu.memory_space<hbm>>, %arg6: memref<819200xi32, #tpu.memory_space<hbm>>, %arg7: memref<819200xi32, #tpu.memory_space<hbm>>, %arg8: memref<819200xi32, #tpu.memory_space<hbm>>, %arg9: memref<819200xi32, #tpu.memory_space<hbm>>, %arg10: memref<819200xi32, #tpu.memory_space<hbm>>, %arg11: memref<819200xi32, #tpu.memory_space<hbm>>, %arg12: memref<819200xi32, #tpu.memory_space<hbm>>, %arg13: memref<100000x64xf32, #tpu.memory_space<hbm>>, %arg14: memref<409600x128xf32, #tpu.memory_space<hbm>>, %arg15: memref<7x128xi32, #tpu.memory_space<vmem>>, %arg16: memref<7x128xi32, #tpu.memory_space<vmem>>, %arg17: memref<128x64xf32, #tpu.memory_space<vmem>>, %arg18: memref<128x64xf32, #tpu.memory_space<vmem>>, %arg19: memref<128x64xf32, #tpu.memory_space<vmem>>, %arg20: memref<128x64xf32, #tpu.memory_space<vmem>>, %arg21: memref<64x129xf32, #tpu.memory_space<vmem>>, %arg22: memref<!tpu.dma_semaphore, #tpu.memory_space<semaphore_mem>>, %arg23: memref<!tpu.dma_semaphore, #tpu.memory_space<semaphore_mem>>, %arg24: memref<!tpu.dma_semaphore, #tpu.memory_space<semaphore_mem>>, %arg25: memref<!tpu.dma_semaphore, #tpu.memory_space<semaphore_mem>>, %arg26: memref<!tpu.dma_semaphore, #tpu.memory_space<semaphore_mem>>, %arg27: memref<!tpu.dma_semaphore, #tpu.memory_space<semaphore_mem>>, %arg28: memref<!tpu.dma_semaphore, #tpu.memory_space<semaphore_mem>>) attributes {dimension_semantics = [#tpu.dimension_semantics<core_parallel>, #tpu.dimension_semantics<subcore_parallel>], iteration_bounds = array<i64: 2, 16>, scalar_prefetch = 0 : i64, scratch_operands = 14 : i64, tpu.core_type = #tpu.core_type<sc_vector_subcore>, window_params = [{transform_indices = #map}, {transform_indices = #map}, {transform_indices = #map}, {transform_indices = #map}, {transform_indices = #map1}, {transform_indices = #map1}, {transform_indices = #map1}, {transform_indices = #map1}, {transform_indices = #map1}, {transform_indices = #map1}, {transform_indices = #map1}, {transform_indices = #map}, {transform_indices = #map}]} {
    %mul3A = arith.constant 2 : i32
    %mul3A_0 = arith.muli %arg1, %mul3A : i32
    %add3A = arith.addi %mul3A_0, %arg0 : i32
    %iota3A = tpu.iota {dimensions = array<i32: 0>} : vector<16xi32>
    %mul3A_1 = arith.constant 25600 : i32
    %mul3A_2 = arith.muli %add3A, %mul3A_1 : i32
    %add3A_3 = arith.constant 0 : i32
    %add3A_4 = arith.addi %mul3A_2, %add3A_3 : i32
    %dma_start3A = arith.constant 0 : i32
    %dma_start3A_5 = arith.constant 0 : i32
    %dma_start3A_6 = tpu.memref_slice %arg15[%dma_start3A, %dma_start3A_5] : memref<7x128xi32, #tpu.memory_space<vmem>> -> memref<1x128xi32, #tpu.memory_space<vmem>>
    %dma_start3A_7 = tpu.memref_squeeze %dma_start3A_6 : memref<1x128xi32, #tpu.memory_space<vmem>> -> memref<128xi32, #tpu.memory_space<vmem>>
    %dma_start3A_8 = tpu.memref_slice %arg6[%add3A_4] : memref<819200xi32, #tpu.memory_space<hbm>> -> memref<128xi32, #tpu.memory_space<hbm>>
    %dma_start3A_9 = arith.constant 0 : i32
    %dma_start3A_10 = tpu.memref_slice %arg15[%dma_start3A, %dma_start3A_9] : memref<7x128xi32, #tpu.memory_space<vmem>> -> memref<1x128xi32, #tpu.memory_space<vmem>>
    %dma_start3A_11 = tpu.memref_squeeze %dma_start3A_10 : memref<1x128xi32, #tpu.memory_space<vmem>> -> memref<128xi32, #tpu.memory_space<vmem>>
    %dma_start3A_12 = tpu.memref_slice %arg6[%add3A_4] : memref<819200xi32, #tpu.memory_space<hbm>> -> memref<128xi32, #tpu.memory_space<hbm>>
    tpu.enqueue_dma source(%dma_start3A_12 : memref<128xi32, #tpu.memory_space<hbm>>) target(%dma_start3A_11 : memref<128xi32, #tpu.memory_space<vmem>>) target_semaphore(%arg22 : memref<!tpu.dma_semaphore, #tpu.memory_space<semaphore_mem>>)
    %dma_start3A_13 = arith.constant 1 : i32
    %dma_start3A_14 = arith.constant 0 : i32
    %dma_start3A_15 = tpu.memref_slice %arg15[%dma_start3A_13, %dma_start3A_14] : memref<7x128xi32, #tpu.memory_space<vmem>> -> memref<1x128xi32, #tpu.memory_space<vmem>>
    %dma_start3A_16 = tpu.memref_squeeze %dma_start3A_15 : memref<1x128xi32, #tpu.memory_space<vmem>> -> memref<128xi32, #tpu.memory_space<vmem>>
    %dma_start3A_17 = tpu.memref_slice %arg7[%add3A_4] : memref<819200xi32, #tpu.memory_space<hbm>> -> memref<128xi32, #tpu.memory_space<hbm>>
    %dma_start3A_18 = arith.constant 0 : i32
    %dma_start3A_19 = tpu.memref_slice %arg15[%dma_start3A_13, %dma_start3A_18] : memref<7x128xi32, #tpu.memory_space<vmem>> -> memref<1x128xi32, #tpu.memory_space<vmem>>
    %dma_start3A_20 = tpu.memref_squeeze %dma_start3A_19 : memref<1x128xi32, #tpu.memory_space<vmem>> -> memref<128xi32, #tpu.memory_space<vmem>>
    %dma_start3A_21 = tpu.memref_slice %arg7[%add3A_4] : memref<819200xi32, #tpu.memory_space<hbm>> -> memref<128xi32, #tpu.memory_space<hbm>>
    tpu.enqueue_dma source(%dma_start3A_21 : memref<128xi32, #tpu.memory_space<hbm>>) target(%dma_start3A_20 : memref<128xi32, #tpu.memory_space<vmem>>) target_semaphore(%arg22 : memref<!tpu.dma_semaphore, #tpu.memory_space<semaphore_mem>>)
    %dma_start3A_22 = arith.constant 2 : i32
    %dma_start3A_23 = arith.constant 0 : i32
    %dma_start3A_24 = tpu.memref_slice %arg15[%dma_start3A_22, %dma_start3A_23] : memref<7x128xi32, #tpu.memory_space<vmem>> -> memref<1x128xi32, #tpu.memory_space<vmem>>
    %dma_start3A_25 = tpu.memref_squeeze %dma_start3A_24 : memref<1x128xi32, #tpu.memory_space<vmem>> -> memref<128xi32, #tpu.memory_space<vmem>>
    %dma_start3A_26 = tpu.memref_slice %arg8[%add3A_4] : memref<819200xi32, #tpu.memory_space<hbm>> -> memref<128xi32, #tpu.memory_space<hbm>>
    %dma_start3A_27 = arith.constant 0 : i32
    %dma_start3A_28 = tpu.memref_slice %arg15[%dma_start3A_22, %dma_start3A_27] : memref<7x128xi32, #tpu.memory_space<vmem>> -> memref<1x128xi32, #tpu.memory_space<vmem>>
    %dma_start3A_29 = tpu.memref_squeeze %dma_start3A_28 : memref<1x128xi32, #tpu.memory_space<vmem>> -> memref<128xi32, #tpu.memory_space<vmem>>
    %dma_start3A_30 = tpu.memref_slice %arg8[%add3A_4] : memref<819200xi32, #tpu.memory_space<hbm>> -> memref<128xi32, #tpu.memory_space<hbm>>
    tpu.enqueue_dma source(%dma_start3A_30 : memref<128xi32, #tpu.memory_space<hbm>>) target(%dma_start3A_29 : memref<128xi32, #tpu.memory_space<vmem>>) target_semaphore(%arg22 : memref<!tpu.dma_semaphore, #tpu.memory_space<semaphore_mem>>)
    %dma_start3A_31 = arith.constant 3 : i32
    %dma_start3A_32 = arith.constant 0 : i32
    %dma_start3A_33 = tpu.memref_slice %arg15[%dma_start3A_31, %dma_start3A_32] : memref<7x128xi32, #tpu.memory_space<vmem>> -> memref<1x128xi32, #tpu.memory_space<vmem>>
    %dma_start3A_34 = tpu.memref_squeeze %dma_start3A_33 : memref<1x128xi32, #tpu.memory_space<vmem>> -> memref<128xi32, #tpu.memory_space<vmem>>
    %dma_start3A_35 = tpu.memref_slice %arg9[%add3A_4] : memref<819200xi32, #tpu.memory_space<hbm>> -> memref<128xi32, #tpu.memory_space<hbm>>
    %dma_start3A_36 = arith.constant 0 : i32
    %dma_start3A_37 = tpu.memref_slice %arg15[%dma_start3A_31, %dma_start3A_36] : memref<7x128xi32, #tpu.memory_space<vmem>> -> memref<1x128xi32, #tpu.memory_space<vmem>>
    %dma_start3A_38 = tpu.memref_squeeze %dma_start3A_37 : memref<1x128xi32, #tpu.memory_space<vmem>> -> memref<128xi32, #tpu.memory_space<vmem>>
    %dma_start3A_39 = tpu.memref_slice %arg9[%add3A_4] : memref<819200xi32, #tpu.memory_space<hbm>> -> memref<128xi32, #tpu.memory_space<hbm>>
    tpu.enqueue_dma source(%dma_start3A_39 : memref<128xi32, #tpu.memory_space<hbm>>) target(%dma_start3A_38 : memref<128xi32, #tpu.memory_space<vmem>>) target_semaphore(%arg22 : memref<!tpu.dma_semaphore, #tpu.memory_space<semaphore_mem>>)
    %dma_start3A_40 = arith.constant 4 : i32
    %dma_start3A_41 = arith.constant 0 : i32
    %dma_start3A_42 = tpu.memref_slice %arg15[%dma_start3A_40, %dma_start3A_41] : memref<7x128xi32, #tpu.memory_space<vmem>> -> memref<1x128xi32, #tpu.memory_space<vmem>>
    %dma_start3A_43 = tpu.memref_squeeze %dma_start3A_42 : memref<1x128xi32, #tpu.memory_space<vmem>> -> memref<128xi32, #tpu.memory_space<vmem>>
    %dma_start3A_44 = tpu.memref_slice %arg10[%add3A_4] : memref<819200xi32, #tpu.memory_space<hbm>> -> memref<128xi32, #tpu.memory_space<hbm>>
    %dma_start3A_45 = arith.constant 0 : i32
    %dma_start3A_46 = tpu.memref_slice %arg15[%dma_start3A_40, %dma_start3A_45] : memref<7x128xi32, #tpu.memory_space<vmem>> -> memref<1x128xi32, #tpu.memory_space<vmem>>
    %dma_start3A_47 = tpu.memref_squeeze %dma_start3A_46 : memref<1x128xi32, #tpu.memory_space<vmem>> -> memref<128xi32, #tpu.memory_space<vmem>>
    %dma_start3A_48 = tpu.memref_slice %arg10[%add3A_4] : memref<819200xi32, #tpu.memory_space<hbm>> -> memref<128xi32, #tpu.memory_space<hbm>>
    tpu.enqueue_dma source(%dma_start3A_48 : memref<128xi32, #tpu.memory_space<hbm>>) target(%dma_start3A_47 : memref<128xi32, #tpu.memory_space<vmem>>) target_semaphore(%arg22 : memref<!tpu.dma_semaphore, #tpu.memory_space<semaphore_mem>>)
    %dma_start3A_49 = arith.constant 5 : i32
    %dma_start3A_50 = arith.constant 0 : i32
    %dma_start3A_51 = tpu.memref_slice %arg15[%dma_start3A_49, %dma_start3A_50] : memref<7x128xi32, #tpu.memory_space<vmem>> -> memref<1x128xi32, #tpu.memory_space<vmem>>
    %dma_start3A_52 = tpu.memref_squeeze %dma_start3A_51 : memref<1x128xi32, #tpu.memory_space<vmem>> -> memref<128xi32, #tpu.memory_space<vmem>>
    %dma_start3A_53 = tpu.memref_slice %arg11[%add3A_4] : memref<819200xi32, #tpu.memory_space<hbm>> -> memref<128xi32, #tpu.memory_space<hbm>>
    %dma_start3A_54 = arith.constant 0 : i32
    %dma_start3A_55 = tpu.memref_slice %arg15[%dma_start3A_49, %dma_start3A_54] : memref<7x128xi32, #tpu.memory_space<vmem>> -> memref<1x128xi32, #tpu.memory_space<vmem>>
    %dma_start3A_56 = tpu.memref_squeeze %dma_start3A_55 : memref<1x128xi32, #tpu.memory_space<vmem>> -> memref<128xi32, #tpu.memory_space<vmem>>
    %dma_start3A_57 = tpu.memref_slice %arg11[%add3A_4] : memref<819200xi32, #tpu.memory_space<hbm>> -> memref<128xi32, #tpu.memory_space<hbm>>
    tpu.enqueue_dma source(%dma_start3A_57 : memref<128xi32, #tpu.memory_space<hbm>>) target(%dma_start3A_56 : memref<128xi32, #tpu.memory_space<vmem>>) target_semaphore(%arg22 : memref<!tpu.dma_semaphore, #tpu.memory_space<semaphore_mem>>)
    %dma_start3A_58 = arith.constant 6 : i32
    %dma_start3A_59 = arith.constant 0 : i32
    %dma_start3A_60 = tpu.memref_slice %arg15[%dma_start3A_58, %dma_start3A_59] : memref<7x128xi32, #tpu.memory_space<vmem>> -> memref<1x128xi32, #tpu.memory_space<vmem>>
    %dma_start3A_61 = tpu.memref_squeeze %dma_start3A_60 : memref<1x128xi32, #tpu.memory_space<vmem>> -> memref<128xi32, #tpu.memory_space<vmem>>
    %dma_start3A_62 = tpu.memref_slice %arg12[%add3A_4] : memref<819200xi32, #tpu.memory_space<hbm>> -> memref<128xi32, #tpu.memory_space<hbm>>
    %dma_start3A_63 = arith.constant 0 : i32
    %dma_start3A_64 = tpu.memref_slice %arg15[%dma_start3A_58, %dma_start3A_63] : memref<7x128xi32, #tpu.memory_space<vmem>> -> memref<1x128xi32, #tpu.memory_space<vmem>>
    %dma_start3A_65 = tpu.memref_squeeze %dma_start3A_64 : memref<1x128xi32, #tpu.memory_space<vmem>> -> memref<128xi32, #tpu.memory_space<vmem>>
    %dma_start3A_66 = tpu.memref_slice %arg12[%add3A_4] : memref<819200xi32, #tpu.memory_space<hbm>> -> memref<128xi32, #tpu.memory_space<hbm>>
    tpu.enqueue_dma source(%dma_start3A_66 : memref<128xi32, #tpu.memory_space<hbm>>) target(%dma_start3A_65 : memref<128xi32, #tpu.memory_space<vmem>>) target_semaphore(%arg22 : memref<!tpu.dma_semaphore, #tpu.memory_space<semaphore_mem>>)
    %mul3A_67 = arith.constant 25600 : i32
    %mul3A_68 = arith.muli %add3A, %mul3A_67 : i32
    %add3A_69 = arith.constant 128 : i32
    %add3A_70 = arith.addi %mul3A_68, %add3A_69 : i32
    %dma_start3A_71 = arith.constant 0 : i32
    %dma_start3A_72 = arith.constant 0 : i32
    %dma_start3A_73 = tpu.memref_slice %arg16[%dma_start3A_71, %dma_start3A_72] : memref<7x128xi32, #tpu.memory_space<vmem>> -> memref<1x128xi32, #tpu.memory_space<vmem>>
    %dma_start3A_74 = tpu.memref_squeeze %dma_start3A_73 : memref<1x128xi32, #tpu.memory_space<vmem>> -> memref<128xi32, #tpu.memory_space<vmem>>
    %dma_start3A_75 = tpu.memref_slice %arg6[%add3A_70] : memref<819200xi32, #tpu.memory_space<hbm>> -> memref<128xi32, #tpu.memory_space<hbm>>
    %dma_start3A_76 = arith.constant 0 : i32
    %dma_start3A_77 = tpu.memref_slice %arg16[%dma_start3A_71, %dma_start3A_76] : memref<7x128xi32, #tpu.memory_space<vmem>> -> memref<1x128xi32, #tpu.memory_space<vmem>>
    %dma_start3A_78 = tpu.memref_squeeze %dma_start3A_77 : memref<1x128xi32, #tpu.memory_space<vmem>> -> memref<128xi32, #tpu.memory_space<vmem>>
    %dma_start3A_79 = tpu.memref_slice %arg6[%add3A_70] : memref<819200xi32, #tpu.memory_space<hbm>> -> memref<128xi32, #tpu.memory_space<hbm>>
    tpu.enqueue_dma source(%dma_start3A_79 : memref<128xi32, #tpu.memory_space<hbm>>) target(%dma_start3A_78 : memref<128xi32, #tpu.memory_space<vmem>>) target_semaphore(%arg23 : memref<!tpu.dma_semaphore, #tpu.memory_space<semaphore_mem>>)
    %dma_start3A_80 = arith.constant 1 : i32
    %dma_start3A_81 = arith.constant 0 : i32
    %dma_start3A_82 = tpu.memref_slice %arg16[%dma_start3A_80, %dma_start3A_81] : memref<7x128xi32, #tpu.memory_space<vmem>> -> memref<1x128xi32, #tpu.memory_space<vmem>>
    %dma_start3A_83 = tpu.memref_squeeze %dma_start3A_82 : memref<1x128xi32, #tpu.memory_space<vmem>> -> memref<128xi32, #tpu.memory_space<vmem>>
    %dma_start3A_84 = tpu.memref_slice %arg7[%add3A_70] : memref<819200xi32, #tpu.memory_space<hbm>> -> memref<128xi32, #tpu.memory_space<hbm>>
    %dma_start3A_85 = arith.constant 0 : i32
    %dma_start3A_86 = tpu.memref_slice %arg16[%dma_start3A_80, %dma_start3A_85] : memref<7x128xi32, #tpu.memory_space<vmem>> -> memref<1x128xi32, #tpu.memory_space<vmem>>
    %dma_start3A_87 = tpu.memref_squeeze %dma_start3A_86 : memref<1x128xi32, #tpu.memory_space<vmem>> -> memref<128xi32, #tpu.memory_space<vmem>>
    %dma_start3A_88 = tpu.memref_slice %arg7[%add3A_70] : memref<819200xi32, #tpu.memory_space<hbm>> -> memref<128xi32, #tpu.memory_space<hbm>>
    tpu.enqueue_dma source(%dma_start3A_88 : memref<128xi32, #tpu.memory_space<hbm>>) target(%dma_start3A_87 : memref<128xi32, #tpu.memory_space<vmem>>) target_semaphore(%arg23 : memref<!tpu.dma_semaphore, #tpu.memory_space<semaphore_mem>>)
    %dma_start3A_89 = arith.constant 2 : i32
    %dma_start3A_90 = arith.constant 0 : i32
    %dma_start3A_91 = tpu.memref_slice %arg16[%dma_start3A_89, %dma_start3A_90] : memref<7x128xi32, #tpu.memory_space<vmem>> -> memref<1x128xi32, #tpu.memory_space<vmem>>
    %dma_start3A_92 = tpu.memref_squeeze %dma_start3A_91 : memref<1x128xi32, #tpu.memory_space<vmem>> -> memref<128xi32, #tpu.memory_space<vmem>>
    %dma_start3A_93 = tpu.memref_slice %arg8[%add3A_70] : memref<819200xi32, #tpu.memory_space<hbm>> -> memref<128xi32, #tpu.memory_space<hbm>>
    %dma_start3A_94 = arith.constant 0 : i32
    %dma_start3A_95 = tpu.memref_slice %arg16[%dma_start3A_89, %dma_start3A_94] : memref<7x128xi32, #tpu.memory_space<vmem>> -> memref<1x128xi32, #tpu.memory_space<vmem>>
    %dma_start3A_96 = tpu.memref_squeeze %dma_start3A_95 : memref<1x128xi32, #tpu.memory_space<vmem>> -> memref<128xi32, #tpu.memory_space<vmem>>
    %dma_start3A_97 = tpu.memref_slice %arg8[%add3A_70] : memref<819200xi32, #tpu.memory_space<hbm>> -> memref<128xi32, #tpu.memory_space<hbm>>
    tpu.enqueue_dma source(%dma_start3A_97 : memref<128xi32, #tpu.memory_space<hbm>>) target(%dma_start3A_96 : memref<128xi32, #tpu.memory_space<vmem>>) target_semaphore(%arg23 : memref<!tpu.dma_semaphore, #tpu.memory_space<semaphore_mem>>)
    %dma_start3A_98 = arith.constant 3 : i32
    %dma_start3A_99 = arith.constant 0 : i32
    %dma_start3A_100 = tpu.memref_slice %arg16[%dma_start3A_98, %dma_start3A_99] : memref<7x128xi32, #tpu.memory_space<vmem>> -> memref<1x128xi32, #tpu.memory_space<vmem>>
    %dma_start3A_101 = tpu.memref_squeeze %dma_start3A_100 : memref<1x128xi32, #tpu.memory_space<vmem>> -> memref<128xi32, #tpu.memory_space<vmem>>
    %dma_start3A_102 = tpu.memref_slice %arg9[%add3A_70] : memref<819200xi32, #tpu.memory_space<hbm>> -> memref<128xi32, #tpu.memory_space<hbm>>
    %dma_start3A_103 = arith.constant 0 : i32
    %dma_start3A_104 = tpu.memref_slice %arg16[%dma_start3A_98, %dma_start3A_103] : memref<7x128xi32, #tpu.memory_space<vmem>> -> memref<1x128xi32, #tpu.memory_space<vmem>>
    %dma_start3A_105 = tpu.memref_squeeze %dma_start3A_104 : memref<1x128xi32, #tpu.memory_space<vmem>> -> memref<128xi32, #tpu.memory_space<vmem>>
    %dma_start3A_106 = tpu.memref_slice %arg9[%add3A_70] : memref<819200xi32, #tpu.memory_space<hbm>> -> memref<128xi32, #tpu.memory_space<hbm>>
    tpu.enqueue_dma source(%dma_start3A_106 : memref<128xi32, #tpu.memory_space<hbm>>) target(%dma_start3A_105 : memref<128xi32, #tpu.memory_space<vmem>>) target_semaphore(%arg23 : memref<!tpu.dma_semaphore, #tpu.memory_space<semaphore_mem>>)
    %dma_start3A_107 = arith.constant 4 : i32
    %dma_start3A_108 = arith.constant 0 : i32
    %dma_start3A_109 = tpu.memref_slice %arg16[%dma_start3A_107, %dma_start3A_108] : memref<7x128xi32, #tpu.memory_space<vmem>> -> memref<1x128xi32, #tpu.memory_space<vmem>>
    %dma_start3A_110 = tpu.memref_squeeze %dma_start3A_109 : memref<1x128xi32, #tpu.memory_space<vmem>> -> memref<128xi32, #tpu.memory_space<vmem>>
    %dma_start3A_111 = tpu.memref_slice %arg10[%add3A_70] : memref<819200xi32, #tpu.memory_space<hbm>> -> memref<128xi32, #tpu.memory_space<hbm>>
    %dma_start3A_112 = arith.constant 0 : i32
    %dma_start3A_113 = tpu.memref_slice %arg16[%dma_start3A_107, %dma_start3A_112] : memref<7x128xi32, #tpu.memory_space<vmem>> -> memref<1x128xi32, #tpu.memory_space<vmem>>
    %dma_start3A_114 = tpu.memref_squeeze %dma_start3A_113 : memref<1x128xi32, #tpu.memory_space<vmem>> -> memref<128xi32, #tpu.memory_space<vmem>>
    %dma_start3A_115 = tpu.memref_slice %arg10[%add3A_70] : memref<819200xi32, #tpu.memory_space<hbm>> -> memref<128xi32, #tpu.memory_space<hbm>>
    tpu.enqueue_dma source(%dma_start3A_115 : memref<128xi32, #tpu.memory_space<hbm>>) target(%dma_start3A_114 : memref<128xi32, #tpu.memory_space<vmem>>) target_semaphore(%arg23 : memref<!tpu.dma_semaphore, #tpu.memory_space<semaphore_mem>>)
    %dma_start3A_116 = arith.constant 5 : i32
    %dma_start3A_117 = arith.constant 0 : i32
    %dma_start3A_118 = tpu.memref_slice %arg16[%dma_start3A_116, %dma_start3A_117] : memref<7x128xi32, #tpu.memory_space<vmem>> -> memref<1x128xi32, #tpu.memory_space<vmem>>
    %dma_start3A_119 = tpu.memref_squeeze %dma_start3A_118 : memref<1x128xi32, #tpu.memory_space<vmem>> -> memref<128xi32, #tpu.memory_space<vmem>>
    %dma_start3A_120 = tpu.memref_slice %arg11[%add3A_70] : memref<819200xi32, #tpu.memory_space<hbm>> -> memref<128xi32, #tpu.memory_space<hbm>>
    %dma_start3A_121 = arith.constant 0 : i32
    %dma_start3A_122 = tpu.memref_slice %arg16[%dma_start3A_116, %dma_start3A_121] : memref<7x128xi32, #tpu.memory_space<vmem>> -> memref<1x128xi32, #tpu.memory_space<vmem>>
    %dma_start3A_123 = tpu.memref_squeeze %dma_start3A_122 : memref<1x128xi32, #tpu.memory_space<vmem>> -> memref<128xi32, #tpu.memory_space<vmem>>
    %dma_start3A_124 = tpu.memref_slice %arg11[%add3A_70] : memref<819200xi32, #tpu.memory_space<hbm>> -> memref<128xi32, #tpu.memory_space<hbm>>
    tpu.enqueue_dma source(%dma_start3A_124 : memref<128xi32, #tpu.memory_space<hbm>>) target(%dma_start3A_123 : memref<128xi32, #tpu.memory_space<vmem>>) target_semaphore(%arg23 : memref<!tpu.dma_semaphore, #tpu.memory_space<semaphore_mem>>)
    %dma_start3A_125 = arith.constant 6 : i32
    %dma_start3A_126 = arith.constant 0 : i32
    %dma_start3A_127 = tpu.memref_slice %arg16[%dma_start3A_125, %dma_start3A_126] : memref<7x128xi32, #tpu.memory_space<vmem>> -> memref<1x128xi32, #tpu.memory_space<vmem>>
    %dma_start3A_128 = tpu.memref_squeeze %dma_start3A_127 : memref<1x128xi32, #tpu.memory_space<vmem>> -> memref<128xi32, #tpu.memory_space<vmem>>
    %dma_start3A_129 = tpu.memref_slice %arg12[%add3A_70] : memref<819200xi32, #tpu.memory_space<hbm>> -> memref<128xi32, #tpu.memory_space<hbm>>
    %dma_start3A_130 = arith.constant 0 : i32
    %dma_start3A_131 = tpu.memref_slice %arg16[%dma_start3A_125, %dma_start3A_130] : memref<7x128xi32, #tpu.memory_space<vmem>> -> memref<1x128xi32, #tpu.memory_space<vmem>>
    %dma_start3A_132 = tpu.memref_squeeze %dma_start3A_131 : memref<1x128xi32, #tpu.memory_space<vmem>> -> memref<128xi32, #tpu.memory_space<vmem>>
    %dma_start3A_133 = tpu.memref_slice %arg12[%add3A_70] : memref<819200xi32, #tpu.memory_space<hbm>> -> memref<128xi32, #tpu.memory_space<hbm>>
    tpu.enqueue_dma source(%dma_start3A_133 : memref<128xi32, #tpu.memory_space<hbm>>) target(%dma_start3A_132 : memref<128xi32, #tpu.memory_space<vmem>>) target_semaphore(%arg23 : memref<!tpu.dma_semaphore, #tpu.memory_space<semaphore_mem>>)
    %dma_wait3A = arith.constant 0 : i32
    %dma_wait3A_134 = arith.constant 0 : i32
    %dma_wait3A_135 = tpu.memref_slice %arg15[%dma_wait3A, %dma_wait3A_134] : memref<7x128xi32, #tpu.memory_space<vmem>> -> memref<1x128xi32, #tpu.memory_space<vmem>>
    %dma_wait3A_136 = tpu.memref_squeeze %dma_wait3A_135 : memref<1x128xi32, #tpu.memory_space<vmem>> -> memref<128xi32, #tpu.memory_space<vmem>>
    %dma_wait3A_137 = arith.constant 0 : i32
    %dma_wait3A_138 = tpu.memref_slice %arg6[%dma_wait3A_137] : memref<819200xi32, #tpu.memory_space<hbm>> -> memref<128xi32, #tpu.memory_space<hbm>>
    %dma_wait3A_139 = arith.constant 0 : i32
    %dma_wait3A_140 = tpu.memref_slice %arg15[%dma_wait3A, %dma_wait3A_139] : memref<7x128xi32, #tpu.memory_space<vmem>> -> memref<1x128xi32, #tpu.memory_space<vmem>>
    %dma_wait3A_141 = tpu.memref_squeeze %dma_wait3A_140 : memref<1x128xi32, #tpu.memory_space<vmem>> -> memref<128xi32, #tpu.memory_space<vmem>>
    %dma_wait3A_142 = arith.constant 0 : i32
    %dma_wait3A_143 = tpu.memref_slice %arg6[%dma_wait3A_142] : memref<819200xi32, #tpu.memory_space<hbm>> -> memref<128xi32, #tpu.memory_space<hbm>>
    tpu.wait_dma2 semaphore(%arg22 : memref<!tpu.dma_semaphore, #tpu.memory_space<semaphore_mem>>) src(%dma_wait3A_143 : memref<128xi32, #tpu.memory_space<hbm>>) dst(%dma_wait3A_141 : memref<128xi32, #tpu.memory_space<vmem>>)
    %dma_wait3A_144 = arith.constant 1 : i32
    %dma_wait3A_145 = arith.constant 0 : i32
    %dma_wait3A_146 = tpu.memref_slice %arg15[%dma_wait3A_144, %dma_wait3A_145] : memref<7x128xi32, #tpu.memory_space<vmem>> -> memref<1x128xi32, #tpu.memory_space<vmem>>
    %dma_wait3A_147 = tpu.memref_squeeze %dma_wait3A_146 : memref<1x128xi32, #tpu.memory_space<vmem>> -> memref<128xi32, #tpu.memory_space<vmem>>
    %dma_wait3A_148 = arith.constant 0 : i32
    %dma_wait3A_149 = tpu.memref_slice %arg7[%dma_wait3A_148] : memref<819200xi32, #tpu.memory_space<hbm>> -> memref<128xi32, #tpu.memory_space<hbm>>
    %dma_wait3A_150 = arith.constant 0 : i32
    %dma_wait3A_151 = tpu.memref_slice %arg15[%dma_wait3A_144, %dma_wait3A_150] : memref<7x128xi32, #tpu.memory_space<vmem>> -> memref<1x128xi32, #tpu.memory_space<vmem>>
    %dma_wait3A_152 = tpu.memref_squeeze %dma_wait3A_151 : memref<1x128xi32, #tpu.memory_space<vmem>> -> memref<128xi32, #tpu.memory_space<vmem>>
    %dma_wait3A_153 = arith.constant 0 : i32
    %dma_wait3A_154 = tpu.memref_slice %arg7[%dma_wait3A_153] : memref<819200xi32, #tpu.memory_space<hbm>> -> memref<128xi32, #tpu.memory_space<hbm>>
    tpu.wait_dma2 semaphore(%arg22 : memref<!tpu.dma_semaphore, #tpu.memory_space<semaphore_mem>>) src(%dma_wait3A_154 : memref<128xi32, #tpu.memory_space<hbm>>) dst(%dma_wait3A_152 : memref<128xi32, #tpu.memory_space<vmem>>)
    %dma_wait3A_155 = arith.constant 2 : i32
    %dma_wait3A_156 = arith.constant 0 : i32
    %dma_wait3A_157 = tpu.memref_slice %arg15[%dma_wait3A_155, %dma_wait3A_156] : memref<7x128xi32, #tpu.memory_space<vmem>> -> memref<1x128xi32, #tpu.memory_space<vmem>>
    %dma_wait3A_158 = tpu.memref_squeeze %dma_wait3A_157 : memref<1x128xi32, #tpu.memory_space<vmem>> -> memref<128xi32, #tpu.memory_space<vmem>>
    %dma_wait3A_159 = arith.constant 0 : i32
    %dma_wait3A_160 = tpu.memref_slice %arg8[%dma_wait3A_159] : memref<819200xi32, #tpu.memory_space<hbm>> -> memref<128xi32, #tpu.memory_space<hbm>>
    %dma_wait3A_161 = arith.constant 0 : i32
    %dma_wait3A_162 = tpu.memref_slice %arg15[%dma_wait3A_155, %dma_wait3A_161] : memref<7x128xi32, #tpu.memory_space<vmem>> -> memref<1x128xi32, #tpu.memory_space<vmem>>
    %dma_wait3A_163 = tpu.memref_squeeze %dma_wait3A_162 : memref<1x128xi32, #tpu.memory_space<vmem>> -> memref<128xi32, #tpu.memory_space<vmem>>
    %dma_wait3A_164 = arith.constant 0 : i32
    %dma_wait3A_165 = tpu.memref_slice %arg8[%dma_wait3A_164] : memref<819200xi32, #tpu.memory_space<hbm>> -> memref<128xi32, #tpu.memory_space<hbm>>
    tpu.wait_dma2 semaphore(%arg22 : memref<!tpu.dma_semaphore, #tpu.memory_space<semaphore_mem>>) src(%dma_wait3A_165 : memref<128xi32, #tpu.memory_space<hbm>>) dst(%dma_wait3A_163 : memref<128xi32, #tpu.memory_space<vmem>>)
    %dma_wait3A_166 = arith.constant 3 : i32
    %dma_wait3A_167 = arith.constant 0 : i32
    %dma_wait3A_168 = tpu.memref_slice %arg15[%dma_wait3A_166, %dma_wait3A_167] : memref<7x128xi32, #tpu.memory_space<vmem>> -> memref<1x128xi32, #tpu.memory_space<vmem>>
    %dma_wait3A_169 = tpu.memref_squeeze %dma_wait3A_168 : memref<1x128xi32, #tpu.memory_space<vmem>> -> memref<128xi32, #tpu.memory_space<vmem>>
    %dma_wait3A_170 = arith.constant 0 : i32
    %dma_wait3A_171 = tpu.memref_slice %arg9[%dma_wait3A_170] : memref<819200xi32, #tpu.memory_space<hbm>> -> memref<128xi32, #tpu.memory_space<hbm>>
    %dma_wait3A_172 = arith.constant 0 : i32
    %dma_wait3A_173 = tpu.memref_slice %arg15[%dma_wait3A_166, %dma_wait3A_172] : memref<7x128xi32, #tpu.memory_space<vmem>> -> memref<1x128xi32, #tpu.memory_space<vmem>>
    %dma_wait3A_174 = tpu.memref_squeeze %dma_wait3A_173 : memref<1x128xi32, #tpu.memory_space<vmem>> -> memref<128xi32, #tpu.memory_space<vmem>>
    %dma_wait3A_175 = arith.constant 0 : i32
    %dma_wait3A_176 = tpu.memref_slice %arg9[%dma_wait3A_175] : memref<819200xi32, #tpu.memory_space<hbm>> -> memref<128xi32, #tpu.memory_space<hbm>>
    tpu.wait_dma2 semaphore(%arg22 : memref<!tpu.dma_semaphore, #tpu.memory_space<semaphore_mem>>) src(%dma_wait3A_176 : memref<128xi32, #tpu.memory_space<hbm>>) dst(%dma_wait3A_174 : memref<128xi32, #tpu.memory_space<vmem>>)
    %dma_wait3A_177 = arith.constant 4 : i32
    %dma_wait3A_178 = arith.constant 0 : i32
    %dma_wait3A_179 = tpu.memref_slice %arg15[%dma_wait3A_177, %dma_wait3A_178] : memref<7x128xi32, #tpu.memory_space<vmem>> -> memref<1x128xi32, #tpu.memory_space<vmem>>
    %dma_wait3A_180 = tpu.memref_squeeze %dma_wait3A_179 : memref<1x128xi32, #tpu.memory_space<vmem>> -> memref<128xi32, #tpu.memory_space<vmem>>
    %dma_wait3A_181 = arith.constant 0 : i32
    %dma_wait3A_182 = tpu.memref_slice %arg10[%dma_wait3A_181] : memref<819200xi32, #tpu.memory_space<hbm>> -> memref<128xi32, #tpu.memory_space<hbm>>
    %dma_wait3A_183 = arith.constant 0 : i32
    %dma_wait3A_184 = tpu.memref_slice %arg15[%dma_wait3A_177, %dma_wait3A_183] : memref<7x128xi32, #tpu.memory_space<vmem>> -> memref<1x128xi32, #tpu.memory_space<vmem>>
    %dma_wait3A_185 = tpu.memref_squeeze %dma_wait3A_184 : memref<1x128xi32, #tpu.memory_space<vmem>> -> memref<128xi32, #tpu.memory_space<vmem>>
    %dma_wait3A_186 = arith.constant 0 : i32
    %dma_wait3A_187 = tpu.memref_slice %arg10[%dma_wait3A_186] : memref<819200xi32, #tpu.memory_space<hbm>> -> memref<128xi32, #tpu.memory_space<hbm>>
    tpu.wait_dma2 semaphore(%arg22 : memref<!tpu.dma_semaphore, #tpu.memory_space<semaphore_mem>>) src(%dma_wait3A_187 : memref<128xi32, #tpu.memory_space<hbm>>) dst(%dma_wait3A_185 : memref<128xi32, #tpu.memory_space<vmem>>)
    %dma_wait3A_188 = arith.constant 5 : i32
    %dma_wait3A_189 = arith.constant 0 : i32
    %dma_wait3A_190 = tpu.memref_slice %arg15[%dma_wait3A_188, %dma_wait3A_189] : memref<7x128xi32, #tpu.memory_space<vmem>> -> memref<1x128xi32, #tpu.memory_space<vmem>>
    %dma_wait3A_191 = tpu.memref_squeeze %dma_wait3A_190 : memref<1x128xi32, #tpu.memory_space<vmem>> -> memref<128xi32, #tpu.memory_space<vmem>>
    %dma_wait3A_192 = arith.constant 0 : i32
    %dma_wait3A_193 = tpu.memref_slice %arg11[%dma_wait3A_192] : memref<819200xi32, #tpu.memory_space<hbm>> -> memref<128xi32, #tpu.memory_space<hbm>>
    %dma_wait3A_194 = arith.constant 0 : i32
    %dma_wait3A_195 = tpu.memref_slice %arg15[%dma_wait3A_188, %dma_wait3A_194] : memref<7x128xi32, #tpu.memory_space<vmem>> -> memref<1x128xi32, #tpu.memory_space<vmem>>
    %dma_wait3A_196 = tpu.memref_squeeze %dma_wait3A_195 : memref<1x128xi32, #tpu.memory_space<vmem>> -> memref<128xi32, #tpu.memory_space<vmem>>
    %dma_wait3A_197 = arith.constant 0 : i32
    %dma_wait3A_198 = tpu.memref_slice %arg11[%dma_wait3A_197] : memref<819200xi32, #tpu.memory_space<hbm>> -> memref<128xi32, #tpu.memory_space<hbm>>
    tpu.wait_dma2 semaphore(%arg22 : memref<!tpu.dma_semaphore, #tpu.memory_space<semaphore_mem>>) src(%dma_wait3A_198 : memref<128xi32, #tpu.memory_space<hbm>>) dst(%dma_wait3A_196 : memref<128xi32, #tpu.memory_space<vmem>>)
    %dma_wait3A_199 = arith.constant 6 : i32
    %dma_wait3A_200 = arith.constant 0 : i32
    %dma_wait3A_201 = tpu.memref_slice %arg15[%dma_wait3A_199, %dma_wait3A_200] : memref<7x128xi32, #tpu.memory_space<vmem>> -> memref<1x128xi32, #tpu.memory_space<vmem>>
    %dma_wait3A_202 = tpu.memref_squeeze %dma_wait3A_201 : memref<1x128xi32, #tpu.memory_space<vmem>> -> memref<128xi32, #tpu.memory_space<vmem>>
    %dma_wait3A_203 = arith.constant 0 : i32
    %dma_wait3A_204 = tpu.memref_slice %arg12[%dma_wait3A_203] : memref<819200xi32, #tpu.memory_space<hbm>> -> memref<128xi32, #tpu.memory_space<hbm>>
    %dma_wait3A_205 = arith.constant 0 : i32
    %dma_wait3A_206 = tpu.memref_slice %arg15[%dma_wait3A_199, %dma_wait3A_205] : memref<7x128xi32, #tpu.memory_space<vmem>> -> memref<1x128xi32, #tpu.memory_space<vmem>>
    %dma_wait3A_207 = tpu.memref_squeeze %dma_wait3A_206 : memref<1x128xi32, #tpu.memory_space<vmem>> -> memref<128xi32, #tpu.memory_space<vmem>>
    %dma_wait3A_208 = arith.constant 0 : i32
    %dma_wait3A_209 = tpu.memref_slice %arg12[%dma_wait3A_208] : memref<819200xi32, #tpu.memory_space<hbm>> -> memref<128xi32, #tpu.memory_space<hbm>>
    tpu.wait_dma2 semaphore(%arg22 : memref<!tpu.dma_semaphore, #tpu.memory_space<semaphore_mem>>) src(%dma_wait3A_209 : memref<128xi32, #tpu.memory_space<hbm>>) dst(%dma_wait3A_207 : memref<128xi32, #tpu.memory_space<vmem>>)
    %dma_start3A_210 = arith.constant 0 : i32
    %dma_start3A_211 = arith.constant 0 : i32
    %dma_start3A_212 = tpu.memref_slice %arg15[%dma_start3A_210, %dma_start3A_211] : memref<7x128xi32, #tpu.memory_space<vmem>> -> memref<1x128xi32, #tpu.memory_space<vmem>>
    %dma_start3A_213 = tpu.memref_squeeze %dma_start3A_212 : memref<1x128xi32, #tpu.memory_space<vmem>> -> memref<128xi32, #tpu.memory_space<vmem>>
    %dma_start3A_214 = arith.constant 0 : i32
    %dma_start3A_215 = arith.constant 0 : i32
    %dma_start3A_216 = tpu.memref_slice %arg2[%dma_start3A_214, %dma_start3A_215] : memref<1000x64xf32, #tpu.memory_space<hbm>> -> memref<1000x64xf32, #tpu.memory_space<hbm>>
    tpu.enqueue_indirect_dma source(%dma_start3A_216 : memref<1000x64xf32, #tpu.memory_space<hbm>>) target(%arg17 : memref<128x64xf32, #tpu.memory_space<vmem>>) offsets(%dma_start3A_213 : memref<128xi32, #tpu.memory_space<vmem>>) semaphore(%arg24 : memref<!tpu.dma_semaphore, #tpu.memory_space<semaphore_mem>>)
    %dma_start3A_217 = arith.constant 6 : i32
    %dma_start3A_218 = arith.constant 0 : i32
    %dma_start3A_219 = tpu.memref_slice %arg15[%dma_start3A_217, %dma_start3A_218] : memref<7x128xi32, #tpu.memory_space<vmem>> -> memref<1x128xi32, #tpu.memory_space<vmem>>
    %dma_start3A_220 = tpu.memref_squeeze %dma_start3A_219 : memref<1x128xi32, #tpu.memory_space<vmem>> -> memref<128xi32, #tpu.memory_space<vmem>>
    %dma_start3A_221 = arith.constant 0 : i32
    %dma_start3A_222 = arith.constant 0 : i32
    %dma_start3A_223 = tpu.memref_slice %arg13[%dma_start3A_221, %dma_start3A_222] : memref<100000x64xf32, #tpu.memory_space<hbm>> -> memref<100000x64xf32, #tpu.memory_space<hbm>>
    tpu.enqueue_indirect_dma source(%dma_start3A_223 : memref<100000x64xf32, #tpu.memory_space<hbm>>) target(%arg19 : memref<128x64xf32, #tpu.memory_space<vmem>>) offsets(%dma_start3A_220 : memref<128xi32, #tpu.memory_space<vmem>>) semaphore(%arg26 : memref<!tpu.dma_semaphore, #tpu.memory_space<semaphore_mem>>)
    %dma_wait3A_224 = arith.constant 0 : i32
    %dma_wait3A_225 = arith.constant 0 : i32
    %dma_wait3A_226 = tpu.memref_slice %arg15[%dma_wait3A_224, %dma_wait3A_225] : memref<7x128xi32, #tpu.memory_space<vmem>> -> memref<1x128xi32, #tpu.memory_space<vmem>>
    %dma_wait3A_227 = tpu.memref_squeeze %dma_wait3A_226 : memref<1x128xi32, #tpu.memory_space<vmem>> -> memref<128xi32, #tpu.memory_space<vmem>>
    %dma_wait3A_228 = arith.constant 0 : i32
    %dma_wait3A_229 = arith.constant 0 : i32
    %dma_wait3A_230 = tpu.memref_slice %arg2[%dma_wait3A_228, %dma_wait3A_229] : memref<1000x64xf32, #tpu.memory_space<hbm>> -> memref<1000x64xf32, #tpu.memory_space<hbm>>
    tpu.wait_indirect_dma semaphore(%arg24 : memref<!tpu.dma_semaphore, #tpu.memory_space<semaphore_mem>>) src(%dma_wait3A_230 : memref<1000x64xf32, #tpu.memory_space<hbm>>) dst(%arg17 : memref<128x64xf32, #tpu.memory_space<vmem>>)
    %dma_start3A_231 = arith.constant 1 : i32
    %dma_start3A_232 = arith.constant 0 : i32
    %dma_start3A_233 = tpu.memref_slice %arg15[%dma_start3A_231, %dma_start3A_232] : memref<7x128xi32, #tpu.memory_space<vmem>> -> memref<1x128xi32, #tpu.memory_space<vmem>>
    %dma_start3A_234 = tpu.memref_squeeze %dma_start3A_233 : memref<1x128xi32, #tpu.memory_space<vmem>> -> memref<128xi32, #tpu.memory_space<vmem>>
    %dma_start3A_235 = arith.constant 0 : i32
    %dma_start3A_236 = arith.constant 0 : i32
    %dma_start3A_237 = tpu.memref_slice %arg3[%dma_start3A_235, %dma_start3A_236] : memref<1000x64xf32, #tpu.memory_space<hbm>> -> memref<1000x64xf32, #tpu.memory_space<hbm>>
    tpu.enqueue_indirect_dma source(%dma_start3A_237 : memref<1000x64xf32, #tpu.memory_space<hbm>>) target(%arg17 : memref<128x64xf32, #tpu.memory_space<vmem>>) offsets(%dma_start3A_234 : memref<128xi32, #tpu.memory_space<vmem>>) semaphore(%arg26 : memref<!tpu.dma_semaphore, #tpu.memory_space<semaphore_mem>>) {add = true}
    %dma_start3A_238 = arith.constant 2 : i32
    %dma_start3A_239 = arith.constant 0 : i32
    %dma_start3A_240 = tpu.memref_slice %arg15[%dma_start3A_238, %dma_start3A_239] : memref<7x128xi32, #tpu.memory_space<vmem>> -> memref<1x128xi32, #tpu.memory_space<vmem>>
    %dma_start3A_241 = tpu.memref_squeeze %dma_start3A_240 : memref<1x128xi32, #tpu.memory_space<vmem>> -> memref<128xi32, #tpu.memory_space<vmem>>
    %dma_start3A_242 = arith.constant 0 : i32
    %dma_start3A_243 = arith.constant 0 : i32
    %dma_start3A_244 = tpu.memref_slice %arg2[%dma_start3A_242, %dma_start3A_243] : memref<1000x64xf32, #tpu.memory_space<hbm>> -> memref<1000x64xf32, #tpu.memory_space<hbm>>
    tpu.enqueue_indirect_dma source(%dma_start3A_244 : memref<1000x64xf32, #tpu.memory_space<hbm>>) target(%arg17 : memref<128x64xf32, #tpu.memory_space<vmem>>) offsets(%dma_start3A_241 : memref<128xi32, #tpu.memory_space<vmem>>) semaphore(%arg26 : memref<!tpu.dma_semaphore, #tpu.memory_space<semaphore_mem>>) {add = true}
    %dma_start3A_245 = arith.constant 3 : i32
    %dma_start3A_246 = arith.constant 0 : i32
    %dma_start3A_247 = tpu.memref_slice %arg15[%dma_start3A_245, %dma_start3A_246] : memref<7x128xi32, #tpu.memory_space<vmem>> -> memref<1x128xi32, #tpu.memory_space<vmem>>
    %dma_start3A_248 = tpu.memref_squeeze %dma_start3A_247 : memref<1x128xi32, #tpu.memory_space<vmem>> -> memref<128xi32, #tpu.memory_space<vmem>>
    %dma_start3A_249 = arith.constant 0 : i32
    %dma_start3A_250 = arith.constant 0 : i32
    %dma_start3A_251 = tpu.memref_slice %arg3[%dma_start3A_249, %dma_start3A_250] : memref<1000x64xf32, #tpu.memory_space<hbm>> -> memref<1000x64xf32, #tpu.memory_space<hbm>>
    tpu.enqueue_indirect_dma source(%dma_start3A_251 : memref<1000x64xf32, #tpu.memory_space<hbm>>) target(%arg17 : memref<128x64xf32, #tpu.memory_space<vmem>>) offsets(%dma_start3A_248 : memref<128xi32, #tpu.memory_space<vmem>>) semaphore(%arg26 : memref<!tpu.dma_semaphore, #tpu.memory_space<semaphore_mem>>) {add = true}
    %dma_start3A_252 = arith.constant 4 : i32
    %dma_start3A_253 = arith.constant 0 : i32
    %dma_start3A_254 = tpu.memref_slice %arg15[%dma_start3A_252, %dma_start3A_253] : memref<7x128xi32, #tpu.memory_space<vmem>> -> memref<1x128xi32, #tpu.memory_space<vmem>>
    %dma_start3A_255 = tpu.memref_squeeze %dma_start3A_254 : memref<1x128xi32, #tpu.memory_space<vmem>> -> memref<128xi32, #tpu.memory_space<vmem>>
    %dma_start3A_256 = arith.constant 0 : i32
    %dma_start3A_257 = arith.constant 0 : i32
    %dma_start3A_258 = tpu.memref_slice %arg4[%dma_start3A_256, %dma_start3A_257] : memref<1000x64xf32, #tpu.memory_space<hbm>> -> memref<1000x64xf32, #tpu.memory_space<hbm>>
    tpu.enqueue_indirect_dma source(%dma_start3A_258 : memref<1000x64xf32, #tpu.memory_space<hbm>>) target(%arg17 : memref<128x64xf32, #tpu.memory_space<vmem>>) offsets(%dma_start3A_255 : memref<128xi32, #tpu.memory_space<vmem>>) semaphore(%arg26 : memref<!tpu.dma_semaphore, #tpu.memory_space<semaphore_mem>>) {add = true}
    %dma_start3A_259 = arith.constant 5 : i32
    %dma_start3A_260 = arith.constant 0 : i32
    %dma_start3A_261 = tpu.memref_slice %arg15[%dma_start3A_259, %dma_start3A_260] : memref<7x128xi32, #tpu.memory_space<vmem>> -> memref<1x128xi32, #tpu.memory_space<vmem>>
    %dma_start3A_262 = tpu.memref_squeeze %dma_start3A_261 : memref<1x128xi32, #tpu.memory_space<vmem>> -> memref<128xi32, #tpu.memory_space<vmem>>
    %dma_start3A_263 = arith.constant 0 : i32
    %dma_start3A_264 = arith.constant 0 : i32
    %dma_start3A_265 = tpu.memref_slice %arg5[%dma_start3A_263, %dma_start3A_264] : memref<1000x64xf32, #tpu.memory_space<hbm>> -> memref<1000x64xf32, #tpu.memory_space<hbm>>
    tpu.enqueue_indirect_dma source(%dma_start3A_265 : memref<1000x64xf32, #tpu.memory_space<hbm>>) target(%arg17 : memref<128x64xf32, #tpu.memory_space<vmem>>) offsets(%dma_start3A_262 : memref<128xi32, #tpu.memory_space<vmem>>) semaphore(%arg26 : memref<!tpu.dma_semaphore, #tpu.memory_space<semaphore_mem>>) {add = true}
    %scan3A = arith.constant 0 : i32
    %scan3A_266 = arith.constant 0 : i32
    %scan3A_267 = arith.constant 100 : i32
    %scan3A_268 = arith.addi %scan3A_266, %scan3A_267 : i32
    %scan3A_269 = arith.constant 1 : i32
    scf.for %scan3A_367 = %scan3A_266 to %scan3A_268 step %scan3A_269  : i32 {
      %mul3A_368 = arith.constant 2 : i32
      %mul3A_369 = arith.muli %mul3A_368, %scan3A_367 : i32
      %add3A_370 = arith.constant 0 : i32
      %add3A_371 = arith.addi %mul3A_369, %add3A_370 : i32
      %add3A_372 = arith.constant 1 : i32
      %add3A_373 = arith.addi %add3A_371, %add3A_372 : i32
      %lt3A = arith.constant 200 : i32
      %lt3A_374 = arith.cmpi slt, %add3A_373, %lt3A : i32
      %convert_element_type3A = arith.extui %lt3A_374 : i1 to i32
      %cond3A = arith.constant 0 : i32
      %cond3A_375 = arith.cmpi ne, %convert_element_type3A, %cond3A : i32
      scf.if %cond3A_375 {
        %dma_wait3A_953 = arith.constant 0 : i32
        %dma_wait3A_954 = arith.constant 0 : i32
        %dma_wait3A_955 = tpu.memref_slice %arg16[%dma_wait3A_953, %dma_wait3A_954] : memref<7x128xi32, #tpu.memory_space<vmem>> -> memref<1x128xi32, #tpu.memory_space<vmem>>
        %dma_wait3A_956 = tpu.memref_squeeze %dma_wait3A_955 : memref<1x128xi32, #tpu.memory_space<vmem>> -> memref<128xi32, #tpu.memory_space<vmem>>
        %dma_wait3A_957 = arith.constant 0 : i32
        %dma_wait3A_958 = tpu.memref_slice %arg6[%dma_wait3A_957] : memref<819200xi32, #tpu.memory_space<hbm>> -> memref<128xi32, #tpu.memory_space<hbm>>
        %dma_wait3A_959 = arith.constant 0 : i32
        %dma_wait3A_960 = tpu.memref_slice %arg16[%dma_wait3A_953, %dma_wait3A_959] : memref<7x128xi32, #tpu.memory_space<vmem>> -> memref<1x128xi32, #tpu.memory_space<vmem>>
        %dma_wait3A_961 = tpu.memref_squeeze %dma_wait3A_960 : memref<1x128xi32, #tpu.memory_space<vmem>> -> memref<128xi32, #tpu.memory_space<vmem>>
        %dma_wait3A_962 = arith.constant 0 : i32
        %dma_wait3A_963 = tpu.memref_slice %arg6[%dma_wait3A_962] : memref<819200xi32, #tpu.memory_space<hbm>> -> memref<128xi32, #tpu.memory_space<hbm>>
        tpu.wait_dma2 semaphore(%arg23 : memref<!tpu.dma_semaphore, #tpu.memory_space<semaphore_mem>>) src(%dma_wait3A_963 : memref<128xi32, #tpu.memory_space<hbm>>) dst(%dma_wait3A_961 : memref<128xi32, #tpu.memory_space<vmem>>)
        %dma_wait3A_964 = arith.constant 1 : i32
        %dma_wait3A_965 = arith.constant 0 : i32
        %dma_wait3A_966 = tpu.memref_slice %arg16[%dma_wait3A_964, %dma_wait3A_965] : memref<7x128xi32, #tpu.memory_space<vmem>> -> memref<1x128xi32, #tpu.memory_space<vmem>>
        %dma_wait3A_967 = tpu.memref_squeeze %dma_wait3A_966 : memref<1x128xi32, #tpu.memory_space<vmem>> -> memref<128xi32, #tpu.memory_space<vmem>>
        %dma_wait3A_968 = arith.constant 0 : i32
        %dma_wait3A_969 = tpu.memref_slice %arg7[%dma_wait3A_968] : memref<819200xi32, #tpu.memory_space<hbm>> -> memref<128xi32, #tpu.memory_space<hbm>>
        %dma_wait3A_970 = arith.constant 0 : i32
        %dma_wait3A_971 = tpu.memref_slice %arg16[%dma_wait3A_964, %dma_wait3A_970] : memref<7x128xi32, #tpu.memory_space<vmem>> -> memref<1x128xi32, #tpu.memory_space<vmem>>
        %dma_wait3A_972 = tpu.memref_squeeze %dma_wait3A_971 : memref<1x128xi32, #tpu.memory_space<vmem>> -> memref<128xi32, #tpu.memory_space<vmem>>
        %dma_wait3A_973 = arith.constant 0 : i32
        %dma_wait3A_974 = tpu.memref_slice %arg7[%dma_wait3A_973] : memref<819200xi32, #tpu.memory_space<hbm>> -> memref<128xi32, #tpu.memory_space<hbm>>
        tpu.wait_dma2 semaphore(%arg23 : memref<!tpu.dma_semaphore, #tpu.memory_space<semaphore_mem>>) src(%dma_wait3A_974 : memref<128xi32, #tpu.memory_space<hbm>>) dst(%dma_wait3A_972 : memref<128xi32, #tpu.memory_space<vmem>>)
        %dma_wait3A_975 = arith.constant 2 : i32
        %dma_wait3A_976 = arith.constant 0 : i32
        %dma_wait3A_977 = tpu.memref_slice %arg16[%dma_wait3A_975, %dma_wait3A_976] : memref<7x128xi32, #tpu.memory_space<vmem>> -> memref<1x128xi32, #tpu.memory_space<vmem>>
        %dma_wait3A_978 = tpu.memref_squeeze %dma_wait3A_977 : memref<1x128xi32, #tpu.memory_space<vmem>> -> memref<128xi32, #tpu.memory_space<vmem>>
        %dma_wait3A_979 = arith.constant 0 : i32
        %dma_wait3A_980 = tpu.memref_slice %arg8[%dma_wait3A_979] : memref<819200xi32, #tpu.memory_space<hbm>> -> memref<128xi32, #tpu.memory_space<hbm>>
        %dma_wait3A_981 = arith.constant 0 : i32
        %dma_wait3A_982 = tpu.memref_slice %arg16[%dma_wait3A_975, %dma_wait3A_981] : memref<7x128xi32, #tpu.memory_space<vmem>> -> memref<1x128xi32, #tpu.memory_space<vmem>>
        %dma_wait3A_983 = tpu.memref_squeeze %dma_wait3A_982 : memref<1x128xi32, #tpu.memory_space<vmem>> -> memref<128xi32, #tpu.memory_space<vmem>>
        %dma_wait3A_984 = arith.constant 0 : i32
        %dma_wait3A_985 = tpu.memref_slice %arg8[%dma_wait3A_984] : memref<819200xi32, #tpu.memory_space<hbm>> -> memref<128xi32, #tpu.memory_space<hbm>>
        tpu.wait_dma2 semaphore(%arg23 : memref<!tpu.dma_semaphore, #tpu.memory_space<semaphore_mem>>) src(%dma_wait3A_985 : memref<128xi32, #tpu.memory_space<hbm>>) dst(%dma_wait3A_983 : memref<128xi32, #tpu.memory_space<vmem>>)
        %dma_wait3A_986 = arith.constant 3 : i32
        %dma_wait3A_987 = arith.constant 0 : i32
        %dma_wait3A_988 = tpu.memref_slice %arg16[%dma_wait3A_986, %dma_wait3A_987] : memref<7x128xi32, #tpu.memory_space<vmem>> -> memref<1x128xi32, #tpu.memory_space<vmem>>
        %dma_wait3A_989 = tpu.memref_squeeze %dma_wait3A_988 : memref<1x128xi32, #tpu.memory_space<vmem>> -> memref<128xi32, #tpu.memory_space<vmem>>
        %dma_wait3A_990 = arith.constant 0 : i32
        %dma_wait3A_991 = tpu.memref_slice %arg9[%dma_wait3A_990] : memref<819200xi32, #tpu.memory_space<hbm>> -> memref<128xi32, #tpu.memory_space<hbm>>
        %dma_wait3A_992 = arith.constant 0 : i32
        %dma_wait3A_993 = tpu.memref_slice %arg16[%dma_wait3A_986, %dma_wait3A_992] : memref<7x128xi32, #tpu.memory_space<vmem>> -> memref<1x128xi32, #tpu.memory_space<vmem>>
        %dma_wait3A_994 = tpu.memref_squeeze %dma_wait3A_993 : memref<1x128xi32, #tpu.memory_space<vmem>> -> memref<128xi32, #tpu.memory_space<vmem>>
        %dma_wait3A_995 = arith.constant 0 : i32
        %dma_wait3A_996 = tpu.memref_slice %arg9[%dma_wait3A_995] : memref<819200xi32, #tpu.memory_space<hbm>> -> memref<128xi32, #tpu.memory_space<hbm>>
        tpu.wait_dma2 semaphore(%arg23 : memref<!tpu.dma_semaphore, #tpu.memory_space<semaphore_mem>>) src(%dma_wait3A_996 : memref<128xi32, #tpu.memory_space<hbm>>) dst(%dma_wait3A_994 : memref<128xi32, #tpu.memory_space<vmem>>)
        %dma_wait3A_997 = arith.constant 4 : i32
        %dma_wait3A_998 = arith.constant 0 : i32
        %dma_wait3A_999 = tpu.memref_slice %arg16[%dma_wait3A_997, %dma_wait3A_998] : memref<7x128xi32, #tpu.memory_space<vmem>> -> memref<1x128xi32, #tpu.memory_space<vmem>>
        %dma_wait3A_1000 = tpu.memref_squeeze %dma_wait3A_999 : memref<1x128xi32, #tpu.memory_space<vmem>> -> memref<128xi32, #tpu.memory_space<vmem>>
        %dma_wait3A_1001 = arith.constant 0 : i32
        %dma_wait3A_1002 = tpu.memref_slice %arg10[%dma_wait3A_1001] : memref<819200xi32, #tpu.memory_space<hbm>> -> memref<128xi32, #tpu.memory_space<hbm>>
        %dma_wait3A_1003 = arith.constant 0 : i32
        %dma_wait3A_1004 = tpu.memref_slice %arg16[%dma_wait3A_997, %dma_wait3A_1003] : memref<7x128xi32, #tpu.memory_space<vmem>> -> memref<1x128xi32, #tpu.memory_space<vmem>>
        %dma_wait3A_1005 = tpu.memref_squeeze %dma_wait3A_1004 : memref<1x128xi32, #tpu.memory_space<vmem>> -> memref<128xi32, #tpu.memory_space<vmem>>
        %dma_wait3A_1006 = arith.constant 0 : i32
        %dma_wait3A_1007 = tpu.memref_slice %arg10[%dma_wait3A_1006] : memref<819200xi32, #tpu.memory_space<hbm>> -> memref<128xi32, #tpu.memory_space<hbm>>
        tpu.wait_dma2 semaphore(%arg23 : memref<!tpu.dma_semaphore, #tpu.memory_space<semaphore_mem>>) src(%dma_wait3A_1007 : memref<128xi32, #tpu.memory_space<hbm>>) dst(%dma_wait3A_1005 : memref<128xi32, #tpu.memory_space<vmem>>)
        %dma_wait3A_1008 = arith.constant 5 : i32
        %dma_wait3A_1009 = arith.constant 0 : i32
        %dma_wait3A_1010 = tpu.memref_slice %arg16[%dma_wait3A_1008, %dma_wait3A_1009] : memref<7x128xi32, #tpu.memory_space<vmem>> -> memref<1x128xi32, #tpu.memory_space<vmem>>
        %dma_wait3A_1011 = tpu.memref_squeeze %dma_wait3A_1010 : memref<1x128xi32, #tpu.memory_space<vmem>> -> memref<128xi32, #tpu.memory_space<vmem>>
        %dma_wait3A_1012 = arith.constant 0 : i32
        %dma_wait3A_1013 = tpu.memref_slice %arg11[%dma_wait3A_1012] : memref<819200xi32, #tpu.memory_space<hbm>> -> memref<128xi32, #tpu.memory_space<hbm>>
        %dma_wait3A_1014 = arith.constant 0 : i32
        %dma_wait3A_1015 = tpu.memref_slice %arg16[%dma_wait3A_1008, %dma_wait3A_1014] : memref<7x128xi32, #tpu.memory_space<vmem>> -> memref<1x128xi32, #tpu.memory_space<vmem>>
        %dma_wait3A_1016 = tpu.memref_squeeze %dma_wait3A_1015 : memref<1x128xi32, #tpu.memory_space<vmem>> -> memref<128xi32, #tpu.memory_space<vmem>>
        %dma_wait3A_1017 = arith.constant 0 : i32
        %dma_wait3A_1018 = tpu.memref_slice %arg11[%dma_wait3A_1017] : memref<819200xi32, #tpu.memory_space<hbm>> -> memref<128xi32, #tpu.memory_space<hbm>>
        tpu.wait_dma2 semaphore(%arg23 : memref<!tpu.dma_semaphore, #tpu.memory_space<semaphore_mem>>) src(%dma_wait3A_1018 : memref<128xi32, #tpu.memory_space<hbm>>) dst(%dma_wait3A_1016 : memref<128xi32, #tpu.memory_space<vmem>>)
        %dma_wait3A_1019 = arith.constant 6 : i32
        %dma_wait3A_1020 = arith.constant 0 : i32
        %dma_wait3A_1021 = tpu.memref_slice %arg16[%dma_wait3A_1019, %dma_wait3A_1020] : memref<7x128xi32, #tpu.memory_space<vmem>> -> memref<1x128xi32, #tpu.memory_space<vmem>>
        %dma_wait3A_1022 = tpu.memref_squeeze %dma_wait3A_1021 : memref<1x128xi32, #tpu.memory_space<vmem>> -> memref<128xi32, #tpu.memory_space<vmem>>
        %dma_wait3A_1023 = arith.constant 0 : i32
        %dma_wait3A_1024 = tpu.memref_slice %arg12[%dma_wait3A_1023] : memref<819200xi32, #tpu.memory_space<hbm>> -> memref<128xi32, #tpu.memory_space<hbm>>
        %dma_wait3A_1025 = arith.constant 0 : i32
        %dma_wait3A_1026 = tpu.memref_slice %arg16[%dma_wait3A_1019, %dma_wait3A_1025] : memref<7x128xi32, #tpu.memory_space<vmem>> -> memref<1x128xi32, #tpu.memory_space<vmem>>
        %dma_wait3A_1027 = tpu.memref_squeeze %dma_wait3A_1026 : memref<1x128xi32, #tpu.memory_space<vmem>> -> memref<128xi32, #tpu.memory_space<vmem>>
        %dma_wait3A_1028 = arith.constant 0 : i32
        %dma_wait3A_1029 = tpu.memref_slice %arg12[%dma_wait3A_1028] : memref<819200xi32, #tpu.memory_space<hbm>> -> memref<128xi32, #tpu.memory_space<hbm>>
        tpu.wait_dma2 semaphore(%arg23 : memref<!tpu.dma_semaphore, #tpu.memory_space<semaphore_mem>>) src(%dma_wait3A_1029 : memref<128xi32, #tpu.memory_space<hbm>>) dst(%dma_wait3A_1027 : memref<128xi32, #tpu.memory_space<vmem>>)
        %dma_start3A_1030 = arith.constant 0 : i32
        %dma_start3A_1031 = arith.constant 0 : i32
        %dma_start3A_1032 = tpu.memref_slice %arg16[%dma_start3A_1030, %dma_start3A_1031] : memref<7x128xi32, #tpu.memory_space<vmem>> -> memref<1x128xi32, #tpu.memory_space<vmem>>
        %dma_start3A_1033 = tpu.memref_squeeze %dma_start3A_1032 : memref<1x128xi32, #tpu.memory_space<vmem>> -> memref<128xi32, #tpu.memory_space<vmem>>
        %dma_start3A_1034 = arith.constant 0 : i32
        %dma_start3A_1035 = arith.constant 0 : i32
        %dma_start3A_1036 = tpu.memref_slice %arg2[%dma_start3A_1034, %dma_start3A_1035] : memref<1000x64xf32, #tpu.memory_space<hbm>> -> memref<1000x64xf32, #tpu.memory_space<hbm>>
        tpu.enqueue_indirect_dma source(%dma_start3A_1036 : memref<1000x64xf32, #tpu.memory_space<hbm>>) target(%arg18 : memref<128x64xf32, #tpu.memory_space<vmem>>) offsets(%dma_start3A_1033 : memref<128xi32, #tpu.memory_space<vmem>>) semaphore(%arg25 : memref<!tpu.dma_semaphore, #tpu.memory_space<semaphore_mem>>)
        %dma_start3A_1037 = arith.constant 6 : i32
        %dma_start3A_1038 = arith.constant 0 : i32
        %dma_start3A_1039 = tpu.memref_slice %arg16[%dma_start3A_1037, %dma_start3A_1038] : memref<7x128xi32, #tpu.memory_space<vmem>> -> memref<1x128xi32, #tpu.memory_space<vmem>>
        %dma_start3A_1040 = tpu.memref_squeeze %dma_start3A_1039 : memref<1x128xi32, #tpu.memory_space<vmem>> -> memref<128xi32, #tpu.memory_space<vmem>>
        %dma_start3A_1041 = arith.constant 0 : i32
        %dma_start3A_1042 = arith.constant 0 : i32
        %dma_start3A_1043 = tpu.memref_slice %arg13[%dma_start3A_1041, %dma_start3A_1042] : memref<100000x64xf32, #tpu.memory_space<hbm>> -> memref<100000x64xf32, #tpu.memory_space<hbm>>
        tpu.enqueue_indirect_dma source(%dma_start3A_1043 : memref<100000x64xf32, #tpu.memory_space<hbm>>) target(%arg20 : memref<128x64xf32, #tpu.memory_space<vmem>>) offsets(%dma_start3A_1040 : memref<128xi32, #tpu.memory_space<vmem>>) semaphore(%arg27 : memref<!tpu.dma_semaphore, #tpu.memory_space<semaphore_mem>>)
      } else {
      }
      %dma_wait3A_376 = arith.constant 1 : i32
      %dma_wait3A_377 = arith.constant 0 : i32
      %dma_wait3A_378 = tpu.memref_slice %arg15[%dma_wait3A_376, %dma_wait3A_377] : memref<7x128xi32, #tpu.memory_space<vmem>> -> memref<1x128xi32, #tpu.memory_space<vmem>>
      %dma_wait3A_379 = tpu.memref_squeeze %dma_wait3A_378 : memref<1x128xi32, #tpu.memory_space<vmem>> -> memref<128xi32, #tpu.memory_space<vmem>>
      %dma_wait3A_380 = arith.constant 0 : i32
      %dma_wait3A_381 = arith.constant 0 : i32
      %dma_wait3A_382 = tpu.memref_slice %arg3[%dma_wait3A_380, %dma_wait3A_381] : memref<1000x64xf32, #tpu.memory_space<hbm>> -> memref<1000x64xf32, #tpu.memory_space<hbm>>
      tpu.wait_indirect_dma semaphore(%arg26 : memref<!tpu.dma_semaphore, #tpu.memory_space<semaphore_mem>>) src(%dma_wait3A_382 : memref<1000x64xf32, #tpu.memory_space<hbm>>) dst(%arg17 : memref<128x64xf32, #tpu.memory_space<vmem>>)
      %dma_wait3A_383 = arith.constant 2 : i32
      %dma_wait3A_384 = arith.constant 0 : i32
      %dma_wait3A_385 = tpu.memref_slice %arg15[%dma_wait3A_383, %dma_wait3A_384] : memref<7x128xi32, #tpu.memory_space<vmem>> -> memref<1x128xi32, #tpu.memory_space<vmem>>
      %dma_wait3A_386 = tpu.memref_squeeze %dma_wait3A_385 : memref<1x128xi32, #tpu.memory_space<vmem>> -> memref<128xi32, #tpu.memory_space<vmem>>
      %dma_wait3A_387 = arith.constant 0 : i32
      %dma_wait3A_388 = arith.constant 0 : i32
      %dma_wait3A_389 = tpu.memref_slice %arg2[%dma_wait3A_387, %dma_wait3A_388] : memref<1000x64xf32, #tpu.memory_space<hbm>> -> memref<1000x64xf32, #tpu.memory_space<hbm>>
      tpu.wait_indirect_dma semaphore(%arg26 : memref<!tpu.dma_semaphore, #tpu.memory_space<semaphore_mem>>) src(%dma_wait3A_389 : memref<1000x64xf32, #tpu.memory_space<hbm>>) dst(%arg17 : memref<128x64xf32, #tpu.memory_space<vmem>>)
      %dma_wait3A_390 = arith.constant 3 : i32
      %dma_wait3A_391 = arith.constant 0 : i32
      %dma_wait3A_392 = tpu.memref_slice %arg15[%dma_wait3A_390, %dma_wait3A_391] : memref<7x128xi32, #tpu.memory_space<vmem>> -> memref<1x128xi32, #tpu.memory_space<vmem>>
      %dma_wait3A_393 = tpu.memref_squeeze %dma_wait3A_392 : memref<1x128xi32, #tpu.memory_space<vmem>> -> memref<128xi32, #tpu.memory_space<vmem>>
      %dma_wait3A_394 = arith.constant 0 : i32
      %dma_wait3A_395 = arith.constant 0 : i32
      %dma_wait3A_396 = tpu.memref_slice %arg3[%dma_wait3A_394, %dma_wait3A_395] : memref<1000x64xf32, #tpu.memory_space<hbm>> -> memref<1000x64xf32, #tpu.memory_space<hbm>>
      tpu.wait_indirect_dma semaphore(%arg26 : memref<!tpu.dma_semaphore, #tpu.memory_space<semaphore_mem>>) src(%dma_wait3A_396 : memref<1000x64xf32, #tpu.memory_space<hbm>>) dst(%arg17 : memref<128x64xf32, #tpu.memory_space<vmem>>)
      %dma_wait3A_397 = arith.constant 4 : i32
      %dma_wait3A_398 = arith.constant 0 : i32
      %dma_wait3A_399 = tpu.memref_slice %arg15[%dma_wait3A_397, %dma_wait3A_398] : memref<7x128xi32, #tpu.memory_space<vmem>> -> memref<1x128xi32, #tpu.memory_space<vmem>>
      %dma_wait3A_400 = tpu.memref_squeeze %dma_wait3A_399 : memref<1x128xi32, #tpu.memory_space<vmem>> -> memref<128xi32, #tpu.memory_space<vmem>>
      %dma_wait3A_401 = arith.constant 0 : i32
      %dma_wait3A_402 = arith.constant 0 : i32
      %dma_wait3A_403 = tpu.memref_slice %arg4[%dma_wait3A_401, %dma_wait3A_402] : memref<1000x64xf32, #tpu.memory_space<hbm>> -> memref<1000x64xf32, #tpu.memory_space<hbm>>
      tpu.wait_indirect_dma semaphore(%arg26 : memref<!tpu.dma_semaphore, #tpu.memory_space<semaphore_mem>>) src(%dma_wait3A_403 : memref<1000x64xf32, #tpu.memory_space<hbm>>) dst(%arg17 : memref<128x64xf32, #tpu.memory_space<vmem>>)
      %dma_wait3A_404 = arith.constant 5 : i32
      %dma_wait3A_405 = arith.constant 0 : i32
      %dma_wait3A_406 = tpu.memref_slice %arg15[%dma_wait3A_404, %dma_wait3A_405] : memref<7x128xi32, #tpu.memory_space<vmem>> -> memref<1x128xi32, #tpu.memory_space<vmem>>
      %dma_wait3A_407 = tpu.memref_squeeze %dma_wait3A_406 : memref<1x128xi32, #tpu.memory_space<vmem>> -> memref<128xi32, #tpu.memory_space<vmem>>
      %dma_wait3A_408 = arith.constant 0 : i32
      %dma_wait3A_409 = arith.constant 0 : i32
      %dma_wait3A_410 = tpu.memref_slice %arg5[%dma_wait3A_408, %dma_wait3A_409] : memref<1000x64xf32, #tpu.memory_space<hbm>> -> memref<1000x64xf32, #tpu.memory_space<hbm>>
      tpu.wait_indirect_dma semaphore(%arg26 : memref<!tpu.dma_semaphore, #tpu.memory_space<semaphore_mem>>) src(%dma_wait3A_410 : memref<1000x64xf32, #tpu.memory_space<hbm>>) dst(%arg17 : memref<128x64xf32, #tpu.memory_space<vmem>>)
      %dma_wait3A_411 = arith.constant 6 : i32
      %dma_wait3A_412 = arith.constant 0 : i32
      %dma_wait3A_413 = tpu.memref_slice %arg15[%dma_wait3A_411, %dma_wait3A_412] : memref<7x128xi32, #tpu.memory_space<vmem>> -> memref<1x128xi32, #tpu.memory_space<vmem>>
      %dma_wait3A_414 = tpu.memref_squeeze %dma_wait3A_413 : memref<1x128xi32, #tpu.memory_space<vmem>> -> memref<128xi32, #tpu.memory_space<vmem>>
      %dma_wait3A_415 = arith.constant 0 : i32
      %dma_wait3A_416 = arith.constant 0 : i32
      %dma_wait3A_417 = tpu.memref_slice %arg13[%dma_wait3A_415, %dma_wait3A_416] : memref<100000x64xf32, #tpu.memory_space<hbm>> -> memref<100000x64xf32, #tpu.memory_space<hbm>>
      tpu.wait_indirect_dma semaphore(%arg26 : memref<!tpu.dma_semaphore, #tpu.memory_space<semaphore_mem>>) src(%dma_wait3A_417 : memref<100000x64xf32, #tpu.memory_space<hbm>>) dst(%arg19 : memref<128x64xf32, #tpu.memory_space<vmem>>)
      %add3A_418 = arith.constant 2 : i32
      %add3A_419 = arith.addi %add3A_371, %add3A_418 : i32
      %lt3A_420 = arith.constant 200 : i32
      %lt3A_421 = arith.cmpi slt, %add3A_419, %lt3A_420 : i32
      %convert_element_type3A_422 = arith.extui %lt3A_421 : i1 to i32
      %cond3A_423 = arith.constant 0 : i32
      %cond3A_424 = arith.cmpi ne, %convert_element_type3A_422, %cond3A_423 : i32
      scf.if %cond3A_424 {
        %add3A_953 = arith.constant 2 : i32
        %add3A_954 = arith.addi %add3A_371, %add3A_953 : i32
        %mul3A_955 = arith.constant 25600 : i32
        %mul3A_956 = arith.muli %add3A, %mul3A_955 : i32
        %mul3A_957 = arith.constant 128 : i32
        %mul3A_958 = arith.muli %add3A_954, %mul3A_957 : i32
        %add3A_959 = arith.addi %mul3A_956, %mul3A_958 : i32
        %dma_start3A_960 = arith.constant 0 : i32
        %dma_start3A_961 = arith.constant 0 : i32
        %dma_start3A_962 = tpu.memref_slice %arg15[%dma_start3A_960, %dma_start3A_961] : memref<7x128xi32, #tpu.memory_space<vmem>> -> memref<1x128xi32, #tpu.memory_space<vmem>>
        %dma_start3A_963 = tpu.memref_squeeze %dma_start3A_962 : memref<1x128xi32, #tpu.memory_space<vmem>> -> memref<128xi32, #tpu.memory_space<vmem>>
        %dma_start3A_964 = tpu.memref_slice %arg6[%add3A_959] : memref<819200xi32, #tpu.memory_space<hbm>> -> memref<128xi32, #tpu.memory_space<hbm>>
        %dma_start3A_965 = arith.constant 0 : i32
        %dma_start3A_966 = tpu.memref_slice %arg15[%dma_start3A_960, %dma_start3A_965] : memref<7x128xi32, #tpu.memory_space<vmem>> -> memref<1x128xi32, #tpu.memory_space<vmem>>
        %dma_start3A_967 = tpu.memref_squeeze %dma_start3A_966 : memref<1x128xi32, #tpu.memory_space<vmem>> -> memref<128xi32, #tpu.memory_space<vmem>>
        %dma_start3A_968 = tpu.memref_slice %arg6[%add3A_959] : memref<819200xi32, #tpu.memory_space<hbm>> -> memref<128xi32, #tpu.memory_space<hbm>>
        tpu.enqueue_dma source(%dma_start3A_968 : memref<128xi32, #tpu.memory_space<hbm>>) target(%dma_start3A_967 : memref<128xi32, #tpu.memory_space<vmem>>) target_semaphore(%arg22 : memref<!tpu.dma_semaphore, #tpu.memory_space<semaphore_mem>>)
        %dma_start3A_969 = arith.constant 1 : i32
        %dma_start3A_970 = arith.constant 0 : i32
        %dma_start3A_971 = tpu.memref_slice %arg15[%dma_start3A_969, %dma_start3A_970] : memref<7x128xi32, #tpu.memory_space<vmem>> -> memref<1x128xi32, #tpu.memory_space<vmem>>
        %dma_start3A_972 = tpu.memref_squeeze %dma_start3A_971 : memref<1x128xi32, #tpu.memory_space<vmem>> -> memref<128xi32, #tpu.memory_space<vmem>>
        %dma_start3A_973 = tpu.memref_slice %arg7[%add3A_959] : memref<819200xi32, #tpu.memory_space<hbm>> -> memref<128xi32, #tpu.memory_space<hbm>>
        %dma_start3A_974 = arith.constant 0 : i32
        %dma_start3A_975 = tpu.memref_slice %arg15[%dma_start3A_969, %dma_start3A_974] : memref<7x128xi32, #tpu.memory_space<vmem>> -> memref<1x128xi32, #tpu.memory_space<vmem>>
        %dma_start3A_976 = tpu.memref_squeeze %dma_start3A_975 : memref<1x128xi32, #tpu.memory_space<vmem>> -> memref<128xi32, #tpu.memory_space<vmem>>
        %dma_start3A_977 = tpu.memref_slice %arg7[%add3A_959] : memref<819200xi32, #tpu.memory_space<hbm>> -> memref<128xi32, #tpu.memory_space<hbm>>
        tpu.enqueue_dma source(%dma_start3A_977 : memref<128xi32, #tpu.memory_space<hbm>>) target(%dma_start3A_976 : memref<128xi32, #tpu.memory_space<vmem>>) target_semaphore(%arg22 : memref<!tpu.dma_semaphore, #tpu.memory_space<semaphore_mem>>)
        %dma_start3A_978 = arith.constant 2 : i32
        %dma_start3A_979 = arith.constant 0 : i32
        %dma_start3A_980 = tpu.memref_slice %arg15[%dma_start3A_978, %dma_start3A_979] : memref<7x128xi32, #tpu.memory_space<vmem>> -> memref<1x128xi32, #tpu.memory_space<vmem>>
        %dma_start3A_981 = tpu.memref_squeeze %dma_start3A_980 : memref<1x128xi32, #tpu.memory_space<vmem>> -> memref<128xi32, #tpu.memory_space<vmem>>
        %dma_start3A_982 = tpu.memref_slice %arg8[%add3A_959] : memref<819200xi32, #tpu.memory_space<hbm>> -> memref<128xi32, #tpu.memory_space<hbm>>
        %dma_start3A_983 = arith.constant 0 : i32
        %dma_start3A_984 = tpu.memref_slice %arg15[%dma_start3A_978, %dma_start3A_983] : memref<7x128xi32, #tpu.memory_space<vmem>> -> memref<1x128xi32, #tpu.memory_space<vmem>>
        %dma_start3A_985 = tpu.memref_squeeze %dma_start3A_984 : memref<1x128xi32, #tpu.memory_space<vmem>> -> memref<128xi32, #tpu.memory_space<vmem>>
        %dma_start3A_986 = tpu.memref_slice %arg8[%add3A_959] : memref<819200xi32, #tpu.memory_space<hbm>> -> memref<128xi32, #tpu.memory_space<hbm>>
        tpu.enqueue_dma source(%dma_start3A_986 : memref<128xi32, #tpu.memory_space<hbm>>) target(%dma_start3A_985 : memref<128xi32, #tpu.memory_space<vmem>>) target_semaphore(%arg22 : memref<!tpu.dma_semaphore, #tpu.memory_space<semaphore_mem>>)
        %dma_start3A_987 = arith.constant 3 : i32
        %dma_start3A_988 = arith.constant 0 : i32
        %dma_start3A_989 = tpu.memref_slice %arg15[%dma_start3A_987, %dma_start3A_988] : memref<7x128xi32, #tpu.memory_space<vmem>> -> memref<1x128xi32, #tpu.memory_space<vmem>>
        %dma_start3A_990 = tpu.memref_squeeze %dma_start3A_989 : memref<1x128xi32, #tpu.memory_space<vmem>> -> memref<128xi32, #tpu.memory_space<vmem>>
        %dma_start3A_991 = tpu.memref_slice %arg9[%add3A_959] : memref<819200xi32, #tpu.memory_space<hbm>> -> memref<128xi32, #tpu.memory_space<hbm>>
        %dma_start3A_992 = arith.constant 0 : i32
        %dma_start3A_993 = tpu.memref_slice %arg15[%dma_start3A_987, %dma_start3A_992] : memref<7x128xi32, #tpu.memory_space<vmem>> -> memref<1x128xi32, #tpu.memory_space<vmem>>
        %dma_start3A_994 = tpu.memref_squeeze %dma_start3A_993 : memref<1x128xi32, #tpu.memory_space<vmem>> -> memref<128xi32, #tpu.memory_space<vmem>>
        %dma_start3A_995 = tpu.memref_slice %arg9[%add3A_959] : memref<819200xi32, #tpu.memory_space<hbm>> -> memref<128xi32, #tpu.memory_space<hbm>>
        tpu.enqueue_dma source(%dma_start3A_995 : memref<128xi32, #tpu.memory_space<hbm>>) target(%dma_start3A_994 : memref<128xi32, #tpu.memory_space<vmem>>) target_semaphore(%arg22 : memref<!tpu.dma_semaphore, #tpu.memory_space<semaphore_mem>>)
        %dma_start3A_996 = arith.constant 4 : i32
        %dma_start3A_997 = arith.constant 0 : i32
        %dma_start3A_998 = tpu.memref_slice %arg15[%dma_start3A_996, %dma_start3A_997] : memref<7x128xi32, #tpu.memory_space<vmem>> -> memref<1x128xi32, #tpu.memory_space<vmem>>
        %dma_start3A_999 = tpu.memref_squeeze %dma_start3A_998 : memref<1x128xi32, #tpu.memory_space<vmem>> -> memref<128xi32, #tpu.memory_space<vmem>>
        %dma_start3A_1000 = tpu.memref_slice %arg10[%add3A_959] : memref<819200xi32, #tpu.memory_space<hbm>> -> memref<128xi32, #tpu.memory_space<hbm>>
        %dma_start3A_1001 = arith.constant 0 : i32
        %dma_start3A_1002 = tpu.memref_slice %arg15[%dma_start3A_996, %dma_start3A_1001] : memref<7x128xi32, #tpu.memory_space<vmem>> -> memref<1x128xi32, #tpu.memory_space<vmem>>
        %dma_start3A_1003 = tpu.memref_squeeze %dma_start3A_1002 : memref<1x128xi32, #tpu.memory_space<vmem>> -> memref<128xi32, #tpu.memory_space<vmem>>
        %dma_start3A_1004 = tpu.memref_slice %arg10[%add3A_959] : memref<819200xi32, #tpu.memory_space<hbm>> -> memref<128xi32, #tpu.memory_space<hbm>>
        tpu.enqueue_dma source(%dma_start3A_1004 : memref<128xi32, #tpu.memory_space<hbm>>) target(%dma_start3A_1003 : memref<128xi32, #tpu.memory_space<vmem>>) target_semaphore(%arg22 : memref<!tpu.dma_semaphore, #tpu.memory_space<semaphore_mem>>)
        %dma_start3A_1005 = arith.constant 5 : i32
        %dma_start3A_1006 = arith.constant 0 : i32
        %dma_start3A_1007 = tpu.memref_slice %arg15[%dma_start3A_1005, %dma_start3A_1006] : memref<7x128xi32, #tpu.memory_space<vmem>> -> memref<1x128xi32, #tpu.memory_space<vmem>>
        %dma_start3A_1008 = tpu.memref_squeeze %dma_start3A_1007 : memref<1x128xi32, #tpu.memory_space<vmem>> -> memref<128xi32, #tpu.memory_space<vmem>>
        %dma_start3A_1009 = tpu.memref_slice %arg11[%add3A_959] : memref<819200xi32, #tpu.memory_space<hbm>> -> memref<128xi32, #tpu.memory_space<hbm>>
        %dma_start3A_1010 = arith.constant 0 : i32
        %dma_start3A_1011 = tpu.memref_slice %arg15[%dma_start3A_1005, %dma_start3A_1010] : memref<7x128xi32, #tpu.memory_space<vmem>> -> memref<1x128xi32, #tpu.memory_space<vmem>>
        %dma_start3A_1012 = tpu.memref_squeeze %dma_start3A_1011 : memref<1x128xi32, #tpu.memory_space<vmem>> -> memref<128xi32, #tpu.memory_space<vmem>>
        %dma_start3A_1013 = tpu.memref_slice %arg11[%add3A_959] : memref<819200xi32, #tpu.memory_space<hbm>> -> memref<128xi32, #tpu.memory_space<hbm>>
        tpu.enqueue_dma source(%dma_start3A_1013 : memref<128xi32, #tpu.memory_space<hbm>>) target(%dma_start3A_1012 : memref<128xi32, #tpu.memory_space<vmem>>) target_semaphore(%arg22 : memref<!tpu.dma_semaphore, #tpu.memory_space<semaphore_mem>>)
        %dma_start3A_1014 = arith.constant 6 : i32
        %dma_start3A_1015 = arith.constant 0 : i32
        %dma_start3A_1016 = tpu.memref_slice %arg15[%dma_start3A_1014, %dma_start3A_1015] : memref<7x128xi32, #tpu.memory_space<vmem>> -> memref<1x128xi32, #tpu.memory_space<vmem>>
        %dma_start3A_1017 = tpu.memref_squeeze %dma_start3A_1016 : memref<1x128xi32, #tpu.memory_space<vmem>> -> memref<128xi32, #tpu.memory_space<vmem>>
        %dma_start3A_1018 = tpu.memref_slice %arg12[%add3A_959] : memref<819200xi32, #tpu.memory_space<hbm>> -> memref<128xi32, #tpu.memory_space<hbm>>
        %dma_start3A_1019 = arith.constant 0 : i32
        %dma_start3A_1020 = tpu.memref_slice %arg15[%dma_start3A_1014, %dma_start3A_1019] : memref<7x128xi32, #tpu.memory_space<vmem>> -> memref<1x128xi32, #tpu.memory_space<vmem>>
        %dma_start3A_1021 = tpu.memref_squeeze %dma_start3A_1020 : memref<1x128xi32, #tpu.memory_space<vmem>> -> memref<128xi32, #tpu.memory_space<vmem>>
        %dma_start3A_1022 = tpu.memref_slice %arg12[%add3A_959] : memref<819200xi32, #tpu.memory_space<hbm>> -> memref<128xi32, #tpu.memory_space<hbm>>
        tpu.enqueue_dma source(%dma_start3A_1022 : memref<128xi32, #tpu.memory_space<hbm>>) target(%dma_start3A_1021 : memref<128xi32, #tpu.memory_space<vmem>>) target_semaphore(%arg22 : memref<!tpu.dma_semaphore, #tpu.memory_space<semaphore_mem>>)
      } else {
      }
      %ge3A = arith.constant 1 : i32
      %ge3A_425 = arith.cmpi sge, %add3A_371, %ge3A : i32
      %convert_element_type3A_426 = arith.extui %ge3A_425 : i1 to i32
      %cond3A_427 = arith.constant 0 : i32
      %cond3A_428 = arith.cmpi ne, %convert_element_type3A_426, %cond3A_427 : i32
      scf.if %cond3A_428 {
        %dma_wait3A_953 = arith.constant 0 : i32
        %dma_wait3A_954 = arith.constant 0 : i32
        %dma_wait3A_955 = tpu.memref_slice %arg21[%dma_wait3A_953, %dma_wait3A_954] : memref<64x129xf32, #tpu.memory_space<vmem>> -> memref<8x128xf32, #tpu.memory_space<vmem>>
        %dma_wait3A_956 = arith.constant 0 : i32
        %dma_wait3A_957 = arith.constant 0 : i32
        %dma_wait3A_958 = tpu.memref_slice %arg14[%dma_wait3A_956, %dma_wait3A_957] : memref<409600x128xf32, #tpu.memory_space<hbm>> -> memref<8x128xf32, #tpu.memory_space<hbm>>
        %dma_wait3A_959 = arith.constant 0 : i32
        %dma_wait3A_960 = arith.constant 0 : i32
        %dma_wait3A_961 = tpu.memref_slice %arg14[%dma_wait3A_959, %dma_wait3A_960] : memref<409600x128xf32, #tpu.memory_space<hbm>> -> memref<8x128xf32, #tpu.memory_space<hbm>>
        %dma_wait3A_962 = arith.constant 0 : i32
        %dma_wait3A_963 = arith.constant 0 : i32
        %dma_wait3A_964 = tpu.memref_slice %arg21[%dma_wait3A_962, %dma_wait3A_963] : memref<64x129xf32, #tpu.memory_space<vmem>> -> memref<8x128xf32, #tpu.memory_space<vmem>>
        tpu.wait_dma2 semaphore(%arg28 : memref<!tpu.dma_semaphore, #tpu.memory_space<semaphore_mem>>) src(%dma_wait3A_964 : memref<8x128xf32, #tpu.memory_space<vmem>>) dst(%dma_wait3A_961 : memref<8x128xf32, #tpu.memory_space<hbm>>)
        %dma_wait3A_965 = arith.constant 8 : i32
        %dma_wait3A_966 = arith.constant 0 : i32
        %dma_wait3A_967 = tpu.memref_slice %arg21[%dma_wait3A_965, %dma_wait3A_966] : memref<64x129xf32, #tpu.memory_space<vmem>> -> memref<8x128xf32, #tpu.memory_space<vmem>>
        %dma_wait3A_968 = arith.constant 0 : i32
        %dma_wait3A_969 = arith.constant 0 : i32
        %dma_wait3A_970 = tpu.memref_slice %arg14[%dma_wait3A_968, %dma_wait3A_969] : memref<409600x128xf32, #tpu.memory_space<hbm>> -> memref<8x128xf32, #tpu.memory_space<hbm>>
        %dma_wait3A_971 = arith.constant 0 : i32
        %dma_wait3A_972 = arith.constant 0 : i32
        %dma_wait3A_973 = tpu.memref_slice %arg14[%dma_wait3A_971, %dma_wait3A_972] : memref<409600x128xf32, #tpu.memory_space<hbm>> -> memref<8x128xf32, #tpu.memory_space<hbm>>
        %dma_wait3A_974 = arith.constant 8 : i32
        %dma_wait3A_975 = arith.constant 0 : i32
        %dma_wait3A_976 = tpu.memref_slice %arg21[%dma_wait3A_974, %dma_wait3A_975] : memref<64x129xf32, #tpu.memory_space<vmem>> -> memref<8x128xf32, #tpu.memory_space<vmem>>
        tpu.wait_dma2 semaphore(%arg28 : memref<!tpu.dma_semaphore, #tpu.memory_space<semaphore_mem>>) src(%dma_wait3A_976 : memref<8x128xf32, #tpu.memory_space<vmem>>) dst(%dma_wait3A_973 : memref<8x128xf32, #tpu.memory_space<hbm>>)
        %dma_wait3A_977 = arith.constant 16 : i32
        %dma_wait3A_978 = arith.constant 0 : i32
        %dma_wait3A_979 = tpu.memref_slice %arg21[%dma_wait3A_977, %dma_wait3A_978] : memref<64x129xf32, #tpu.memory_space<vmem>> -> memref<8x128xf32, #tpu.memory_space<vmem>>
        %dma_wait3A_980 = arith.constant 0 : i32
        %dma_wait3A_981 = arith.constant 0 : i32
        %dma_wait3A_982 = tpu.memref_slice %arg14[%dma_wait3A_980, %dma_wait3A_981] : memref<409600x128xf32, #tpu.memory_space<hbm>> -> memref<8x128xf32, #tpu.memory_space<hbm>>
        %dma_wait3A_983 = arith.constant 0 : i32
        %dma_wait3A_984 = arith.constant 0 : i32
        %dma_wait3A_985 = tpu.memref_slice %arg14[%dma_wait3A_983, %dma_wait3A_984] : memref<409600x128xf32, #tpu.memory_space<hbm>> -> memref<8x128xf32, #tpu.memory_space<hbm>>
        %dma_wait3A_986 = arith.constant 16 : i32
        %dma_wait3A_987 = arith.constant 0 : i32
        %dma_wait3A_988 = tpu.memref_slice %arg21[%dma_wait3A_986, %dma_wait3A_987] : memref<64x129xf32, #tpu.memory_space<vmem>> -> memref<8x128xf32, #tpu.memory_space<vmem>>
        tpu.wait_dma2 semaphore(%arg28 : memref<!tpu.dma_semaphore, #tpu.memory_space<semaphore_mem>>) src(%dma_wait3A_988 : memref<8x128xf32, #tpu.memory_space<vmem>>) dst(%dma_wait3A_985 : memref<8x128xf32, #tpu.memory_space<hbm>>)
        %dma_wait3A_989 = arith.constant 24 : i32
        %dma_wait3A_990 = arith.constant 0 : i32
        %dma_wait3A_991 = tpu.memref_slice %arg21[%dma_wait3A_989, %dma_wait3A_990] : memref<64x129xf32, #tpu.memory_space<vmem>> -> memref<8x128xf32, #tpu.memory_space<vmem>>
        %dma_wait3A_992 = arith.constant 0 : i32
        %dma_wait3A_993 = arith.constant 0 : i32
        %dma_wait3A_994 = tpu.memref_slice %arg14[%dma_wait3A_992, %dma_wait3A_993] : memref<409600x128xf32, #tpu.memory_space<hbm>> -> memref<8x128xf32, #tpu.memory_space<hbm>>
        %dma_wait3A_995 = arith.constant 0 : i32
        %dma_wait3A_996 = arith.constant 0 : i32
        %dma_wait3A_997 = tpu.memref_slice %arg14[%dma_wait3A_995, %dma_wait3A_996] : memref<409600x128xf32, #tpu.memory_space<hbm>> -> memref<8x128xf32, #tpu.memory_space<hbm>>
        %dma_wait3A_998 = arith.constant 24 : i32
        %dma_wait3A_999 = arith.constant 0 : i32
        %dma_wait3A_1000 = tpu.memref_slice %arg21[%dma_wait3A_998, %dma_wait3A_999] : memref<64x129xf32, #tpu.memory_space<vmem>> -> memref<8x128xf32, #tpu.memory_space<vmem>>
        tpu.wait_dma2 semaphore(%arg28 : memref<!tpu.dma_semaphore, #tpu.memory_space<semaphore_mem>>) src(%dma_wait3A_1000 : memref<8x128xf32, #tpu.memory_space<vmem>>) dst(%dma_wait3A_997 : memref<8x128xf32, #tpu.memory_space<hbm>>)
        %dma_wait3A_1001 = arith.constant 32 : i32
        %dma_wait3A_1002 = arith.constant 0 : i32
        %dma_wait3A_1003 = tpu.memref_slice %arg21[%dma_wait3A_1001, %dma_wait3A_1002] : memref<64x129xf32, #tpu.memory_space<vmem>> -> memref<8x128xf32, #tpu.memory_space<vmem>>
        %dma_wait3A_1004 = arith.constant 0 : i32
        %dma_wait3A_1005 = arith.constant 0 : i32
        %dma_wait3A_1006 = tpu.memref_slice %arg14[%dma_wait3A_1004, %dma_wait3A_1005] : memref<409600x128xf32, #tpu.memory_space<hbm>> -> memref<8x128xf32, #tpu.memory_space<hbm>>
        %dma_wait3A_1007 = arith.constant 0 : i32
        %dma_wait3A_1008 = arith.constant 0 : i32
        %dma_wait3A_1009 = tpu.memref_slice %arg14[%dma_wait3A_1007, %dma_wait3A_1008] : memref<409600x128xf32, #tpu.memory_space<hbm>> -> memref<8x128xf32, #tpu.memory_space<hbm>>
        %dma_wait3A_1010 = arith.constant 32 : i32
        %dma_wait3A_1011 = arith.constant 0 : i32
        %dma_wait3A_1012 = tpu.memref_slice %arg21[%dma_wait3A_1010, %dma_wait3A_1011] : memref<64x129xf32, #tpu.memory_space<vmem>> -> memref<8x128xf32, #tpu.memory_space<vmem>>
        tpu.wait_dma2 semaphore(%arg28 : memref<!tpu.dma_semaphore, #tpu.memory_space<semaphore_mem>>) src(%dma_wait3A_1012 : memref<8x128xf32, #tpu.memory_space<vmem>>) dst(%dma_wait3A_1009 : memref<8x128xf32, #tpu.memory_space<hbm>>)
        %dma_wait3A_1013 = arith.constant 40 : i32
        %dma_wait3A_1014 = arith.constant 0 : i32
        %dma_wait3A_1015 = tpu.memref_slice %arg21[%dma_wait3A_1013, %dma_wait3A_1014] : memref<64x129xf32, #tpu.memory_space<vmem>> -> memref<8x128xf32, #tpu.memory_space<vmem>>
        %dma_wait3A_1016 = arith.constant 0 : i32
        %dma_wait3A_1017 = arith.constant 0 : i32
        %dma_wait3A_1018 = tpu.memref_slice %arg14[%dma_wait3A_1016, %dma_wait3A_1017] : memref<409600x128xf32, #tpu.memory_space<hbm>> -> memref<8x128xf32, #tpu.memory_space<hbm>>
        %dma_wait3A_1019 = arith.constant 0 : i32
        %dma_wait3A_1020 = arith.constant 0 : i32
        %dma_wait3A_1021 = tpu.memref_slice %arg14[%dma_wait3A_1019, %dma_wait3A_1020] : memref<409600x128xf32, #tpu.memory_space<hbm>> -> memref<8x128xf32, #tpu.memory_space<hbm>>
        %dma_wait3A_1022 = arith.constant 40 : i32
        %dma_wait3A_1023 = arith.constant 0 : i32
        %dma_wait3A_1024 = tpu.memref_slice %arg21[%dma_wait3A_1022, %dma_wait3A_1023] : memref<64x129xf32, #tpu.memory_space<vmem>> -> memref<8x128xf32, #tpu.memory_space<vmem>>
        tpu.wait_dma2 semaphore(%arg28 : memref<!tpu.dma_semaphore, #tpu.memory_space<semaphore_mem>>) src(%dma_wait3A_1024 : memref<8x128xf32, #tpu.memory_space<vmem>>) dst(%dma_wait3A_1021 : memref<8x128xf32, #tpu.memory_space<hbm>>)
        %dma_wait3A_1025 = arith.constant 48 : i32
        %dma_wait3A_1026 = arith.constant 0 : i32
        %dma_wait3A_1027 = tpu.memref_slice %arg21[%dma_wait3A_1025, %dma_wait3A_1026] : memref<64x129xf32, #tpu.memory_space<vmem>> -> memref<8x128xf32, #tpu.memory_space<vmem>>
        %dma_wait3A_1028 = arith.constant 0 : i32
        %dma_wait3A_1029 = arith.constant 0 : i32
        %dma_wait3A_1030 = tpu.memref_slice %arg14[%dma_wait3A_1028, %dma_wait3A_1029] : memref<409600x128xf32, #tpu.memory_space<hbm>> -> memref<8x128xf32, #tpu.memory_space<hbm>>
        %dma_wait3A_1031 = arith.constant 0 : i32
        %dma_wait3A_1032 = arith.constant 0 : i32
        %dma_wait3A_1033 = tpu.memref_slice %arg14[%dma_wait3A_1031, %dma_wait3A_1032] : memref<409600x128xf32, #tpu.memory_space<hbm>> -> memref<8x128xf32, #tpu.memory_space<hbm>>
        %dma_wait3A_1034 = arith.constant 48 : i32
        %dma_wait3A_1035 = arith.constant 0 : i32
        %dma_wait3A_1036 = tpu.memref_slice %arg21[%dma_wait3A_1034, %dma_wait3A_1035] : memref<64x129xf32, #tpu.memory_space<vmem>> -> memref<8x128xf32, #tpu.memory_space<vmem>>
        tpu.wait_dma2 semaphore(%arg28 : memref<!tpu.dma_semaphore, #tpu.memory_space<semaphore_mem>>) src(%dma_wait3A_1036 : memref<8x128xf32, #tpu.memory_space<vmem>>) dst(%dma_wait3A_1033 : memref<8x128xf32, #tpu.memory_space<hbm>>)
        %dma_wait3A_1037 = arith.constant 56 : i32
        %dma_wait3A_1038 = arith.constant 0 : i32
        %dma_wait3A_1039 = tpu.memref_slice %arg21[%dma_wait3A_1037, %dma_wait3A_1038] : memref<64x129xf32, #tpu.memory_space<vmem>> -> memref<8x128xf32, #tpu.memory_space<vmem>>
        %dma_wait3A_1040 = arith.constant 0 : i32
        %dma_wait3A_1041 = arith.constant 0 : i32
        %dma_wait3A_1042 = tpu.memref_slice %arg14[%dma_wait3A_1040, %dma_wait3A_1041] : memref<409600x128xf32, #tpu.memory_space<hbm>> -> memref<8x128xf32, #tpu.memory_space<hbm>>
        %dma_wait3A_1043 = arith.constant 0 : i32
        %dma_wait3A_1044 = arith.constant 0 : i32
        %dma_wait3A_1045 = tpu.memref_slice %arg14[%dma_wait3A_1043, %dma_wait3A_1044] : memref<409600x128xf32, #tpu.memory_space<hbm>> -> memref<8x128xf32, #tpu.memory_space<hbm>>
        %dma_wait3A_1046 = arith.constant 56 : i32
        %dma_wait3A_1047 = arith.constant 0 : i32
        %dma_wait3A_1048 = tpu.memref_slice %arg21[%dma_wait3A_1046, %dma_wait3A_1047] : memref<64x129xf32, #tpu.memory_space<vmem>> -> memref<8x128xf32, #tpu.memory_space<vmem>>
        tpu.wait_dma2 semaphore(%arg28 : memref<!tpu.dma_semaphore, #tpu.memory_space<semaphore_mem>>) src(%dma_wait3A_1048 : memref<8x128xf32, #tpu.memory_space<vmem>>) dst(%dma_wait3A_1045 : memref<8x128xf32, #tpu.memory_space<hbm>>)
      } else {
      }
      %add3A_429 = arith.constant 1 : i32
      %add3A_430 = arith.addi %add3A_371, %add3A_429 : i32
      %lt3A_431 = arith.constant 200 : i32
      %lt3A_432 = arith.cmpi slt, %add3A_430, %lt3A_431 : i32
      %convert_element_type3A_433 = arith.extui %lt3A_432 : i1 to i32
      %cond3A_434 = arith.constant 0 : i32
      %cond3A_435 = arith.cmpi ne, %convert_element_type3A_433, %cond3A_434 : i32
      scf.if %cond3A_435 {
        %dma_wait3A_953 = arith.constant 0 : i32
        %dma_wait3A_954 = arith.constant 0 : i32
        %dma_wait3A_955 = tpu.memref_slice %arg16[%dma_wait3A_953, %dma_wait3A_954] : memref<7x128xi32, #tpu.memory_space<vmem>> -> memref<1x128xi32, #tpu.memory_space<vmem>>
        %dma_wait3A_956 = tpu.memref_squeeze %dma_wait3A_955 : memref<1x128xi32, #tpu.memory_space<vmem>> -> memref<128xi32, #tpu.memory_space<vmem>>
        %dma_wait3A_957 = arith.constant 0 : i32
        %dma_wait3A_958 = arith.constant 0 : i32
        %dma_wait3A_959 = tpu.memref_slice %arg2[%dma_wait3A_957, %dma_wait3A_958] : memref<1000x64xf32, #tpu.memory_space<hbm>> -> memref<1000x64xf32, #tpu.memory_space<hbm>>
        tpu.wait_indirect_dma semaphore(%arg25 : memref<!tpu.dma_semaphore, #tpu.memory_space<semaphore_mem>>) src(%dma_wait3A_959 : memref<1000x64xf32, #tpu.memory_space<hbm>>) dst(%arg18 : memref<128x64xf32, #tpu.memory_space<vmem>>)
        %dma_start3A_960 = arith.constant 1 : i32
        %dma_start3A_961 = arith.constant 0 : i32
        %dma_start3A_962 = tpu.memref_slice %arg16[%dma_start3A_960, %dma_start3A_961] : memref<7x128xi32, #tpu.memory_space<vmem>> -> memref<1x128xi32, #tpu.memory_space<vmem>>
        %dma_start3A_963 = tpu.memref_squeeze %dma_start3A_962 : memref<1x128xi32, #tpu.memory_space<vmem>> -> memref<128xi32, #tpu.memory_space<vmem>>
        %dma_start3A_964 = arith.constant 0 : i32
        %dma_start3A_965 = arith.constant 0 : i32
        %dma_start3A_966 = tpu.memref_slice %arg3[%dma_start3A_964, %dma_start3A_965] : memref<1000x64xf32, #tpu.memory_space<hbm>> -> memref<1000x64xf32, #tpu.memory_space<hbm>>
        tpu.enqueue_indirect_dma source(%dma_start3A_966 : memref<1000x64xf32, #tpu.memory_space<hbm>>) target(%arg18 : memref<128x64xf32, #tpu.memory_space<vmem>>) offsets(%dma_start3A_963 : memref<128xi32, #tpu.memory_space<vmem>>) semaphore(%arg27 : memref<!tpu.dma_semaphore, #tpu.memory_space<semaphore_mem>>) {add = true}
        %dma_start3A_967 = arith.constant 2 : i32
        %dma_start3A_968 = arith.constant 0 : i32
        %dma_start3A_969 = tpu.memref_slice %arg16[%dma_start3A_967, %dma_start3A_968] : memref<7x128xi32, #tpu.memory_space<vmem>> -> memref<1x128xi32, #tpu.memory_space<vmem>>
        %dma_start3A_970 = tpu.memref_squeeze %dma_start3A_969 : memref<1x128xi32, #tpu.memory_space<vmem>> -> memref<128xi32, #tpu.memory_space<vmem>>
        %dma_start3A_971 = arith.constant 0 : i32
        %dma_start3A_972 = arith.constant 0 : i32
        %dma_start3A_973 = tpu.memref_slice %arg2[%dma_start3A_971, %dma_start3A_972] : memref<1000x64xf32, #tpu.memory_space<hbm>> -> memref<1000x64xf32, #tpu.memory_space<hbm>>
        tpu.enqueue_indirect_dma source(%dma_start3A_973 : memref<1000x64xf32, #tpu.memory_space<hbm>>) target(%arg18 : memref<128x64xf32, #tpu.memory_space<vmem>>) offsets(%dma_start3A_970 : memref<128xi32, #tpu.memory_space<vmem>>) semaphore(%arg27 : memref<!tpu.dma_semaphore, #tpu.memory_space<semaphore_mem>>) {add = true}
        %dma_start3A_974 = arith.constant 3 : i32
        %dma_start3A_975 = arith.constant 0 : i32
        %dma_start3A_976 = tpu.memref_slice %arg16[%dma_start3A_974, %dma_start3A_975] : memref<7x128xi32, #tpu.memory_space<vmem>> -> memref<1x128xi32, #tpu.memory_space<vmem>>
        %dma_start3A_977 = tpu.memref_squeeze %dma_start3A_976 : memref<1x128xi32, #tpu.memory_space<vmem>> -> memref<128xi32, #tpu.memory_space<vmem>>
        %dma_start3A_978 = arith.constant 0 : i32
        %dma_start3A_979 = arith.constant 0 : i32
        %dma_start3A_980 = tpu.memref_slice %arg3[%dma_start3A_978, %dma_start3A_979] : memref<1000x64xf32, #tpu.memory_space<hbm>> -> memref<1000x64xf32, #tpu.memory_space<hbm>>
        tpu.enqueue_indirect_dma source(%dma_start3A_980 : memref<1000x64xf32, #tpu.memory_space<hbm>>) target(%arg18 : memref<128x64xf32, #tpu.memory_space<vmem>>) offsets(%dma_start3A_977 : memref<128xi32, #tpu.memory_space<vmem>>) semaphore(%arg27 : memref<!tpu.dma_semaphore, #tpu.memory_space<semaphore_mem>>) {add = true}
        %dma_start3A_981 = arith.constant 4 : i32
        %dma_start3A_982 = arith.constant 0 : i32
        %dma_start3A_983 = tpu.memref_slice %arg16[%dma_start3A_981, %dma_start3A_982] : memref<7x128xi32, #tpu.memory_space<vmem>> -> memref<1x128xi32, #tpu.memory_space<vmem>>
        %dma_start3A_984 = tpu.memref_squeeze %dma_start3A_983 : memref<1x128xi32, #tpu.memory_space<vmem>> -> memref<128xi32, #tpu.memory_space<vmem>>
        %dma_start3A_985 = arith.constant 0 : i32
        %dma_start3A_986 = arith.constant 0 : i32
        %dma_start3A_987 = tpu.memref_slice %arg4[%dma_start3A_985, %dma_start3A_986] : memref<1000x64xf32, #tpu.memory_space<hbm>> -> memref<1000x64xf32, #tpu.memory_space<hbm>>
        tpu.enqueue_indirect_dma source(%dma_start3A_987 : memref<1000x64xf32, #tpu.memory_space<hbm>>) target(%arg18 : memref<128x64xf32, #tpu.memory_space<vmem>>) offsets(%dma_start3A_984 : memref<128xi32, #tpu.memory_space<vmem>>) semaphore(%arg27 : memref<!tpu.dma_semaphore, #tpu.memory_space<semaphore_mem>>) {add = true}
        %dma_start3A_988 = arith.constant 5 : i32
        %dma_start3A_989 = arith.constant 0 : i32
        %dma_start3A_990 = tpu.memref_slice %arg16[%dma_start3A_988, %dma_start3A_989] : memref<7x128xi32, #tpu.memory_space<vmem>> -> memref<1x128xi32, #tpu.memory_space<vmem>>
        %dma_start3A_991 = tpu.memref_squeeze %dma_start3A_990 : memref<1x128xi32, #tpu.memory_space<vmem>> -> memref<128xi32, #tpu.memory_space<vmem>>
        %dma_start3A_992 = arith.constant 0 : i32
        %dma_start3A_993 = arith.constant 0 : i32
        %dma_start3A_994 = tpu.memref_slice %arg5[%dma_start3A_992, %dma_start3A_993] : memref<1000x64xf32, #tpu.memory_space<hbm>> -> memref<1000x64xf32, #tpu.memory_space<hbm>>
        tpu.enqueue_indirect_dma source(%dma_start3A_994 : memref<1000x64xf32, #tpu.memory_space<hbm>>) target(%arg18 : memref<128x64xf32, #tpu.memory_space<vmem>>) offsets(%dma_start3A_991 : memref<128xi32, #tpu.memory_space<vmem>>) semaphore(%arg27 : memref<!tpu.dma_semaphore, #tpu.memory_space<semaphore_mem>>) {add = true}
      } else {
      }
      %scan3A_436 = arith.constant 0 : i32
      %scan3A_437 = arith.constant 0 : i32
      %scan3A_438 = arith.constant 128 : i32
      %scan3A_439 = arith.addi %scan3A_437, %scan3A_438 : i32
      %scan3A_440 = arith.constant 4 : i32
      scf.for %scan3A_953 = %scan3A_437 to %scan3A_439 step %scan3A_440  : i32 {
        %get3A = arith.index_cast %scan3A_953 : i32 to index
        %get3A_954 = arith.constant 0 : index
        %get3A_955 = tpu.vector_load %arg19[%get3A, %get3A_954] {strides = array<i32>} : memref<128x64xf32, #tpu.memory_space<vmem>>, vector<16xf32>,
        %get3A_956 = arith.index_cast %scan3A_953 : i32 to index
        %get3A_957 = arith.constant 0 : index
        %get3A_958 = tpu.vector_load %arg17[%get3A_956, %get3A_957] {strides = array<i32>} : memref<128x64xf32, #tpu.memory_space<vmem>>, vector<16xf32>,
        %max3A = arith.constant 0.000000e+00 : f32
        %max3A_959 = vector.broadcast %max3A : f32 to vector<16xf32>
        %max3A_960 = arith.maximumf %get3A_958, %max3A_959 : vector<16xf32>
        %add3A_961 = arith.addf %get3A_955, %max3A_960 : vector<16xf32>
        %add3A_962 = arith.constant 0 : i32
        %add3A_963 = vector.broadcast %add3A_962 : i32 to vector<16xi32>
        %add3A_964 = arith.addi %add3A_963, %iota3A : vector<16xi32>
        %mul3A_965 = arith.constant 0 : i32
        %mul3A_966 = vector.broadcast %mul3A_965 : i32 to vector<16xi32>
        %mul3A_967 = arith.muli %iota3A, %mul3A_966 : vector<16xi32>
        %add3A_968 = vector.broadcast %scan3A_953 : i32 to vector<16xi32>
        %add3A_969 = arith.addi %mul3A_967, %add3A_968 : vector<16xi32>
        tpu.vector_store_idx %arg21[%add3A_964, %add3A_969], %add3A_961 : memref<64x129xf32, #tpu.memory_space<vmem>>[vector<16xi32>, vector<16xi32>], vector<16xf32>,
        %get3A_970 = arith.index_cast %scan3A_953 : i32 to index
        %get3A_971 = arith.constant 16 : index
        %get3A_972 = tpu.vector_load %arg19[%get3A_970, %get3A_971] {strides = array<i32>} : memref<128x64xf32, #tpu.memory_space<vmem>>, vector<16xf32>,
        %get3A_973 = arith.index_cast %scan3A_953 : i32 to index
        %get3A_974 = arith.constant 16 : index
        %get3A_975 = tpu.vector_load %arg17[%get3A_973, %get3A_974] {strides = array<i32>} : memref<128x64xf32, #tpu.memory_space<vmem>>, vector<16xf32>,
        %max3A_976 = arith.constant 0.000000e+00 : f32
        %max3A_977 = vector.broadcast %max3A_976 : f32 to vector<16xf32>
        %max3A_978 = arith.maximumf %get3A_975, %max3A_977 : vector<16xf32>
        %add3A_979 = arith.addf %get3A_972, %max3A_978 : vector<16xf32>
        %add3A_980 = arith.constant 16 : i32
        %add3A_981 = vector.broadcast %add3A_980 : i32 to vector<16xi32>
        %add3A_982 = arith.addi %add3A_981, %iota3A : vector<16xi32>
        %mul3A_983 = arith.constant 0 : i32
        %mul3A_984 = vector.broadcast %mul3A_983 : i32 to vector<16xi32>
        %mul3A_985 = arith.muli %iota3A, %mul3A_984 : vector<16xi32>
        %add3A_986 = vector.broadcast %scan3A_953 : i32 to vector<16xi32>
        %add3A_987 = arith.addi %mul3A_985, %add3A_986 : vector<16xi32>
        tpu.vector_store_idx %arg21[%add3A_982, %add3A_987], %add3A_979 : memref<64x129xf32, #tpu.memory_space<vmem>>[vector<16xi32>, vector<16xi32>], vector<16xf32>,
        %get3A_988 = arith.index_cast %scan3A_953 : i32 to index
        %get3A_989 = arith.constant 32 : index
        %get3A_990 = tpu.vector_load %arg19[%get3A_988, %get3A_989] {strides = array<i32>} : memref<128x64xf32, #tpu.memory_space<vmem>>, vector<16xf32>,
        %get3A_991 = arith.index_cast %scan3A_953 : i32 to index
        %get3A_992 = arith.constant 32 : index
        %get3A_993 = tpu.vector_load %arg17[%get3A_991, %get3A_992] {strides = array<i32>} : memref<128x64xf32, #tpu.memory_space<vmem>>, vector<16xf32>,
        %max3A_994 = arith.constant 0.000000e+00 : f32
        %max3A_995 = vector.broadcast %max3A_994 : f32 to vector<16xf32>
        %max3A_996 = arith.maximumf %get3A_993, %max3A_995 : vector<16xf32>
        %add3A_997 = arith.addf %get3A_990, %max3A_996 : vector<16xf32>
        %add3A_998 = arith.constant 32 : i32
        %add3A_999 = vector.broadcast %add3A_998 : i32 to vector<16xi32>
        %add3A_1000 = arith.addi %add3A_999, %iota3A : vector<16xi32>
        %mul3A_1001 = arith.constant 0 : i32
        %mul3A_1002 = vector.broadcast %mul3A_1001 : i32 to vector<16xi32>
        %mul3A_1003 = arith.muli %iota3A, %mul3A_1002 : vector<16xi32>
        %add3A_1004 = vector.broadcast %scan3A_953 : i32 to vector<16xi32>
        %add3A_1005 = arith.addi %mul3A_1003, %add3A_1004 : vector<16xi32>
        tpu.vector_store_idx %arg21[%add3A_1000, %add3A_1005], %add3A_997 : memref<64x129xf32, #tpu.memory_space<vmem>>[vector<16xi32>, vector<16xi32>], vector<16xf32>,
        %get3A_1006 = arith.index_cast %scan3A_953 : i32 to index
        %get3A_1007 = arith.constant 48 : index
        %get3A_1008 = tpu.vector_load %arg19[%get3A_1006, %get3A_1007] {strides = array<i32>} : memref<128x64xf32, #tpu.memory_space<vmem>>, vector<16xf32>,
        %get3A_1009 = arith.index_cast %scan3A_953 : i32 to index
        %get3A_1010 = arith.constant 48 : index
        %get3A_1011 = tpu.vector_load %arg17[%get3A_1009, %get3A_1010] {strides = array<i32>} : memref<128x64xf32, #tpu.memory_space<vmem>>, vector<16xf32>,
        %max3A_1012 = arith.constant 0.000000e+00 : f32
        %max3A_1013 = vector.broadcast %max3A_1012 : f32 to vector<16xf32>
        %max3A_1014 = arith.maximumf %get3A_1011, %max3A_1013 : vector<16xf32>
        %add3A_1015 = arith.addf %get3A_1008, %max3A_1014 : vector<16xf32>
        %add3A_1016 = arith.constant 48 : i32
        %add3A_1017 = vector.broadcast %add3A_1016 : i32 to vector<16xi32>
        %add3A_1018 = arith.addi %add3A_1017, %iota3A : vector<16xi32>
        %mul3A_1019 = arith.constant 0 : i32
        %mul3A_1020 = vector.broadcast %mul3A_1019 : i32 to vector<16xi32>
        %mul3A_1021 = arith.muli %iota3A, %mul3A_1020 : vector<16xi32>
        %add3A_1022 = vector.broadcast %scan3A_953 : i32 to vector<16xi32>
        %add3A_1023 = arith.addi %mul3A_1021, %add3A_1022 : vector<16xi32>
        tpu.vector_store_idx %arg21[%add3A_1018, %add3A_1023], %add3A_1015 : memref<64x129xf32, #tpu.memory_space<vmem>>[vector<16xi32>, vector<16xi32>], vector<16xf32>,
        %scan3A_1024 = arith.constant 1 : i32
        %scan3A_1025 = arith.addi %scan3A_953, %scan3A_1024 : i32
        %get3A_1026 = arith.index_cast %scan3A_1025 : i32 to index
        %get3A_1027 = arith.constant 0 : index
        %get3A_1028 = tpu.vector_load %arg19[%get3A_1026, %get3A_1027] {strides = array<i32>} : memref<128x64xf32, #tpu.memory_space<vmem>>, vector<16xf32>,
        %get3A_1029 = arith.index_cast %scan3A_1025 : i32 to index
        %get3A_1030 = arith.constant 0 : index
        %get3A_1031 = tpu.vector_load %arg17[%get3A_1029, %get3A_1030] {strides = array<i32>} : memref<128x64xf32, #tpu.memory_space<vmem>>, vector<16xf32>,
        %max3A_1032 = arith.constant 0.000000e+00 : f32
        %max3A_1033 = vector.broadcast %max3A_1032 : f32 to vector<16xf32>
        %max3A_1034 = arith.maximumf %get3A_1031, %max3A_1033 : vector<16xf32>
        %add3A_1035 = arith.addf %get3A_1028, %max3A_1034 : vector<16xf32>
        %add3A_1036 = arith.constant 0 : i32
        %add3A_1037 = vector.broadcast %add3A_1036 : i32 to vector<16xi32>
        %add3A_1038 = arith.addi %add3A_1037, %iota3A : vector<16xi32>
        %mul3A_1039 = arith.constant 0 : i32
        %mul3A_1040 = vector.broadcast %mul3A_1039 : i32 to vector<16xi32>
        %mul3A_1041 = arith.muli %iota3A, %mul3A_1040 : vector<16xi32>
        %add3A_1042 = vector.broadcast %scan3A_1025 : i32 to vector<16xi32>
        %add3A_1043 = arith.addi %mul3A_1041, %add3A_1042 : vector<16xi32>
        tpu.vector_store_idx %arg21[%add3A_1038, %add3A_1043], %add3A_1035 : memref<64x129xf32, #tpu.memory_space<vmem>>[vector<16xi32>, vector<16xi32>], vector<16xf32>,
        %get3A_1044 = arith.index_cast %scan3A_1025 : i32 to index
        %get3A_1045 = arith.constant 16 : index
        %get3A_1046 = tpu.vector_load %arg19[%get3A_1044, %get3A_1045] {strides = array<i32>} : memref<128x64xf32, #tpu.memory_space<vmem>>, vector<16xf32>,
        %get3A_1047 = arith.index_cast %scan3A_1025 : i32 to index
        %get3A_1048 = arith.constant 16 : index
        %get3A_1049 = tpu.vector_load %arg17[%get3A_1047, %get3A_1048] {strides = array<i32>} : memref<128x64xf32, #tpu.memory_space<vmem>>, vector<16xf32>,
        %max3A_1050 = arith.constant 0.000000e+00 : f32
        %max3A_1051 = vector.broadcast %max3A_1050 : f32 to vector<16xf32>
        %max3A_1052 = arith.maximumf %get3A_1049, %max3A_1051 : vector<16xf32>
        %add3A_1053 = arith.addf %get3A_1046, %max3A_1052 : vector<16xf32>
        %add3A_1054 = arith.constant 16 : i32
        %add3A_1055 = vector.broadcast %add3A_1054 : i32 to vector<16xi32>
        %add3A_1056 = arith.addi %add3A_1055, %iota3A : vector<16xi32>
        %mul3A_1057 = arith.constant 0 : i32
        %mul3A_1058 = vector.broadcast %mul3A_1057 : i32 to vector<16xi32>
        %mul3A_1059 = arith.muli %iota3A, %mul3A_1058 : vector<16xi32>
        %add3A_1060 = vector.broadcast %scan3A_1025 : i32 to vector<16xi32>
        %add3A_1061 = arith.addi %mul3A_1059, %add3A_1060 : vector<16xi32>
        tpu.vector_store_idx %arg21[%add3A_1056, %add3A_1061], %add3A_1053 : memref<64x129xf32, #tpu.memory_space<vmem>>[vector<16xi32>, vector<16xi32>], vector<16xf32>,
        %get3A_1062 = arith.index_cast %scan3A_1025 : i32 to index
        %get3A_1063 = arith.constant 32 : index
        %get3A_1064 = tpu.vector_load %arg19[%get3A_1062, %get3A_1063] {strides = array<i32>} : memref<128x64xf32, #tpu.memory_space<vmem>>, vector<16xf32>,
        %get3A_1065 = arith.index_cast %scan3A_1025 : i32 to index
        %get3A_1066 = arith.constant 32 : index
        %get3A_1067 = tpu.vector_load %arg17[%get3A_1065, %get3A_1066] {strides = array<i32>} : memref<128x64xf32, #tpu.memory_space<vmem>>, vector<16xf32>,
        %max3A_1068 = arith.constant 0.000000e+00 : f32
        %max3A_1069 = vector.broadcast %max3A_1068 : f32 to vector<16xf32>
        %max3A_1070 = arith.maximumf %get3A_1067, %max3A_1069 : vector<16xf32>
        %add3A_1071 = arith.addf %get3A_1064, %max3A_1070 : vector<16xf32>
        %add3A_1072 = arith.constant 32 : i32
        %add3A_1073 = vector.broadcast %add3A_1072 : i32 to vector<16xi32>
        %add3A_1074 = arith.addi %add3A_1073, %iota3A : vector<16xi32>
        %mul3A_1075 = arith.constant 0 : i32
        %mul3A_1076 = vector.broadcast %mul3A_1075 : i32 to vector<16xi32>
        %mul3A_1077 = arith.muli %iota3A, %mul3A_1076 : vector<16xi32>
        %add3A_1078 = vector.broadcast %scan3A_1025 : i32 to vector<16xi32>
        %add3A_1079 = arith.addi %mul3A_1077, %add3A_1078 : vector<16xi32>
        tpu.vector_store_idx %arg21[%add3A_1074, %add3A_1079], %add3A_1071 : memref<64x129xf32, #tpu.memory_space<vmem>>[vector<16xi32>, vector<16xi32>], vector<16xf32>,
        %get3A_1080 = arith.index_cast %scan3A_1025 : i32 to index
        %get3A_1081 = arith.constant 48 : index
        %get3A_1082 = tpu.vector_load %arg19[%get3A_1080, %get3A_1081] {strides = array<i32>} : memref<128x64xf32, #tpu.memory_space<vmem>>, vector<16xf32>,
        %get3A_1083 = arith.index_cast %scan3A_1025 : i32 to index
        %get3A_1084 = arith.constant 48 : index
        %get3A_1085 = tpu.vector_load %arg17[%get3A_1083, %get3A_1084] {strides = array<i32>} : memref<128x64xf32, #tpu.memory_space<vmem>>, vector<16xf32>,
        %max3A_1086 = arith.constant 0.000000e+00 : f32
        %max3A_1087 = vector.broadcast %max3A_1086 : f32 to vector<16xf32>
        %max3A_1088 = arith.maximumf %get3A_1085, %max3A_1087 : vector<16xf32>
        %add3A_1089 = arith.addf %get3A_1082, %max3A_1088 : vector<16xf32>
        %add3A_1090 = arith.constant 48 : i32
        %add3A_1091 = vector.broadcast %add3A_1090 : i32 to vector<16xi32>
        %add3A_1092 = arith.addi %add3A_1091, %iota3A : vector<16xi32>
        %mul3A_1093 = arith.constant 0 : i32
        %mul3A_1094 = vector.broadcast %mul3A_1093 : i32 to vector<16xi32>
        %mul3A_1095 = arith.muli %iota3A, %mul3A_1094 : vector<16xi32>
        %add3A_1096 = vector.broadcast %scan3A_1025 : i32 to vector<16xi32>
        %add3A_1097 = arith.addi %mul3A_1095, %add3A_1096 : vector<16xi32>
        tpu.vector_store_idx %arg21[%add3A_1092, %add3A_1097], %add3A_1089 : memref<64x129xf32, #tpu.memory_space<vmem>>[vector<16xi32>, vector<16xi32>], vector<16xf32>,
        %scan3A_1098 = arith.constant 2 : i32
        %scan3A_1099 = arith.addi %scan3A_953, %scan3A_1098 : i32
        %get3A_1100 = arith.index_cast %scan3A_1099 : i32 to index
        %get3A_1101 = arith.constant 0 : index
        %get3A_1102 = tpu.vector_load %arg19[%get3A_1100, %get3A_1101] {strides = array<i32>} : memref<128x64xf32, #tpu.memory_space<vmem>>, vector<16xf32>,
        %get3A_1103 = arith.index_cast %scan3A_1099 : i32 to index
        %get3A_1104 = arith.constant 0 : index
        %get3A_1105 = tpu.vector_load %arg17[%get3A_1103, %get3A_1104] {strides = array<i32>} : memref<128x64xf32, #tpu.memory_space<vmem>>, vector<16xf32>,
        %max3A_1106 = arith.constant 0.000000e+00 : f32
        %max3A_1107 = vector.broadcast %max3A_1106 : f32 to vector<16xf32>
        %max3A_1108 = arith.maximumf %get3A_1105, %max3A_1107 : vector<16xf32>
        %add3A_1109 = arith.addf %get3A_1102, %max3A_1108 : vector<16xf32>
        %add3A_1110 = arith.constant 0 : i32
        %add3A_1111 = vector.broadcast %add3A_1110 : i32 to vector<16xi32>
        %add3A_1112 = arith.addi %add3A_1111, %iota3A : vector<16xi32>
        %mul3A_1113 = arith.constant 0 : i32
        %mul3A_1114 = vector.broadcast %mul3A_1113 : i32 to vector<16xi32>
        %mul3A_1115 = arith.muli %iota3A, %mul3A_1114 : vector<16xi32>
        %add3A_1116 = vector.broadcast %scan3A_1099 : i32 to vector<16xi32>
        %add3A_1117 = arith.addi %mul3A_1115, %add3A_1116 : vector<16xi32>
        tpu.vector_store_idx %arg21[%add3A_1112, %add3A_1117], %add3A_1109 : memref<64x129xf32, #tpu.memory_space<vmem>>[vector<16xi32>, vector<16xi32>], vector<16xf32>,
        %get3A_1118 = arith.index_cast %scan3A_1099 : i32 to index
        %get3A_1119 = arith.constant 16 : index
        %get3A_1120 = tpu.vector_load %arg19[%get3A_1118, %get3A_1119] {strides = array<i32>} : memref<128x64xf32, #tpu.memory_space<vmem>>, vector<16xf32>,
        %get3A_1121 = arith.index_cast %scan3A_1099 : i32 to index
        %get3A_1122 = arith.constant 16 : index
        %get3A_1123 = tpu.vector_load %arg17[%get3A_1121, %get3A_1122] {strides = array<i32>} : memref<128x64xf32, #tpu.memory_space<vmem>>, vector<16xf32>,
        %max3A_1124 = arith.constant 0.000000e+00 : f32
        %max3A_1125 = vector.broadcast %max3A_1124 : f32 to vector<16xf32>
        %max3A_1126 = arith.maximumf %get3A_1123, %max3A_1125 : vector<16xf32>
        %add3A_1127 = arith.addf %get3A_1120, %max3A_1126 : vector<16xf32>
        %add3A_1128 = arith.constant 16 : i32
        %add3A_1129 = vector.broadcast %add3A_1128 : i32 to vector<16xi32>
        %add3A_1130 = arith.addi %add3A_1129, %iota3A : vector<16xi32>
        %mul3A_1131 = arith.constant 0 : i32
        %mul3A_1132 = vector.broadcast %mul3A_1131 : i32 to vector<16xi32>
        %mul3A_1133 = arith.muli %iota3A, %mul3A_1132 : vector<16xi32>
        %add3A_1134 = vector.broadcast %scan3A_1099 : i32 to vector<16xi32>
        %add3A_1135 = arith.addi %mul3A_1133, %add3A_1134 : vector<16xi32>
        tpu.vector_store_idx %arg21[%add3A_1130, %add3A_1135], %add3A_1127 : memref<64x129xf32, #tpu.memory_space<vmem>>[vector<16xi32>, vector<16xi32>], vector<16xf32>,
        %get3A_1136 = arith.index_cast %scan3A_1099 : i32 to index
        %get3A_1137 = arith.constant 32 : index
        %get3A_1138 = tpu.vector_load %arg19[%get3A_1136, %get3A_1137] {strides = array<i32>} : memref<128x64xf32, #tpu.memory_space<vmem>>, vector<16xf32>,
        %get3A_1139 = arith.index_cast %scan3A_1099 : i32 to index
        %get3A_1140 = arith.constant 32 : index
        %get3A_1141 = tpu.vector_load %arg17[%get3A_1139, %get3A_1140] {strides = array<i32>} : memref<128x64xf32, #tpu.memory_space<vmem>>, vector<16xf32>,
        %max3A_1142 = arith.constant 0.000000e+00 : f32
        %max3A_1143 = vector.broadcast %max3A_1142 : f32 to vector<16xf32>
        %max3A_1144 = arith.maximumf %get3A_1141, %max3A_1143 : vector<16xf32>
        %add3A_1145 = arith.addf %get3A_1138, %max3A_1144 : vector<16xf32>
        %add3A_1146 = arith.constant 32 : i32
        %add3A_1147 = vector.broadcast %add3A_1146 : i32 to vector<16xi32>
        %add3A_1148 = arith.addi %add3A_1147, %iota3A : vector<16xi32>
        %mul3A_1149 = arith.constant 0 : i32
        %mul3A_1150 = vector.broadcast %mul3A_1149 : i32 to vector<16xi32>
        %mul3A_1151 = arith.muli %iota3A, %mul3A_1150 : vector<16xi32>
        %add3A_1152 = vector.broadcast %scan3A_1099 : i32 to vector<16xi32>
        %add3A_1153 = arith.addi %mul3A_1151, %add3A_1152 : vector<16xi32>
        tpu.vector_store_idx %arg21[%add3A_1148, %add3A_1153], %add3A_1145 : memref<64x129xf32, #tpu.memory_space<vmem>>[vector<16xi32>, vector<16xi32>], vector<16xf32>,
        %get3A_1154 = arith.index_cast %scan3A_1099 : i32 to index
        %get3A_1155 = arith.constant 48 : index
        %get3A_1156 = tpu.vector_load %arg19[%get3A_1154, %get3A_1155] {strides = array<i32>} : memref<128x64xf32, #tpu.memory_space<vmem>>, vector<16xf32>,
        %get3A_1157 = arith.index_cast %scan3A_1099 : i32 to index
        %get3A_1158 = arith.constant 48 : index
        %get3A_1159 = tpu.vector_load %arg17[%get3A_1157, %get3A_1158] {strides = array<i32>} : memref<128x64xf32, #tpu.memory_space<vmem>>, vector<16xf32>,
        %max3A_1160 = arith.constant 0.000000e+00 : f32
        %max3A_1161 = vector.broadcast %max3A_1160 : f32 to vector<16xf32>
        %max3A_1162 = arith.maximumf %get3A_1159, %max3A_1161 : vector<16xf32>
        %add3A_1163 = arith.addf %get3A_1156, %max3A_1162 : vector<16xf32>
        %add3A_1164 = arith.constant 48 : i32
        %add3A_1165 = vector.broadcast %add3A_1164 : i32 to vector<16xi32>
        %add3A_1166 = arith.addi %add3A_1165, %iota3A : vector<16xi32>
        %mul3A_1167 = arith.constant 0 : i32
        %mul3A_1168 = vector.broadcast %mul3A_1167 : i32 to vector<16xi32>
        %mul3A_1169 = arith.muli %iota3A, %mul3A_1168 : vector<16xi32>
        %add3A_1170 = vector.broadcast %scan3A_1099 : i32 to vector<16xi32>
        %add3A_1171 = arith.addi %mul3A_1169, %add3A_1170 : vector<16xi32>
        tpu.vector_store_idx %arg21[%add3A_1166, %add3A_1171], %add3A_1163 : memref<64x129xf32, #tpu.memory_space<vmem>>[vector<16xi32>, vector<16xi32>], vector<16xf32>,
        %scan3A_1172 = arith.constant 3 : i32
        %scan3A_1173 = arith.addi %scan3A_953, %scan3A_1172 : i32
        %get3A_1174 = arith.index_cast %scan3A_1173 : i32 to index
        %get3A_1175 = arith.constant 0 : index
        %get3A_1176 = tpu.vector_load %arg19[%get3A_1174, %get3A_1175] {strides = array<i32>} : memref<128x64xf32, #tpu.memory_space<vmem>>, vector<16xf32>,
        %get3A_1177 = arith.index_cast %scan3A_1173 : i32 to index
        %get3A_1178 = arith.constant 0 : index
        %get3A_1179 = tpu.vector_load %arg17[%get3A_1177, %get3A_1178] {strides = array<i32>} : memref<128x64xf32, #tpu.memory_space<vmem>>, vector<16xf32>,
        %max3A_1180 = arith.constant 0.000000e+00 : f32
        %max3A_1181 = vector.broadcast %max3A_1180 : f32 to vector<16xf32>
        %max3A_1182 = arith.maximumf %get3A_1179, %max3A_1181 : vector<16xf32>
        %add3A_1183 = arith.addf %get3A_1176, %max3A_1182 : vector<16xf32>
        %add3A_1184 = arith.constant 0 : i32
        %add3A_1185 = vector.broadcast %add3A_1184 : i32 to vector<16xi32>
        %add3A_1186 = arith.addi %add3A_1185, %iota3A : vector<16xi32>
        %mul3A_1187 = arith.constant 0 : i32
        %mul3A_1188 = vector.broadcast %mul3A_1187 : i32 to vector<16xi32>
        %mul3A_1189 = arith.muli %iota3A, %mul3A_1188 : vector<16xi32>
        %add3A_1190 = vector.broadcast %scan3A_1173 : i32 to vector<16xi32>
        %add3A_1191 = arith.addi %mul3A_1189, %add3A_1190 : vector<16xi32>
        tpu.vector_store_idx %arg21[%add3A_1186, %add3A_1191], %add3A_1183 : memref<64x129xf32, #tpu.memory_space<vmem>>[vector<16xi32>, vector<16xi32>], vector<16xf32>,
        %get3A_1192 = arith.index_cast %scan3A_1173 : i32 to index
        %get3A_1193 = arith.constant 16 : index
        %get3A_1194 = tpu.vector_load %arg19[%get3A_1192, %get3A_1193] {strides = array<i32>} : memref<128x64xf32, #tpu.memory_space<vmem>>, vector<16xf32>,
        %get3A_1195 = arith.index_cast %scan3A_1173 : i32 to index
        %get3A_1196 = arith.constant 16 : index
        %get3A_1197 = tpu.vector_load %arg17[%get3A_1195, %get3A_1196] {strides = array<i32>} : memref<128x64xf32, #tpu.memory_space<vmem>>, vector<16xf32>,
        %max3A_1198 = arith.constant 0.000000e+00 : f32
        %max3A_1199 = vector.broadcast %max3A_1198 : f32 to vector<16xf32>
        %max3A_1200 = arith.maximumf %get3A_1197, %max3A_1199 : vector<16xf32>
        %add3A_1201 = arith.addf %get3A_1194, %max3A_1200 : vector<16xf32>
        %add3A_1202 = arith.constant 16 : i32
        %add3A_1203 = vector.broadcast %add3A_1202 : i32 to vector<16xi32>
        %add3A_1204 = arith.addi %add3A_1203, %iota3A : vector<16xi32>
        %mul3A_1205 = arith.constant 0 : i32
        %mul3A_1206 = vector.broadcast %mul3A_1205 : i32 to vector<16xi32>
        %mul3A_1207 = arith.muli %iota3A, %mul3A_1206 : vector<16xi32>
        %add3A_1208 = vector.broadcast %scan3A_1173 : i32 to vector<16xi32>
        %add3A_1209 = arith.addi %mul3A_1207, %add3A_1208 : vector<16xi32>
        tpu.vector_store_idx %arg21[%add3A_1204, %add3A_1209], %add3A_1201 : memref<64x129xf32, #tpu.memory_space<vmem>>[vector<16xi32>, vector<16xi32>], vector<16xf32>,
        %get3A_1210 = arith.index_cast %scan3A_1173 : i32 to index
        %get3A_1211 = arith.constant 32 : index
        %get3A_1212 = tpu.vector_load %arg19[%get3A_1210, %get3A_1211] {strides = array<i32>} : memref<128x64xf32, #tpu.memory_space<vmem>>, vector<16xf32>,
        %get3A_1213 = arith.index_cast %scan3A_1173 : i32 to index
        %get3A_1214 = arith.constant 32 : index
        %get3A_1215 = tpu.vector_load %arg17[%get3A_1213, %get3A_1214] {strides = array<i32>} : memref<128x64xf32, #tpu.memory_space<vmem>>, vector<16xf32>,
        %max3A_1216 = arith.constant 0.000000e+00 : f32
        %max3A_1217 = vector.broadcast %max3A_1216 : f32 to vector<16xf32>
        %max3A_1218 = arith.maximumf %get3A_1215, %max3A_1217 : vector<16xf32>
        %add3A_1219 = arith.addf %get3A_1212, %max3A_1218 : vector<16xf32>
        %add3A_1220 = arith.constant 32 : i32
        %add3A_1221 = vector.broadcast %add3A_1220 : i32 to vector<16xi32>
        %add3A_1222 = arith.addi %add3A_1221, %iota3A : vector<16xi32>
        %mul3A_1223 = arith.constant 0 : i32
        %mul3A_1224 = vector.broadcast %mul3A_1223 : i32 to vector<16xi32>
        %mul3A_1225 = arith.muli %iota3A, %mul3A_1224 : vector<16xi32>
        %add3A_1226 = vector.broadcast %scan3A_1173 : i32 to vector<16xi32>
        %add3A_1227 = arith.addi %mul3A_1225, %add3A_1226 : vector<16xi32>
        tpu.vector_store_idx %arg21[%add3A_1222, %add3A_1227], %add3A_1219 : memref<64x129xf32, #tpu.memory_space<vmem>>[vector<16xi32>, vector<16xi32>], vector<16xf32>,
        %get3A_1228 = arith.index_cast %scan3A_1173 : i32 to index
        %get3A_1229 = arith.constant 48 : index
        %get3A_1230 = tpu.vector_load %arg19[%get3A_1228, %get3A_1229] {strides = array<i32>} : memref<128x64xf32, #tpu.memory_space<vmem>>, vector<16xf32>,
        %get3A_1231 = arith.index_cast %scan3A_1173 : i32 to index
        %get3A_1232 = arith.constant 48 : index
        %get3A_1233 = tpu.vector_load %arg17[%get3A_1231, %get3A_1232] {strides = array<i32>} : memref<128x64xf32, #tpu.memory_space<vmem>>, vector<16xf32>,
        %max3A_1234 = arith.constant 0.000000e+00 : f32
        %max3A_1235 = vector.broadcast %max3A_1234 : f32 to vector<16xf32>
        %max3A_1236 = arith.maximumf %get3A_1233, %max3A_1235 : vector<16xf32>
        %add3A_1237 = arith.addf %get3A_1230, %max3A_1236 : vector<16xf32>
        %add3A_1238 = arith.constant 48 : i32
        %add3A_1239 = vector.broadcast %add3A_1238 : i32 to vector<16xi32>
        %add3A_1240 = arith.addi %add3A_1239, %iota3A : vector<16xi32>
        %mul3A_1241 = arith.constant 0 : i32
        %mul3A_1242 = vector.broadcast %mul3A_1241 : i32 to vector<16xi32>
        %mul3A_1243 = arith.muli %iota3A, %mul3A_1242 : vector<16xi32>
        %add3A_1244 = vector.broadcast %scan3A_1173 : i32 to vector<16xi32>
        %add3A_1245 = arith.addi %mul3A_1243, %add3A_1244 : vector<16xi32>
        tpu.vector_store_idx %arg21[%add3A_1240, %add3A_1245], %add3A_1237 : memref<64x129xf32, #tpu.memory_space<vmem>>[vector<16xi32>, vector<16xi32>], vector<16xf32>,
      }
      %scan3A_441 = arith.constant 128 : i32
      %mul3A_442 = arith.constant 200 : i32
      %mul3A_443 = arith.muli %add3A, %mul3A_442 : i32
      %add3A_444 = arith.addi %mul3A_443, %add3A_371 : i32
      %jit3A = arith.constant 256 : i32
      %div3A = arith.divsi %add3A_444, %jit3A : i32
      %sign3A = arith.constant 0 : i32
      %sign3A_445 = arith.cmpi sgt, %add3A_444, %sign3A : i32
      %sign3A_446 = arith.extui %sign3A_445 : i1 to i32
      %sign3A_447 = arith.constant 0 : i32
      %sign3A_448 = arith.cmpi slt, %add3A_444, %sign3A_447 : i32
      %sign3A_449 = arith.extui %sign3A_448 : i1 to i32
      %sign3A_450 = arith.subi %sign3A_446, %sign3A_449 : i32
      %sign3A_451 = arith.constant 0 : i32
      %sign3A_452 = arith.cmpi sgt, %jit3A, %sign3A_451 : i32
      %sign3A_453 = arith.extui %sign3A_452 : i1 to i32
      %sign3A_454 = arith.constant 0 : i32
      %sign3A_455 = arith.cmpi slt, %jit3A, %sign3A_454 : i32
      %sign3A_456 = arith.extui %sign3A_455 : i1 to i32
      %sign3A_457 = arith.subi %sign3A_453, %sign3A_456 : i32
      %ne3A = arith.cmpi ne, %sign3A_450, %sign3A_457 : i32
      %rem3A = arith.remsi %add3A_444, %jit3A : i32
      %ne3A_458 = arith.constant 0 : i32
      %ne3A_459 = arith.cmpi ne, %rem3A, %ne3A_458 : i32
      %and3A = arith.andi %ne3A, %ne3A_459 : i1
      %sub3A = arith.constant 1 : i32
      %sub3A_460 = arith.subi %div3A, %sub3A : i32
      %select_n3A = arith.select %and3A, %sub3A_460, %div3A : i32
      %jit3A_461 = arith.constant 256 : i32
      %eq3A = arith.constant 0 : i32
      %eq3A_462 = arith.cmpi eq, %jit3A_461, %eq3A : i32
      %jit3A_463 = arith.constant 1 : i32
      %select_n3A_464 = arith.select %eq3A_462, %jit3A_463, %jit3A_461 : i32
      %rem3A_465 = arith.remsi %add3A_444, %select_n3A_464 : i32
      %ne3A_466 = arith.constant 0 : i32
      %ne3A_467 = arith.cmpi ne, %rem3A_465, %ne3A_466 : i32
      %lt3A_468 = arith.constant 0 : i32
      %lt3A_469 = arith.cmpi slt, %rem3A_465, %lt3A_468 : i32
      %lt3A_470 = arith.constant 0 : i32
      %lt3A_471 = arith.cmpi slt, %select_n3A_464, %lt3A_470 : i32
      %ne3A_472 = arith.xori %lt3A_469, %lt3A_471 : i1
      %and3A_473 = arith.andi %ne3A_472, %ne3A_467 : i1
      %add3A_474 = arith.addi %rem3A_465, %select_n3A_464 : i32
      %select_n3A_475 = arith.select %and3A_473, %add3A_474, %rem3A_465 : i32
      %jit3A_476 = arith.constant 8 : i32
      %div3A_477 = arith.divsi %select_n3A_475, %jit3A_476 : i32
      %sign3A_478 = arith.constant 0 : i32
      %sign3A_479 = arith.cmpi sgt, %select_n3A_475, %sign3A_478 : i32
      %sign3A_480 = arith.extui %sign3A_479 : i1 to i32
      %sign3A_481 = arith.constant 0 : i32
      %sign3A_482 = arith.cmpi slt, %select_n3A_475, %sign3A_481 : i32
      %sign3A_483 = arith.extui %sign3A_482 : i1 to i32
      %sign3A_484 = arith.subi %sign3A_480, %sign3A_483 : i32
      %sign3A_485 = arith.constant 0 : i32
      %sign3A_486 = arith.cmpi sgt, %jit3A_476, %sign3A_485 : i32
      %sign3A_487 = arith.extui %sign3A_486 : i1 to i32
      %sign3A_488 = arith.constant 0 : i32
      %sign3A_489 = arith.cmpi slt, %jit3A_476, %sign3A_488 : i32
      %sign3A_490 = arith.extui %sign3A_489 : i1 to i32
      %sign3A_491 = arith.subi %sign3A_487, %sign3A_490 : i32
      %ne3A_492 = arith.cmpi ne, %sign3A_484, %sign3A_491 : i32
      %rem3A_493 = arith.remsi %select_n3A_475, %jit3A_476 : i32
      %ne3A_494 = arith.constant 0 : i32
      %ne3A_495 = arith.cmpi ne, %rem3A_493, %ne3A_494 : i32
      %and3A_496 = arith.andi %ne3A_492, %ne3A_495 : i1
      %sub3A_497 = arith.constant 1 : i32
      %sub3A_498 = arith.subi %div3A_477, %sub3A_497 : i32
      %select_n3A_499 = arith.select %and3A_496, %sub3A_498, %div3A_477 : i32
      %jit3A_500 = arith.constant 8 : i32
      %eq3A_501 = arith.constant 0 : i32
      %eq3A_502 = arith.cmpi eq, %jit3A_500, %eq3A_501 : i32
      %jit3A_503 = arith.constant 1 : i32
      %select_n3A_504 = arith.select %eq3A_502, %jit3A_503, %jit3A_500 : i32
      %rem3A_505 = arith.remsi %select_n3A_475, %select_n3A_504 : i32
      %ne3A_506 = arith.constant 0 : i32
      %ne3A_507 = arith.cmpi ne, %rem3A_505, %ne3A_506 : i32
      %lt3A_508 = arith.constant 0 : i32
      %lt3A_509 = arith.cmpi slt, %rem3A_505, %lt3A_508 : i32
      %lt3A_510 = arith.constant 0 : i32
      %lt3A_511 = arith.cmpi slt, %select_n3A_504, %lt3A_510 : i32
      %ne3A_512 = arith.xori %lt3A_509, %lt3A_511 : i1
      %and3A_513 = arith.andi %ne3A_512, %ne3A_507 : i1
      %add3A_514 = arith.addi %rem3A_505, %select_n3A_504 : i32
      %select_n3A_515 = arith.select %and3A_513, %add3A_514, %rem3A_505 : i32
      %mul3A_516 = arith.constant 8 : i32
      %mul3A_517 = arith.muli %select_n3A, %mul3A_516 : i32
      %add3A_518 = arith.addi %mul3A_517, %select_n3A_515 : i32
      %mul3A_519 = arith.constant 2048 : i32
      %mul3A_520 = arith.muli %add3A_518, %mul3A_519 : i32
      %add3A_521 = arith.constant 0 : i32
      %add3A_522 = arith.addi %mul3A_520, %add3A_521 : i32
      %mul3A_523 = arith.constant 8 : i32
      %mul3A_524 = arith.muli %select_n3A_499, %mul3A_523 : i32
      %add3A_525 = arith.addi %add3A_522, %mul3A_524 : i32
      %dma_start3A_526 = arith.constant 0 : i32
      %dma_start3A_527 = arith.constant 0 : i32
      %dma_start3A_528 = tpu.memref_slice %arg21[%dma_start3A_526, %dma_start3A_527] : memref<64x129xf32, #tpu.memory_space<vmem>> -> memref<8x128xf32, #tpu.memory_space<vmem>>
      %dma_start3A_529 = arith.constant 0 : i32
      %dma_start3A_530 = tpu.memref_slice %arg14[%add3A_525, %dma_start3A_529] : memref<409600x128xf32, #tpu.memory_space<hbm>> -> memref<8x128xf32, #tpu.memory_space<hbm>>
      %dma_start3A_531 = arith.constant 0 : i32
      %dma_start3A_532 = tpu.memref_slice %arg14[%add3A_525, %dma_start3A_531] : memref<409600x128xf32, #tpu.memory_space<hbm>> -> memref<8x128xf32, #tpu.memory_space<hbm>>
      %dma_start3A_533 = arith.constant 0 : i32
      %dma_start3A_534 = arith.constant 0 : i32
      %dma_start3A_535 = tpu.memref_slice %arg21[%dma_start3A_533, %dma_start3A_534] : memref<64x129xf32, #tpu.memory_space<vmem>> -> memref<8x128xf32, #tpu.memory_space<vmem>>
      tpu.enqueue_dma source(%dma_start3A_535 : memref<8x128xf32, #tpu.memory_space<vmem>>) target(%dma_start3A_532 : memref<8x128xf32, #tpu.memory_space<hbm>>) target_semaphore(%arg28 : memref<!tpu.dma_semaphore, #tpu.memory_space<semaphore_mem>>)
      %mul3A_536 = arith.constant 2048 : i32
      %mul3A_537 = arith.muli %add3A_518, %mul3A_536 : i32
      %add3A_538 = arith.constant 256 : i32
      %add3A_539 = arith.addi %mul3A_537, %add3A_538 : i32
      %mul3A_540 = arith.constant 8 : i32
      %mul3A_541 = arith.muli %select_n3A_499, %mul3A_540 : i32
      %add3A_542 = arith.addi %add3A_539, %mul3A_541 : i32
      %dma_start3A_543 = arith.constant 8 : i32
      %dma_start3A_544 = arith.constant 0 : i32
      %dma_start3A_545 = tpu.memref_slice %arg21[%dma_start3A_543, %dma_start3A_544] : memref<64x129xf32, #tpu.memory_space<vmem>> -> memref<8x128xf32, #tpu.memory_space<vmem>>
      %dma_start3A_546 = arith.constant 0 : i32
      %dma_start3A_547 = tpu.memref_slice %arg14[%add3A_542, %dma_start3A_546] : memref<409600x128xf32, #tpu.memory_space<hbm>> -> memref<8x128xf32, #tpu.memory_space<hbm>>
      %dma_start3A_548 = arith.constant 0 : i32
      %dma_start3A_549 = tpu.memref_slice %arg14[%add3A_542, %dma_start3A_548] : memref<409600x128xf32, #tpu.memory_space<hbm>> -> memref<8x128xf32, #tpu.memory_space<hbm>>
      %dma_start3A_550 = arith.constant 8 : i32
      %dma_start3A_551 = arith.constant 0 : i32
      %dma_start3A_552 = tpu.memref_slice %arg21[%dma_start3A_550, %dma_start3A_551] : memref<64x129xf32, #tpu.memory_space<vmem>> -> memref<8x128xf32, #tpu.memory_space<vmem>>
      tpu.enqueue_dma source(%dma_start3A_552 : memref<8x128xf32, #tpu.memory_space<vmem>>) target(%dma_start3A_549 : memref<8x128xf32, #tpu.memory_space<hbm>>) target_semaphore(%arg28 : memref<!tpu.dma_semaphore, #tpu.memory_space<semaphore_mem>>)
      %mul3A_553 = arith.constant 2048 : i32
      %mul3A_554 = arith.muli %add3A_518, %mul3A_553 : i32
      %add3A_555 = arith.constant 512 : i32
      %add3A_556 = arith.addi %mul3A_554, %add3A_555 : i32
      %mul3A_557 = arith.constant 8 : i32
      %mul3A_558 = arith.muli %select_n3A_499, %mul3A_557 : i32
      %add3A_559 = arith.addi %add3A_556, %mul3A_558 : i32
      %dma_start3A_560 = arith.constant 16 : i32
      %dma_start3A_561 = arith.constant 0 : i32
      %dma_start3A_562 = tpu.memref_slice %arg21[%dma_start3A_560, %dma_start3A_561] : memref<64x129xf32, #tpu.memory_space<vmem>> -> memref<8x128xf32, #tpu.memory_space<vmem>>
      %dma_start3A_563 = arith.constant 0 : i32
      %dma_start3A_564 = tpu.memref_slice %arg14[%add3A_559, %dma_start3A_563] : memref<409600x128xf32, #tpu.memory_space<hbm>> -> memref<8x128xf32, #tpu.memory_space<hbm>>
      %dma_start3A_565 = arith.constant 0 : i32
      %dma_start3A_566 = tpu.memref_slice %arg14[%add3A_559, %dma_start3A_565] : memref<409600x128xf32, #tpu.memory_space<hbm>> -> memref<8x128xf32, #tpu.memory_space<hbm>>
      %dma_start3A_567 = arith.constant 16 : i32
      %dma_start3A_568 = arith.constant 0 : i32
      %dma_start3A_569 = tpu.memref_slice %arg21[%dma_start3A_567, %dma_start3A_568] : memref<64x129xf32, #tpu.memory_space<vmem>> -> memref<8x128xf32, #tpu.memory_space<vmem>>
      tpu.enqueue_dma source(%dma_start3A_569 : memref<8x128xf32, #tpu.memory_space<vmem>>) target(%dma_start3A_566 : memref<8x128xf32, #tpu.memory_space<hbm>>) target_semaphore(%arg28 : memref<!tpu.dma_semaphore, #tpu.memory_space<semaphore_mem>>)
      %mul3A_570 = arith.constant 2048 : i32
      %mul3A_571 = arith.muli %add3A_518, %mul3A_570 : i32
      %add3A_572 = arith.constant 768 : i32
      %add3A_573 = arith.addi %mul3A_571, %add3A_572 : i32
      %mul3A_574 = arith.constant 8 : i32
      %mul3A_575 = arith.muli %select_n3A_499, %mul3A_574 : i32
      %add3A_576 = arith.addi %add3A_573, %mul3A_575 : i32
      %dma_start3A_577 = arith.constant 24 : i32
      %dma_start3A_578 = arith.constant 0 : i32
      %dma_start3A_579 = tpu.memref_slice %arg21[%dma_start3A_577, %dma_start3A_578] : memref<64x129xf32, #tpu.memory_space<vmem>> -> memref<8x128xf32, #tpu.memory_space<vmem>>
      %dma_start3A_580 = arith.constant 0 : i32
      %dma_start3A_581 = tpu.memref_slice %arg14[%add3A_576, %dma_start3A_580] : memref<409600x128xf32, #tpu.memory_space<hbm>> -> memref<8x128xf32, #tpu.memory_space<hbm>>
      %dma_start3A_582 = arith.constant 0 : i32
      %dma_start3A_583 = tpu.memref_slice %arg14[%add3A_576, %dma_start3A_582] : memref<409600x128xf32, #tpu.memory_space<hbm>> -> memref<8x128xf32, #tpu.memory_space<hbm>>
      %dma_start3A_584 = arith.constant 24 : i32
      %dma_start3A_585 = arith.constant 0 : i32
      %dma_start3A_586 = tpu.memref_slice %arg21[%dma_start3A_584, %dma_start3A_585] : memref<64x129xf32, #tpu.memory_space<vmem>> -> memref<8x128xf32, #tpu.memory_space<vmem>>
      tpu.enqueue_dma source(%dma_start3A_586 : memref<8x128xf32, #tpu.memory_space<vmem>>) target(%dma_start3A_583 : memref<8x128xf32, #tpu.memory_space<hbm>>) target_semaphore(%arg28 : memref<!tpu.dma_semaphore, #tpu.memory_space<semaphore_mem>>)
      %mul3A_587 = arith.constant 2048 : i32
      %mul3A_588 = arith.muli %add3A_518, %mul3A_587 : i32
      %add3A_589 = arith.constant 1024 : i32
      %add3A_590 = arith.addi %mul3A_588, %add3A_589 : i32
      %mul3A_591 = arith.constant 8 : i32
      %mul3A_592 = arith.muli %select_n3A_499, %mul3A_591 : i32
      %add3A_593 = arith.addi %add3A_590, %mul3A_592 : i32
      %dma_start3A_594 = arith.constant 32 : i32
      %dma_start3A_595 = arith.constant 0 : i32
      %dma_start3A_596 = tpu.memref_slice %arg21[%dma_start3A_594, %dma_start3A_595] : memref<64x129xf32, #tpu.memory_space<vmem>> -> memref<8x128xf32, #tpu.memory_space<vmem>>
      %dma_start3A_597 = arith.constant 0 : i32
      %dma_start3A_598 = tpu.memref_slice %arg14[%add3A_593, %dma_start3A_597] : memref<409600x128xf32, #tpu.memory_space<hbm>> -> memref<8x128xf32, #tpu.memory_space<hbm>>
      %dma_start3A_599 = arith.constant 0 : i32
      %dma_start3A_600 = tpu.memref_slice %arg14[%add3A_593, %dma_start3A_599] : memref<409600x128xf32, #tpu.memory_space<hbm>> -> memref<8x128xf32, #tpu.memory_space<hbm>>
      %dma_start3A_601 = arith.constant 32 : i32
      %dma_start3A_602 = arith.constant 0 : i32
      %dma_start3A_603 = tpu.memref_slice %arg21[%dma_start3A_601, %dma_start3A_602] : memref<64x129xf32, #tpu.memory_space<vmem>> -> memref<8x128xf32, #tpu.memory_space<vmem>>
      tpu.enqueue_dma source(%dma_start3A_603 : memref<8x128xf32, #tpu.memory_space<vmem>>) target(%dma_start3A_600 : memref<8x128xf32, #tpu.memory_space<hbm>>) target_semaphore(%arg28 : memref<!tpu.dma_semaphore, #tpu.memory_space<semaphore_mem>>)
      %mul3A_604 = arith.constant 2048 : i32
      %mul3A_605 = arith.muli %add3A_518, %mul3A_604 : i32
      %add3A_606 = arith.constant 1280 : i32
      %add3A_607 = arith.addi %mul3A_605, %add3A_606 : i32
      %mul3A_608 = arith.constant 8 : i32
      %mul3A_609 = arith.muli %select_n3A_499, %mul3A_608 : i32
      %add3A_610 = arith.addi %add3A_607, %mul3A_609 : i32
      %dma_start3A_611 = arith.constant 40 : i32
      %dma_start3A_612 = arith.constant 0 : i32
      %dma_start3A_613 = tpu.memref_slice %arg21[%dma_start3A_611, %dma_start3A_612] : memref<64x129xf32, #tpu.memory_space<vmem>> -> memref<8x128xf32, #tpu.memory_space<vmem>>
      %dma_start3A_614 = arith.constant 0 : i32
      %dma_start3A_615 = tpu.memref_slice %arg14[%add3A_610, %dma_start3A_614] : memref<409600x128xf32, #tpu.memory_space<hbm>> -> memref<8x128xf32, #tpu.memory_space<hbm>>
      %dma_start3A_616 = arith.constant 0 : i32
      %dma_start3A_617 = tpu.memref_slice %arg14[%add3A_610, %dma_start3A_616] : memref<409600x128xf32, #tpu.memory_space<hbm>> -> memref<8x128xf32, #tpu.memory_space<hbm>>
      %dma_start3A_618 = arith.constant 40 : i32
      %dma_start3A_619 = arith.constant 0 : i32
      %dma_start3A_620 = tpu.memref_slice %arg21[%dma_start3A_618, %dma_start3A_619] : memref<64x129xf32, #tpu.memory_space<vmem>> -> memref<8x128xf32, #tpu.memory_space<vmem>>
      tpu.enqueue_dma source(%dma_start3A_620 : memref<8x128xf32, #tpu.memory_space<vmem>>) target(%dma_start3A_617 : memref<8x128xf32, #tpu.memory_space<hbm>>) target_semaphore(%arg28 : memref<!tpu.dma_semaphore, #tpu.memory_space<semaphore_mem>>)
      %mul3A_621 = arith.constant 2048 : i32
      %mul3A_622 = arith.muli %add3A_518, %mul3A_621 : i32
      %add3A_623 = arith.constant 1536 : i32
      %add3A_624 = arith.addi %mul3A_622, %add3A_623 : i32
      %mul3A_625 = arith.constant 8 : i32
      %mul3A_626 = arith.muli %select_n3A_499, %mul3A_625 : i32
      %add3A_627 = arith.addi %add3A_624, %mul3A_626 : i32
      %dma_start3A_628 = arith.constant 48 : i32
      %dma_start3A_629 = arith.constant 0 : i32
      %dma_start3A_630 = tpu.memref_slice %arg21[%dma_start3A_628, %dma_start3A_629] : memref<64x129xf32, #tpu.memory_space<vmem>> -> memref<8x128xf32, #tpu.memory_space<vmem>>
      %dma_start3A_631 = arith.constant 0 : i32
      %dma_start3A_632 = tpu.memref_slice %arg14[%add3A_627, %dma_start3A_631] : memref<409600x128xf32, #tpu.memory_space<hbm>> -> memref<8x128xf32, #tpu.memory_space<hbm>>
      %dma_start3A_633 = arith.constant 0 : i32
      %dma_start3A_634 = tpu.memref_slice %arg14[%add3A_627, %dma_start3A_633] : memref<409600x128xf32, #tpu.memory_space<hbm>> -> memref<8x128xf32, #tpu.memory_space<hbm>>
      %dma_start3A_635 = arith.constant 48 : i32
      %dma_start3A_636 = arith.constant 0 : i32
      %dma_start3A_637 = tpu.memref_slice %arg21[%dma_start3A_635, %dma_start3A_636] : memref<64x129xf32, #tpu.memory_space<vmem>> -> memref<8x128xf32, #tpu.memory_space<vmem>>
      tpu.enqueue_dma source(%dma_start3A_637 : memref<8x128xf32, #tpu.memory_space<vmem>>) target(%dma_start3A_634 : memref<8x128xf32, #tpu.memory_space<hbm>>) target_semaphore(%arg28 : memref<!tpu.dma_semaphore, #tpu.memory_space<semaphore_mem>>)
      %mul3A_638 = arith.constant 2048 : i32
      %mul3A_639 = arith.muli %add3A_518, %mul3A_638 : i32
      %add3A_640 = arith.constant 1792 : i32
      %add3A_641 = arith.addi %mul3A_639, %add3A_640 : i32
      %mul3A_642 = arith.constant 8 : i32
      %mul3A_643 = arith.muli %select_n3A_499, %mul3A_642 : i32
      %add3A_644 = arith.addi %add3A_641, %mul3A_643 : i32
      %dma_start3A_645 = arith.constant 56 : i32
      %dma_start3A_646 = arith.constant 0 : i32
      %dma_start3A_647 = tpu.memref_slice %arg21[%dma_start3A_645, %dma_start3A_646] : memref<64x129xf32, #tpu.memory_space<vmem>> -> memref<8x128xf32, #tpu.memory_space<vmem>>
      %dma_start3A_648 = arith.constant 0 : i32
      %dma_start3A_649 = tpu.memref_slice %arg14[%add3A_644, %dma_start3A_648] : memref<409600x128xf32, #tpu.memory_space<hbm>> -> memref<8x128xf32, #tpu.memory_space<hbm>>
      %dma_start3A_650 = arith.constant 0 : i32
      %dma_start3A_651 = tpu.memref_slice %arg14[%add3A_644, %dma_start3A_650] : memref<409600x128xf32, #tpu.memory_space<hbm>> -> memref<8x128xf32, #tpu.memory_space<hbm>>
      %dma_start3A_652 = arith.constant 56 : i32
      %dma_start3A_653 = arith.constant 0 : i32
      %dma_start3A_654 = tpu.memref_slice %arg21[%dma_start3A_652, %dma_start3A_653] : memref<64x129xf32, #tpu.memory_space<vmem>> -> memref<8x128xf32, #tpu.memory_space<vmem>>
      tpu.enqueue_dma source(%dma_start3A_654 : memref<8x128xf32, #tpu.memory_space<vmem>>) target(%dma_start3A_651 : memref<8x128xf32, #tpu.memory_space<hbm>>) target_semaphore(%arg28 : memref<!tpu.dma_semaphore, #tpu.memory_space<semaphore_mem>>)
      %add3A_655 = arith.constant 1 : i32
      %add3A_656 = arith.addi %mul3A_369, %add3A_655 : i32
      %add3A_657 = arith.constant 1 : i32
      %add3A_658 = arith.addi %add3A_656, %add3A_657 : i32
      %lt3A_659 = arith.constant 200 : i32
      %lt3A_660 = arith.cmpi slt, %add3A_658, %lt3A_659 : i32
      %convert_element_type3A_661 = arith.extui %lt3A_660 : i1 to i32
      %cond3A_662 = arith.constant 0 : i32
      %cond3A_663 = arith.cmpi ne, %convert_element_type3A_661, %cond3A_662 : i32
      scf.if %cond3A_663 {
        %dma_wait3A_953 = arith.constant 0 : i32
        %dma_wait3A_954 = arith.constant 0 : i32
        %dma_wait3A_955 = tpu.memref_slice %arg15[%dma_wait3A_953, %dma_wait3A_954] : memref<7x128xi32, #tpu.memory_space<vmem>> -> memref<1x128xi32, #tpu.memory_space<vmem>>
        %dma_wait3A_956 = tpu.memref_squeeze %dma_wait3A_955 : memref<1x128xi32, #tpu.memory_space<vmem>> -> memref<128xi32, #tpu.memory_space<vmem>>
        %dma_wait3A_957 = arith.constant 0 : i32
        %dma_wait3A_958 = tpu.memref_slice %arg6[%dma_wait3A_957] : memref<819200xi32, #tpu.memory_space<hbm>> -> memref<128xi32, #tpu.memory_space<hbm>>
        %dma_wait3A_959 = arith.constant 0 : i32
        %dma_wait3A_960 = tpu.memref_slice %arg15[%dma_wait3A_953, %dma_wait3A_959] : memref<7x128xi32, #tpu.memory_space<vmem>> -> memref<1x128xi32, #tpu.memory_space<vmem>>
        %dma_wait3A_961 = tpu.memref_squeeze %dma_wait3A_960 : memref<1x128xi32, #tpu.memory_space<vmem>> -> memref<128xi32, #tpu.memory_space<vmem>>
        %dma_wait3A_962 = arith.constant 0 : i32
        %dma_wait3A_963 = tpu.memref_slice %arg6[%dma_wait3A_962] : memref<819200xi32, #tpu.memory_space<hbm>> -> memref<128xi32, #tpu.memory_space<hbm>>
        tpu.wait_dma2 semaphore(%arg22 : memref<!tpu.dma_semaphore, #tpu.memory_space<semaphore_mem>>) src(%dma_wait3A_963 : memref<128xi32, #tpu.memory_space<hbm>>) dst(%dma_wait3A_961 : memref<128xi32, #tpu.memory_space<vmem>>)
        %dma_wait3A_964 = arith.constant 1 : i32
        %dma_wait3A_965 = arith.constant 0 : i32
        %dma_wait3A_966 = tpu.memref_slice %arg15[%dma_wait3A_964, %dma_wait3A_965] : memref<7x128xi32, #tpu.memory_space<vmem>> -> memref<1x128xi32, #tpu.memory_space<vmem>>
        %dma_wait3A_967 = tpu.memref_squeeze %dma_wait3A_966 : memref<1x128xi32, #tpu.memory_space<vmem>> -> memref<128xi32, #tpu.memory_space<vmem>>
        %dma_wait3A_968 = arith.constant 0 : i32
        %dma_wait3A_969 = tpu.memref_slice %arg7[%dma_wait3A_968] : memref<819200xi32, #tpu.memory_space<hbm>> -> memref<128xi32, #tpu.memory_space<hbm>>
        %dma_wait3A_970 = arith.constant 0 : i32
        %dma_wait3A_971 = tpu.memref_slice %arg15[%dma_wait3A_964, %dma_wait3A_970] : memref<7x128xi32, #tpu.memory_space<vmem>> -> memref<1x128xi32, #tpu.memory_space<vmem>>
        %dma_wait3A_972 = tpu.memref_squeeze %dma_wait3A_971 : memref<1x128xi32, #tpu.memory_space<vmem>> -> memref<128xi32, #tpu.memory_space<vmem>>
        %dma_wait3A_973 = arith.constant 0 : i32
        %dma_wait3A_974 = tpu.memref_slice %arg7[%dma_wait3A_973] : memref<819200xi32, #tpu.memory_space<hbm>> -> memref<128xi32, #tpu.memory_space<hbm>>
        tpu.wait_dma2 semaphore(%arg22 : memref<!tpu.dma_semaphore, #tpu.memory_space<semaphore_mem>>) src(%dma_wait3A_974 : memref<128xi32, #tpu.memory_space<hbm>>) dst(%dma_wait3A_972 : memref<128xi32, #tpu.memory_space<vmem>>)
        %dma_wait3A_975 = arith.constant 2 : i32
        %dma_wait3A_976 = arith.constant 0 : i32
        %dma_wait3A_977 = tpu.memref_slice %arg15[%dma_wait3A_975, %dma_wait3A_976] : memref<7x128xi32, #tpu.memory_space<vmem>> -> memref<1x128xi32, #tpu.memory_space<vmem>>
        %dma_wait3A_978 = tpu.memref_squeeze %dma_wait3A_977 : memref<1x128xi32, #tpu.memory_space<vmem>> -> memref<128xi32, #tpu.memory_space<vmem>>
        %dma_wait3A_979 = arith.constant 0 : i32
        %dma_wait3A_980 = tpu.memref_slice %arg8[%dma_wait3A_979] : memref<819200xi32, #tpu.memory_space<hbm>> -> memref<128xi32, #tpu.memory_space<hbm>>
        %dma_wait3A_981 = arith.constant 0 : i32
        %dma_wait3A_982 = tpu.memref_slice %arg15[%dma_wait3A_975, %dma_wait3A_981] : memref<7x128xi32, #tpu.memory_space<vmem>> -> memref<1x128xi32, #tpu.memory_space<vmem>>
        %dma_wait3A_983 = tpu.memref_squeeze %dma_wait3A_982 : memref<1x128xi32, #tpu.memory_space<vmem>> -> memref<128xi32, #tpu.memory_space<vmem>>
        %dma_wait3A_984 = arith.constant 0 : i32
        %dma_wait3A_985 = tpu.memref_slice %arg8[%dma_wait3A_984] : memref<819200xi32, #tpu.memory_space<hbm>> -> memref<128xi32, #tpu.memory_space<hbm>>
        tpu.wait_dma2 semaphore(%arg22 : memref<!tpu.dma_semaphore, #tpu.memory_space<semaphore_mem>>) src(%dma_wait3A_985 : memref<128xi32, #tpu.memory_space<hbm>>) dst(%dma_wait3A_983 : memref<128xi32, #tpu.memory_space<vmem>>)
        %dma_wait3A_986 = arith.constant 3 : i32
        %dma_wait3A_987 = arith.constant 0 : i32
        %dma_wait3A_988 = tpu.memref_slice %arg15[%dma_wait3A_986, %dma_wait3A_987] : memref<7x128xi32, #tpu.memory_space<vmem>> -> memref<1x128xi32, #tpu.memory_space<vmem>>
        %dma_wait3A_989 = tpu.memref_squeeze %dma_wait3A_988 : memref<1x128xi32, #tpu.memory_space<vmem>> -> memref<128xi32, #tpu.memory_space<vmem>>
        %dma_wait3A_990 = arith.constant 0 : i32
        %dma_wait3A_991 = tpu.memref_slice %arg9[%dma_wait3A_990] : memref<819200xi32, #tpu.memory_space<hbm>> -> memref<128xi32, #tpu.memory_space<hbm>>
        %dma_wait3A_992 = arith.constant 0 : i32
        %dma_wait3A_993 = tpu.memref_slice %arg15[%dma_wait3A_986, %dma_wait3A_992] : memref<7x128xi32, #tpu.memory_space<vmem>> -> memref<1x128xi32, #tpu.memory_space<vmem>>
        %dma_wait3A_994 = tpu.memref_squeeze %dma_wait3A_993 : memref<1x128xi32, #tpu.memory_space<vmem>> -> memref<128xi32, #tpu.memory_space<vmem>>
        %dma_wait3A_995 = arith.constant 0 : i32
        %dma_wait3A_996 = tpu.memref_slice %arg9[%dma_wait3A_995] : memref<819200xi32, #tpu.memory_space<hbm>> -> memref<128xi32, #tpu.memory_space<hbm>>
        tpu.wait_dma2 semaphore(%arg22 : memref<!tpu.dma_semaphore, #tpu.memory_space<semaphore_mem>>) src(%dma_wait3A_996 : memref<128xi32, #tpu.memory_space<hbm>>) dst(%dma_wait3A_994 : memref<128xi32, #tpu.memory_space<vmem>>)
        %dma_wait3A_997 = arith.constant 4 : i32
        %dma_wait3A_998 = arith.constant 0 : i32
        %dma_wait3A_999 = tpu.memref_slice %arg15[%dma_wait3A_997, %dma_wait3A_998] : memref<7x128xi32, #tpu.memory_space<vmem>> -> memref<1x128xi32, #tpu.memory_space<vmem>>
        %dma_wait3A_1000 = tpu.memref_squeeze %dma_wait3A_999 : memref<1x128xi32, #tpu.memory_space<vmem>> -> memref<128xi32, #tpu.memory_space<vmem>>
        %dma_wait3A_1001 = arith.constant 0 : i32
        %dma_wait3A_1002 = tpu.memref_slice %arg10[%dma_wait3A_1001] : memref<819200xi32, #tpu.memory_space<hbm>> -> memref<128xi32, #tpu.memory_space<hbm>>
        %dma_wait3A_1003 = arith.constant 0 : i32
        %dma_wait3A_1004 = tpu.memref_slice %arg15[%dma_wait3A_997, %dma_wait3A_1003] : memref<7x128xi32, #tpu.memory_space<vmem>> -> memref<1x128xi32, #tpu.memory_space<vmem>>
        %dma_wait3A_1005 = tpu.memref_squeeze %dma_wait3A_1004 : memref<1x128xi32, #tpu.memory_space<vmem>> -> memref<128xi32, #tpu.memory_space<vmem>>
        %dma_wait3A_1006 = arith.constant 0 : i32
        %dma_wait3A_1007 = tpu.memref_slice %arg10[%dma_wait3A_1006] : memref<819200xi32, #tpu.memory_space<hbm>> -> memref<128xi32, #tpu.memory_space<hbm>>
        tpu.wait_dma2 semaphore(%arg22 : memref<!tpu.dma_semaphore, #tpu.memory_space<semaphore_mem>>) src(%dma_wait3A_1007 : memref<128xi32, #tpu.memory_space<hbm>>) dst(%dma_wait3A_1005 : memref<128xi32, #tpu.memory_space<vmem>>)
        %dma_wait3A_1008 = arith.constant 5 : i32
        %dma_wait3A_1009 = arith.constant 0 : i32
        %dma_wait3A_1010 = tpu.memref_slice %arg15[%dma_wait3A_1008, %dma_wait3A_1009] : memref<7x128xi32, #tpu.memory_space<vmem>> -> memref<1x128xi32, #tpu.memory_space<vmem>>
        %dma_wait3A_1011 = tpu.memref_squeeze %dma_wait3A_1010 : memref<1x128xi32, #tpu.memory_space<vmem>> -> memref<128xi32, #tpu.memory_space<vmem>>
        %dma_wait3A_1012 = arith.constant 0 : i32
        %dma_wait3A_1013 = tpu.memref_slice %arg11[%dma_wait3A_1012] : memref<819200xi32, #tpu.memory_space<hbm>> -> memref<128xi32, #tpu.memory_space<hbm>>
        %dma_wait3A_1014 = arith.constant 0 : i32
        %dma_wait3A_1015 = tpu.memref_slice %arg15[%dma_wait3A_1008, %dma_wait3A_1014] : memref<7x128xi32, #tpu.memory_space<vmem>> -> memref<1x128xi32, #tpu.memory_space<vmem>>
        %dma_wait3A_1016 = tpu.memref_squeeze %dma_wait3A_1015 : memref<1x128xi32, #tpu.memory_space<vmem>> -> memref<128xi32, #tpu.memory_space<vmem>>
        %dma_wait3A_1017 = arith.constant 0 : i32
        %dma_wait3A_1018 = tpu.memref_slice %arg11[%dma_wait3A_1017] : memref<819200xi32, #tpu.memory_space<hbm>> -> memref<128xi32, #tpu.memory_space<hbm>>
        tpu.wait_dma2 semaphore(%arg22 : memref<!tpu.dma_semaphore, #tpu.memory_space<semaphore_mem>>) src(%dma_wait3A_1018 : memref<128xi32, #tpu.memory_space<hbm>>) dst(%dma_wait3A_1016 : memref<128xi32, #tpu.memory_space<vmem>>)
        %dma_wait3A_1019 = arith.constant 6 : i32
        %dma_wait3A_1020 = arith.constant 0 : i32
        %dma_wait3A_1021 = tpu.memref_slice %arg15[%dma_wait3A_1019, %dma_wait3A_1020] : memref<7x128xi32, #tpu.memory_space<vmem>> -> memref<1x128xi32, #tpu.memory_space<vmem>>
        %dma_wait3A_1022 = tpu.memref_squeeze %dma_wait3A_1021 : memref<1x128xi32, #tpu.memory_space<vmem>> -> memref<128xi32, #tpu.memory_space<vmem>>
        %dma_wait3A_1023 = arith.constant 0 : i32
        %dma_wait3A_1024 = tpu.memref_slice %arg12[%dma_wait3A_1023] : memref<819200xi32, #tpu.memory_space<hbm>> -> memref<128xi32, #tpu.memory_space<hbm>>
        %dma_wait3A_1025 = arith.constant 0 : i32
        %dma_wait3A_1026 = tpu.memref_slice %arg15[%dma_wait3A_1019, %dma_wait3A_1025] : memref<7x128xi32, #tpu.memory_space<vmem>> -> memref<1x128xi32, #tpu.memory_space<vmem>>
        %dma_wait3A_1027 = tpu.memref_squeeze %dma_wait3A_1026 : memref<1x128xi32, #tpu.memory_space<vmem>> -> memref<128xi32, #tpu.memory_space<vmem>>
        %dma_wait3A_1028 = arith.constant 0 : i32
        %dma_wait3A_1029 = tpu.memref_slice %arg12[%dma_wait3A_1028] : memref<819200xi32, #tpu.memory_space<hbm>> -> memref<128xi32, #tpu.memory_space<hbm>>
        tpu.wait_dma2 semaphore(%arg22 : memref<!tpu.dma_semaphore, #tpu.memory_space<semaphore_mem>>) src(%dma_wait3A_1029 : memref<128xi32, #tpu.memory_space<hbm>>) dst(%dma_wait3A_1027 : memref<128xi32, #tpu.memory_space<vmem>>)
        %dma_start3A_1030 = arith.constant 0 : i32
        %dma_start3A_1031 = arith.constant 0 : i32
        %dma_start3A_1032 = tpu.memref_slice %arg15[%dma_start3A_1030, %dma_start3A_1031] : memref<7x128xi32, #tpu.memory_space<vmem>> -> memref<1x128xi32, #tpu.memory_space<vmem>>
        %dma_start3A_1033 = tpu.memref_squeeze %dma_start3A_1032 : memref<1x128xi32, #tpu.memory_space<vmem>> -> memref<128xi32, #tpu.memory_space<vmem>>
        %dma_start3A_1034 = arith.constant 0 : i32
        %dma_start3A_1035 = arith.constant 0 : i32
        %dma_start3A_1036 = tpu.memref_slice %arg2[%dma_start3A_1034, %dma_start3A_1035] : memref<1000x64xf32, #tpu.memory_space<hbm>> -> memref<1000x64xf32, #tpu.memory_space<hbm>>
        tpu.enqueue_indirect_dma source(%dma_start3A_1036 : memref<1000x64xf32, #tpu.memory_space<hbm>>) target(%arg17 : memref<128x64xf32, #tpu.memory_space<vmem>>) offsets(%dma_start3A_1033 : memref<128xi32, #tpu.memory_space<vmem>>) semaphore(%arg24 : memref<!tpu.dma_semaphore, #tpu.memory_space<semaphore_mem>>)
        %dma_start3A_1037 = arith.constant 6 : i32
        %dma_start3A_1038 = arith.constant 0 : i32
        %dma_start3A_1039 = tpu.memref_slice %arg15[%dma_start3A_1037, %dma_start3A_1038] : memref<7x128xi32, #tpu.memory_space<vmem>> -> memref<1x128xi32, #tpu.memory_space<vmem>>
        %dma_start3A_1040 = tpu.memref_squeeze %dma_start3A_1039 : memref<1x128xi32, #tpu.memory_space<vmem>> -> memref<128xi32, #tpu.memory_space<vmem>>
        %dma_start3A_1041 = arith.constant 0 : i32
        %dma_start3A_1042 = arith.constant 0 : i32
        %dma_start3A_1043 = tpu.memref_slice %arg13[%dma_start3A_1041, %dma_start3A_1042] : memref<100000x64xf32, #tpu.memory_space<hbm>> -> memref<100000x64xf32, #tpu.memory_space<hbm>>
        tpu.enqueue_indirect_dma source(%dma_start3A_1043 : memref<100000x64xf32, #tpu.memory_space<hbm>>) target(%arg19 : memref<128x64xf32, #tpu.memory_space<vmem>>) offsets(%dma_start3A_1040 : memref<128xi32, #tpu.memory_space<vmem>>) semaphore(%arg26 : memref<!tpu.dma_semaphore, #tpu.memory_space<semaphore_mem>>)
      } else {
      }
      %dma_wait3A_664 = arith.constant 1 : i32
      %dma_wait3A_665 = arith.constant 0 : i32
      %dma_wait3A_666 = tpu.memref_slice %arg16[%dma_wait3A_664, %dma_wait3A_665] : memref<7x128xi32, #tpu.memory_space<vmem>> -> memref<1x128xi32, #tpu.memory_space<vmem>>
      %dma_wait3A_667 = tpu.memref_squeeze %dma_wait3A_666 : memref<1x128xi32, #tpu.memory_space<vmem>> -> memref<128xi32, #tpu.memory_space<vmem>>
      %dma_wait3A_668 = arith.constant 0 : i32
      %dma_wait3A_669 = arith.constant 0 : i32
      %dma_wait3A_670 = tpu.memref_slice %arg3[%dma_wait3A_668, %dma_wait3A_669] : memref<1000x64xf32, #tpu.memory_space<hbm>> -> memref<1000x64xf32, #tpu.memory_space<hbm>>
      tpu.wait_indirect_dma semaphore(%arg27 : memref<!tpu.dma_semaphore, #tpu.memory_space<semaphore_mem>>) src(%dma_wait3A_670 : memref<1000x64xf32, #tpu.memory_space<hbm>>) dst(%arg18 : memref<128x64xf32, #tpu.memory_space<vmem>>)
      %dma_wait3A_671 = arith.constant 2 : i32
      %dma_wait3A_672 = arith.constant 0 : i32
      %dma_wait3A_673 = tpu.memref_slice %arg16[%dma_wait3A_671, %dma_wait3A_672] : memref<7x128xi32, #tpu.memory_space<vmem>> -> memref<1x128xi32, #tpu.memory_space<vmem>>
      %dma_wait3A_674 = tpu.memref_squeeze %dma_wait3A_673 : memref<1x128xi32, #tpu.memory_space<vmem>> -> memref<128xi32, #tpu.memory_space<vmem>>
      %dma_wait3A_675 = arith.constant 0 : i32
      %dma_wait3A_676 = arith.constant 0 : i32
      %dma_wait3A_677 = tpu.memref_slice %arg2[%dma_wait3A_675, %dma_wait3A_676] : memref<1000x64xf32, #tpu.memory_space<hbm>> -> memref<1000x64xf32, #tpu.memory_space<hbm>>
      tpu.wait_indirect_dma semaphore(%arg27 : memref<!tpu.dma_semaphore, #tpu.memory_space<semaphore_mem>>) src(%dma_wait3A_677 : memref<1000x64xf32, #tpu.memory_space<hbm>>) dst(%arg18 : memref<128x64xf32, #tpu.memory_space<vmem>>)
      %dma_wait3A_678 = arith.constant 3 : i32
      %dma_wait3A_679 = arith.constant 0 : i32
      %dma_wait3A_680 = tpu.memref_slice %arg16[%dma_wait3A_678, %dma_wait3A_679] : memref<7x128xi32, #tpu.memory_space<vmem>> -> memref<1x128xi32, #tpu.memory_space<vmem>>
      %dma_wait3A_681 = tpu.memref_squeeze %dma_wait3A_680 : memref<1x128xi32, #tpu.memory_space<vmem>> -> memref<128xi32, #tpu.memory_space<vmem>>
      %dma_wait3A_682 = arith.constant 0 : i32
      %dma_wait3A_683 = arith.constant 0 : i32
      %dma_wait3A_684 = tpu.memref_slice %arg3[%dma_wait3A_682, %dma_wait3A_683] : memref<1000x64xf32, #tpu.memory_space<hbm>> -> memref<1000x64xf32, #tpu.memory_space<hbm>>
      tpu.wait_indirect_dma semaphore(%arg27 : memref<!tpu.dma_semaphore, #tpu.memory_space<semaphore_mem>>) src(%dma_wait3A_684 : memref<1000x64xf32, #tpu.memory_space<hbm>>) dst(%arg18 : memref<128x64xf32, #tpu.memory_space<vmem>>)
      %dma_wait3A_685 = arith.constant 4 : i32
      %dma_wait3A_686 = arith.constant 0 : i32
      %dma_wait3A_687 = tpu.memref_slice %arg16[%dma_wait3A_685, %dma_wait3A_686] : memref<7x128xi32, #tpu.memory_space<vmem>> -> memref<1x128xi32, #tpu.memory_space<vmem>>
      %dma_wait3A_688 = tpu.memref_squeeze %dma_wait3A_687 : memref<1x128xi32, #tpu.memory_space<vmem>> -> memref<128xi32, #tpu.memory_space<vmem>>
      %dma_wait3A_689 = arith.constant 0 : i32
      %dma_wait3A_690 = arith.constant 0 : i32
      %dma_wait3A_691 = tpu.memref_slice %arg4[%dma_wait3A_689, %dma_wait3A_690] : memref<1000x64xf32, #tpu.memory_space<hbm>> -> memref<1000x64xf32, #tpu.memory_space<hbm>>
      tpu.wait_indirect_dma semaphore(%arg27 : memref<!tpu.dma_semaphore, #tpu.memory_space<semaphore_mem>>) src(%dma_wait3A_691 : memref<1000x64xf32, #tpu.memory_space<hbm>>) dst(%arg18 : memref<128x64xf32, #tpu.memory_space<vmem>>)
      %dma_wait3A_692 = arith.constant 5 : i32
      %dma_wait3A_693 = arith.constant 0 : i32
      %dma_wait3A_694 = tpu.memref_slice %arg16[%dma_wait3A_692, %dma_wait3A_693] : memref<7x128xi32, #tpu.memory_space<vmem>> -> memref<1x128xi32, #tpu.memory_space<vmem>>
      %dma_wait3A_695 = tpu.memref_squeeze %dma_wait3A_694 : memref<1x128xi32, #tpu.memory_space<vmem>> -> memref<128xi32, #tpu.memory_space<vmem>>
      %dma_wait3A_696 = arith.constant 0 : i32
      %dma_wait3A_697 = arith.constant 0 : i32
      %dma_wait3A_698 = tpu.memref_slice %arg5[%dma_wait3A_696, %dma_wait3A_697] : memref<1000x64xf32, #tpu.memory_space<hbm>> -> memref<1000x64xf32, #tpu.memory_space<hbm>>
      tpu.wait_indirect_dma semaphore(%arg27 : memref<!tpu.dma_semaphore, #tpu.memory_space<semaphore_mem>>) src(%dma_wait3A_698 : memref<1000x64xf32, #tpu.memory_space<hbm>>) dst(%arg18 : memref<128x64xf32, #tpu.memory_space<vmem>>)
      %dma_wait3A_699 = arith.constant 6 : i32
      %dma_wait3A_700 = arith.constant 0 : i32
      %dma_wait3A_701 = tpu.memref_slice %arg16[%dma_wait3A_699, %dma_wait3A_700] : memref<7x128xi32, #tpu.memory_space<vmem>> -> memref<1x128xi32, #tpu.memory_space<vmem>>
      %dma_wait3A_702 = tpu.memref_squeeze %dma_wait3A_701 : memref<1x128xi32, #tpu.memory_space<vmem>> -> memref<128xi32, #tpu.memory_space<vmem>>
      %dma_wait3A_703 = arith.constant 0 : i32
      %dma_wait3A_704 = arith.constant 0 : i32
      %dma_wait3A_705 = tpu.memref_slice %arg13[%dma_wait3A_703, %dma_wait3A_704] : memref<100000x64xf32, #tpu.memory_space<hbm>> -> memref<100000x64xf32, #tpu.memory_space<hbm>>
      tpu.wait_indirect_dma semaphore(%arg27 : memref<!tpu.dma_semaphore, #tpu.memory_space<semaphore_mem>>) src(%dma_wait3A_705 : memref<100000x64xf32, #tpu.memory_space<hbm>>) dst(%arg20 : memref<128x64xf32, #tpu.memory_space<vmem>>)
      %add3A_706 = arith.constant 2 : i32
      %add3A_707 = arith.addi %add3A_656, %add3A_706 : i32
      %lt3A_708 = arith.constant 200 : i32
      %lt3A_709 = arith.cmpi slt, %add3A_707, %lt3A_708 : i32
      %convert_element_type3A_710 = arith.extui %lt3A_709 : i1 to i32
      %cond3A_711 = arith.constant 0 : i32
      %cond3A_712 = arith.cmpi ne, %convert_element_type3A_710, %cond3A_711 : i32
      scf.if %cond3A_712 {
        %add3A_953 = arith.constant 2 : i32
        %add3A_954 = arith.addi %add3A_656, %add3A_953 : i32
        %mul3A_955 = arith.constant 25600 : i32
        %mul3A_956 = arith.muli %add3A, %mul3A_955 : i32
        %mul3A_957 = arith.constant 128 : i32
        %mul3A_958 = arith.muli %add3A_954, %mul3A_957 : i32
        %add3A_959 = arith.addi %mul3A_956, %mul3A_958 : i32
        %dma_start3A_960 = arith.constant 0 : i32
        %dma_start3A_961 = arith.constant 0 : i32
        %dma_start3A_962 = tpu.memref_slice %arg16[%dma_start3A_960, %dma_start3A_961] : memref<7x128xi32, #tpu.memory_space<vmem>> -> memref<1x128xi32, #tpu.memory_space<vmem>>
        %dma_start3A_963 = tpu.memref_squeeze %dma_start3A_962 : memref<1x128xi32, #tpu.memory_space<vmem>> -> memref<128xi32, #tpu.memory_space<vmem>>
        %dma_start3A_964 = tpu.memref_slice %arg6[%add3A_959] : memref<819200xi32, #tpu.memory_space<hbm>> -> memref<128xi32, #tpu.memory_space<hbm>>
        %dma_start3A_965 = arith.constant 0 : i32
        %dma_start3A_966 = tpu.memref_slice %arg16[%dma_start3A_960, %dma_start3A_965] : memref<7x128xi32, #tpu.memory_space<vmem>> -> memref<1x128xi32, #tpu.memory_space<vmem>>
        %dma_start3A_967 = tpu.memref_squeeze %dma_start3A_966 : memref<1x128xi32, #tpu.memory_space<vmem>> -> memref<128xi32, #tpu.memory_space<vmem>>
        %dma_start3A_968 = tpu.memref_slice %arg6[%add3A_959] : memref<819200xi32, #tpu.memory_space<hbm>> -> memref<128xi32, #tpu.memory_space<hbm>>
        tpu.enqueue_dma source(%dma_start3A_968 : memref<128xi32, #tpu.memory_space<hbm>>) target(%dma_start3A_967 : memref<128xi32, #tpu.memory_space<vmem>>) target_semaphore(%arg23 : memref<!tpu.dma_semaphore, #tpu.memory_space<semaphore_mem>>)
        %dma_start3A_969 = arith.constant 1 : i32
        %dma_start3A_970 = arith.constant 0 : i32
        %dma_start3A_971 = tpu.memref_slice %arg16[%dma_start3A_969, %dma_start3A_970] : memref<7x128xi32, #tpu.memory_space<vmem>> -> memref<1x128xi32, #tpu.memory_space<vmem>>
        %dma_start3A_972 = tpu.memref_squeeze %dma_start3A_971 : memref<1x128xi32, #tpu.memory_space<vmem>> -> memref<128xi32, #tpu.memory_space<vmem>>
        %dma_start3A_973 = tpu.memref_slice %arg7[%add3A_959] : memref<819200xi32, #tpu.memory_space<hbm>> -> memref<128xi32, #tpu.memory_space<hbm>>
        %dma_start3A_974 = arith.constant 0 : i32
        %dma_start3A_975 = tpu.memref_slice %arg16[%dma_start3A_969, %dma_start3A_974] : memref<7x128xi32, #tpu.memory_space<vmem>> -> memref<1x128xi32, #tpu.memory_space<vmem>>
        %dma_start3A_976 = tpu.memref_squeeze %dma_start3A_975 : memref<1x128xi32, #tpu.memory_space<vmem>> -> memref<128xi32, #tpu.memory_space<vmem>>
        %dma_start3A_977 = tpu.memref_slice %arg7[%add3A_959] : memref<819200xi32, #tpu.memory_space<hbm>> -> memref<128xi32, #tpu.memory_space<hbm>>
        tpu.enqueue_dma source(%dma_start3A_977 : memref<128xi32, #tpu.memory_space<hbm>>) target(%dma_start3A_976 : memref<128xi32, #tpu.memory_space<vmem>>) target_semaphore(%arg23 : memref<!tpu.dma_semaphore, #tpu.memory_space<semaphore_mem>>)
        %dma_start3A_978 = arith.constant 2 : i32
        %dma_start3A_979 = arith.constant 0 : i32
        %dma_start3A_980 = tpu.memref_slice %arg16[%dma_start3A_978, %dma_start3A_979] : memref<7x128xi32, #tpu.memory_space<vmem>> -> memref<1x128xi32, #tpu.memory_space<vmem>>
        %dma_start3A_981 = tpu.memref_squeeze %dma_start3A_980 : memref<1x128xi32, #tpu.memory_space<vmem>> -> memref<128xi32, #tpu.memory_space<vmem>>
        %dma_start3A_982 = tpu.memref_slice %arg8[%add3A_959] : memref<819200xi32, #tpu.memory_space<hbm>> -> memref<128xi32, #tpu.memory_space<hbm>>
        %dma_start3A_983 = arith.constant 0 : i32
        %dma_start3A_984 = tpu.memref_slice %arg16[%dma_start3A_978, %dma_start3A_983] : memref<7x128xi32, #tpu.memory_space<vmem>> -> memref<1x128xi32, #tpu.memory_space<vmem>>
        %dma_start3A_985 = tpu.memref_squeeze %dma_start3A_984 : memref<1x128xi32, #tpu.memory_space<vmem>> -> memref<128xi32, #tpu.memory_space<vmem>>
        %dma_start3A_986 = tpu.memref_slice %arg8[%add3A_959] : memref<819200xi32, #tpu.memory_space<hbm>> -> memref<128xi32, #tpu.memory_space<hbm>>
        tpu.enqueue_dma source(%dma_start3A_986 : memref<128xi32, #tpu.memory_space<hbm>>) target(%dma_start3A_985 : memref<128xi32, #tpu.memory_space<vmem>>) target_semaphore(%arg23 : memref<!tpu.dma_semaphore, #tpu.memory_space<semaphore_mem>>)
        %dma_start3A_987 = arith.constant 3 : i32
        %dma_start3A_988 = arith.constant 0 : i32
        %dma_start3A_989 = tpu.memref_slice %arg16[%dma_start3A_987, %dma_start3A_988] : memref<7x128xi32, #tpu.memory_space<vmem>> -> memref<1x128xi32, #tpu.memory_space<vmem>>
        %dma_start3A_990 = tpu.memref_squeeze %dma_start3A_989 : memref<1x128xi32, #tpu.memory_space<vmem>> -> memref<128xi32, #tpu.memory_space<vmem>>
        %dma_start3A_991 = tpu.memref_slice %arg9[%add3A_959] : memref<819200xi32, #tpu.memory_space<hbm>> -> memref<128xi32, #tpu.memory_space<hbm>>
        %dma_start3A_992 = arith.constant 0 : i32
        %dma_start3A_993 = tpu.memref_slice %arg16[%dma_start3A_987, %dma_start3A_992] : memref<7x128xi32, #tpu.memory_space<vmem>> -> memref<1x128xi32, #tpu.memory_space<vmem>>
        %dma_start3A_994 = tpu.memref_squeeze %dma_start3A_993 : memref<1x128xi32, #tpu.memory_space<vmem>> -> memref<128xi32, #tpu.memory_space<vmem>>
        %dma_start3A_995 = tpu.memref_slice %arg9[%add3A_959] : memref<819200xi32, #tpu.memory_space<hbm>> -> memref<128xi32, #tpu.memory_space<hbm>>
        tpu.enqueue_dma source(%dma_start3A_995 : memref<128xi32, #tpu.memory_space<hbm>>) target(%dma_start3A_994 : memref<128xi32, #tpu.memory_space<vmem>>) target_semaphore(%arg23 : memref<!tpu.dma_semaphore, #tpu.memory_space<semaphore_mem>>)
        %dma_start3A_996 = arith.constant 4 : i32
        %dma_start3A_997 = arith.constant 0 : i32
        %dma_start3A_998 = tpu.memref_slice %arg16[%dma_start3A_996, %dma_start3A_997] : memref<7x128xi32, #tpu.memory_space<vmem>> -> memref<1x128xi32, #tpu.memory_space<vmem>>
        %dma_start3A_999 = tpu.memref_squeeze %dma_start3A_998 : memref<1x128xi32, #tpu.memory_space<vmem>> -> memref<128xi32, #tpu.memory_space<vmem>>
        %dma_start3A_1000 = tpu.memref_slice %arg10[%add3A_959] : memref<819200xi32, #tpu.memory_space<hbm>> -> memref<128xi32, #tpu.memory_space<hbm>>
        %dma_start3A_1001 = arith.constant 0 : i32
        %dma_start3A_1002 = tpu.memref_slice %arg16[%dma_start3A_996, %dma_start3A_1001] : memref<7x128xi32, #tpu.memory_space<vmem>> -> memref<1x128xi32, #tpu.memory_space<vmem>>
        %dma_start3A_1003 = tpu.memref_squeeze %dma_start3A_1002 : memref<1x128xi32, #tpu.memory_space<vmem>> -> memref<128xi32, #tpu.memory_space<vmem>>
        %dma_start3A_1004 = tpu.memref_slice %arg10[%add3A_959] : memref<819200xi32, #tpu.memory_space<hbm>> -> memref<128xi32, #tpu.memory_space<hbm>>
        tpu.enqueue_dma source(%dma_start3A_1004 : memref<128xi32, #tpu.memory_space<hbm>>) target(%dma_start3A_1003 : memref<128xi32, #tpu.memory_space<vmem>>) target_semaphore(%arg23 : memref<!tpu.dma_semaphore, #tpu.memory_space<semaphore_mem>>)
        %dma_start3A_1005 = arith.constant 5 : i32
        %dma_start3A_1006 = arith.constant 0 : i32
        %dma_start3A_1007 = tpu.memref_slice %arg16[%dma_start3A_1005, %dma_start3A_1006] : memref<7x128xi32, #tpu.memory_space<vmem>> -> memref<1x128xi32, #tpu.memory_space<vmem>>
        %dma_start3A_1008 = tpu.memref_squeeze %dma_start3A_1007 : memref<1x128xi32, #tpu.memory_space<vmem>> -> memref<128xi32, #tpu.memory_space<vmem>>
        %dma_start3A_1009 = tpu.memref_slice %arg11[%add3A_959] : memref<819200xi32, #tpu.memory_space<hbm>> -> memref<128xi32, #tpu.memory_space<hbm>>
        %dma_start3A_1010 = arith.constant 0 : i32
        %dma_start3A_1011 = tpu.memref_slice %arg16[%dma_start3A_1005, %dma_start3A_1010] : memref<7x128xi32, #tpu.memory_space<vmem>> -> memref<1x128xi32, #tpu.memory_space<vmem>>
        %dma_start3A_1012 = tpu.memref_squeeze %dma_start3A_1011 : memref<1x128xi32, #tpu.memory_space<vmem>> -> memref<128xi32, #tpu.memory_space<vmem>>
        %dma_start3A_1013 = tpu.memref_slice %arg11[%add3A_959] : memref<819200xi32, #tpu.memory_space<hbm>> -> memref<128xi32, #tpu.memory_space<hbm>>
        tpu.enqueue_dma source(%dma_start3A_1013 : memref<128xi32, #tpu.memory_space<hbm>>) target(%dma_start3A_1012 : memref<128xi32, #tpu.memory_space<vmem>>) target_semaphore(%arg23 : memref<!tpu.dma_semaphore, #tpu.memory_space<semaphore_mem>>)
        %dma_start3A_1014 = arith.constant 6 : i32
        %dma_start3A_1015 = arith.constant 0 : i32
        %dma_start3A_1016 = tpu.memref_slice %arg16[%dma_start3A_1014, %dma_start3A_1015] : memref<7x128xi32, #tpu.memory_space<vmem>> -> memref<1x128xi32, #tpu.memory_space<vmem>>
        %dma_start3A_1017 = tpu.memref_squeeze %dma_start3A_1016 : memref<1x128xi32, #tpu.memory_space<vmem>> -> memref<128xi32, #tpu.memory_space<vmem>>
        %dma_start3A_1018 = tpu.memref_slice %arg12[%add3A_959] : memref<819200xi32, #tpu.memory_space<hbm>> -> memref<128xi32, #tpu.memory_space<hbm>>
        %dma_start3A_1019 = arith.constant 0 : i32
        %dma_start3A_1020 = tpu.memref_slice %arg16[%dma_start3A_1014, %dma_start3A_1019] : memref<7x128xi32, #tpu.memory_space<vmem>> -> memref<1x128xi32, #tpu.memory_space<vmem>>
        %dma_start3A_1021 = tpu.memref_squeeze %dma_start3A_1020 : memref<1x128xi32, #tpu.memory_space<vmem>> -> memref<128xi32, #tpu.memory_space<vmem>>
        %dma_start3A_1022 = tpu.memref_slice %arg12[%add3A_959] : memref<819200xi32, #tpu.memory_space<hbm>> -> memref<128xi32, #tpu.memory_space<hbm>>
        tpu.enqueue_dma source(%dma_start3A_1022 : memref<128xi32, #tpu.memory_space<hbm>>) target(%dma_start3A_1021 : memref<128xi32, #tpu.memory_space<vmem>>) target_semaphore(%arg23 : memref<!tpu.dma_semaphore, #tpu.memory_space<semaphore_mem>>)
      } else {
      }
      %ge3A_713 = arith.constant 1 : i32
      %ge3A_714 = arith.cmpi sge, %add3A_656, %ge3A_713 : i32
      %convert_element_type3A_715 = arith.extui %ge3A_714 : i1 to i32
      %cond3A_716 = arith.constant 0 : i32
      %cond3A_717 = arith.cmpi ne, %convert_element_type3A_715, %cond3A_716 : i32
      scf.if %cond3A_717 {
        %dma_wait3A_953 = arith.constant 0 : i32
        %dma_wait3A_954 = arith.constant 0 : i32
        %dma_wait3A_955 = tpu.memref_slice %arg21[%dma_wait3A_953, %dma_wait3A_954] : memref<64x129xf32, #tpu.memory_space<vmem>> -> memref<8x128xf32, #tpu.memory_space<vmem>>
        %dma_wait3A_956 = arith.constant 0 : i32
        %dma_wait3A_957 = arith.constant 0 : i32
        %dma_wait3A_958 = tpu.memref_slice %arg14[%dma_wait3A_956, %dma_wait3A_957] : memref<409600x128xf32, #tpu.memory_space<hbm>> -> memref<8x128xf32, #tpu.memory_space<hbm>>
        %dma_wait3A_959 = arith.constant 0 : i32
        %dma_wait3A_960 = arith.constant 0 : i32
        %dma_wait3A_961 = tpu.memref_slice %arg14[%dma_wait3A_959, %dma_wait3A_960] : memref<409600x128xf32, #tpu.memory_space<hbm>> -> memref<8x128xf32, #tpu.memory_space<hbm>>
        %dma_wait3A_962 = arith.constant 0 : i32
        %dma_wait3A_963 = arith.constant 0 : i32
        %dma_wait3A_964 = tpu.memref_slice %arg21[%dma_wait3A_962, %dma_wait3A_963] : memref<64x129xf32, #tpu.memory_space<vmem>> -> memref<8x128xf32, #tpu.memory_space<vmem>>
        tpu.wait_dma2 semaphore(%arg28 : memref<!tpu.dma_semaphore, #tpu.memory_space<semaphore_mem>>) src(%dma_wait3A_964 : memref<8x128xf32, #tpu.memory_space<vmem>>) dst(%dma_wait3A_961 : memref<8x128xf32, #tpu.memory_space<hbm>>)
        %dma_wait3A_965 = arith.constant 8 : i32
        %dma_wait3A_966 = arith.constant 0 : i32
        %dma_wait3A_967 = tpu.memref_slice %arg21[%dma_wait3A_965, %dma_wait3A_966] : memref<64x129xf32, #tpu.memory_space<vmem>> -> memref<8x128xf32, #tpu.memory_space<vmem>>
        %dma_wait3A_968 = arith.constant 0 : i32
        %dma_wait3A_969 = arith.constant 0 : i32
        %dma_wait3A_970 = tpu.memref_slice %arg14[%dma_wait3A_968, %dma_wait3A_969] : memref<409600x128xf32, #tpu.memory_space<hbm>> -> memref<8x128xf32, #tpu.memory_space<hbm>>
        %dma_wait3A_971 = arith.constant 0 : i32
        %dma_wait3A_972 = arith.constant 0 : i32
        %dma_wait3A_973 = tpu.memref_slice %arg14[%dma_wait3A_971, %dma_wait3A_972] : memref<409600x128xf32, #tpu.memory_space<hbm>> -> memref<8x128xf32, #tpu.memory_space<hbm>>
        %dma_wait3A_974 = arith.constant 8 : i32
        %dma_wait3A_975 = arith.constant 0 : i32
        %dma_wait3A_976 = tpu.memref_slice %arg21[%dma_wait3A_974, %dma_wait3A_975] : memref<64x129xf32, #tpu.memory_space<vmem>> -> memref<8x128xf32, #tpu.memory_space<vmem>>
        tpu.wait_dma2 semaphore(%arg28 : memref<!tpu.dma_semaphore, #tpu.memory_space<semaphore_mem>>) src(%dma_wait3A_976 : memref<8x128xf32, #tpu.memory_space<vmem>>) dst(%dma_wait3A_973 : memref<8x128xf32, #tpu.memory_space<hbm>>)
        %dma_wait3A_977 = arith.constant 16 : i32
        %dma_wait3A_978 = arith.constant 0 : i32
        %dma_wait3A_979 = tpu.memref_slice %arg21[%dma_wait3A_977, %dma_wait3A_978] : memref<64x129xf32, #tpu.memory_space<vmem>> -> memref<8x128xf32, #tpu.memory_space<vmem>>
        %dma_wait3A_980 = arith.constant 0 : i32
        %dma_wait3A_981 = arith.constant 0 : i32
        %dma_wait3A_982 = tpu.memref_slice %arg14[%dma_wait3A_980, %dma_wait3A_981] : memref<409600x128xf32, #tpu.memory_space<hbm>> -> memref<8x128xf32, #tpu.memory_space<hbm>>
        %dma_wait3A_983 = arith.constant 0 : i32
        %dma_wait3A_984 = arith.constant 0 : i32
        %dma_wait3A_985 = tpu.memref_slice %arg14[%dma_wait3A_983, %dma_wait3A_984] : memref<409600x128xf32, #tpu.memory_space<hbm>> -> memref<8x128xf32, #tpu.memory_space<hbm>>
        %dma_wait3A_986 = arith.constant 16 : i32
        %dma_wait3A_987 = arith.constant 0 : i32
        %dma_wait3A_988 = tpu.memref_slice %arg21[%dma_wait3A_986, %dma_wait3A_987] : memref<64x129xf32, #tpu.memory_space<vmem>> -> memref<8x128xf32, #tpu.memory_space<vmem>>
        tpu.wait_dma2 semaphore(%arg28 : memref<!tpu.dma_semaphore, #tpu.memory_space<semaphore_mem>>) src(%dma_wait3A_988 : memref<8x128xf32, #tpu.memory_space<vmem>>) dst(%dma_wait3A_985 : memref<8x128xf32, #tpu.memory_space<hbm>>)
        %dma_wait3A_989 = arith.constant 24 : i32
        %dma_wait3A_990 = arith.constant 0 : i32
        %dma_wait3A_991 = tpu.memref_slice %arg21[%dma_wait3A_989, %dma_wait3A_990] : memref<64x129xf32, #tpu.memory_space<vmem>> -> memref<8x128xf32, #tpu.memory_space<vmem>>
        %dma_wait3A_992 = arith.constant 0 : i32
        %dma_wait3A_993 = arith.constant 0 : i32
        %dma_wait3A_994 = tpu.memref_slice %arg14[%dma_wait3A_992, %dma_wait3A_993] : memref<409600x128xf32, #tpu.memory_space<hbm>> -> memref<8x128xf32, #tpu.memory_space<hbm>>
        %dma_wait3A_995 = arith.constant 0 : i32
        %dma_wait3A_996 = arith.constant 0 : i32
        %dma_wait3A_997 = tpu.memref_slice %arg14[%dma_wait3A_995, %dma_wait3A_996] : memref<409600x128xf32, #tpu.memory_space<hbm>> -> memref<8x128xf32, #tpu.memory_space<hbm>>
        %dma_wait3A_998 = arith.constant 24 : i32
        %dma_wait3A_999 = arith.constant 0 : i32
        %dma_wait3A_1000 = tpu.memref_slice %arg21[%dma_wait3A_998, %dma_wait3A_999] : memref<64x129xf32, #tpu.memory_space<vmem>> -> memref<8x128xf32, #tpu.memory_space<vmem>>
        tpu.wait_dma2 semaphore(%arg28 : memref<!tpu.dma_semaphore, #tpu.memory_space<semaphore_mem>>) src(%dma_wait3A_1000 : memref<8x128xf32, #tpu.memory_space<vmem>>) dst(%dma_wait3A_997 : memref<8x128xf32, #tpu.memory_space<hbm>>)
        %dma_wait3A_1001 = arith.constant 32 : i32
        %dma_wait3A_1002 = arith.constant 0 : i32
        %dma_wait3A_1003 = tpu.memref_slice %arg21[%dma_wait3A_1001, %dma_wait3A_1002] : memref<64x129xf32, #tpu.memory_space<vmem>> -> memref<8x128xf32, #tpu.memory_space<vmem>>
        %dma_wait3A_1004 = arith.constant 0 : i32
        %dma_wait3A_1005 = arith.constant 0 : i32
        %dma_wait3A_1006 = tpu.memref_slice %arg14[%dma_wait3A_1004, %dma_wait3A_1005] : memref<409600x128xf32, #tpu.memory_space<hbm>> -> memref<8x128xf32, #tpu.memory_space<hbm>>
        %dma_wait3A_1007 = arith.constant 0 : i32
        %dma_wait3A_1008 = arith.constant 0 : i32
        %dma_wait3A_1009 = tpu.memref_slice %arg14[%dma_wait3A_1007, %dma_wait3A_1008] : memref<409600x128xf32, #tpu.memory_space<hbm>> -> memref<8x128xf32, #tpu.memory_space<hbm>>
        %dma_wait3A_1010 = arith.constant 32 : i32
        %dma_wait3A_1011 = arith.constant 0 : i32
        %dma_wait3A_1012 = tpu.memref_slice %arg21[%dma_wait3A_1010, %dma_wait3A_1011] : memref<64x129xf32, #tpu.memory_space<vmem>> -> memref<8x128xf32, #tpu.memory_space<vmem>>
        tpu.wait_dma2 semaphore(%arg28 : memref<!tpu.dma_semaphore, #tpu.memory_space<semaphore_mem>>) src(%dma_wait3A_1012 : memref<8x128xf32, #tpu.memory_space<vmem>>) dst(%dma_wait3A_1009 : memref<8x128xf32, #tpu.memory_space<hbm>>)
        %dma_wait3A_1013 = arith.constant 40 : i32
        %dma_wait3A_1014 = arith.constant 0 : i32
        %dma_wait3A_1015 = tpu.memref_slice %arg21[%dma_wait3A_1013, %dma_wait3A_1014] : memref<64x129xf32, #tpu.memory_space<vmem>> -> memref<8x128xf32, #tpu.memory_space<vmem>>
        %dma_wait3A_1016 = arith.constant 0 : i32
        %dma_wait3A_1017 = arith.constant 0 : i32
        %dma_wait3A_1018 = tpu.memref_slice %arg14[%dma_wait3A_1016, %dma_wait3A_1017] : memref<409600x128xf32, #tpu.memory_space<hbm>> -> memref<8x128xf32, #tpu.memory_space<hbm>>
        %dma_wait3A_1019 = arith.constant 0 : i32
        %dma_wait3A_1020 = arith.constant 0 : i32
        %dma_wait3A_1021 = tpu.memref_slice %arg14[%dma_wait3A_1019, %dma_wait3A_1020] : memref<409600x128xf32, #tpu.memory_space<hbm>> -> memref<8x128xf32, #tpu.memory_space<hbm>>
        %dma_wait3A_1022 = arith.constant 40 : i32
        %dma_wait3A_1023 = arith.constant 0 : i32
        %dma_wait3A_1024 = tpu.memref_slice %arg21[%dma_wait3A_1022, %dma_wait3A_1023] : memref<64x129xf32, #tpu.memory_space<vmem>> -> memref<8x128xf32, #tpu.memory_space<vmem>>
        tpu.wait_dma2 semaphore(%arg28 : memref<!tpu.dma_semaphore, #tpu.memory_space<semaphore_mem>>) src(%dma_wait3A_1024 : memref<8x128xf32, #tpu.memory_space<vmem>>) dst(%dma_wait3A_1021 : memref<8x128xf32, #tpu.memory_space<hbm>>)
        %dma_wait3A_1025 = arith.constant 48 : i32
        %dma_wait3A_1026 = arith.constant 0 : i32
        %dma_wait3A_1027 = tpu.memref_slice %arg21[%dma_wait3A_1025, %dma_wait3A_1026] : memref<64x129xf32, #tpu.memory_space<vmem>> -> memref<8x128xf32, #tpu.memory_space<vmem>>
        %dma_wait3A_1028 = arith.constant 0 : i32
        %dma_wait3A_1029 = arith.constant 0 : i32
        %dma_wait3A_1030 = tpu.memref_slice %arg14[%dma_wait3A_1028, %dma_wait3A_1029] : memref<409600x128xf32, #tpu.memory_space<hbm>> -> memref<8x128xf32, #tpu.memory_space<hbm>>
        %dma_wait3A_1031 = arith.constant 0 : i32
        %dma_wait3A_1032 = arith.constant 0 : i32
        %dma_wait3A_1033 = tpu.memref_slice %arg14[%dma_wait3A_1031, %dma_wait3A_1032] : memref<409600x128xf32, #tpu.memory_space<hbm>> -> memref<8x128xf32, #tpu.memory_space<hbm>>
        %dma_wait3A_1034 = arith.constant 48 : i32
        %dma_wait3A_1035 = arith.constant 0 : i32
        %dma_wait3A_1036 = tpu.memref_slice %arg21[%dma_wait3A_1034, %dma_wait3A_1035] : memref<64x129xf32, #tpu.memory_space<vmem>> -> memref<8x128xf32, #tpu.memory_space<vmem>>
        tpu.wait_dma2 semaphore(%arg28 : memref<!tpu.dma_semaphore, #tpu.memory_space<semaphore_mem>>) src(%dma_wait3A_1036 : memref<8x128xf32, #tpu.memory_space<vmem>>) dst(%dma_wait3A_1033 : memref<8x128xf32, #tpu.memory_space<hbm>>)
        %dma_wait3A_1037 = arith.constant 56 : i32
        %dma_wait3A_1038 = arith.constant 0 : i32
        %dma_wait3A_1039 = tpu.memref_slice %arg21[%dma_wait3A_1037, %dma_wait3A_1038] : memref<64x129xf32, #tpu.memory_space<vmem>> -> memref<8x128xf32, #tpu.memory_space<vmem>>
        %dma_wait3A_1040 = arith.constant 0 : i32
        %dma_wait3A_1041 = arith.constant 0 : i32
        %dma_wait3A_1042 = tpu.memref_slice %arg14[%dma_wait3A_1040, %dma_wait3A_1041] : memref<409600x128xf32, #tpu.memory_space<hbm>> -> memref<8x128xf32, #tpu.memory_space<hbm>>
        %dma_wait3A_1043 = arith.constant 0 : i32
        %dma_wait3A_1044 = arith.constant 0 : i32
        %dma_wait3A_1045 = tpu.memref_slice %arg14[%dma_wait3A_1043, %dma_wait3A_1044] : memref<409600x128xf32, #tpu.memory_space<hbm>> -> memref<8x128xf32, #tpu.memory_space<hbm>>
        %dma_wait3A_1046 = arith.constant 56 : i32
        %dma_wait3A_1047 = arith.constant 0 : i32
        %dma_wait3A_1048 = tpu.memref_slice %arg21[%dma_wait3A_1046, %dma_wait3A_1047] : memref<64x129xf32, #tpu.memory_space<vmem>> -> memref<8x128xf32, #tpu.memory_space<vmem>>
        tpu.wait_dma2 semaphore(%arg28 : memref<!tpu.dma_semaphore, #tpu.memory_space<semaphore_mem>>) src(%dma_wait3A_1048 : memref<8x128xf32, #tpu.memory_space<vmem>>) dst(%dma_wait3A_1045 : memref<8x128xf32, #tpu.memory_space<hbm>>)
      } else {
      }
      %add3A_718 = arith.constant 1 : i32
      %add3A_719 = arith.addi %add3A_656, %add3A_718 : i32
      %lt3A_720 = arith.constant 200 : i32
      %lt3A_721 = arith.cmpi slt, %add3A_719, %lt3A_720 : i32
      %convert_element_type3A_722 = arith.extui %lt3A_721 : i1 to i32
      %cond3A_723 = arith.constant 0 : i32
      %cond3A_724 = arith.cmpi ne, %convert_element_type3A_722, %cond3A_723 : i32
      scf.if %cond3A_724 {
        %dma_wait3A_953 = arith.constant 0 : i32
        %dma_wait3A_954 = arith.constant 0 : i32
        %dma_wait3A_955 = tpu.memref_slice %arg15[%dma_wait3A_953, %dma_wait3A_954] : memref<7x128xi32, #tpu.memory_space<vmem>> -> memref<1x128xi32, #tpu.memory_space<vmem>>
        %dma_wait3A_956 = tpu.memref_squeeze %dma_wait3A_955 : memref<1x128xi32, #tpu.memory_space<vmem>> -> memref<128xi32, #tpu.memory_space<vmem>>
        %dma_wait3A_957 = arith.constant 0 : i32
        %dma_wait3A_958 = arith.constant 0 : i32
        %dma_wait3A_959 = tpu.memref_slice %arg2[%dma_wait3A_957, %dma_wait3A_958] : memref<1000x64xf32, #tpu.memory_space<hbm>> -> memref<1000x64xf32, #tpu.memory_space<hbm>>
        tpu.wait_indirect_dma semaphore(%arg24 : memref<!tpu.dma_semaphore, #tpu.memory_space<semaphore_mem>>) src(%dma_wait3A_959 : memref<1000x64xf32, #tpu.memory_space<hbm>>) dst(%arg17 : memref<128x64xf32, #tpu.memory_space<vmem>>)
        %dma_start3A_960 = arith.constant 1 : i32
        %dma_start3A_961 = arith.constant 0 : i32
        %dma_start3A_962 = tpu.memref_slice %arg15[%dma_start3A_960, %dma_start3A_961] : memref<7x128xi32, #tpu.memory_space<vmem>> -> memref<1x128xi32, #tpu.memory_space<vmem>>
        %dma_start3A_963 = tpu.memref_squeeze %dma_start3A_962 : memref<1x128xi32, #tpu.memory_space<vmem>> -> memref<128xi32, #tpu.memory_space<vmem>>
        %dma_start3A_964 = arith.constant 0 : i32
        %dma_start3A_965 = arith.constant 0 : i32
        %dma_start3A_966 = tpu.memref_slice %arg3[%dma_start3A_964, %dma_start3A_965] : memref<1000x64xf32, #tpu.memory_space<hbm>> -> memref<1000x64xf32, #tpu.memory_space<hbm>>
        tpu.enqueue_indirect_dma source(%dma_start3A_966 : memref<1000x64xf32, #tpu.memory_space<hbm>>) target(%arg17 : memref<128x64xf32, #tpu.memory_space<vmem>>) offsets(%dma_start3A_963 : memref<128xi32, #tpu.memory_space<vmem>>) semaphore(%arg26 : memref<!tpu.dma_semaphore, #tpu.memory_space<semaphore_mem>>) {add = true}
        %dma_start3A_967 = arith.constant 2 : i32
        %dma_start3A_968 = arith.constant 0 : i32
        %dma_start3A_969 = tpu.memref_slice %arg15[%dma_start3A_967, %dma_start3A_968] : memref<7x128xi32, #tpu.memory_space<vmem>> -> memref<1x128xi32, #tpu.memory_space<vmem>>
        %dma_start3A_970 = tpu.memref_squeeze %dma_start3A_969 : memref<1x128xi32, #tpu.memory_space<vmem>> -> memref<128xi32, #tpu.memory_space<vmem>>
        %dma_start3A_971 = arith.constant 0 : i32
        %dma_start3A_972 = arith.constant 0 : i32
        %dma_start3A_973 = tpu.memref_slice %arg2[%dma_start3A_971, %dma_start3A_972] : memref<1000x64xf32, #tpu.memory_space<hbm>> -> memref<1000x64xf32, #tpu.memory_space<hbm>>
        tpu.enqueue_indirect_dma source(%dma_start3A_973 : memref<1000x64xf32, #tpu.memory_space<hbm>>) target(%arg17 : memref<128x64xf32, #tpu.memory_space<vmem>>) offsets(%dma_start3A_970 : memref<128xi32, #tpu.memory_space<vmem>>) semaphore(%arg26 : memref<!tpu.dma_semaphore, #tpu.memory_space<semaphore_mem>>) {add = true}
        %dma_start3A_974 = arith.constant 3 : i32
        %dma_start3A_975 = arith.constant 0 : i32
        %dma_start3A_976 = tpu.memref_slice %arg15[%dma_start3A_974, %dma_start3A_975] : memref<7x128xi32, #tpu.memory_space<vmem>> -> memref<1x128xi32, #tpu.memory_space<vmem>>
        %dma_start3A_977 = tpu.memref_squeeze %dma_start3A_976 : memref<1x128xi32, #tpu.memory_space<vmem>> -> memref<128xi32, #tpu.memory_space<vmem>>
        %dma_start3A_978 = arith.constant 0 : i32
        %dma_start3A_979 = arith.constant 0 : i32
        %dma_start3A_980 = tpu.memref_slice %arg3[%dma_start3A_978, %dma_start3A_979] : memref<1000x64xf32, #tpu.memory_space<hbm>> -> memref<1000x64xf32, #tpu.memory_space<hbm>>
        tpu.enqueue_indirect_dma source(%dma_start3A_980 : memref<1000x64xf32, #tpu.memory_space<hbm>>) target(%arg17 : memref<128x64xf32, #tpu.memory_space<vmem>>) offsets(%dma_start3A_977 : memref<128xi32, #tpu.memory_space<vmem>>) semaphore(%arg26 : memref<!tpu.dma_semaphore, #tpu.memory_space<semaphore_mem>>) {add = true}
        %dma_start3A_981 = arith.constant 4 : i32
        %dma_start3A_982 = arith.constant 0 : i32
        %dma_start3A_983 = tpu.memref_slice %arg15[%dma_start3A_981, %dma_start3A_982] : memref<7x128xi32, #tpu.memory_space<vmem>> -> memref<1x128xi32, #tpu.memory_space<vmem>>
        %dma_start3A_984 = tpu.memref_squeeze %dma_start3A_983 : memref<1x128xi32, #tpu.memory_space<vmem>> -> memref<128xi32, #tpu.memory_space<vmem>>
        %dma_start3A_985 = arith.constant 0 : i32
        %dma_start3A_986 = arith.constant 0 : i32
        %dma_start3A_987 = tpu.memref_slice %arg4[%dma_start3A_985, %dma_start3A_986] : memref<1000x64xf32, #tpu.memory_space<hbm>> -> memref<1000x64xf32, #tpu.memory_space<hbm>>
        tpu.enqueue_indirect_dma source(%dma_start3A_987 : memref<1000x64xf32, #tpu.memory_space<hbm>>) target(%arg17 : memref<128x64xf32, #tpu.memory_space<vmem>>) offsets(%dma_start3A_984 : memref<128xi32, #tpu.memory_space<vmem>>) semaphore(%arg26 : memref<!tpu.dma_semaphore, #tpu.memory_space<semaphore_mem>>) {add = true}
        %dma_start3A_988 = arith.constant 5 : i32
        %dma_start3A_989 = arith.constant 0 : i32
        %dma_start3A_990 = tpu.memref_slice %arg15[%dma_start3A_988, %dma_start3A_989] : memref<7x128xi32, #tpu.memory_space<vmem>> -> memref<1x128xi32, #tpu.memory_space<vmem>>
        %dma_start3A_991 = tpu.memref_squeeze %dma_start3A_990 : memref<1x128xi32, #tpu.memory_space<vmem>> -> memref<128xi32, #tpu.memory_space<vmem>>
        %dma_start3A_992 = arith.constant 0 : i32
        %dma_start3A_993 = arith.constant 0 : i32
        %dma_start3A_994 = tpu.memref_slice %arg5[%dma_start3A_992, %dma_start3A_993] : memref<1000x64xf32, #tpu.memory_space<hbm>> -> memref<1000x64xf32, #tpu.memory_space<hbm>>
        tpu.enqueue_indirect_dma source(%dma_start3A_994 : memref<1000x64xf32, #tpu.memory_space<hbm>>) target(%arg17 : memref<128x64xf32, #tpu.memory_space<vmem>>) offsets(%dma_start3A_991 : memref<128xi32, #tpu.memory_space<vmem>>) semaphore(%arg26 : memref<!tpu.dma_semaphore, #tpu.memory_space<semaphore_mem>>) {add = true}
      } else {
      }
      %scan3A_725 = arith.constant 0 : i32
      %scan3A_726 = arith.constant 0 : i32
      %scan3A_727 = arith.constant 128 : i32
      %scan3A_728 = arith.addi %scan3A_726, %scan3A_727 : i32
      %scan3A_729 = arith.constant 4 : i32
      scf.for %scan3A_953 = %scan3A_726 to %scan3A_728 step %scan3A_729  : i32 {
        %get3A = arith.index_cast %scan3A_953 : i32 to index
        %get3A_954 = arith.constant 0 : index
        %get3A_955 = tpu.vector_load %arg20[%get3A, %get3A_954] {strides = array<i32>} : memref<128x64xf32, #tpu.memory_space<vmem>>, vector<16xf32>,
        %get3A_956 = arith.index_cast %scan3A_953 : i32 to index
        %get3A_957 = arith.constant 0 : index
        %get3A_958 = tpu.vector_load %arg18[%get3A_956, %get3A_957] {strides = array<i32>} : memref<128x64xf32, #tpu.memory_space<vmem>>, vector<16xf32>,
        %max3A = arith.constant 0.000000e+00 : f32
        %max3A_959 = vector.broadcast %max3A : f32 to vector<16xf32>
        %max3A_960 = arith.maximumf %get3A_958, %max3A_959 : vector<16xf32>
        %add3A_961 = arith.addf %get3A_955, %max3A_960 : vector<16xf32>
        %add3A_962 = arith.constant 0 : i32
        %add3A_963 = vector.broadcast %add3A_962 : i32 to vector<16xi32>
        %add3A_964 = arith.addi %add3A_963, %iota3A : vector<16xi32>
        %mul3A_965 = arith.constant 0 : i32
        %mul3A_966 = vector.broadcast %mul3A_965 : i32 to vector<16xi32>
        %mul3A_967 = arith.muli %iota3A, %mul3A_966 : vector<16xi32>
        %add3A_968 = vector.broadcast %scan3A_953 : i32 to vector<16xi32>
        %add3A_969 = arith.addi %mul3A_967, %add3A_968 : vector<16xi32>
        tpu.vector_store_idx %arg21[%add3A_964, %add3A_969], %add3A_961 : memref<64x129xf32, #tpu.memory_space<vmem>>[vector<16xi32>, vector<16xi32>], vector<16xf32>,
        %get3A_970 = arith.index_cast %scan3A_953 : i32 to index
        %get3A_971 = arith.constant 16 : index
        %get3A_972 = tpu.vector_load %arg20[%get3A_970, %get3A_971] {strides = array<i32>} : memref<128x64xf32, #tpu.memory_space<vmem>>, vector<16xf32>,
        %get3A_973 = arith.index_cast %scan3A_953 : i32 to index
        %get3A_974 = arith.constant 16 : index
        %get3A_975 = tpu.vector_load %arg18[%get3A_973, %get3A_974] {strides = array<i32>} : memref<128x64xf32, #tpu.memory_space<vmem>>, vector<16xf32>,
        %max3A_976 = arith.constant 0.000000e+00 : f32
        %max3A_977 = vector.broadcast %max3A_976 : f32 to vector<16xf32>
        %max3A_978 = arith.maximumf %get3A_975, %max3A_977 : vector<16xf32>
        %add3A_979 = arith.addf %get3A_972, %max3A_978 : vector<16xf32>
        %add3A_980 = arith.constant 16 : i32
        %add3A_981 = vector.broadcast %add3A_980 : i32 to vector<16xi32>
        %add3A_982 = arith.addi %add3A_981, %iota3A : vector<16xi32>
        %mul3A_983 = arith.constant 0 : i32
        %mul3A_984 = vector.broadcast %mul3A_983 : i32 to vector<16xi32>
        %mul3A_985 = arith.muli %iota3A, %mul3A_984 : vector<16xi32>
        %add3A_986 = vector.broadcast %scan3A_953 : i32 to vector<16xi32>
        %add3A_987 = arith.addi %mul3A_985, %add3A_986 : vector<16xi32>
        tpu.vector_store_idx %arg21[%add3A_982, %add3A_987], %add3A_979 : memref<64x129xf32, #tpu.memory_space<vmem>>[vector<16xi32>, vector<16xi32>], vector<16xf32>,
        %get3A_988 = arith.index_cast %scan3A_953 : i32 to index
        %get3A_989 = arith.constant 32 : index
        %get3A_990 = tpu.vector_load %arg20[%get3A_988, %get3A_989] {strides = array<i32>} : memref<128x64xf32, #tpu.memory_space<vmem>>, vector<16xf32>,
        %get3A_991 = arith.index_cast %scan3A_953 : i32 to index
        %get3A_992 = arith.constant 32 : index
        %get3A_993 = tpu.vector_load %arg18[%get3A_991, %get3A_992] {strides = array<i32>} : memref<128x64xf32, #tpu.memory_space<vmem>>, vector<16xf32>,
        %max3A_994 = arith.constant 0.000000e+00 : f32
        %max3A_995 = vector.broadcast %max3A_994 : f32 to vector<16xf32>
        %max3A_996 = arith.maximumf %get3A_993, %max3A_995 : vector<16xf32>
        %add3A_997 = arith.addf %get3A_990, %max3A_996 : vector<16xf32>
        %add3A_998 = arith.constant 32 : i32
        %add3A_999 = vector.broadcast %add3A_998 : i32 to vector<16xi32>
        %add3A_1000 = arith.addi %add3A_999, %iota3A : vector<16xi32>
        %mul3A_1001 = arith.constant 0 : i32
        %mul3A_1002 = vector.broadcast %mul3A_1001 : i32 to vector<16xi32>
        %mul3A_1003 = arith.muli %iota3A, %mul3A_1002 : vector<16xi32>
        %add3A_1004 = vector.broadcast %scan3A_953 : i32 to vector<16xi32>
        %add3A_1005 = arith.addi %mul3A_1003, %add3A_1004 : vector<16xi32>
        tpu.vector_store_idx %arg21[%add3A_1000, %add3A_1005], %add3A_997 : memref<64x129xf32, #tpu.memory_space<vmem>>[vector<16xi32>, vector<16xi32>], vector<16xf32>,
        %get3A_1006 = arith.index_cast %scan3A_953 : i32 to index
        %get3A_1007 = arith.constant 48 : index
        %get3A_1008 = tpu.vector_load %arg20[%get3A_1006, %get3A_1007] {strides = array<i32>} : memref<128x64xf32, #tpu.memory_space<vmem>>, vector<16xf32>,
        %get3A_1009 = arith.index_cast %scan3A_953 : i32 to index
        %get3A_1010 = arith.constant 48 : index
        %get3A_1011 = tpu.vector_load %arg18[%get3A_1009, %get3A_1010] {strides = array<i32>} : memref<128x64xf32, #tpu.memory_space<vmem>>, vector<16xf32>,
        %max3A_1012 = arith.constant 0.000000e+00 : f32
        %max3A_1013 = vector.broadcast %max3A_1012 : f32 to vector<16xf32>
        %max3A_1014 = arith.maximumf %get3A_1011, %max3A_1013 : vector<16xf32>
        %add3A_1015 = arith.addf %get3A_1008, %max3A_1014 : vector<16xf32>
        %add3A_1016 = arith.constant 48 : i32
        %add3A_1017 = vector.broadcast %add3A_1016 : i32 to vector<16xi32>
        %add3A_1018 = arith.addi %add3A_1017, %iota3A : vector<16xi32>
        %mul3A_1019 = arith.constant 0 : i32
        %mul3A_1020 = vector.broadcast %mul3A_1019 : i32 to vector<16xi32>
        %mul3A_1021 = arith.muli %iota3A, %mul3A_1020 : vector<16xi32>
        %add3A_1022 = vector.broadcast %scan3A_953 : i32 to vector<16xi32>
        %add3A_1023 = arith.addi %mul3A_1021, %add3A_1022 : vector<16xi32>
        tpu.vector_store_idx %arg21[%add3A_1018, %add3A_1023], %add3A_1015 : memref<64x129xf32, #tpu.memory_space<vmem>>[vector<16xi32>, vector<16xi32>], vector<16xf32>,
        %scan3A_1024 = arith.constant 1 : i32
        %scan3A_1025 = arith.addi %scan3A_953, %scan3A_1024 : i32
        %get3A_1026 = arith.index_cast %scan3A_1025 : i32 to index
        %get3A_1027 = arith.constant 0 : index
        %get3A_1028 = tpu.vector_load %arg20[%get3A_1026, %get3A_1027] {strides = array<i32>} : memref<128x64xf32, #tpu.memory_space<vmem>>, vector<16xf32>,
        %get3A_1029 = arith.index_cast %scan3A_1025 : i32 to index
        %get3A_1030 = arith.constant 0 : index
        %get3A_1031 = tpu.vector_load %arg18[%get3A_1029, %get3A_1030] {strides = array<i32>} : memref<128x64xf32, #tpu.memory_space<vmem>>, vector<16xf32>,
        %max3A_1032 = arith.constant 0.000000e+00 : f32
        %max3A_1033 = vector.broadcast %max3A_1032 : f32 to vector<16xf32>
        %max3A_1034 = arith.maximumf %get3A_1031, %max3A_1033 : vector<16xf32>
        %add3A_1035 = arith.addf %get3A_1028, %max3A_1034 : vector<16xf32>
        %add3A_1036 = arith.constant 0 : i32
        %add3A_1037 = vector.broadcast %add3A_1036 : i32 to vector<16xi32>
        %add3A_1038 = arith.addi %add3A_1037, %iota3A : vector<16xi32>
        %mul3A_1039 = arith.constant 0 : i32
        %mul3A_1040 = vector.broadcast %mul3A_1039 : i32 to vector<16xi32>
        %mul3A_1041 = arith.muli %iota3A, %mul3A_1040 : vector<16xi32>
        %add3A_1042 = vector.broadcast %scan3A_1025 : i32 to vector<16xi32>
        %add3A_1043 = arith.addi %mul3A_1041, %add3A_1042 : vector<16xi32>
        tpu.vector_store_idx %arg21[%add3A_1038, %add3A_1043], %add3A_1035 : memref<64x129xf32, #tpu.memory_space<vmem>>[vector<16xi32>, vector<16xi32>], vector<16xf32>,
        %get3A_1044 = arith.index_cast %scan3A_1025 : i32 to index
        %get3A_1045 = arith.constant 16 : index
        %get3A_1046 = tpu.vector_load %arg20[%get3A_1044, %get3A_1045] {strides = array<i32>} : memref<128x64xf32, #tpu.memory_space<vmem>>, vector<16xf32>,
        %get3A_1047 = arith.index_cast %scan3A_1025 : i32 to index
        %get3A_1048 = arith.constant 16 : index
        %get3A_1049 = tpu.vector_load %arg18[%get3A_1047, %get3A_1048] {strides = array<i32>} : memref<128x64xf32, #tpu.memory_space<vmem>>, vector<16xf32>,
        %max3A_1050 = arith.constant 0.000000e+00 : f32
        %max3A_1051 = vector.broadcast %max3A_1050 : f32 to vector<16xf32>
        %max3A_1052 = arith.maximumf %get3A_1049, %max3A_1051 : vector<16xf32>
        %add3A_1053 = arith.addf %get3A_1046, %max3A_1052 : vector<16xf32>
        %add3A_1054 = arith.constant 16 : i32
        %add3A_1055 = vector.broadcast %add3A_1054 : i32 to vector<16xi32>
        %add3A_1056 = arith.addi %add3A_1055, %iota3A : vector<16xi32>
        %mul3A_1057 = arith.constant 0 : i32
        %mul3A_1058 = vector.broadcast %mul3A_1057 : i32 to vector<16xi32>
        %mul3A_1059 = arith.muli %iota3A, %mul3A_1058 : vector<16xi32>
        %add3A_1060 = vector.broadcast %scan3A_1025 : i32 to vector<16xi32>
        %add3A_1061 = arith.addi %mul3A_1059, %add3A_1060 : vector<16xi32>
        tpu.vector_store_idx %arg21[%add3A_1056, %add3A_1061], %add3A_1053 : memref<64x129xf32, #tpu.memory_space<vmem>>[vector<16xi32>, vector<16xi32>], vector<16xf32>,
        %get3A_1062 = arith.index_cast %scan3A_1025 : i32 to index
        %get3A_1063 = arith.constant 32 : index
        %get3A_1064 = tpu.vector_load %arg20[%get3A_1062, %get3A_1063] {strides = array<i32>} : memref<128x64xf32, #tpu.memory_space<vmem>>, vector<16xf32>,
        %get3A_1065 = arith.index_cast %scan3A_1025 : i32 to index
        %get3A_1066 = arith.constant 32 : index
        %get3A_1067 = tpu.vector_load %arg18[%get3A_1065, %get3A_1066] {strides = array<i32>} : memref<128x64xf32, #tpu.memory_space<vmem>>, vector<16xf32>,
        %max3A_1068 = arith.constant 0.000000e+00 : f32
        %max3A_1069 = vector.broadcast %max3A_1068 : f32 to vector<16xf32>
        %max3A_1070 = arith.maximumf %get3A_1067, %max3A_1069 : vector<16xf32>
        %add3A_1071 = arith.addf %get3A_1064, %max3A_1070 : vector<16xf32>
        %add3A_1072 = arith.constant 32 : i32
        %add3A_1073 = vector.broadcast %add3A_1072 : i32 to vector<16xi32>
        %add3A_1074 = arith.addi %add3A_1073, %iota3A : vector<16xi32>
        %mul3A_1075 = arith.constant 0 : i32
        %mul3A_1076 = vector.broadcast %mul3A_1075 : i32 to vector<16xi32>
        %mul3A_1077 = arith.muli %iota3A, %mul3A_1076 : vector<16xi32>
        %add3A_1078 = vector.broadcast %scan3A_1025 : i32 to vector<16xi32>
        %add3A_1079 = arith.addi %mul3A_1077, %add3A_1078 : vector<16xi32>
        tpu.vector_store_idx %arg21[%add3A_1074, %add3A_1079], %add3A_1071 : memref<64x129xf32, #tpu.memory_space<vmem>>[vector<16xi32>, vector<16xi32>], vector<16xf32>,
        %get3A_1080 = arith.index_cast %scan3A_1025 : i32 to index
        %get3A_1081 = arith.constant 48 : index
        %get3A_1082 = tpu.vector_load %arg20[%get3A_1080, %get3A_1081] {strides = array<i32>} : memref<128x64xf32, #tpu.memory_space<vmem>>, vector<16xf32>,
        %get3A_1083 = arith.index_cast %scan3A_1025 : i32 to index
        %get3A_1084 = arith.constant 48 : index
        %get3A_1085 = tpu.vector_load %arg18[%get3A_1083, %get3A_1084] {strides = array<i32>} : memref<128x64xf32, #tpu.memory_space<vmem>>, vector<16xf32>,
        %max3A_1086 = arith.constant 0.000000e+00 : f32
        %max3A_1087 = vector.broadcast %max3A_1086 : f32 to vector<16xf32>
        %max3A_1088 = arith.maximumf %get3A_1085, %max3A_1087 : vector<16xf32>
        %add3A_1089 = arith.addf %get3A_1082, %max3A_1088 : vector<16xf32>
        %add3A_1090 = arith.constant 48 : i32
        %add3A_1091 = vector.broadcast %add3A_1090 : i32 to vector<16xi32>
        %add3A_1092 = arith.addi %add3A_1091, %iota3A : vector<16xi32>
        %mul3A_1093 = arith.constant 0 : i32
        %mul3A_1094 = vector.broadcast %mul3A_1093 : i32 to vector<16xi32>
        %mul3A_1095 = arith.muli %iota3A, %mul3A_1094 : vector<16xi32>
        %add3A_1096 = vector.broadcast %scan3A_1025 : i32 to vector<16xi32>
        %add3A_1097 = arith.addi %mul3A_1095, %add3A_1096 : vector<16xi32>
        tpu.vector_store_idx %arg21[%add3A_1092, %add3A_1097], %add3A_1089 : memref<64x129xf32, #tpu.memory_space<vmem>>[vector<16xi32>, vector<16xi32>], vector<16xf32>,
        %scan3A_1098 = arith.constant 2 : i32
        %scan3A_1099 = arith.addi %scan3A_953, %scan3A_1098 : i32
        %get3A_1100 = arith.index_cast %scan3A_1099 : i32 to index
        %get3A_1101 = arith.constant 0 : index
        %get3A_1102 = tpu.vector_load %arg20[%get3A_1100, %get3A_1101] {strides = array<i32>} : memref<128x64xf32, #tpu.memory_space<vmem>>, vector<16xf32>,
        %get3A_1103 = arith.index_cast %scan3A_1099 : i32 to index
        %get3A_1104 = arith.constant 0 : index
        %get3A_1105 = tpu.vector_load %arg18[%get3A_1103, %get3A_1104] {strides = array<i32>} : memref<128x64xf32, #tpu.memory_space<vmem>>, vector<16xf32>,
        %max3A_1106 = arith.constant 0.000000e+00 : f32
        %max3A_1107 = vector.broadcast %max3A_1106 : f32 to vector<16xf32>
        %max3A_1108 = arith.maximumf %get3A_1105, %max3A_1107 : vector<16xf32>
        %add3A_1109 = arith.addf %get3A_1102, %max3A_1108 : vector<16xf32>
        %add3A_1110 = arith.constant 0 : i32
        %add3A_1111 = vector.broadcast %add3A_1110 : i32 to vector<16xi32>
        %add3A_1112 = arith.addi %add3A_1111, %iota3A : vector<16xi32>
        %mul3A_1113 = arith.constant 0 : i32
        %mul3A_1114 = vector.broadcast %mul3A_1113 : i32 to vector<16xi32>
        %mul3A_1115 = arith.muli %iota3A, %mul3A_1114 : vector<16xi32>
        %add3A_1116 = vector.broadcast %scan3A_1099 : i32 to vector<16xi32>
        %add3A_1117 = arith.addi %mul3A_1115, %add3A_1116 : vector<16xi32>
        tpu.vector_store_idx %arg21[%add3A_1112, %add3A_1117], %add3A_1109 : memref<64x129xf32, #tpu.memory_space<vmem>>[vector<16xi32>, vector<16xi32>], vector<16xf32>,
        %get3A_1118 = arith.index_cast %scan3A_1099 : i32 to index
        %get3A_1119 = arith.constant 16 : index
        %get3A_1120 = tpu.vector_load %arg20[%get3A_1118, %get3A_1119] {strides = array<i32>} : memref<128x64xf32, #tpu.memory_space<vmem>>, vector<16xf32>,
        %get3A_1121 = arith.index_cast %scan3A_1099 : i32 to index
        %get3A_1122 = arith.constant 16 : index
        %get3A_1123 = tpu.vector_load %arg18[%get3A_1121, %get3A_1122] {strides = array<i32>} : memref<128x64xf32, #tpu.memory_space<vmem>>, vector<16xf32>,
        %max3A_1124 = arith.constant 0.000000e+00 : f32
        %max3A_1125 = vector.broadcast %max3A_1124 : f32 to vector<16xf32>
        %max3A_1126 = arith.maximumf %get3A_1123, %max3A_1125 : vector<16xf32>
        %add3A_1127 = arith.addf %get3A_1120, %max3A_1126 : vector<16xf32>
        %add3A_1128 = arith.constant 16 : i32
        %add3A_1129 = vector.broadcast %add3A_1128 : i32 to vector<16xi32>
        %add3A_1130 = arith.addi %add3A_1129, %iota3A : vector<16xi32>
        %mul3A_1131 = arith.constant 0 : i32
        %mul3A_1132 = vector.broadcast %mul3A_1131 : i32 to vector<16xi32>
        %mul3A_1133 = arith.muli %iota3A, %mul3A_1132 : vector<16xi32>
        %add3A_1134 = vector.broadcast %scan3A_1099 : i32 to vector<16xi32>
        %add3A_1135 = arith.addi %mul3A_1133, %add3A_1134 : vector<16xi32>
        tpu.vector_store_idx %arg21[%add3A_1130, %add3A_1135], %add3A_1127 : memref<64x129xf32, #tpu.memory_space<vmem>>[vector<16xi32>, vector<16xi32>], vector<16xf32>,
        %get3A_1136 = arith.index_cast %scan3A_1099 : i32 to index
        %get3A_1137 = arith.constant 32 : index
        %get3A_1138 = tpu.vector_load %arg20[%get3A_1136, %get3A_1137] {strides = array<i32>} : memref<128x64xf32, #tpu.memory_space<vmem>>, vector<16xf32>,
        %get3A_1139 = arith.index_cast %scan3A_1099 : i32 to index
        %get3A_1140 = arith.constant 32 : index
        %get3A_1141 = tpu.vector_load %arg18[%get3A_1139, %get3A_1140] {strides = array<i32>} : memref<128x64xf32, #tpu.memory_space<vmem>>, vector<16xf32>,
        %max3A_1142 = arith.constant 0.000000e+00 : f32
        %max3A_1143 = vector.broadcast %max3A_1142 : f32 to vector<16xf32>
        %max3A_1144 = arith.maximumf %get3A_1141, %max3A_1143 : vector<16xf32>
        %add3A_1145 = arith.addf %get3A_1138, %max3A_1144 : vector<16xf32>
        %add3A_1146 = arith.constant 32 : i32
        %add3A_1147 = vector.broadcast %add3A_1146 : i32 to vector<16xi32>
        %add3A_1148 = arith.addi %add3A_1147, %iota3A : vector<16xi32>
        %mul3A_1149 = arith.constant 0 : i32
        %mul3A_1150 = vector.broadcast %mul3A_1149 : i32 to vector<16xi32>
        %mul3A_1151 = arith.muli %iota3A, %mul3A_1150 : vector<16xi32>
        %add3A_1152 = vector.broadcast %scan3A_1099 : i32 to vector<16xi32>
        %add3A_1153 = arith.addi %mul3A_1151, %add3A_1152 : vector<16xi32>
        tpu.vector_store_idx %arg21[%add3A_1148, %add3A_1153], %add3A_1145 : memref<64x129xf32, #tpu.memory_space<vmem>>[vector<16xi32>, vector<16xi32>], vector<16xf32>,
        %get3A_1154 = arith.index_cast %scan3A_1099 : i32 to index
        %get3A_1155 = arith.constant 48 : index
        %get3A_1156 = tpu.vector_load %arg20[%get3A_1154, %get3A_1155] {strides = array<i32>} : memref<128x64xf32, #tpu.memory_space<vmem>>, vector<16xf32>,
        %get3A_1157 = arith.index_cast %scan3A_1099 : i32 to index
        %get3A_1158 = arith.constant 48 : index
        %get3A_1159 = tpu.vector_load %arg18[%get3A_1157, %get3A_1158] {strides = array<i32>} : memref<128x64xf32, #tpu.memory_space<vmem>>, vector<16xf32>,
        %max3A_1160 = arith.constant 0.000000e+00 : f32
        %max3A_1161 = vector.broadcast %max3A_1160 : f32 to vector<16xf32>
        %max3A_1162 = arith.maximumf %get3A_1159, %max3A_1161 : vector<16xf32>
        %add3A_1163 = arith.addf %get3A_1156, %max3A_1162 : vector<16xf32>
        %add3A_1164 = arith.constant 48 : i32
        %add3A_1165 = vector.broadcast %add3A_1164 : i32 to vector<16xi32>
        %add3A_1166 = arith.addi %add3A_1165, %iota3A : vector<16xi32>
        %mul3A_1167 = arith.constant 0 : i32
        %mul3A_1168 = vector.broadcast %mul3A_1167 : i32 to vector<16xi32>
        %mul3A_1169 = arith.muli %iota3A, %mul3A_1168 : vector<16xi32>
        %add3A_1170 = vector.broadcast %scan3A_1099 : i32 to vector<16xi32>
        %add3A_1171 = arith.addi %mul3A_1169, %add3A_1170 : vector<16xi32>
        tpu.vector_store_idx %arg21[%add3A_1166, %add3A_1171], %add3A_1163 : memref<64x129xf32, #tpu.memory_space<vmem>>[vector<16xi32>, vector<16xi32>], vector<16xf32>,
        %scan3A_1172 = arith.constant 3 : i32
        %scan3A_1173 = arith.addi %scan3A_953, %scan3A_1172 : i32
        %get3A_1174 = arith.index_cast %scan3A_1173 : i32 to index
        %get3A_1175 = arith.constant 0 : index
        %get3A_1176 = tpu.vector_load %arg20[%get3A_1174, %get3A_1175] {strides = array<i32>} : memref<128x64xf32, #tpu.memory_space<vmem>>, vector<16xf32>,
        %get3A_1177 = arith.index_cast %scan3A_1173 : i32 to index
        %get3A_1178 = arith.constant 0 : index
        %get3A_1179 = tpu.vector_load %arg18[%get3A_1177, %get3A_1178] {strides = array<i32>} : memref<128x64xf32, #tpu.memory_space<vmem>>, vector<16xf32>,
        %max3A_1180 = arith.constant 0.000000e+00 : f32
        %max3A_1181 = vector.broadcast %max3A_1180 : f32 to vector<16xf32>
        %max3A_1182 = arith.maximumf %get3A_1179, %max3A_1181 : vector<16xf32>
        %add3A_1183 = arith.addf %get3A_1176, %max3A_1182 : vector<16xf32>
        %add3A_1184 = arith.constant 0 : i32
        %add3A_1185 = vector.broadcast %add3A_1184 : i32 to vector<16xi32>
        %add3A_1186 = arith.addi %add3A_1185, %iota3A : vector<16xi32>
        %mul3A_1187 = arith.constant 0 : i32
        %mul3A_1188 = vector.broadcast %mul3A_1187 : i32 to vector<16xi32>
        %mul3A_1189 = arith.muli %iota3A, %mul3A_1188 : vector<16xi32>
        %add3A_1190 = vector.broadcast %scan3A_1173 : i32 to vector<16xi32>
        %add3A_1191 = arith.addi %mul3A_1189, %add3A_1190 : vector<16xi32>
        tpu.vector_store_idx %arg21[%add3A_1186, %add3A_1191], %add3A_1183 : memref<64x129xf32, #tpu.memory_space<vmem>>[vector<16xi32>, vector<16xi32>], vector<16xf32>,
        %get3A_1192 = arith.index_cast %scan3A_1173 : i32 to index
        %get3A_1193 = arith.constant 16 : index
        %get3A_1194 = tpu.vector_load %arg20[%get3A_1192, %get3A_1193] {strides = array<i32>} : memref<128x64xf32, #tpu.memory_space<vmem>>, vector<16xf32>,
        %get3A_1195 = arith.index_cast %scan3A_1173 : i32 to index
        %get3A_1196 = arith.constant 16 : index
        %get3A_1197 = tpu.vector_load %arg18[%get3A_1195, %get3A_1196] {strides = array<i32>} : memref<128x64xf32, #tpu.memory_space<vmem>>, vector<16xf32>,
        %max3A_1198 = arith.constant 0.000000e+00 : f32
        %max3A_1199 = vector.broadcast %max3A_1198 : f32 to vector<16xf32>
        %max3A_1200 = arith.maximumf %get3A_1197, %max3A_1199 : vector<16xf32>
        %add3A_1201 = arith.addf %get3A_1194, %max3A_1200 : vector<16xf32>
        %add3A_1202 = arith.constant 16 : i32
        %add3A_1203 = vector.broadcast %add3A_1202 : i32 to vector<16xi32>
        %add3A_1204 = arith.addi %add3A_1203, %iota3A : vector<16xi32>
        %mul3A_1205 = arith.constant 0 : i32
        %mul3A_1206 = vector.broadcast %mul3A_1205 : i32 to vector<16xi32>
        %mul3A_1207 = arith.muli %iota3A, %mul3A_1206 : vector<16xi32>
        %add3A_1208 = vector.broadcast %scan3A_1173 : i32 to vector<16xi32>
        %add3A_1209 = arith.addi %mul3A_1207, %add3A_1208 : vector<16xi32>
        tpu.vector_store_idx %arg21[%add3A_1204, %add3A_1209], %add3A_1201 : memref<64x129xf32, #tpu.memory_space<vmem>>[vector<16xi32>, vector<16xi32>], vector<16xf32>,
        %get3A_1210 = arith.index_cast %scan3A_1173 : i32 to index
        %get3A_1211 = arith.constant 32 : index
        %get3A_1212 = tpu.vector_load %arg20[%get3A_1210, %get3A_1211] {strides = array<i32>} : memref<128x64xf32, #tpu.memory_space<vmem>>, vector<16xf32>,
        %get3A_1213 = arith.index_cast %scan3A_1173 : i32 to index
        %get3A_1214 = arith.constant 32 : index
        %get3A_1215 = tpu.vector_load %arg18[%get3A_1213, %get3A_1214] {strides = array<i32>} : memref<128x64xf32, #tpu.memory_space<vmem>>, vector<16xf32>,
        %max3A_1216 = arith.constant 0.000000e+00 : f32
        %max3A_1217 = vector.broadcast %max3A_1216 : f32 to vector<16xf32>
        %max3A_1218 = arith.maximumf %get3A_1215, %max3A_1217 : vector<16xf32>
        %add3A_1219 = arith.addf %get3A_1212, %max3A_1218 : vector<16xf32>
        %add3A_1220 = arith.constant 32 : i32
        %add3A_1221 = vector.broadcast %add3A_1220 : i32 to vector<16xi32>
        %add3A_1222 = arith.addi %add3A_1221, %iota3A : vector<16xi32>
        %mul3A_1223 = arith.constant 0 : i32
        %mul3A_1224 = vector.broadcast %mul3A_1223 : i32 to vector<16xi32>
        %mul3A_1225 = arith.muli %iota3A, %mul3A_1224 : vector<16xi32>
        %add3A_1226 = vector.broadcast %scan3A_1173 : i32 to vector<16xi32>
        %add3A_1227 = arith.addi %mul3A_1225, %add3A_1226 : vector<16xi32>
        tpu.vector_store_idx %arg21[%add3A_1222, %add3A_1227], %add3A_1219 : memref<64x129xf32, #tpu.memory_space<vmem>>[vector<16xi32>, vector<16xi32>], vector<16xf32>,
        %get3A_1228 = arith.index_cast %scan3A_1173 : i32 to index
        %get3A_1229 = arith.constant 48 : index
        %get3A_1230 = tpu.vector_load %arg20[%get3A_1228, %get3A_1229] {strides = array<i32>} : memref<128x64xf32, #tpu.memory_space<vmem>>, vector<16xf32>,
        %get3A_1231 = arith.index_cast %scan3A_1173 : i32 to index
        %get3A_1232 = arith.constant 48 : index
        %get3A_1233 = tpu.vector_load %arg18[%get3A_1231, %get3A_1232] {strides = array<i32>} : memref<128x64xf32, #tpu.memory_space<vmem>>, vector<16xf32>,
        %max3A_1234 = arith.constant 0.000000e+00 : f32
        %max3A_1235 = vector.broadcast %max3A_1234 : f32 to vector<16xf32>
        %max3A_1236 = arith.maximumf %get3A_1233, %max3A_1235 : vector<16xf32>
        %add3A_1237 = arith.addf %get3A_1230, %max3A_1236 : vector<16xf32>
        %add3A_1238 = arith.constant 48 : i32
        %add3A_1239 = vector.broadcast %add3A_1238 : i32 to vector<16xi32>
        %add3A_1240 = arith.addi %add3A_1239, %iota3A : vector<16xi32>
        %mul3A_1241 = arith.constant 0 : i32
        %mul3A_1242 = vector.broadcast %mul3A_1241 : i32 to vector<16xi32>
        %mul3A_1243 = arith.muli %iota3A, %mul3A_1242 : vector<16xi32>
        %add3A_1244 = vector.broadcast %scan3A_1173 : i32 to vector<16xi32>
        %add3A_1245 = arith.addi %mul3A_1243, %add3A_1244 : vector<16xi32>
        tpu.vector_store_idx %arg21[%add3A_1240, %add3A_1245], %add3A_1237 : memref<64x129xf32, #tpu.memory_space<vmem>>[vector<16xi32>, vector<16xi32>], vector<16xf32>,
      }
      %scan3A_730 = arith.constant 128 : i32
      %mul3A_731 = arith.constant 200 : i32
      %mul3A_732 = arith.muli %add3A, %mul3A_731 : i32
      %add3A_733 = arith.addi %mul3A_732, %add3A_656 : i32
      %jit3A_734 = arith.constant 256 : i32
      %div3A_735 = arith.divsi %add3A_733, %jit3A_734 : i32
      %sign3A_736 = arith.constant 0 : i32
      %sign3A_737 = arith.cmpi sgt, %add3A_733, %sign3A_736 : i32
      %sign3A_738 = arith.extui %sign3A_737 : i1 to i32
      %sign3A_739 = arith.constant 0 : i32
      %sign3A_740 = arith.cmpi slt, %add3A_733, %sign3A_739 : i32
      %sign3A_741 = arith.extui %sign3A_740 : i1 to i32
      %sign3A_742 = arith.subi %sign3A_738, %sign3A_741 : i32
      %sign3A_743 = arith.constant 0 : i32
      %sign3A_744 = arith.cmpi sgt, %jit3A_734, %sign3A_743 : i32
      %sign3A_745 = arith.extui %sign3A_744 : i1 to i32
      %sign3A_746 = arith.constant 0 : i32
      %sign3A_747 = arith.cmpi slt, %jit3A_734, %sign3A_746 : i32
      %sign3A_748 = arith.extui %sign3A_747 : i1 to i32
      %sign3A_749 = arith.subi %sign3A_745, %sign3A_748 : i32
      %ne3A_750 = arith.cmpi ne, %sign3A_742, %sign3A_749 : i32
      %rem3A_751 = arith.remsi %add3A_733, %jit3A_734 : i32
      %ne3A_752 = arith.constant 0 : i32
      %ne3A_753 = arith.cmpi ne, %rem3A_751, %ne3A_752 : i32
      %and3A_754 = arith.andi %ne3A_750, %ne3A_753 : i1
      %sub3A_755 = arith.constant 1 : i32
      %sub3A_756 = arith.subi %div3A_735, %sub3A_755 : i32
      %select_n3A_757 = arith.select %and3A_754, %sub3A_756, %div3A_735 : i32
      %jit3A_758 = arith.constant 256 : i32
      %eq3A_759 = arith.constant 0 : i32
      %eq3A_760 = arith.cmpi eq, %jit3A_758, %eq3A_759 : i32
      %jit3A_761 = arith.constant 1 : i32
      %select_n3A_762 = arith.select %eq3A_760, %jit3A_761, %jit3A_758 : i32
      %rem3A_763 = arith.remsi %add3A_733, %select_n3A_762 : i32
      %ne3A_764 = arith.constant 0 : i32
      %ne3A_765 = arith.cmpi ne, %rem3A_763, %ne3A_764 : i32
      %lt3A_766 = arith.constant 0 : i32
      %lt3A_767 = arith.cmpi slt, %rem3A_763, %lt3A_766 : i32
      %lt3A_768 = arith.constant 0 : i32
      %lt3A_769 = arith.cmpi slt, %select_n3A_762, %lt3A_768 : i32
      %ne3A_770 = arith.xori %lt3A_767, %lt3A_769 : i1
      %and3A_771 = arith.andi %ne3A_770, %ne3A_765 : i1
      %add3A_772 = arith.addi %rem3A_763, %select_n3A_762 : i32
      %select_n3A_773 = arith.select %and3A_771, %add3A_772, %rem3A_763 : i32
      %jit3A_774 = arith.constant 8 : i32
      %div3A_775 = arith.divsi %select_n3A_773, %jit3A_774 : i32
      %sign3A_776 = arith.constant 0 : i32
      %sign3A_777 = arith.cmpi sgt, %select_n3A_773, %sign3A_776 : i32
      %sign3A_778 = arith.extui %sign3A_777 : i1 to i32
      %sign3A_779 = arith.constant 0 : i32
      %sign3A_780 = arith.cmpi slt, %select_n3A_773, %sign3A_779 : i32
      %sign3A_781 = arith.extui %sign3A_780 : i1 to i32
      %sign3A_782 = arith.subi %sign3A_778, %sign3A_781 : i32
      %sign3A_783 = arith.constant 0 : i32
      %sign3A_784 = arith.cmpi sgt, %jit3A_774, %sign3A_783 : i32
      %sign3A_785 = arith.extui %sign3A_784 : i1 to i32
      %sign3A_786 = arith.constant 0 : i32
      %sign3A_787 = arith.cmpi slt, %jit3A_774, %sign3A_786 : i32
      %sign3A_788 = arith.extui %sign3A_787 : i1 to i32
      %sign3A_789 = arith.subi %sign3A_785, %sign3A_788 : i32
      %ne3A_790 = arith.cmpi ne, %sign3A_782, %sign3A_789 : i32
      %rem3A_791 = arith.remsi %select_n3A_773, %jit3A_774 : i32
      %ne3A_792 = arith.constant 0 : i32
      %ne3A_793 = arith.cmpi ne, %rem3A_791, %ne3A_792 : i32
      %and3A_794 = arith.andi %ne3A_790, %ne3A_793 : i1
      %sub3A_795 = arith.constant 1 : i32
      %sub3A_796 = arith.subi %div3A_775, %sub3A_795 : i32
      %select_n3A_797 = arith.select %and3A_794, %sub3A_796, %div3A_775 : i32
      %jit3A_798 = arith.constant 8 : i32
      %eq3A_799 = arith.constant 0 : i32
      %eq3A_800 = arith.cmpi eq, %jit3A_798, %eq3A_799 : i32
      %jit3A_801 = arith.constant 1 : i32
      %select_n3A_802 = arith.select %eq3A_800, %jit3A_801, %jit3A_798 : i32
      %rem3A_803 = arith.remsi %select_n3A_773, %select_n3A_802 : i32
      %ne3A_804 = arith.constant 0 : i32
      %ne3A_805 = arith.cmpi ne, %rem3A_803, %ne3A_804 : i32
      %lt3A_806 = arith.constant 0 : i32
      %lt3A_807 = arith.cmpi slt, %rem3A_803, %lt3A_806 : i32
      %lt3A_808 = arith.constant 0 : i32
      %lt3A_809 = arith.cmpi slt, %select_n3A_802, %lt3A_808 : i32
      %ne3A_810 = arith.xori %lt3A_807, %lt3A_809 : i1
      %and3A_811 = arith.andi %ne3A_810, %ne3A_805 : i1
      %add3A_812 = arith.addi %rem3A_803, %select_n3A_802 : i32
      %select_n3A_813 = arith.select %and3A_811, %add3A_812, %rem3A_803 : i32
      %mul3A_814 = arith.constant 8 : i32
      %mul3A_815 = arith.muli %select_n3A_757, %mul3A_814 : i32
      %add3A_816 = arith.addi %mul3A_815, %select_n3A_813 : i32
      %mul3A_817 = arith.constant 2048 : i32
      %mul3A_818 = arith.muli %add3A_816, %mul3A_817 : i32
      %add3A_819 = arith.constant 0 : i32
      %add3A_820 = arith.addi %mul3A_818, %add3A_819 : i32
      %mul3A_821 = arith.constant 8 : i32
      %mul3A_822 = arith.muli %select_n3A_797, %mul3A_821 : i32
      %add3A_823 = arith.addi %add3A_820, %mul3A_822 : i32
      %dma_start3A_824 = arith.constant 0 : i32
      %dma_start3A_825 = arith.constant 0 : i32
      %dma_start3A_826 = tpu.memref_slice %arg21[%dma_start3A_824, %dma_start3A_825] : memref<64x129xf32, #tpu.memory_space<vmem>> -> memref<8x128xf32, #tpu.memory_space<vmem>>
      %dma_start3A_827 = arith.constant 0 : i32
      %dma_start3A_828 = tpu.memref_slice %arg14[%add3A_823, %dma_start3A_827] : memref<409600x128xf32, #tpu.memory_space<hbm>> -> memref<8x128xf32, #tpu.memory_space<hbm>>
      %dma_start3A_829 = arith.constant 0 : i32
      %dma_start3A_830 = tpu.memref_slice %arg14[%add3A_823, %dma_start3A_829] : memref<409600x128xf32, #tpu.memory_space<hbm>> -> memref<8x128xf32, #tpu.memory_space<hbm>>
      %dma_start3A_831 = arith.constant 0 : i32
      %dma_start3A_832 = arith.constant 0 : i32
      %dma_start3A_833 = tpu.memref_slice %arg21[%dma_start3A_831, %dma_start3A_832] : memref<64x129xf32, #tpu.memory_space<vmem>> -> memref<8x128xf32, #tpu.memory_space<vmem>>
      tpu.enqueue_dma source(%dma_start3A_833 : memref<8x128xf32, #tpu.memory_space<vmem>>) target(%dma_start3A_830 : memref<8x128xf32, #tpu.memory_space<hbm>>) target_semaphore(%arg28 : memref<!tpu.dma_semaphore, #tpu.memory_space<semaphore_mem>>)
      %mul3A_834 = arith.constant 2048 : i32
      %mul3A_835 = arith.muli %add3A_816, %mul3A_834 : i32
      %add3A_836 = arith.constant 256 : i32
      %add3A_837 = arith.addi %mul3A_835, %add3A_836 : i32
      %mul3A_838 = arith.constant 8 : i32
      %mul3A_839 = arith.muli %select_n3A_797, %mul3A_838 : i32
      %add3A_840 = arith.addi %add3A_837, %mul3A_839 : i32
      %dma_start3A_841 = arith.constant 8 : i32
      %dma_start3A_842 = arith.constant 0 : i32
      %dma_start3A_843 = tpu.memref_slice %arg21[%dma_start3A_841, %dma_start3A_842] : memref<64x129xf32, #tpu.memory_space<vmem>> -> memref<8x128xf32, #tpu.memory_space<vmem>>
      %dma_start3A_844 = arith.constant 0 : i32
      %dma_start3A_845 = tpu.memref_slice %arg14[%add3A_840, %dma_start3A_844] : memref<409600x128xf32, #tpu.memory_space<hbm>> -> memref<8x128xf32, #tpu.memory_space<hbm>>
      %dma_start3A_846 = arith.constant 0 : i32
      %dma_start3A_847 = tpu.memref_slice %arg14[%add3A_840, %dma_start3A_846] : memref<409600x128xf32, #tpu.memory_space<hbm>> -> memref<8x128xf32, #tpu.memory_space<hbm>>
      %dma_start3A_848 = arith.constant 8 : i32
      %dma_start3A_849 = arith.constant 0 : i32
      %dma_start3A_850 = tpu.memref_slice %arg21[%dma_start3A_848, %dma_start3A_849] : memref<64x129xf32, #tpu.memory_space<vmem>> -> memref<8x128xf32, #tpu.memory_space<vmem>>
      tpu.enqueue_dma source(%dma_start3A_850 : memref<8x128xf32, #tpu.memory_space<vmem>>) target(%dma_start3A_847 : memref<8x128xf32, #tpu.memory_space<hbm>>) target_semaphore(%arg28 : memref<!tpu.dma_semaphore, #tpu.memory_space<semaphore_mem>>)
      %mul3A_851 = arith.constant 2048 : i32
      %mul3A_852 = arith.muli %add3A_816, %mul3A_851 : i32
      %add3A_853 = arith.constant 512 : i32
      %add3A_854 = arith.addi %mul3A_852, %add3A_853 : i32
      %mul3A_855 = arith.constant 8 : i32
      %mul3A_856 = arith.muli %select_n3A_797, %mul3A_855 : i32
      %add3A_857 = arith.addi %add3A_854, %mul3A_856 : i32
      %dma_start3A_858 = arith.constant 16 : i32
      %dma_start3A_859 = arith.constant 0 : i32
      %dma_start3A_860 = tpu.memref_slice %arg21[%dma_start3A_858, %dma_start3A_859] : memref<64x129xf32, #tpu.memory_space<vmem>> -> memref<8x128xf32, #tpu.memory_space<vmem>>
      %dma_start3A_861 = arith.constant 0 : i32
      %dma_start3A_862 = tpu.memref_slice %arg14[%add3A_857, %dma_start3A_861] : memref<409600x128xf32, #tpu.memory_space<hbm>> -> memref<8x128xf32, #tpu.memory_space<hbm>>
      %dma_start3A_863 = arith.constant 0 : i32
      %dma_start3A_864 = tpu.memref_slice %arg14[%add3A_857, %dma_start3A_863] : memref<409600x128xf32, #tpu.memory_space<hbm>> -> memref<8x128xf32, #tpu.memory_space<hbm>>
      %dma_start3A_865 = arith.constant 16 : i32
      %dma_start3A_866 = arith.constant 0 : i32
      %dma_start3A_867 = tpu.memref_slice %arg21[%dma_start3A_865, %dma_start3A_866] : memref<64x129xf32, #tpu.memory_space<vmem>> -> memref<8x128xf32, #tpu.memory_space<vmem>>
      tpu.enqueue_dma source(%dma_start3A_867 : memref<8x128xf32, #tpu.memory_space<vmem>>) target(%dma_start3A_864 : memref<8x128xf32, #tpu.memory_space<hbm>>) target_semaphore(%arg28 : memref<!tpu.dma_semaphore, #tpu.memory_space<semaphore_mem>>)
      %mul3A_868 = arith.constant 2048 : i32
      %mul3A_869 = arith.muli %add3A_816, %mul3A_868 : i32
      %add3A_870 = arith.constant 768 : i32
      %add3A_871 = arith.addi %mul3A_869, %add3A_870 : i32
      %mul3A_872 = arith.constant 8 : i32
      %mul3A_873 = arith.muli %select_n3A_797, %mul3A_872 : i32
      %add3A_874 = arith.addi %add3A_871, %mul3A_873 : i32
      %dma_start3A_875 = arith.constant 24 : i32
      %dma_start3A_876 = arith.constant 0 : i32
      %dma_start3A_877 = tpu.memref_slice %arg21[%dma_start3A_875, %dma_start3A_876] : memref<64x129xf32, #tpu.memory_space<vmem>> -> memref<8x128xf32, #tpu.memory_space<vmem>>
      %dma_start3A_878 = arith.constant 0 : i32
      %dma_start3A_879 = tpu.memref_slice %arg14[%add3A_874, %dma_start3A_878] : memref<409600x128xf32, #tpu.memory_space<hbm>> -> memref<8x128xf32, #tpu.memory_space<hbm>>
      %dma_start3A_880 = arith.constant 0 : i32
      %dma_start3A_881 = tpu.memref_slice %arg14[%add3A_874, %dma_start3A_880] : memref<409600x128xf32, #tpu.memory_space<hbm>> -> memref<8x128xf32, #tpu.memory_space<hbm>>
      %dma_start3A_882 = arith.constant 24 : i32
      %dma_start3A_883 = arith.constant 0 : i32
      %dma_start3A_884 = tpu.memref_slice %arg21[%dma_start3A_882, %dma_start3A_883] : memref<64x129xf32, #tpu.memory_space<vmem>> -> memref<8x128xf32, #tpu.memory_space<vmem>>
      tpu.enqueue_dma source(%dma_start3A_884 : memref<8x128xf32, #tpu.memory_space<vmem>>) target(%dma_start3A_881 : memref<8x128xf32, #tpu.memory_space<hbm>>) target_semaphore(%arg28 : memref<!tpu.dma_semaphore, #tpu.memory_space<semaphore_mem>>)
      %mul3A_885 = arith.constant 2048 : i32
      %mul3A_886 = arith.muli %add3A_816, %mul3A_885 : i32
      %add3A_887 = arith.constant 1024 : i32
      %add3A_888 = arith.addi %mul3A_886, %add3A_887 : i32
      %mul3A_889 = arith.constant 8 : i32
      %mul3A_890 = arith.muli %select_n3A_797, %mul3A_889 : i32
      %add3A_891 = arith.addi %add3A_888, %mul3A_890 : i32
      %dma_start3A_892 = arith.constant 32 : i32
      %dma_start3A_893 = arith.constant 0 : i32
      %dma_start3A_894 = tpu.memref_slice %arg21[%dma_start3A_892, %dma_start3A_893] : memref<64x129xf32, #tpu.memory_space<vmem>> -> memref<8x128xf32, #tpu.memory_space<vmem>>
      %dma_start3A_895 = arith.constant 0 : i32
      %dma_start3A_896 = tpu.memref_slice %arg14[%add3A_891, %dma_start3A_895] : memref<409600x128xf32, #tpu.memory_space<hbm>> -> memref<8x128xf32, #tpu.memory_space<hbm>>
      %dma_start3A_897 = arith.constant 0 : i32
      %dma_start3A_898 = tpu.memref_slice %arg14[%add3A_891, %dma_start3A_897] : memref<409600x128xf32, #tpu.memory_space<hbm>> -> memref<8x128xf32, #tpu.memory_space<hbm>>
      %dma_start3A_899 = arith.constant 32 : i32
      %dma_start3A_900 = arith.constant 0 : i32
      %dma_start3A_901 = tpu.memref_slice %arg21[%dma_start3A_899, %dma_start3A_900] : memref<64x129xf32, #tpu.memory_space<vmem>> -> memref<8x128xf32, #tpu.memory_space<vmem>>
      tpu.enqueue_dma source(%dma_start3A_901 : memref<8x128xf32, #tpu.memory_space<vmem>>) target(%dma_start3A_898 : memref<8x128xf32, #tpu.memory_space<hbm>>) target_semaphore(%arg28 : memref<!tpu.dma_semaphore, #tpu.memory_space<semaphore_mem>>)
      %mul3A_902 = arith.constant 2048 : i32
      %mul3A_903 = arith.muli %add3A_816, %mul3A_902 : i32
      %add3A_904 = arith.constant 1280 : i32
      %add3A_905 = arith.addi %mul3A_903, %add3A_904 : i32
      %mul3A_906 = arith.constant 8 : i32
      %mul3A_907 = arith.muli %select_n3A_797, %mul3A_906 : i32
      %add3A_908 = arith.addi %add3A_905, %mul3A_907 : i32
      %dma_start3A_909 = arith.constant 40 : i32
      %dma_start3A_910 = arith.constant 0 : i32
      %dma_start3A_911 = tpu.memref_slice %arg21[%dma_start3A_909, %dma_start3A_910] : memref<64x129xf32, #tpu.memory_space<vmem>> -> memref<8x128xf32, #tpu.memory_space<vmem>>
      %dma_start3A_912 = arith.constant 0 : i32
      %dma_start3A_913 = tpu.memref_slice %arg14[%add3A_908, %dma_start3A_912] : memref<409600x128xf32, #tpu.memory_space<hbm>> -> memref<8x128xf32, #tpu.memory_space<hbm>>
      %dma_start3A_914 = arith.constant 0 : i32
      %dma_start3A_915 = tpu.memref_slice %arg14[%add3A_908, %dma_start3A_914] : memref<409600x128xf32, #tpu.memory_space<hbm>> -> memref<8x128xf32, #tpu.memory_space<hbm>>
      %dma_start3A_916 = arith.constant 40 : i32
      %dma_start3A_917 = arith.constant 0 : i32
      %dma_start3A_918 = tpu.memref_slice %arg21[%dma_start3A_916, %dma_start3A_917] : memref<64x129xf32, #tpu.memory_space<vmem>> -> memref<8x128xf32, #tpu.memory_space<vmem>>
      tpu.enqueue_dma source(%dma_start3A_918 : memref<8x128xf32, #tpu.memory_space<vmem>>) target(%dma_start3A_915 : memref<8x128xf32, #tpu.memory_space<hbm>>) target_semaphore(%arg28 : memref<!tpu.dma_semaphore, #tpu.memory_space<semaphore_mem>>)
      %mul3A_919 = arith.constant 2048 : i32
      %mul3A_920 = arith.muli %add3A_816, %mul3A_919 : i32
      %add3A_921 = arith.constant 1536 : i32
      %add3A_922 = arith.addi %mul3A_920, %add3A_921 : i32
      %mul3A_923 = arith.constant 8 : i32
      %mul3A_924 = arith.muli %select_n3A_797, %mul3A_923 : i32
      %add3A_925 = arith.addi %add3A_922, %mul3A_924 : i32
      %dma_start3A_926 = arith.constant 48 : i32
      %dma_start3A_927 = arith.constant 0 : i32
      %dma_start3A_928 = tpu.memref_slice %arg21[%dma_start3A_926, %dma_start3A_927] : memref<64x129xf32, #tpu.memory_space<vmem>> -> memref<8x128xf32, #tpu.memory_space<vmem>>
      %dma_start3A_929 = arith.constant 0 : i32
      %dma_start3A_930 = tpu.memref_slice %arg14[%add3A_925, %dma_start3A_929] : memref<409600x128xf32, #tpu.memory_space<hbm>> -> memref<8x128xf32, #tpu.memory_space<hbm>>
      %dma_start3A_931 = arith.constant 0 : i32
      %dma_start3A_932 = tpu.memref_slice %arg14[%add3A_925, %dma_start3A_931] : memref<409600x128xf32, #tpu.memory_space<hbm>> -> memref<8x128xf32, #tpu.memory_space<hbm>>
      %dma_start3A_933 = arith.constant 48 : i32
      %dma_start3A_934 = arith.constant 0 : i32
      %dma_start3A_935 = tpu.memref_slice %arg21[%dma_start3A_933, %dma_start3A_934] : memref<64x129xf32, #tpu.memory_space<vmem>> -> memref<8x128xf32, #tpu.memory_space<vmem>>
      tpu.enqueue_dma source(%dma_start3A_935 : memref<8x128xf32, #tpu.memory_space<vmem>>) target(%dma_start3A_932 : memref<8x128xf32, #tpu.memory_space<hbm>>) target_semaphore(%arg28 : memref<!tpu.dma_semaphore, #tpu.memory_space<semaphore_mem>>)
      %mul3A_936 = arith.constant 2048 : i32
      %mul3A_937 = arith.muli %add3A_816, %mul3A_936 : i32
      %add3A_938 = arith.constant 1792 : i32
      %add3A_939 = arith.addi %mul3A_937, %add3A_938 : i32
      %mul3A_940 = arith.constant 8 : i32
      %mul3A_941 = arith.muli %select_n3A_797, %mul3A_940 : i32
      %add3A_942 = arith.addi %add3A_939, %mul3A_941 : i32
      %dma_start3A_943 = arith.constant 56 : i32
      %dma_start3A_944 = arith.constant 0 : i32
      %dma_start3A_945 = tpu.memref_slice %arg21[%dma_start3A_943, %dma_start3A_944] : memref<64x129xf32, #tpu.memory_space<vmem>> -> memref<8x128xf32, #tpu.memory_space<vmem>>
      %dma_start3A_946 = arith.constant 0 : i32
      %dma_start3A_947 = tpu.memref_slice %arg14[%add3A_942, %dma_start3A_946] : memref<409600x128xf32, #tpu.memory_space<hbm>> -> memref<8x128xf32, #tpu.memory_space<hbm>>
      %dma_start3A_948 = arith.constant 0 : i32
      %dma_start3A_949 = tpu.memref_slice %arg14[%add3A_942, %dma_start3A_948] : memref<409600x128xf32, #tpu.memory_space<hbm>> -> memref<8x128xf32, #tpu.memory_space<hbm>>
      %dma_start3A_950 = arith.constant 56 : i32
      %dma_start3A_951 = arith.constant 0 : i32
      %dma_start3A_952 = tpu.memref_slice %arg21[%dma_start3A_950, %dma_start3A_951] : memref<64x129xf32, #tpu.memory_space<vmem>> -> memref<8x128xf32, #tpu.memory_space<vmem>>
      tpu.enqueue_dma source(%dma_start3A_952 : memref<8x128xf32, #tpu.memory_space<vmem>>) target(%dma_start3A_949 : memref<8x128xf32, #tpu.memory_space<hbm>>) target_semaphore(%arg28 : memref<!tpu.dma_semaphore, #tpu.memory_space<semaphore_mem>>)
    }
    %scan3A_270 = arith.constant 100 : i32
    %dma_wait3A_271 = arith.constant 0 : i32
    %dma_wait3A_272 = arith.constant 0 : i32
    %dma_wait3A_273 = tpu.memref_slice %arg21[%dma_wait3A_271, %dma_wait3A_272] : memref<64x129xf32, #tpu.memory_space<vmem>> -> memref<8x128xf32, #tpu.memory_space<vmem>>
    %dma_wait3A_274 = arith.constant 0 : i32
    %dma_wait3A_275 = arith.constant 0 : i32
    %dma_wait3A_276 = tpu.memref_slice %arg14[%dma_wait3A_274, %dma_wait3A_275] : memref<409600x128xf32, #tpu.memory_space<hbm>> -> memref<8x128xf32, #tpu.memory_space<hbm>>
    %dma_wait3A_277 = arith.constant 0 : i32
    %dma_wait3A_278 = arith.constant 0 : i32
    %dma_wait3A_279 = tpu.memref_slice %arg14[%dma_wait3A_277, %dma_wait3A_278] : memref<409600x128xf32, #tpu.memory_space<hbm>> -> memref<8x128xf32, #tpu.memory_space<hbm>>
    %dma_wait3A_280 = arith.constant 0 : i32
    %dma_wait3A_281 = arith.constant 0 : i32
    %dma_wait3A_282 = tpu.memref_slice %arg21[%dma_wait3A_280, %dma_wait3A_281] : memref<64x129xf32, #tpu.memory_space<vmem>> -> memref<8x128xf32, #tpu.memory_space<vmem>>
    tpu.wait_dma2 semaphore(%arg28 : memref<!tpu.dma_semaphore, #tpu.memory_space<semaphore_mem>>) src(%dma_wait3A_282 : memref<8x128xf32, #tpu.memory_space<vmem>>) dst(%dma_wait3A_279 : memref<8x128xf32, #tpu.memory_space<hbm>>)
    %dma_wait3A_283 = arith.constant 8 : i32
    %dma_wait3A_284 = arith.constant 0 : i32
    %dma_wait3A_285 = tpu.memref_slice %arg21[%dma_wait3A_283, %dma_wait3A_284] : memref<64x129xf32, #tpu.memory_space<vmem>> -> memref<8x128xf32, #tpu.memory_space<vmem>>
    %dma_wait3A_286 = arith.constant 0 : i32
    %dma_wait3A_287 = arith.constant 0 : i32
    %dma_wait3A_288 = tpu.memref_slice %arg14[%dma_wait3A_286, %dma_wait3A_287] : memref<409600x128xf32, #tpu.memory_space<hbm>> -> memref<8x128xf32, #tpu.memory_space<hbm>>
    %dma_wait3A_289 = arith.constant 0 : i32
    %dma_wait3A_290 = arith.constant 0 : i32
    %dma_wait3A_291 = tpu.memref_slice %arg14[%dma_wait3A_289, %dma_wait3A_290] : memref<409600x128xf32, #tpu.memory_space<hbm>> -> memref<8x128xf32, #tpu.memory_space<hbm>>
    %dma_wait3A_292 = arith.constant 8 : i32
    %dma_wait3A_293 = arith.constant 0 : i32
    %dma_wait3A_294 = tpu.memref_slice %arg21[%dma_wait3A_292, %dma_wait3A_293] : memref<64x129xf32, #tpu.memory_space<vmem>> -> memref<8x128xf32, #tpu.memory_space<vmem>>
    tpu.wait_dma2 semaphore(%arg28 : memref<!tpu.dma_semaphore, #tpu.memory_space<semaphore_mem>>) src(%dma_wait3A_294 : memref<8x128xf32, #tpu.memory_space<vmem>>) dst(%dma_wait3A_291 : memref<8x128xf32, #tpu.memory_space<hbm>>)
    %dma_wait3A_295 = arith.constant 16 : i32
    %dma_wait3A_296 = arith.constant 0 : i32
    %dma_wait3A_297 = tpu.memref_slice %arg21[%dma_wait3A_295, %dma_wait3A_296] : memref<64x129xf32, #tpu.memory_space<vmem>> -> memref<8x128xf32, #tpu.memory_space<vmem>>
    %dma_wait3A_298 = arith.constant 0 : i32
    %dma_wait3A_299 = arith.constant 0 : i32
    %dma_wait3A_300 = tpu.memref_slice %arg14[%dma_wait3A_298, %dma_wait3A_299] : memref<409600x128xf32, #tpu.memory_space<hbm>> -> memref<8x128xf32, #tpu.memory_space<hbm>>
    %dma_wait3A_301 = arith.constant 0 : i32
    %dma_wait3A_302 = arith.constant 0 : i32
    %dma_wait3A_303 = tpu.memref_slice %arg14[%dma_wait3A_301, %dma_wait3A_302] : memref<409600x128xf32, #tpu.memory_space<hbm>> -> memref<8x128xf32, #tpu.memory_space<hbm>>
    %dma_wait3A_304 = arith.constant 16 : i32
    %dma_wait3A_305 = arith.constant 0 : i32
    %dma_wait3A_306 = tpu.memref_slice %arg21[%dma_wait3A_304, %dma_wait3A_305] : memref<64x129xf32, #tpu.memory_space<vmem>> -> memref<8x128xf32, #tpu.memory_space<vmem>>
    tpu.wait_dma2 semaphore(%arg28 : memref<!tpu.dma_semaphore, #tpu.memory_space<semaphore_mem>>) src(%dma_wait3A_306 : memref<8x128xf32, #tpu.memory_space<vmem>>) dst(%dma_wait3A_303 : memref<8x128xf32, #tpu.memory_space<hbm>>)
    %dma_wait3A_307 = arith.constant 24 : i32
    %dma_wait3A_308 = arith.constant 0 : i32
    %dma_wait3A_309 = tpu.memref_slice %arg21[%dma_wait3A_307, %dma_wait3A_308] : memref<64x129xf32, #tpu.memory_space<vmem>> -> memref<8x128xf32, #tpu.memory_space<vmem>>
    %dma_wait3A_310 = arith.constant 0 : i32
    %dma_wait3A_311 = arith.constant 0 : i32
    %dma_wait3A_312 = tpu.memref_slice %arg14[%dma_wait3A_310, %dma_wait3A_311] : memref<409600x128xf32, #tpu.memory_space<hbm>> -> memref<8x128xf32, #tpu.memory_space<hbm>>
    %dma_wait3A_313 = arith.constant 0 : i32
    %dma_wait3A_314 = arith.constant 0 : i32
    %dma_wait3A_315 = tpu.memref_slice %arg14[%dma_wait3A_313, %dma_wait3A_314] : memref<409600x128xf32, #tpu.memory_space<hbm>> -> memref<8x128xf32, #tpu.memory_space<hbm>>
    %dma_wait3A_316 = arith.constant 24 : i32
    %dma_wait3A_317 = arith.constant 0 : i32
    %dma_wait3A_318 = tpu.memref_slice %arg21[%dma_wait3A_316, %dma_wait3A_317] : memref<64x129xf32, #tpu.memory_space<vmem>> -> memref<8x128xf32, #tpu.memory_space<vmem>>
    tpu.wait_dma2 semaphore(%arg28 : memref<!tpu.dma_semaphore, #tpu.memory_space<semaphore_mem>>) src(%dma_wait3A_318 : memref<8x128xf32, #tpu.memory_space<vmem>>) dst(%dma_wait3A_315 : memref<8x128xf32, #tpu.memory_space<hbm>>)
    %dma_wait3A_319 = arith.constant 32 : i32
    %dma_wait3A_320 = arith.constant 0 : i32
    %dma_wait3A_321 = tpu.memref_slice %arg21[%dma_wait3A_319, %dma_wait3A_320] : memref<64x129xf32, #tpu.memory_space<vmem>> -> memref<8x128xf32, #tpu.memory_space<vmem>>
    %dma_wait3A_322 = arith.constant 0 : i32
    %dma_wait3A_323 = arith.constant 0 : i32
    %dma_wait3A_324 = tpu.memref_slice %arg14[%dma_wait3A_322, %dma_wait3A_323] : memref<409600x128xf32, #tpu.memory_space<hbm>> -> memref<8x128xf32, #tpu.memory_space<hbm>>
    %dma_wait3A_325 = arith.constant 0 : i32
    %dma_wait3A_326 = arith.constant 0 : i32
    %dma_wait3A_327 = tpu.memref_slice %arg14[%dma_wait3A_325, %dma_wait3A_326] : memref<409600x128xf32, #tpu.memory_space<hbm>> -> memref<8x128xf32, #tpu.memory_space<hbm>>
    %dma_wait3A_328 = arith.constant 32 : i32
    %dma_wait3A_329 = arith.constant 0 : i32
    %dma_wait3A_330 = tpu.memref_slice %arg21[%dma_wait3A_328, %dma_wait3A_329] : memref<64x129xf32, #tpu.memory_space<vmem>> -> memref<8x128xf32, #tpu.memory_space<vmem>>
    tpu.wait_dma2 semaphore(%arg28 : memref<!tpu.dma_semaphore, #tpu.memory_space<semaphore_mem>>) src(%dma_wait3A_330 : memref<8x128xf32, #tpu.memory_space<vmem>>) dst(%dma_wait3A_327 : memref<8x128xf32, #tpu.memory_space<hbm>>)
    %dma_wait3A_331 = arith.constant 40 : i32
    %dma_wait3A_332 = arith.constant 0 : i32
    %dma_wait3A_333 = tpu.memref_slice %arg21[%dma_wait3A_331, %dma_wait3A_332] : memref<64x129xf32, #tpu.memory_space<vmem>> -> memref<8x128xf32, #tpu.memory_space<vmem>>
    %dma_wait3A_334 = arith.constant 0 : i32
    %dma_wait3A_335 = arith.constant 0 : i32
    %dma_wait3A_336 = tpu.memref_slice %arg14[%dma_wait3A_334, %dma_wait3A_335] : memref<409600x128xf32, #tpu.memory_space<hbm>> -> memref<8x128xf32, #tpu.memory_space<hbm>>
    %dma_wait3A_337 = arith.constant 0 : i32
    %dma_wait3A_338 = arith.constant 0 : i32
    %dma_wait3A_339 = tpu.memref_slice %arg14[%dma_wait3A_337, %dma_wait3A_338] : memref<409600x128xf32, #tpu.memory_space<hbm>> -> memref<8x128xf32, #tpu.memory_space<hbm>>
    %dma_wait3A_340 = arith.constant 40 : i32
    %dma_wait3A_341 = arith.constant 0 : i32
    %dma_wait3A_342 = tpu.memref_slice %arg21[%dma_wait3A_340, %dma_wait3A_341] : memref<64x129xf32, #tpu.memory_space<vmem>> -> memref<8x128xf32, #tpu.memory_space<vmem>>
    tpu.wait_dma2 semaphore(%arg28 : memref<!tpu.dma_semaphore, #tpu.memory_space<semaphore_mem>>) src(%dma_wait3A_342 : memref<8x128xf32, #tpu.memory_space<vmem>>) dst(%dma_wait3A_339 : memref<8x128xf32, #tpu.memory_space<hbm>>)
    %dma_wait3A_343 = arith.constant 48 : i32
    %dma_wait3A_344 = arith.constant 0 : i32
    %dma_wait3A_345 = tpu.memref_slice %arg21[%dma_wait3A_343, %dma_wait3A_344] : memref<64x129xf32, #tpu.memory_space<vmem>> -> memref<8x128xf32, #tpu.memory_space<vmem>>
    %dma_wait3A_346 = arith.constant 0 : i32
    %dma_wait3A_347 = arith.constant 0 : i32
    %dma_wait3A_348 = tpu.memref_slice %arg14[%dma_wait3A_346, %dma_wait3A_347] : memref<409600x128xf32, #tpu.memory_space<hbm>> -> memref<8x128xf32, #tpu.memory_space<hbm>>
    %dma_wait3A_349 = arith.constant 0 : i32
    %dma_wait3A_350 = arith.constant 0 : i32
    %dma_wait3A_351 = tpu.memref_slice %arg14[%dma_wait3A_349, %dma_wait3A_350] : memref<409600x128xf32, #tpu.memory_space<hbm>> -> memref<8x128xf32, #tpu.memory_space<hbm>>
    %dma_wait3A_352 = arith.constant 48 : i32
    %dma_wait3A_353 = arith.constant 0 : i32
    %dma_wait3A_354 = tpu.memref_slice %arg21[%dma_wait3A_352, %dma_wait3A_353] : memref<64x129xf32, #tpu.memory_space<vmem>> -> memref<8x128xf32, #tpu.memory_space<vmem>>
    tpu.wait_dma2 semaphore(%arg28 : memref<!tpu.dma_semaphore, #tpu.memory_space<semaphore_mem>>) src(%dma_wait3A_354 : memref<8x128xf32, #tpu.memory_space<vmem>>) dst(%dma_wait3A_351 : memref<8x128xf32, #tpu.memory_space<hbm>>)
    %dma_wait3A_355 = arith.constant 56 : i32
    %dma_wait3A_356 = arith.constant 0 : i32
    %dma_wait3A_357 = tpu.memref_slice %arg21[%dma_wait3A_355, %dma_wait3A_356] : memref<64x129xf32, #tpu.memory_space<vmem>> -> memref<8x128xf32, #tpu.memory_space<vmem>>
    %dma_wait3A_358 = arith.constant 0 : i32
    %dma_wait3A_359 = arith.constant 0 : i32
    %dma_wait3A_360 = tpu.memref_slice %arg14[%dma_wait3A_358, %dma_wait3A_359] : memref<409600x128xf32, #tpu.memory_space<hbm>> -> memref<8x128xf32, #tpu.memory_space<hbm>>
    %dma_wait3A_361 = arith.constant 0 : i32
    %dma_wait3A_362 = arith.constant 0 : i32
    %dma_wait3A_363 = tpu.memref_slice %arg14[%dma_wait3A_361, %dma_wait3A_362] : memref<409600x128xf32, #tpu.memory_space<hbm>> -> memref<8x128xf32, #tpu.memory_space<hbm>>
    %dma_wait3A_364 = arith.constant 56 : i32
    %dma_wait3A_365 = arith.constant 0 : i32
    %dma_wait3A_366 = tpu.memref_slice %arg21[%dma_wait3A_364, %dma_wait3A_365] : memref<64x129xf32, #tpu.memory_space<vmem>> -> memref<8x128xf32, #tpu.memory_space<vmem>>
    tpu.wait_dma2 semaphore(%arg28 : memref<!tpu.dma_semaphore, #tpu.memory_space<semaphore_mem>>) src(%dma_wait3A_366 : memref<8x128xf32, #tpu.memory_space<vmem>>) dst(%dma_wait3A_363 : memref<8x128xf32, #tpu.memory_space<hbm>>)
    return
  }
}

module attributes {stable_mosaic.version = 14 : i64} {
  func.func @_proj_body(%arg0: memref<4000x64xf32, #tpu.memory_space<vmem>>, %arg1: memref<64x64xf32, #tpu.memory_space<vmem>>, %arg2: memref<1x64xf32, #tpu.memory_space<vmem>>, %arg3: memref<1000x64xf32, #tpu.memory_space<vmem>>, %arg4: memref<1000x64xf32, #tpu.memory_space<vmem>>, %arg5: memref<1000x64xf32, #tpu.memory_space<vmem>>, %arg6: memref<1000x64xf32, #tpu.memory_space<vmem>>) attributes {dimension_semantics = [], scalar_prefetch = 0 : i64, scratch_operands = 0 : i64, tpu.core_type = #tpu.core_type<tc>} {
    %get3A = arith.constant 0 : index
    %get3A_0 = arith.constant 0 : index
    %get3A_1 = vector.load %arg0[%get3A, %get3A_0] : memref<4000x64xf32, #tpu.memory_space<vmem>>, vector<4000x64xf32>
    %get3A_2 = arith.constant 0 : index
    %get3A_3 = arith.constant 0 : index
    %get3A_4 = vector.load %arg1[%get3A_2, %get3A_3] : memref<64x64xf32, #tpu.memory_space<vmem>>, vector<64x64xf32>
    %dot_general3A = arith.constant dense<0.000000e+00> : vector<4000x64xf32>
    %dot_general3A_5 = tpu.matmul %get3A_1, %get3A_4, %dot_general3A {dimension_numbers = #tpu.dot_dimension_numbers<[1], [1], [0], [0], [0, 0, 1, 0], [], []>, transpose_lhs_hint = false} : vector<4000x64xf32>, vector<64x64xf32>, vector<4000x64xf32> -> vector<4000x64xf32>
    %mul3A = arith.constant 1.000000e-01 : f32
    %mul3A_6 = vector.broadcast %mul3A : f32 to vector<4000x64xf32>
    %mul3A_7 = arith.mulf %dot_general3A_5, %mul3A_6 : vector<4000x64xf32>
    %slice3A = vector.extract_strided_slice %mul3A_7 {offsets = [0, 0], sizes = [1000, 64], strides = [1, 1]} : vector<4000x64xf32> to vector<1000x64xf32>
    %swap3A = arith.constant 0 : index
    %swap3A_8 = arith.constant 0 : index
    %swap3A_9 = vector.load %arg3[%swap3A, %swap3A_8] : memref<1000x64xf32, #tpu.memory_space<vmem>>, vector<1000x64xf32>
    tpu.vector_store %arg3[%swap3A, %swap3A_8], %slice3A {strides = array<i32>} : memref<1000x64xf32, #tpu.memory_space<vmem>>, vector<1000x64xf32>,
    %slice3A_10 = vector.extract_strided_slice %mul3A_7 {offsets = [1000, 0], sizes = [1000, 64], strides = [1, 1]} : vector<4000x64xf32> to vector<1000x64xf32>
    %swap3A_11 = arith.constant 0 : index
    %swap3A_12 = arith.constant 0 : index
    %swap3A_13 = vector.load %arg4[%swap3A_11, %swap3A_12] : memref<1000x64xf32, #tpu.memory_space<vmem>>, vector<1000x64xf32>
    tpu.vector_store %arg4[%swap3A_11, %swap3A_12], %slice3A_10 {strides = array<i32>} : memref<1000x64xf32, #tpu.memory_space<vmem>>, vector<1000x64xf32>,
    %slice3A_14 = vector.extract_strided_slice %mul3A_7 {offsets = [2000, 0], sizes = [1000, 64], strides = [1, 1]} : vector<4000x64xf32> to vector<1000x64xf32>
    %swap3A_15 = arith.constant 0 : index
    %swap3A_16 = arith.constant 0 : index
    %swap3A_17 = vector.load %arg5[%swap3A_15, %swap3A_16] : memref<1000x64xf32, #tpu.memory_space<vmem>>, vector<1000x64xf32>
    tpu.vector_store %arg5[%swap3A_15, %swap3A_16], %slice3A_14 {strides = array<i32>} : memref<1000x64xf32, #tpu.memory_space<vmem>>, vector<1000x64xf32>,
    %slice3A_18 = vector.extract_strided_slice %mul3A_7 {offsets = [3000, 0], sizes = [1000, 64], strides = [1, 1]} : vector<4000x64xf32> to vector<1000x64xf32>
    %get3A_19 = arith.constant 0 : index
    %get3A_20 = arith.constant 0 : index
    %get3A_21 = vector.load %arg2[%get3A_19, %get3A_20] : memref<1x64xf32, #tpu.memory_space<vmem>>, vector<1x64xf32>
    %mul3A_22 = arith.constant 1.000000e-01 : f32
    %mul3A_23 = vector.broadcast %mul3A_22 : f32 to vector<1x64xf32>
    %mul3A_24 = arith.mulf %get3A_21, %mul3A_23 : vector<1x64xf32>
    %add3A = vector.broadcast %mul3A_24 : vector<1x64xf32> to vector<1000x64xf32>
    %add3A_25 = arith.addf %slice3A_18, %add3A : vector<1000x64xf32>
    %swap3A_26 = arith.constant 0 : index
    %swap3A_27 = arith.constant 0 : index
    %swap3A_28 = vector.load %arg6[%swap3A_26, %swap3A_27] : memref<1000x64xf32, #tpu.memory_space<vmem>>, vector<1000x64xf32>
    tpu.vector_store %arg6[%swap3A_26, %swap3A_27], %add3A_25 {strides = array<i32>} : memref<1000x64xf32, #tpu.memory_space<vmem>>, vector<1000x64xf32>,
    return
  }
}

</mosaic_0001>

<sc_bundles>
// kernel: kernel.4.cloned.1.call-start
scs
__scs_entry_jumppad:
0x0: {  	(pc) =	sbr.rel $0x88, $3  }
0x1: {  	(tag) =	ssettag $0x0;
	lr =	simm.s32 $0x1  }
0x2: {  	[smem:$0x3F93] =	sst lr;
	_ =	strace $0xD0000000  }
0x3: {  	_ = 	snop  }
0x4: {  	_ = 	snop  }
0x5: {  	_ = 	snop  }
0x6: {  	_ = 	snop  }
0x7: {  	_ = 	snop  }
__scs_overlays_trampoline_lowered:
0x8: {  	[smem:$0x3FA2] =	sst s0  }
0x9: {  	[smem:$0x3FA3] =	sst s1  }
0xa: {  	[smem:$0x3FA4] =	sst s2  }
0xb: {  	[smem:$0x3FA5] =	sst s3  }
0xc: {  	[smem:$0x3FA6] =	sst s4  }
0xd: {  	[smem:$0x3FA7] =	sst s5  }
0xe: {  	[smem:$0x3FA8] =	sst s6  }
0xf: {  	[smem:$0x3FA9] =	sst s7  }
0x10: {  	[smem:$0x3FAA] =	sst s8  }
0x11: {  	[smem:$0x3FAB] =	sst s9;
	s0 =	simm.s32 @!p0 $0x0  }
0x12: {  	s1 =	sld [smem:$0x3F91];
	s0 =	simm.s32 @p0 $0x1  }
0x13: {  	[smem:$0x3FAC] =	sst s0;
	s0 =	simm.s32 @!p1 $0x0  }
0x14: {  	s2 =	sld [smem:$0x3F90];
	s0 =	simm.s32 @p1 $0x1  }
0x15: {  	[smem:$0x3FAD] =	sst s0;
	s0 =	simm.s32 @!p2 $0x0  }
0x16: {  	s3 =	sld [smem:$0x3FDB];
	s0 =	simm.s32 @p2 $0x1  }
0x17: {  	s4 =	simm.s32 $0x1BF5;
	[smem:$0x3FAF] =	sst s0  }
0x18: {  	s0 =	sld [smem:$0x3F92];
	_ =	swait.ge [sflag:s4], $0x0  }
0x19: {  	s7 =	sld [smem:$0x3F93]  }
0x1a: {  	s8 =	sadd.s32 $0xFFFFE003, lr  }
0x1b: {  	s9 =	sadd.s32 $0xFFFFFEF7, lr;
	s5 =	simm.s32 $0xFFFFFFFF;
	p2 =	slt.u32 s8, $0xFFFFF086  }
0x1c: {  	p1 =	slt.u32 s9, $0xF7A;
	s5 =	simm.s32 @!p2 $0x0  }
0x1d: {  	s5 =	simm.s32 @p1 $0x1;
	p0 =	seq.s32 s7, s2  }
0x1e: {  	s7 =	smul.u32 @!p0 $0xF7A, s2;
	p2 =	seq.s32 @!p0 s5, $0x0  }
0x1f: {  	s9 =	smul.u32 $0xF7A, s1;
	s8 =	simm.s32 @!p0 $0x1BF5;
	p2 =	por !p2, p0  }
0x20: {  	[sflag:s8] =	ssyncset.s32 @!p0 $0xFFFFF086;
	s6 =	sadd.s32 @!p0 s3, s7;
	s7 =	simm.s32 @!p0 $0x108  }
0x21: {  	s3 =	sadd.s32 s3, s9;
	s6 =	sadd.s32 @!p0 $0x88, s6;
	s7 =	simm.s32 @p2 $0x1082  }
0x22: {  	[simem:s7], [sflag:s8] =	dma.local @!p0 [hbm:s6], $0xF7A  }
0x23: {  	s9 =	sor.u32 $0xD0000000, s2;
	s6 =	simm.s32 $0x108;
	_ =	swait.ge @!p0 [sflag:s8], $0x0  }
0x24: {  	s3 =	sadd.s32 $0x88, s3;
	s6 =	simm.s32 @!p1 $0x1082;
	[sflag:s4] =	ssyncset.s32 $0xFFFFF086  }
0x25: {  	[simem:s6], [sflag:s4] =	dma.local [hbm:s3], $0xF7A  }
0x26: {  	[smem:$0x3F93] =	sst s1;
	(tag) =	ssettag s2;
	_ =	strace s9  }
0x27: {  	s1 =	sld [smem:$0x3FA3]  }
0x28: {  	s2 =	sld [smem:$0x3FA4]  }
0x29: {  	s4 =	sld [smem:$0x3FA6]  }
0x2a: {  	p0 =	seq.s32 s5, $0x0;
	s5 =	sld [smem:$0x3FA7]  }
0x2b: {  	s6 =	sld [smem:$0x3FA8]  }
0x2c: {  	s7 =	sld [smem:$0x3FA9]  }
0x2d: {  	s3 =	simm.s32 $0x108;
	s8 =	sld [smem:$0x3FAA]  }
0x2e: {  	s3 =	simm.s32 @!p0 $0x1082;
	s9 =	sld [smem:$0x3FAB]  }
0x2f: {  	lr =	sadd.s32 s0, s3;
	s0 =	sld [smem:$0x3FA2]  }
0x30: {  	s3 =	sld [smem:$0x3FA5]  }
0x31: {  	[smem:$0x3FAE] =	sst s10  }
0x32: {  	s10 =	sld [smem:$0x3FAC];
	_ =	sdelay $0x3  }
0x33: {  	p0 =	seq.s32 s10, $0x1;
	s10 =	sld [smem:$0x3FAE];
	_ =	sdelay $0x3  }
0x34: {  	[smem:$0x3FAE] =	sst s10  }
0x35: {  	s10 =	sld [smem:$0x3FAD];
	_ =	sdelay $0x3  }
0x36: {  	p1 =	seq.s32 s10, $0x1;
	s10 =	sld [smem:$0x3FAE];
	_ =	sdelay $0x3  }
0x37: {  	[smem:$0x3FAE] =	sst s10  }
0x38: {  	s10 =	sld [smem:$0x3FAF]  }
0x39: {  	_ = 	snop;
	(pc) =	sbr.ind lr, $3  }
0x3a: {  	_ = 	snop  }
0x3b: {  	_ = 	snop  }
0x3c: {  	p2 =	seq.s32 s10, $0x1;
	s10 =	sld [smem:$0x3FAE]  }
0x3d: {  	_ =	shalt  }
0x3e: {  	_ =	shalt  }
0x3f: {  	_ =	shalt  }
0x40: {  	_ =	shalt  }
0x41: {  	_ =	shalt  }
0x42: {  	_ =	shalt  }
0x43: {  	_ =	shalt  }
0x44: {  	_ =	shalt  }
0x45: {  	_ =	shalt  }
0x46: {  	_ =	shalt  }
0x47: {  	_ =	shalt  }
0x48: {  	_ =	shalt  }
0x49: {  	_ =	shalt  }
0x4a: {  	_ =	shalt  }
0x4b: {  	_ =	shalt  }
0x4c: {  	_ =	shalt  }
0x4d: {  	_ =	shalt  }
0x4e: {  	_ =	shalt  }
0x4f: {  	_ =	shalt  }
0x50: {  	_ =	shalt  }
0x51: {  	_ =	shalt  }
0x52: {  	_ =	shalt  }
0x53: {  	_ =	shalt  }
0x54: {  	_ =	shalt  }
0x55: {  	_ =	shalt  }
0x56: {  	_ =	shalt  }
0x57: {  	_ =	shalt  }
0x58: {  	_ =	shalt  }
0x59: {  	_ =	shalt  }
0x5a: {  	_ =	shalt  }
0x5b: {  	_ =	shalt  }
0x5c: {  	_ =	shalt  }
0x5d: {  	_ =	shalt  }
0x5e: {  	_ =	shalt  }
0x5f: {  	_ =	shalt  }
0x60: {  	_ =	shalt  }
0x61: {  	_ =	shalt  }
0x62: {  	_ =	shalt  }
0x63: {  	_ =	shalt  }
0x64: {  	_ =	shalt  }
0x65: {  	_ =	shalt  }
0x66: {  	_ =	shalt  }
0x67: {  	_ =	shalt  }
0x68: {  	_ =	shalt  }
0x69: {  	_ =	shalt  }
0x6a: {  	_ =	shalt  }
0x6b: {  	_ =	shalt  }
0x6c: {  	_ =	shalt  }
0x6d: {  	_ =	shalt  }
0x6e: {  	_ =	shalt  }
0x6f: {  	_ =	shalt  }
0x70: {  	_ =	shalt  }
0x71: {  	_ =	shalt  }
0x72: {  	_ =	shalt  }
0x73: {  	_ =	shalt  }
0x74: {  	_ =	shalt  }
0x75: {  	_ =	shalt  }
0x76: {  	_ =	shalt  }
0x77: {  	_ =	shalt  }
0x78: {  	_ =	shalt  }
0x79: {  	_ =	shalt  }
0x7a: {  	_ =	shalt  }
0x7b: {  	_ =	shalt  }
0x7c: {  	_ =	shalt  }
0x7d: {  	_ =	shalt  }
0x7e: {  	_ =	shalt  }
0x7f: {  	_ =	shalt  }
0x80: {  	_ =	shalt  }
0x81: {  	_ =	shalt  }
0x82: {  	_ =	shalt  }
0x83: {  	_ =	shalt  }
0x84: {  	_ =	shalt  }
0x85: {  	_ =	shalt  }
0x86: {  	_ =	shalt  }
0x87: {  	_ =	shalt  }
.Lfunc_end0:
.L_simem_size_0:
called_computation_lowered:
.L_overlay_start_0:
0x88: {  	s2 =	sld [smem:$0x3FD9]  }
0x89: {  	s3 =	sld [smem:$0x3FFE];
	_ =	sdelay $0x1  }
0x8a: {  	s1 =	srdreg.scid  }
0x8b: {  	s0 =	sand.u32 $0x1, s1  }
0x8c: {  	s17 =	sshll.u32 s0, $0xA;
	s2 =	sadd.s32 s3, s2  }
0x8d: {  	s2 =	sadd.s32 s2, s17  }
0x8e: {  	[smem:$0x3FBA] =	sst s2  }
0x8f: {  	_ = 	snop  }
0x90: {  	s2 =	sld [smem:$0x3FC9]  }
0x91: {  	s18 =	sld [smem:$0x3FC8]  }
0x92: {  	s4 =	sld [smem:$0x3FC7]  }
0x93: {  	s5 =	sld [smem:$0x3FC6]  }
0x94: {  	s6 =	sld [smem:$0x3FC5]  }
0x95: {  	s7 =	sld [smem:$0x3FC4]  }
0x96: {  	s8 =	sld [smem:$0x3FC3]  }
0x97: {  	s9 =	sld [smem:$0x3FD0];
	(tm) =	ssettm $0x1  }
0x98: {  	s10 =	sld [smem:$0x3FFB];
	_ =	sdelay $0x3  }
0x99: {  	_ =	strace s10  }
0x9a: {  	s10 =	sld [smem:$0x3FFC];
	_ =	sdelay $0x3  }
0x9b: {  	_ =	strace s10  }
0x9c: {  	s10 =	sld [smem:$0x3FFD];
	_ =	sdelay $0x3  }
0x9d: {  	_ =	strace s10  }
0x9e: {  	_ =	strace $0x8FFFFFFF  }
0x9f: {  	s19 =	sld [smem:$0x3FDB];
	_ =	sdelay $0x1  }
0xa0: {  	s11 =	simm.s32 $_scs_section_size  }
0xa1: {  	s12 =	simm.s32 $_size__tile_overlayer_lowered;
	s13 =	simm.s32 $_tile_overlayer_lowered  }
0xa2: {  	s22 =	simm.s32 $0x1BFF;
	s21 =	sshll.u32 s13, $0x1;
	s10 =	sadd.s32 s11, s19  }
0xa3: {  	s14 =	simm.s32 $0x0;
	s20 =	sshll.u32 s12, $0x1;
	s12 =	sadd.s32 s21, s10  }
0xa4: {  	[timem:s14], [sflag:s22] =	dma.local [hbm:s12], s20  }
0xa5: {  	_ =	swait.ge [sflag:s22], s20  }
0xa6: {  	s11 =	ssub.s32 $0x0, s20;
	[sflag:s22] =	ssyncset.done $0x0  }
0xa7: {  	[sflag:s22] =	ssyncadd.s32 s11;
	_ =	sdelay $0x1  }
0xa8: {  	s23 =	simm.s32 $0x1B8B  }
0xa9: {  	_ =	swait.ge [sflag:s23], $0x1  }
0xaa: {  	[sflag:s23] =	ssyncset.done $0x0  }
0xab: {  	s25 =	simm.s32 $0x1B8E;
	s24 =	sld [smem:$0x3FFE];
	[sflag:s23] =	ssyncadd.s32 $0xFFFFFFFF  }
0xac: {  	s26 =	simm.s32 $execute0_lowered;
	[smem:$0x3FD2] =	sst s25  }
0xad: {  	s12 =	sshll.u32 s26, $0x1;
	_ =	strace $0x80000046;
	[dreg:$0x1] =	wrdreg $0xFFFFFFFF  }
0xae: {  	s28 =	simm.s32 $_size_execute0_lowered;
	s10 =	sadd.s32 s10, s12;
	[dreg:$0x0] =	wrdreg $0x0  }
0xaf: {  	s12 =	sshll.u32 s28, $0x1;
	[dreg:$0x2] =	wrdreg s10  }
0xb0: {  	[dreg:$0x3] =	wrdreg s12  }
0xb1: {  	[dreg:$0x4] =	wrdreg $0xC0  }
0xb2: {  	_ =	task [dreg:s14], $0x5FFFF  }
0xb3: {  	[dreg:$0x1] =	wrdreg $0xFFFFFFFF  }
0xb4: {  	[dreg:$0x0] =	wrdreg $0x60  }
0xb5: {  	[dreg:$0x2] =	wrdreg s24  }
0xb6: {  	[dreg:$0x3] =	wrdreg s18  }
0xb7: {  	[dreg:$0x4] =	wrdreg s4  }
0xb8: {  	[dreg:$0x5] =	wrdreg s5  }
0xb9: {  	[dreg:$0x6] =	wrdreg s6  }
0xba: {  	[dreg:$0x7] =	wrdreg s7  }
0xbb: {  	[dreg:$0x8] =	wrdreg s8  }
0xbc: {  	[dreg:$0x9] =	wrdreg s2  }
0xbd: {  	[dreg:$0xa] =	wrdreg s9  }
0xbe: {  	[dreg:$0xb] =	wrdreg $0x9  }
0xbf: {  	_ =	task.clear_ibuf [dreg:s14], $0xCFFFF;
	_ =	strace $0x90000046  }
0xc0: {  	s29 =	simm.s32 $0x9;
	_ =	strace $0x80000048  }
0xc1: {  	_ =	swait.ge [sflag:s29], $0x1  }
0xc2: {  	[sflag:s29] =	ssyncadd.s32 $0xFFFFFFFF  }
0xc3: {  	_ =	strace $0x90000048  }
0xc4: {  	_ =	sfence  }
0xc5: {  	s30 =	sld [smem:$0x0];
	_ =	sdelay $0x2  }
0xc6: {  	s31 =	sshll.u32 s1, $0xD;
	s1 =	sshrl.u32 s1, $0x2  }
0xc7: {  	s3 =	sand.u32 $0x4000, s31;
	s1 =	sadd.s32 s1, s30  }
0xc8: {  	s0 =	sor.u32 s3, s0;
	s1 =	sshll.u32 s1, $0x11  }
0xc9: {  	s0 =	sor.u32 s1, s0  }
0xca: {  	s0 =	sadd.s32 $0x8F2B, s0  }
0xcb: {  	[sflag:s0] =	ssyncadd.remote.s32 $0x1  }
0xcc: {  	_ =	sfence.sel $0xFFFF  }
0xcd: {  	[dreg:$0x0] =	wrdreg $0xFFFFFFFF;
	(pc) =	sbr.abs _section_cstart, $3  }
0xce: {  	[dreg:$0x1] =	wrdreg $0xFFFFFFFF  }
0xcf: {  	_ =	task.clear_ibuf [dreg:s14], $0x2FFFF;
	_ =	strace $0x9FFFFFFF  }
0xd0: {  	(tm) =	ssettm $0x7FFFFFFF  }
0xd1: {  	_ =	shalt  }
tec
execute0_lowered:
.L_overlay_start_1:
0x0: {  	(tag) =	ssettag $0x1  }
0x1: {  	s0 =	rddreg [dreg:$0x0]  }
0x2: {  	s8 =	rddreg [dreg:$0x1]  }
0x3: {  	s6 =	rddreg [dreg:$0x2]  }
0x4: {  	s7 =	rddreg [dreg:$0x3]  }
0x5: {  	s9 =	rddreg [dreg:$0x4]  }
0x6: {  	s16 =	rddreg [dreg:$0x5]  }
0x7: {  	s17 =	rddreg [dreg:$0x6]  }
0x8: {  	s18 =	rddreg [dreg:$0x7]  }
0x9: {  	s23 =	rddreg [dreg:$0x8]  }
0xa: {  	s1 =	srdreg.scid;
	s2 =	stileid.u32;
	s10 =	simm.s32 $0x0  }
0xb: {  	s1 =	sand.u32 $0x1, s1;
	s2 =	sshll.u32 s2, $0x1;
	s11 =	sadd.s32 $0xA00, s0  }
0xc: {  	s12 =	sadd.s32 $0x2A00, s0;
	s2 =	sor.u32 s1, s2;
	s1 =	ssub.s32 $0x2, s1  }
0xd: {  	s13 =	sadd.s32 $0x4A00, s0;
	s3 =	smul.u32 $0x6400, s2;
	s4 =	sshrl.u32 s1, $0x1  }
0xe: {  	s14 =	sadd.s32 $0x6A00, s0;
	s15 =	sadd.s32 $0x8A00, s0;
	s0 =	ssub.s32 s1, s4  }
0xf: {  	[smem:$0x7FF] =	sst s10;
	s5 =	sshrl.u32 s3, $0x3;
	s0 =	smax.u32 s0, $0x1  }
0x10: {  	_ =	strace $0x80000047;
	s20 =	sadd.s32 s8, s5;
	[dreg:$0x1a] =	wrdreg s0  }
0x11: {  	s21 =	sadd.s32 s6, s5;
	[dreg:$0xa] =	wrdreg s20  }
0x12: {  	s22 =	sadd.s32 s7, s5;
	[dreg:$0xb] =	wrdreg s21  }
0x13: {  	s24 =	sadd.s32 s9, s5;
	[dreg:$0xc] =	wrdreg s22  }
0x14: {  	s25 =	sadd.s32 s16, s5;
	[dreg:$0xd] =	wrdreg s24  }
0x15: {  	s26 =	sadd.s32 s17, s5;
	[dreg:$0xe] =	wrdreg s25  }
0x16: {  	s30 =	sor.u32 $0x10, s5;
	s5 =	sadd.s32 s18, s5;
	[dreg:$0xf] =	wrdreg s26  }
0x17: {  	[dreg:$0x10] =	wrdreg s5;
	s19 =	sadd.s32 s8, s30  }
0x18: {  	s28 =	simm.s32 $0x2700;
	s20 =	sadd.s32 s6, s30;
	[dreg:$0x11] =	wrdreg s19  }
0x19: {  	s29 =	simm.s32 $0x5;
	s21 =	sadd.s32 s7, s30;
	[dreg:$0x12] =	wrdreg s20  }
0x1a: {  	s31 =	smul.u32 $0xC8, s2;
	s22 =	sadd.s32 s9, s30;
	[dreg:$0x13] =	wrdreg s21  }
0x1b: {  	s2 =	simm.s32 $0x7;
	s24 =	sadd.s32 s16, s30;
	[dreg:$0x14] =	wrdreg s22  }
0x1c: {  	s25 =	sadd.s32 s17, s30;
	s1 =	sadd.s32 s18, s30;
	[dreg:$0x15] =	wrdreg s24  }
0x1d: {  	s26 =	sor.u32 $0x100, s3;
	s30 =	sor.u32 $0x180, s3;
	[dreg:$0x16] =	wrdreg s25  }
0x1e: {  	s17 =	sadd.s32 $0x1000, s23;
	s18 =	sadd.s32 $0x2000, s23;
	[dreg:$0x17] =	wrdreg s1  }
0x1f: {  	v0 =	vlaneseq.u32;
	s16 =	simm.s32 $0x8700;
	s9 =	simm.s32 $0x6;
	[dreg:$0x18] =	wrdreg s26  }
0x20: {  	v0 =	vmul.u32 $0x88, v0;
	[dreg:$0x19] =	wrdreg s30;
	s19 =	sadd.s32 $0x3000, s23;
	s20 =	sadd.s32 $0x4000, s23  }
0x21: {  	s21 =	sadd.s32 $0x5000, s23;
	s22 =	sadd.s32 $0x6000, s23;
	s23 =	sadd.s32 $0x7000, s23  }
0x22: {  	v1 =	vadd.s32 $0x880, v0;
	v2 =	vadd.s32 $0x1100, v0;
	v3 =	vadd.s32 $0x1980, v0;
	s24 =	simm.s32 $0x80;
	s26 =	simm.s32 $0x2;
	s1 =	simm.s32 $0x0  }
.LBB2_1:
0x23: {  	[dreg:$0x1b] =	wrdreg s1  }
0x24: {  	s0 =	rddreg [dreg:$0xa]  }
0x25: {  	[tilespmem:s10], [sflag:$0x1] =	stream.linear.gather [hbm4b:s0+s10], $0x80, $0x38;
	[tilespmem:$0xA900] =	vst v63  }
0x26: {  	s3 =	rddreg [dreg:$0xb]  }
0x27: {  	[tilespmem:s24], [sflag:$0x1] =	stream.linear.gather [hbm4b:s3+s10], $0x80, $0x38;
	[tilespmem:$0xA900] =	vst v63  }
0x28: {  	s4 =	rddreg [dreg:$0xc];
	s1 =	simm.s32 $0x100  }
0x29: {  	[tilespmem:s1], [sflag:$0x1] =	stream.linear.gather [hbm4b:s4+s10], $0x80, $0x38;
	[tilespmem:$0xA900] =	vst v63  }
0x2a: {  	s5 =	rddreg [dreg:$0xd];
	s3 =	simm.s32 $0x180  }
0x2b: {  	[tilespmem:s3], [sflag:$0x1] =	stream.linear.gather [hbm4b:s5+s10], $0x80, $0x38;
	[tilespmem:$0xA900] =	vst v63  }
0x2c: {  	s6 =	rddreg [dreg:$0xe];
	s4 =	simm.s32 $0x200  }
0x2d: {  	[tilespmem:s4], [sflag:$0x1] =	stream.linear.gather [hbm4b:s6+s10], $0x80, $0x38;
	[tilespmem:$0xA900] =	vst v63  }
0x2e: {  	s7 =	rddreg [dreg:$0xf];
	s5 =	simm.s32 $0x280  }
0x2f: {  	[tilespmem:s5], [sflag:$0x1] =	stream.linear.gather [hbm4b:s7+s10], $0x80, $0x38;
	[tilespmem:$0xA900] =	vst v63  }
0x30: {  	s25 =	rddreg [dreg:$0x10];
	s6 =	simm.s32 $0x300  }
0x31: {  	[tilespmem:s6], [sflag:$0x1] =	stream.linear.gather [hbm4b:s25+s10], $0x80, $0x38;
	[tilespmem:$0xA900] =	vst v63  }
0x32: {  	s30 =	rddreg [dreg:$0x11];
	s7 =	simm.s32 $0x380  }
0x33: {  	[tilespmem:s7], [sflag:$0x2] =	stream.linear.gather [hbm4b:s30+s10], $0x80, $0x38;
	[tilespmem:$0xA900] =	vst v63  }
0x34: {  	s25 =	rddreg [dreg:$0x12];
	s30 =	simm.s32 $0x400  }
0x35: {  	[tilespmem:s30], [sflag:$0x2] =	stream.linear.gather [hbm4b:s25+s10], $0x80, $0x38;
	[tilespmem:$0xA900] =	vst v63  }
0x36: {  	s25 =	rddreg [dreg:$0x13];
	s30 =	simm.s32 $0x480  }
0x37: {  	[tilespmem:s30], [sflag:$0x2] =	stream.linear.gather [hbm4b:s25+s10], $0x80, $0x38;
	[tilespmem:$0xA900] =	vst v63  }
0x38: {  	s25 =	rddreg [dreg:$0x14];
	s30 =	simm.s32 $0x500  }
0x39: {  	[tilespmem:s30], [sflag:$0x2] =	stream.linear.gather [hbm4b:s25+s10], $0x80, $0x38;
	[tilespmem:$0xA900] =	vst v63  }
0x3a: {  	s25 =	rddreg [dreg:$0x15];
	s30 =	simm.s32 $0x580  }
0x3b: {  	[tilespmem:s30], [sflag:$0x2] =	stream.linear.gather [hbm4b:s25+s10], $0x80, $0x38;
	[tilespmem:$0xA900] =	vst v63  }
0x3c: {  	s25 =	rddreg [dreg:$0x16];
	s30 =	simm.s32 $0x600  }
0x3d: {  	[tilespmem:s30], [sflag:$0x2] =	stream.linear.gather [hbm4b:s25+s10], $0x80, $0x38;
	[tilespmem:$0xA900] =	vst v63  }
0x3e: {  	s7 =	simm.s32 $0x1;
	s25 =	rddreg [dreg:$0x17];
	s30 =	simm.s32 $0x680  }
0x3f: {  	[tilespmem:s30], [sflag:$0x2] =	stream.linear.gather [hbm4b:s25+s10], $0x80, $0x38;
	[tilespmem:$0xA900] =	vst v63  }
0x40: {  	_ =	swait.ge [sflag:s7], $0x80  }
0x41: {  	[sflag:s7] =	ssyncset.done $0x0  }
0x42: {  	[sflag:s7] =	ssyncadd.s32 $0xFFFFFF80  }
0x43: {  	_ =	swait.ge [sflag:s7], $0x80  }
0x44: {  	[sflag:s7] =	ssyncset.done $0x0  }
0x45: {  	[sflag:s7] =	ssyncadd.s32 $0xFFFFFF80  }
0x46: {  	_ =	swait.ge [sflag:s7], $0x80  }
0x47: {  	[sflag:s7] =	ssyncset.done $0x0  }
0x48: {  	[sflag:s7] =	ssyncadd.s32 $0xFFFFFF80  }
0x49: {  	_ =	swait.ge [sflag:s7], $0x80  }
0x4a: {  	[sflag:s7] =	ssyncset.done $0x0  }
0x4b: {  	[sflag:s7] =	ssyncadd.s32 $0xFFFFFF80  }
0x4c: {  	_ =	swait.ge [sflag:s7], $0x80  }
0x4d: {  	[sflag:s7] =	ssyncset.done $0x0  }
0x4e: {  	[sflag:s7] =	ssyncadd.s32 $0xFFFFFF80  }
0x4f: {  	_ =	swait.ge [sflag:s7], $0x80  }
0x50: {  	[sflag:s7] =	ssyncset.done $0x0  }
0x51: {  	[sflag:s7] =	ssyncadd.s32 $0xFFFFFF80  }
0x52: {  	_ =	swait.ge [sflag:s7], $0x80  }
0x53: {  	[sflag:s7] =	ssyncset.done $0x0  }
0x54: {  	s0 =	simm.s32 $0x700;
	[sflag:s7] =	ssyncadd.s32 $0xFFFFFF80  }
0x55: {  	[tilespmem:s0], [sflag:$0x3] =	stream.indirect.gather [hbm4b:s11+s24], $0x40, s10, s24, $0xb8;
	[tilespmem:$0xA900] =	vst v63  }
0x56: {  	s25 =	simm.s32 $0x4700;
	s30 =	simm.s32 $0x3  }
0x57: {  	[tilespmem:s25], [sflag:$0x5] =	stream.indirect.gather [hbm4b:s15+s24], $0x40, s6, s24, $0xb8;
	[tilespmem:$0xA900] =	vst v63  }
0x58: {  	_ =	swait.ge [sflag:s30], $0x2000  }
0x59: {  	[sflag:s30] =	ssyncset.done $0x0  }
0x5a: {  	[sflag:s30] =	ssyncadd.s32 $0xFFFFE000  }
0x5b: {  	[tilespmem:s0], [sflag:$0x5] =	stream.indirect.gather.add.f32 [hbm:s12], $0x40, s24, s24, $0xb8;
	[tilespmem:$0xA900] =	vst v63  }
0x5c: {  	_ = 	snop  }
0x5d: {  	[tilespmem:s0], [sflag:$0x5] =	stream.indirect.gather.add.f32 [hbm:s11], $0x40, s1, s24, $0xb8;
	[tilespmem:$0xA900] =	vst v63  }
0x5e: {  	_ = 	snop  }
0x5f: {  	[tilespmem:s0], [sflag:$0x5] =	stream.indirect.gather.add.f32 [hbm:s12], $0x40, s3, s24, $0xb8;
	[tilespmem:$0xA900] =	vst v63  }
0x60: {  	_ = 	snop  }
0x61: {  	[tilespmem:s0], [sflag:$0x5] =	stream.indirect.gather.add.f32 [hbm:s13], $0x40, s4, s24, $0xb8;
	[tilespmem:$0xA900] =	vst v63  }
0x62: {  	s7 =	simm.s32 $0x0  }
0x63: {  	[tilespmem:s0], [sflag:$0x5] =	stream.indirect.gather.add.f32 [hbm:s14], $0x40, s5, s24, $0xb8;
	[tilespmem:$0xA900] =	vst v63  }
.LBB2_2:
0x64: {  	_ =	swait.ge [sflag:s26], $0x80  }
0x65: {  	[sflag:s26] =	ssyncset.done $0x0  }
0x66: {  	[sflag:s26] =	ssyncadd.s32 $0xFFFFFF80  }
0x67: {  	_ =	swait.ge [sflag:s26], $0x80  }
0x68: {  	[sflag:s26] =	ssyncset.done $0x0  }
0x69: {  	[sflag:s26] =	ssyncadd.s32 $0xFFFFFF80  }
0x6a: {  	_ =	swait.ge [sflag:s26], $0x80  }
0x6b: {  	[sflag:s26] =	ssyncset.done $0x0  }
0x6c: {  	[sflag:s26] =	ssyncadd.s32 $0xFFFFFF80  }
0x6d: {  	_ =	swait.ge [sflag:s26], $0x80  }
0x6e: {  	[sflag:s26] =	ssyncset.done $0x0  }
0x6f: {  	[sflag:s26] =	ssyncadd.s32 $0xFFFFFF80  }
0x70: {  	_ =	swait.ge [sflag:s26], $0x80  }
0x71: {  	[sflag:s26] =	ssyncset.done $0x0  }
0x72: {  	[sflag:s26] =	ssyncadd.s32 $0xFFFFFF80  }
0x73: {  	_ =	swait.ge [sflag:s26], $0x80  }
0x74: {  	[sflag:s26] =	ssyncset.done $0x0  }
0x75: {  	[sflag:s26] =	ssyncadd.s32 $0xFFFFFF80  }
0x76: {  	_ =	swait.ge [sflag:s26], $0x80  }
0x77: {  	[sflag:s26] =	ssyncset.done $0x0  }
0x78: {  	s0 =	simm.s32 $0x380;
	[sflag:s26] =	ssyncadd.s32 $0xFFFFFF80  }
0x79: {  	[tilespmem:s28], [sflag:$0x4] =	stream.indirect.gather [hbm4b:s11+s24], $0x40, s0, s24, $0xb8;
	[tilespmem:$0xA900] =	vst v63  }
0x7a: {  	s4 =	simm.s32 $0x680;
	s1 =	simm.s32 $0x6700  }
0x7b: {  	[tilespmem:s1], [sflag:$0x6] =	stream.indirect.gather [hbm4b:s15+s24], $0x40, s4, s24, $0xb8;
	[tilespmem:$0xA900] =	vst v63  }
0x7c: {  	_ =	swait.ge [sflag:s29], $0x2000  }
0x7d: {  	[sflag:s29] =	ssyncset.done $0x0  }
0x7e: {  	[sflag:s29] =	ssyncadd.s32 $0xFFFFE000  }
0x7f: {  	_ =	swait.ge [sflag:s29], $0x2000  }
0x80: {  	[sflag:s29] =	ssyncset.done $0x0  }
0x81: {  	[sflag:s29] =	ssyncadd.s32 $0xFFFFE000  }
0x82: {  	_ =	swait.ge [sflag:s29], $0x2000  }
0x83: {  	[sflag:s29] =	ssyncset.done $0x0  }
0x84: {  	[sflag:s29] =	ssyncadd.s32 $0xFFFFE000  }
0x85: {  	_ =	swait.ge [sflag:s29], $0x2000  }
0x86: {  	[sflag:s29] =	ssyncset.done $0x0  }
0x87: {  	[sflag:s29] =	ssyncadd.s32 $0xFFFFE000  }
0x88: {  	_ =	swait.ge [sflag:s29], $0x2000  }
0x89: {  	[sflag:s29] =	ssyncset.done $0x0  }
0x8a: {  	[sflag:s29] =	ssyncadd.s32 $0xFFFFE000  }
0x8b: {  	p0 =	seq.s32 s7, $0x63;
	_ =	swait.ge [sflag:s29], $0x2000  }
0x8c: {  	s0 =	sshll.u32 @!p0 s7, $0x8;
	s1 =	rddreg [dreg:$0x18]  }
0x8d: {  	s1 =	sadd.s32 @!p0 s0, s1  }
0x8e: {  	[sflag:s29] =	ssyncset.done $0x0;
	s1 =	sshrl.u32 @!p0 s1, $0x3  }
0x8f: {  	s4 =	simm.s32 @!p0 $0x0;
	[sflag:s29] =	ssyncadd.s32 $0xFFFFE000;
	s3 =	sadd.s32 @!p0 s8, s1  }
0x90: {  	[tilespmem:s4], [sflag:$0x1] =	stream.linear.gather @!p0 [hbm4b:s3+s4], $0x80, $0x38;
	[tilespmem:$0xA900] =	vst v63  }
0x91: {  	s3 =	rddreg [dreg:$0x2]  }
0x92: {  	s5 =	simm.s32 @!p0 $0x80;
	s3 =	sadd.s32 @!p0 s3, s1  }
0x93: {  	[tilespmem:s5], [sflag:$0x1] =	stream.linear.gather @!p0 [hbm4b:s3+s4], $0x80, $0x38;
	[tilespmem:$0xA900] =	vst v63  }
0x94: {  	s3 =	rddreg [dreg:$0x3]  }
0x95: {  	s5 =	simm.s32 @!p0 $0x100;
	s3 =	sadd.s32 @!p0 s3, s1  }
0x96: {  	[tilespmem:s5], [sflag:$0x1] =	stream.linear.gather @!p0 [hbm4b:s3+s4], $0x80, $0x38;
	[tilespmem:$0xA900] =	vst v63  }
0x97: {  	s3 =	rddreg [dreg:$0x4]  }
0x98: {  	s5 =	simm.s32 @!p0 $0x180;
	s3 =	sadd.s32 @!p0 s3, s1  }
0x99: {  	[tilespmem:s5], [sflag:$0x1] =	stream.linear.gather @!p0 [hbm4b:s3+s4], $0x80, $0x38;
	[tilespmem:$0xA900] =	vst v63  }
0x9a: {  	s3 =	rddreg [dreg:$0x5]  }
0x9b: {  	s5 =	simm.s32 @!p0 $0x200;
	s3 =	sadd.s32 @!p0 s3, s1  }
0x9c: {  	[tilespmem:s5], [sflag:$0x1] =	stream.linear.gather @!p0 [hbm4b:s3+s4], $0x80, $0x38;
	[tilespmem:$0xA900] =	vst v63  }
0x9d: {  	s3 =	rddreg [dreg:$0x6]  }
0x9e: {  	s5 =	simm.s32 @!p0 $0x280;
	s3 =	sadd.s32 @!p0 s3, s1  }
0x9f: {  	[tilespmem:s5], [sflag:$0x1] =	stream.linear.gather @!p0 [hbm4b:s3+s4], $0x80, $0x38;
	[tilespmem:$0xA900] =	vst v63  }
0xa0: {  	p1 =	seq.s32 @!p0 s7, $0x0;
	s3 =	rddreg [dreg:$0x7]  }
0xa1: {  	p1 =	por p0, !p1;
	s1 =	sadd.s32 @!p0 s3, s1;
	s3 =	simm.s32 @!p0 $0x300  }
0xa2: {  	[tilespmem:s3], [sflag:$0x1] =	stream.linear.gather @!p0 [hbm4b:s1+s4], $0x80, $0x38;
	[tilespmem:$0xA900] =	vst v63  }
0xa3: {  	_ =	swait.ge @p1 [sflag:s2], $0x400  }
0xa4: {  	[sflag:s2] =	ssyncset.done @p1 $0x0  }
0xa5: {  	[sflag:s2] =	ssyncadd.s32 @p1 $0xFFFFFC00  }
0xa6: {  	_ =	swait.ge @p1 [sflag:s2], $0x400  }
0xa7: {  	[sflag:s2] =	ssyncset.done @p1 $0x0  }
0xa8: {  	[sflag:s2] =	ssyncadd.s32 @p1 $0xFFFFFC00  }
0xa9: {  	_ =	swait.ge @p1 [sflag:s2], $0x400  }
0xaa: {  	[sflag:s2] =	ssyncset.done @p1 $0x0  }
0xab: {  	[sflag:s2] =	ssyncadd.s32 @p1 $0xFFFFFC00  }
0xac: {  	_ =	swait.ge @p1 [sflag:s2], $0x400  }
0xad: {  	[sflag:s2] =	ssyncset.done @p1 $0x0  }
0xae: {  	[sflag:s2] =	ssyncadd.s32 @p1 $0xFFFFFC00  }
0xaf: {  	_ =	swait.ge @p1 [sflag:s2], $0x400  }
0xb0: {  	[sflag:s2] =	ssyncset.done @p1 $0x0  }
0xb1: {  	[sflag:s2] =	ssyncadd.s32 @p1 $0xFFFFFC00  }
0xb2: {  	_ =	swait.ge @p1 [sflag:s2], $0x400  }
0xb3: {  	[sflag:s2] =	ssyncset.done @p1 $0x0  }
0xb4: {  	[sflag:s2] =	ssyncadd.s32 @p1 $0xFFFFFC00  }
0xb5: {  	_ =	swait.ge @p1 [sflag:s2], $0x400  }
0xb6: {  	[sflag:s2] =	ssyncset.done @p1 $0x0  }
0xb7: {  	[sflag:s2] =	ssyncadd.s32 @p1 $0xFFFFFC00  }
0xb8: {  	_ =	swait.ge @p1 [sflag:s2], $0x400  }
0xb9: {  	[sflag:s2] =	ssyncset.done @p1 $0x0  }
0xba: {  	s5 =	simm.s32 $0x4;
	[sflag:s2] =	ssyncadd.s32 @p1 $0xFFFFFC00  }
0xbb: {  	_ =	swait.ge [sflag:s5], $0x2000  }
0xbc: {  	[sflag:s5] =	ssyncset.done $0x0  }
0xbd: {  	s6 =	simm.s32 $0x400;
	[sflag:s5] =	ssyncadd.s32 $0xFFFFE000  }
0xbe: {  	[tilespmem:s28], [sflag:$0x6] =	stream.indirect.gather.add.f32 [hbm:s12], $0x40, s6, s24, $0xb8;
	[tilespmem:$0xA900] =	vst v63  }
0xbf: {  	s30 =	smov.u32 s8;
	s8 =	simm.s32 $0x480  }
0xc0: {  	[tilespmem:s28], [sflag:$0x6] =	stream.indirect.gather.add.f32 [hbm:s11], $0x40, s8, s24, $0xb8;
	[tilespmem:$0xA900] =	vst v63  }
0xc1: {  	s25 =	simm.s32 $0x500  }
0xc2: {  	[tilespmem:s28], [sflag:$0x6] =	stream.indirect.gather.add.f32 [hbm:s12], $0x40, s25, s24, $0xb8;
	[tilespmem:$0xA900] =	vst v63  }
0xc3: {  	s3 =	simm.s32 $0x580  }
0xc4: {  	[tilespmem:s28], [sflag:$0x6] =	stream.indirect.gather.add.f32 [hbm:s13], $0x40, s3, s24, $0xb8;
	[tilespmem:$0xA900] =	vst v63  }
0xc5: {  	s4 =	simm.s32 $0x600;
	s1 =	simm.s32 $0x780  }
0xc6: {  	[tilespmem:s28], [sflag:$0x6] =	stream.indirect.gather.add.f32 [hbm:s14], $0x40, s4, s24, $0xb8;
	[tilespmem:$0xA900] =	vst v63  }
0xc7: {  	s5 =	simm.s32 $0x0;
	s3 =	simm.s32 $0x4780;
	v4 =	vld [tilespmem:s1+$0xFFFFFF80]  }
0xc8: {  	v6 =	vmov s5;
	v5 =	vld [tilespmem:s3+$0xFFFFFF80]  }
0xc9: {  	v6 =	vand.u32 $0x7C, v6  }
0xca: {  	v7 =	vadd.s32 v0, v6;
	_ =	sdelay $0x1  }
0xcb: {  	v4 =	vmax.f32 v4, $0.0e+00  }
0xcc: {  	v4 =	vadd.f32 v4, v5;
	_ =	sdelay $0x1  }
0xcd: {  	[tilespmem:v7+s16+$0x0] =	vst.idx.msk $0xffff, v4  }
0xce: {  	v4 =	vld [tilespmem:s1+$0xFFFFFF90]  }
0xcf: {  	v5 =	vld [tilespmem:s3+$0xFFFFFF90];
	_ =	sdelay $0x1  }
0xd0: {  	v7 =	vadd.s32 v1, v6;
	_ =	sdelay $0x1  }
0xd1: {  	v4 =	vmax.f32 v4, $0.0e+00  }
0xd2: {  	v4 =	vadd.f32 v4, v5;
	_ =	sdelay $0x1  }
0xd3: {  	[tilespmem:v7+s16+$0x0] =	vst.idx.msk $0xffff, v4  }
0xd4: {  	v4 =	vld [tilespmem:s1+$0xFFFFFFA0]  }
0xd5: {  	v5 =	vld [tilespmem:s3+$0xFFFFFFA0];
	_ =	sdelay $0x1  }
0xd6: {  	v7 =	vadd.s32 v2, v6;
	_ =	sdelay $0x1  }
0xd7: {  	v4 =	vmax.f32 v4, $0.0e+00  }
0xd8: {  	v4 =	vadd.f32 v4, v5;
	_ =	sdelay $0x1  }
0xd9: {  	[tilespmem:v7+s16+$0x0] =	vst.idx.msk $0xffff, v4  }
0xda: {  	v4 =	vld [tilespmem:s1+$0xFFFFFFB0]  }
0xdb: {  	v5 =	vld [tilespmem:s3+$0xFFFFFFB0];
	_ =	sdelay $0x1  }
0xdc: {  	v6 =	vadd.s32 v3, v6;
	_ =	sdelay $0x1  }
0xdd: {  	v4 =	vmax.f32 v4, $0.0e+00  }
0xde: {  	v4 =	vadd.f32 v4, v5;
	_ =	sdelay $0x1  }
0xdf: {  	[tilespmem:v6+s16+$0x0] =	vst.idx.msk $0xffff, v4  }
0xe0: {  	s6 =	simm.s32 $0x1;
	v4 =	vld [tilespmem:s1+$0xFFFFFFC0]  }
0xe1: {  	v6 =	vmov s6;
	v5 =	vld [tilespmem:s3+$0xFFFFFFC0]  }
0xe2: {  	v6 =	vand.u32 $0x7D, v6  }
0xe3: {  	v7 =	vadd.s32 v0, v6;
	_ =	sdelay $0x1  }
0xe4: {  	v4 =	vmax.f32 v4, $0.0e+00  }
0xe5: {  	v4 =	vadd.f32 v4, v5;
	_ =	sdelay $0x1  }
0xe6: {  	[tilespmem:v7+s16+$0x0] =	vst.idx.msk $0xffff, v4  }
0xe7: {  	v4 =	vld [tilespmem:s1+$0xFFFFFFD0]  }
0xe8: {  	v5 =	vld [tilespmem:s3+$0xFFFFFFD0];
	_ =	sdelay $0x1  }
0xe9: {  	v7 =	vadd.s32 v1, v6;
	_ =	sdelay $0x1  }
0xea: {  	v4 =	vmax.f32 v4, $0.0e+00  }
0xeb: {  	v4 =	vadd.f32 v4, v5;
	_ =	sdelay $0x1  }
0xec: {  	[tilespmem:v7+s16+$0x0] =	vst.idx.msk $0xffff, v4  }
0xed: {  	v4 =	vld [tilespmem:s1+$0xFFFFFFE0]  }
0xee: {  	v5 =	vld [tilespmem:s3+$0xFFFFFFE0];
	_ =	sdelay $0x1  }
0xef: {  	v7 =	vadd.s32 v2, v6;
	_ =	sdelay $0x1  }
0xf0: {  	v4 =	vmax.f32 v4, $0.0e+00  }
0xf1: {  	v4 =	vadd.f32 v4, v5;
	_ =	sdelay $0x1  }
0xf2: {  	[tilespmem:v7+s16+$0x0] =	vst.idx.msk $0xffff, v4  }
0xf3: {  	v4 =	vld [tilespmem:s1+$0xFFFFFFF0]  }
0xf4: {  	v5 =	vld [tilespmem:s3+$0xFFFFFFF0];
	_ =	sdelay $0x1  }
0xf5: {  	v6 =	vadd.s32 v3, v6;
	_ =	sdelay $0x1  }
0xf6: {  	v4 =	vmax.f32 v4, $0.0e+00  }
0xf7: {  	v4 =	vadd.f32 v4, v5;
	_ =	sdelay $0x1  }
0xf8: {  	[tilespmem:v6+s16+$0x0] =	vst.idx.msk $0xffff, v4  }
0xf9: {  	s8 =	simm.s32 $0x2;
	v4 =	vld [tilespmem:s1+$0x0]  }
0xfa: {  	v6 =	vmov s8;
	v5 =	vld [tilespmem:s3+$0x0]  }
0xfb: {  	v6 =	vand.u32 $0x7E, v6  }
0xfc: {  	v7 =	vadd.s32 v0, v6;
	_ =	sdelay $0x1  }
0xfd: {  	v4 =	vmax.f32 v4, $0.0e+00  }
0xfe: {  	v4 =	vadd.f32 v4, v5;
	_ =	sdelay $0x1  }
0xff: {  	[tilespmem:v7+s16+$0x0] =	vst.idx.msk $0xffff, v4  }
0x100: {  	v4 =	vld [tilespmem:s1+$0x10]  }
0x101: {  	v5 =	vld [tilespmem:s3+$0x10];
	_ =	sdelay $0x1  }
0x102: {  	v7 =	vadd.s32 v1, v6;
	_ =	sdelay $0x1  }
0x103: {  	v4 =	vmax.f32 v4, $0.0e+00  }
0x104: {  	v4 =	vadd.f32 v4, v5;
	_ =	sdelay $0x1  }
0x105: {  	[tilespmem:v7+s16+$0x0] =	vst.idx.msk $0xffff, v4  }
0x106: {  	v4 =	vld [tilespmem:s1+$0x20]  }
0x107: {  	v5 =	vld [tilespmem:s3+$0x20];
	_ =	sdelay $0x1  }
0x108: {  	v7 =	vadd.s32 v2, v6;
	_ =	sdelay $0x1  }
0x109: {  	v4 =	vmax.f32 v4, $0.0e+00  }
0x10a: {  	v4 =	vadd.f32 v4, v5;
	_ =	sdelay $0x1  }
0x10b: {  	[tilespmem:v7+s16+$0x0] =	vst.idx.msk $0xffff, v4  }
0x10c: {  	v4 =	vld [tilespmem:s1+$0x30]  }
0x10d: {  	v5 =	vld [tilespmem:s3+$0x30];
	_ =	sdelay $0x1  }
0x10e: {  	v6 =	vadd.s32 v3, v6;
	_ =	sdelay $0x1  }
0x10f: {  	v4 =	vmax.f32 v4, $0.0e+00  }
0x110: {  	v4 =	vadd.f32 v4, v5;
	_ =	sdelay $0x1  }
0x111: {  	[tilespmem:v6+s16+$0x0] =	vst.idx.msk $0xffff, v4  }
0x112: {  	s25 =	simm.s32 $0x3;
	v4 =	vld [tilespmem:s1+$0x40]  }
0x113: {  	v6 =	vmov s25;
	v5 =	vld [tilespmem:s3+$0x40]  }
0x114: {  	v6 =	vand.u32 $0x7F, v6  }
0x115: {  	v7 =	vadd.s32 v0, v6;
	_ =	sdelay $0x1  }
0x116: {  	v4 =	vmax.f32 v4, $0.0e+00  }
0x117: {  	v4 =	vadd.f32 v4, v5;
	_ =	sdelay $0x1  }
0x118: {  	[tilespmem:v7+s16+$0x0] =	vst.idx.msk $0xffff, v4  }
0x119: {  	v4 =	vld [tilespmem:s1+$0x50]  }
0x11a: {  	v5 =	vld [tilespmem:s3+$0x50];
	_ =	sdelay $0x1  }
0x11b: {  	v7 =	vadd.s32 v1, v6;
	_ =	sdelay $0x1  }
0x11c: {  	v4 =	vmax.f32 v4, $0.0e+00  }
0x11d: {  	v4 =	vadd.f32 v4, v5;
	_ =	sdelay $0x1  }
0x11e: {  	[tilespmem:v7+s16+$0x0] =	vst.idx.msk $0xffff, v4  }
0x11f: {  	v4 =	vld [tilespmem:s1+$0x60]  }
0x120: {  	v5 =	vld [tilespmem:s3+$0x60];
	_ =	sdelay $0x1  }
0x121: {  	v7 =	vadd.s32 v2, v6;
	_ =	sdelay $0x1  }
0x122: {  	v4 =	vmax.f32 v4, $0.0e+00  }
0x123: {  	v4 =	vadd.f32 v4, v5;
	_ =	sdelay $0x1  }
0x124: {  	[tilespmem:v7+s16+$0x0] =	vst.idx.msk $0xffff, v4  }
0x125: {  	v4 =	vld [tilespmem:s1+$0x70];
	_ =	sdelay $0x2  }
0x126: {  	v5 =	vld [tilespmem:s3+$0x70];
	_ =	sdelay $0x1  }
0x127: {  	v7 =	vmax.f32 v4, $0.0e+00;
	v4 =	vadd.s32 v3, v6;
	_ =	sdelay $0x2  }
0x128: {  	s5 =	simm.s32 $0x4;
	s4 =	sshll.u32 s7, $0x1;
	s25 =	sshllo.u32 s7, $0x1;
	v5 =	vadd.f32 v7, v5  }
.LBB2_3:
0x129: {  	_ = 	snop  }
0x12a: {  	p1 =	slt.u32 s5, $0x7C;
	s1 =	sadd.s32 $0x100, s1;
	s3 =	sadd.s32 $0x100, s3;
	[tilespmem:v4+s16+$0x0] =	vst.idx.msk $0xffff, v5  }
0x12b: {  	s6 =	smov.u32 s5;
	s5 =	sadd.s32 $0x4, s5;
	v4 =	vld [tilespmem:s1+$0xFFFFFF80]  }
0x12c: {  	v6 =	vmov s6;
	v5 =	vld [tilespmem:s3+$0xFFFFFF80]  }
0x12d: {  	v6 =	vand.u32 $0x7C, v6  }
0x12e: {  	v7 =	vadd.s32 v0, v6;
	_ =	sdelay $0x1  }
0x12f: {  	v4 =	vmax.f32 v4, $0.0e+00  }
0x130: {  	v4 =	vadd.f32 v4, v5;
	_ =	sdelay $0x1  }
0x131: {  	[tilespmem:v7+s16+$0x0] =	vst.idx.msk $0xffff, v4  }
0x132: {  	v4 =	vld [tilespmem:s1+$0xFFFFFF90]  }
0x133: {  	v5 =	vld [tilespmem:s3+$0xFFFFFF90];
	_ =	sdelay $0x1  }
0x134: {  	v7 =	vadd.s32 v1, v6;
	_ =	sdelay $0x1  }
0x135: {  	v4 =	vmax.f32 v4, $0.0e+00  }
0x136: {  	v4 =	vadd.f32 v4, v5;
	_ =	sdelay $0x1  }
0x137: {  	[tilespmem:v7+s16+$0x0] =	vst.idx.msk $0xffff, v4  }
0x138: {  	v4 =	vld [tilespmem:s1+$0xFFFFFFA0]  }
0x139: {  	v5 =	vld [tilespmem:s3+$0xFFFFFFA0];
	_ =	sdelay $0x1  }
0x13a: {  	v7 =	vadd.s32 v2, v6;
	_ =	sdelay $0x1  }
0x13b: {  	v4 =	vmax.f32 v4, $0.0e+00  }
0x13c: {  	v4 =	vadd.f32 v4, v5;
	_ =	sdelay $0x1  }
0x13d: {  	[tilespmem:v7+s16+$0x0] =	vst.idx.msk $0xffff, v4  }
0x13e: {  	v4 =	vld [tilespmem:s1+$0xFFFFFFB0]  }
0x13f: {  	v5 =	vld [tilespmem:s3+$0xFFFFFFB0];
	_ =	sdelay $0x1  }
0x140: {  	v6 =	vadd.s32 v3, v6;
	_ =	sdelay $0x1  }
0x141: {  	v4 =	vmax.f32 v4, $0.0e+00  }
0x142: {  	v4 =	vadd.f32 v4, v5;
	_ =	sdelay $0x1  }
0x143: {  	[tilespmem:v6+s16+$0x0] =	vst.idx.msk $0xffff, v4  }
0x144: {  	s8 =	sadd.s32 $0x1, s6;
	v4 =	vld [tilespmem:s1+$0xFFFFFFC0]  }
0x145: {  	v6 =	vmov s8;
	v5 =	vld [tilespmem:s3+$0xFFFFFFC0]  }
0x146: {  	v6 =	vand.u32 $0x7D, v6  }
0x147: {  	v7 =	vadd.s32 v0, v6;
	_ =	sdelay $0x1  }
0x148: {  	v4 =	vmax.f32 v4, $0.0e+00  }
0x149: {  	v4 =	vadd.f32 v4, v5;
	_ =	sdelay $0x1  }
0x14a: {  	[tilespmem:v7+s16+$0x0] =	vst.idx.msk $0xffff, v4  }
0x14b: {  	v4 =	vld [tilespmem:s1+$0xFFFFFFD0]  }
0x14c: {  	v5 =	vld [tilespmem:s3+$0xFFFFFFD0];
	_ =	sdelay $0x1  }
0x14d: {  	v7 =	vadd.s32 v1, v6;
	_ =	sdelay $0x1  }
0x14e: {  	v4 =	vmax.f32 v4, $0.0e+00  }
0x14f: {  	v4 =	vadd.f32 v4, v5;
	_ =	sdelay $0x1  }
0x150: {  	[tilespmem:v7+s16+$0x0] =	vst.idx.msk $0xffff, v4  }
0x151: {  	v4 =	vld [tilespmem:s1+$0xFFFFFFE0]  }
0x152: {  	v5 =	vld [tilespmem:s3+$0xFFFFFFE0];
	_ =	sdelay $0x1  }
0x153: {  	v7 =	vadd.s32 v2, v6;
	_ =	sdelay $0x1  }
0x154: {  	v4 =	vmax.f32 v4, $0.0e+00  }
0x155: {  	v4 =	vadd.f32 v4, v5;
	_ =	sdelay $0x1  }
0x156: {  	[tilespmem:v7+s16+$0x0] =	vst.idx.msk $0xffff, v4  }
0x157: {  	v4 =	vld [tilespmem:s1+$0xFFFFFFF0]  }
0x158: {  	v5 =	vld [tilespmem:s3+$0xFFFFFFF0];
	_ =	sdelay $0x1  }
0x159: {  	v6 =	vadd.s32 v3, v6;
	_ =	sdelay $0x1  }
0x15a: {  	v4 =	vmax.f32 v4, $0.0e+00  }
0x15b: {  	v4 =	vadd.f32 v4, v5;
	_ =	sdelay $0x1  }
0x15c: {  	[tilespmem:v6+s16+$0x0] =	vst.idx.msk $0xffff, v4  }
0x15d: {  	s8 =	sadd.s32 $0x2, s6;
	v4 =	vld [tilespmem:s1+$0x0]  }
0x15e: {  	v6 =	vmov s8;
	v5 =	vld [tilespmem:s3+$0x0]  }
0x15f: {  	v6 =	vand.u32 $0x7E, v6  }
0x160: {  	v7 =	vadd.s32 v0, v6;
	_ =	sdelay $0x1  }
0x161: {  	v4 =	vmax.f32 v4, $0.0e+00  }
0x162: {  	v4 =	vadd.f32 v4, v5;
	_ =	sdelay $0x1  }
0x163: {  	[tilespmem:v7+s16+$0x0] =	vst.idx.msk $0xffff, v4  }
0x164: {  	v4 =	vld [tilespmem:s1+$0x10]  }
0x165: {  	v5 =	vld [tilespmem:s3+$0x10];
	_ =	sdelay $0x1  }
0x166: {  	v7 =	vadd.s32 v1, v6;
	_ =	sdelay $0x1  }
0x167: {  	v4 =	vmax.f32 v4, $0.0e+00  }
0x168: {  	v4 =	vadd.f32 v4, v5;
	_ =	sdelay $0x1  }
0x169: {  	[tilespmem:v7+s16+$0x0] =	vst.idx.msk $0xffff, v4  }
0x16a: {  	v4 =	vld [tilespmem:s1+$0x20]  }
0x16b: {  	v5 =	vld [tilespmem:s3+$0x20];
	_ =	sdelay $0x1  }
0x16c: {  	v7 =	vadd.s32 v2, v6;
	_ =	sdelay $0x1  }
0x16d: {  	v4 =	vmax.f32 v4, $0.0e+00  }
0x16e: {  	v4 =	vadd.f32 v4, v5;
	_ =	sdelay $0x1  }
0x16f: {  	[tilespmem:v7+s16+$0x0] =	vst.idx.msk $0xffff, v4  }
0x170: {  	v4 =	vld [tilespmem:s1+$0x30]  }
0x171: {  	v5 =	vld [tilespmem:s3+$0x30];
	_ =	sdelay $0x1  }
0x172: {  	v6 =	vadd.s32 v3, v6;
	_ =	sdelay $0x1  }
0x173: {  	v4 =	vmax.f32 v4, $0.0e+00  }
0x174: {  	v4 =	vadd.f32 v4, v5;
	_ =	sdelay $0x1  }
0x175: {  	[tilespmem:v6+s16+$0x0] =	vst.idx.msk $0xffff, v4  }
0x176: {  	s6 =	sadd.s32 $0x3, s6;
	v4 =	vld [tilespmem:s1+$0x40]  }
0x177: {  	v6 =	vmov s6;
	v5 =	vld [tilespmem:s3+$0x40]  }
0x178: {  	v6 =	vand.u32 $0x7F, v6  }
0x179: {  	v7 =	vadd.s32 v0, v6;
	_ =	sdelay $0x1  }
0x17a: {  	v4 =	vmax.f32 v4, $0.0e+00  }
0x17b: {  	v4 =	vadd.f32 v4, v5;
	_ =	sdelay $0x1  }
0x17c: {  	[tilespmem:v7+s16+$0x0] =	vst.idx.msk $0xffff, v4  }
0x17d: {  	v4 =	vld [tilespmem:s1+$0x50]  }
0x17e: {  	v5 =	vld [tilespmem:s3+$0x50];
	_ =	sdelay $0x1  }
0x17f: {  	v7 =	vadd.s32 v1, v6;
	_ =	sdelay $0x1  }
0x180: {  	v4 =	vmax.f32 v4, $0.0e+00  }
0x181: {  	v4 =	vadd.f32 v4, v5;
	_ =	sdelay $0x1  }
0x182: {  	[tilespmem:v7+s16+$0x0] =	vst.idx.msk $0xffff, v4  }
0x183: {  	v4 =	vld [tilespmem:s1+$0x60]  }
0x184: {  	v5 =	vld [tilespmem:s3+$0x60];
	_ =	sdelay $0x1  }
0x185: {  	v7 =	vadd.s32 v2, v6;
	_ =	sdelay $0x1  }
0x186: {  	v4 =	vmax.f32 v4, $0.0e+00  }
0x187: {  	v4 =	vadd.f32 v4, v5;
	_ =	sdelay $0x1  }
0x188: {  	[tilespmem:v7+s16+$0x0] =	vst.idx.msk $0xffff, v4  }
0x189: {  	v5 =	vld [tilespmem:s1+$0x70]  }
0x18a: {  	v7 =	vld [tilespmem:s3+$0x70]  }
.Ltmp0:
0x18b: {  	(pc) =	sbr.rel @p1 .LBB2_3-.Ltmp0, $3  }
0x18c: {  	v4 =	vadd.s32 v3, v6;
	_ =	sdelay $0x1  }
0x18d: {  	v5 =	vmax.f32 v5, $0.0e+00  }
0x18e: {  	v5 =	vadd.f32 v5, v7  }
0x18f: {  	s1 =	sadd.s32 s31, s4  }
0x190: {  	s3 =	sshll.u32 s1, $0xB  }
0x191: {  	s4 =	sand.u32 $0xF8, s1;
	s1 =	sshll.u32 s1, $0x6;
	s3 =	sand.u32 $0x3000, s3  }
0x192: {  	s1 =	sand.u32 $0x1FFC000, s1;
	s3 =	sor.u32 s4, s3  }
0x193: {  	s1 =	sor.u32 s1, s3  }
0x194: {  	s6 =	rddreg [dreg:$0x8];
	s1 =	sshll.u32 s1, $0x4  }
0x195: {  	[tilespmem:v4+s16+$0x0] =	vst.idx.msk $0xffff, v5;
	s3 =	sadd.s32 s6, s1  }
0x196: {  	[hbm4b:s3+s10] =	stream.linear.scatter [tilespmem:s16], [sflag:$0x7], $0x80, $0x38;
	[tilespmem:$0xA900] =	vst v63  }
0x197: {  	s5 =	simm.s32 $0x8788;
	s8 =	sadd.s32 $0x10, s3  }
0x198: {  	[hbm4b:s8+s10] =	stream.linear.scatter [tilespmem:s5], [sflag:$0x7], $0x80, $0x38;
	[tilespmem:$0xA900] =	vst v63  }
0x199: {  	s6 =	sadd.s32 $0x20, s3;
	s8 =	simm.s32 $0x8810  }
0x19a: {  	[hbm4b:s6+s10] =	stream.linear.scatter [tilespmem:s8], [sflag:$0x7], $0x80, $0x38;
	[tilespmem:$0xA900] =	vst v63  }
0x19b: {  	s6 =	sadd.s32 $0x30, s3;
	s8 =	simm.s32 $0x8898  }
0x19c: {  	[hbm4b:s6+s10] =	stream.linear.scatter [tilespmem:s8], [sflag:$0x7], $0x80, $0x38;
	[tilespmem:$0xA900] =	vst v63  }
0x19d: {  	s6 =	sadd.s32 $0x40, s3;
	s8 =	simm.s32 $0x8920  }
0x19e: {  	[hbm4b:s6+s10] =	stream.linear.scatter [tilespmem:s8], [sflag:$0x7], $0x80, $0x38;
	[tilespmem:$0xA900] =	vst v63  }
0x19f: {  	s6 =	sadd.s32 $0x50, s3;
	s8 =	simm.s32 $0x89A8  }
0x1a0: {  	[hbm4b:s6+s10] =	stream.linear.scatter [tilespmem:s8], [sflag:$0x7], $0x80, $0x38;
	[tilespmem:$0xA900] =	vst v63  }
0x1a1: {  	s5 =	sadd.s32 $0x60, s3;
	s6 =	simm.s32 $0x8A30  }
0x1a2: {  	[hbm4b:s5+s10] =	stream.linear.scatter [tilespmem:s6], [sflag:$0x7], $0x80, $0x38;
	[tilespmem:$0xA900] =	vst v63  }
0x1a3: {  	s3 =	sadd.s32 $0x70, s3;
	s8 =	simm.s32 $0x8AB8  }
0x1a4: {  	[hbm4b:s3+s10] =	stream.linear.scatter [tilespmem:s8], [sflag:$0x7], $0x80, $0x38;
	[tilespmem:$0xA900] =	vst v63  }
0x1a5: {  	s5 =	simm.s32 $0x8B40;
	s3 =	sadd.s32 s1, s17  }
0x1a6: {  	[hbm4b:s3+s10] =	stream.linear.scatter [tilespmem:s5], [sflag:$0x7], $0x80, $0x38;
	[tilespmem:$0xA900] =	vst v63  }
0x1a7: {  	s8 =	simm.s32 $0x8BC8;
	s6 =	sadd.s32 $0x10, s3  }
0x1a8: {  	[hbm4b:s6+s10] =	stream.linear.scatter [tilespmem:s8], [sflag:$0x7], $0x80, $0x38;
	[tilespmem:$0xA900] =	vst v63  }
0x1a9: {  	s6 =	sadd.s32 $0x20, s3;
	s8 =	simm.s32 $0x8C50  }
0x1aa: {  	[hbm4b:s6+s10] =	stream.linear.scatter [tilespmem:s8], [sflag:$0x7], $0x80, $0x38;
	[tilespmem:$0xA900] =	vst v63  }
0x1ab: {  	s6 =	sadd.s32 $0x30, s3;
	s8 =	simm.s32 $0x8CD8  }
0x1ac: {  	[hbm4b:s6+s10] =	stream.linear.scatter [tilespmem:s8], [sflag:$0x7], $0x80, $0x38;
	[tilespmem:$0xA900] =	vst v63  }
0x1ad: {  	s6 =	sadd.s32 $0x40, s3;
	s8 =	simm.s32 $0x8D60  }
0x1ae: {  	[hbm4b:s6+s10] =	stream.linear.scatter [tilespmem:s8], [sflag:$0x7], $0x80, $0x38;
	[tilespmem:$0xA900] =	vst v63  }
0x1af: {  	s6 =	sadd.s32 $0x50, s3;
	s8 =	simm.s32 $0x8DE8  }
0x1b0: {  	[hbm4b:s6+s10] =	stream.linear.scatter [tilespmem:s8], [sflag:$0x7], $0x80, $0x38;
	[tilespmem:$0xA900] =	vst v63  }
0x1b1: {  	s5 =	sadd.s32 $0x60, s3;
	s6 =	simm.s32 $0x8E70  }
0x1b2: {  	[hbm4b:s5+s10] =	stream.linear.scatter [tilespmem:s6], [sflag:$0x7], $0x80, $0x38;
	[tilespmem:$0xA900] =	vst v63  }
0x1b3: {  	s3 =	sadd.s32 $0x70, s3;
	s8 =	simm.s32 $0x8EF8  }
0x1b4: {  	[hbm4b:s3+s10] =	stream.linear.scatter [tilespmem:s8], [sflag:$0x7], $0x80, $0x38;
	[tilespmem:$0xA900] =	vst v63  }
0x1b5: {  	s5 =	simm.s32 $0x8F80;
	s3 =	sadd.s32 s1, s18  }
0x1b6: {  	[hbm4b:s3+s10] =	stream.linear.scatter [tilespmem:s5], [sflag:$0x7], $0x80, $0x38;
	[tilespmem:$0xA900] =	vst v63  }
0x1b7: {  	s8 =	simm.s32 $0x9008;
	s6 =	sadd.s32 $0x10, s3  }
0x1b8: {  	[hbm4b:s6+s10] =	stream.linear.scatter [tilespmem:s8], [sflag:$0x7], $0x80, $0x38;
	[tilespmem:$0xA900] =	vst v63  }
0x1b9: {  	s6 =	sadd.s32 $0x20, s3;
	s8 =	simm.s32 $0x9090  }
0x1ba: {  	[hbm4b:s6+s10] =	stream.linear.scatter [tilespmem:s8], [sflag:$0x7], $0x80, $0x38;
	[tilespmem:$0xA900] =	vst v63  }
0x1bb: {  	s6 =	sadd.s32 $0x30, s3;
	s8 =	simm.s32 $0x9118  }
0x1bc: {  	[hbm4b:s6+s10] =	stream.linear.scatter [tilespmem:s8], [sflag:$0x7], $0x80, $0x38;
	[tilespmem:$0xA900] =	vst v63  }
0x1bd: {  	s6 =	sadd.s32 $0x40, s3;
	s8 =	simm.s32 $0x91A0  }
0x1be: {  	[hbm4b:s6+s10] =	stream.linear.scatter [tilespmem:s8], [sflag:$0x7], $0x80, $0x38;
	[tilespmem:$0xA900] =	vst v63  }
0x1bf: {  	s6 =	sadd.s32 $0x50, s3;
	s8 =	simm.s32 $0x9228  }
0x1c0: {  	[hbm4b:s6+s10] =	stream.linear.scatter [tilespmem:s8], [sflag:$0x7], $0x80, $0x38;
	[tilespmem:$0xA900] =	vst v63  }
0x1c1: {  	s5 =	sadd.s32 $0x60, s3;
	s6 =	simm.s32 $0x92B0  }
0x1c2: {  	[hbm4b:s5+s10] =	stream.linear.scatter [tilespmem:s6], [sflag:$0x7], $0x80, $0x38;
	[tilespmem:$0xA900] =	vst v63  }
0x1c3: {  	s3 =	sadd.s32 $0x70, s3;
	s8 =	simm.s32 $0x9338  }
0x1c4: {  	[hbm4b:s3+s10] =	stream.linear.scatter [tilespmem:s8], [sflag:$0x7], $0x80, $0x38;
	[tilespmem:$0xA900] =	vst v63  }
0x1c5: {  	s5 =	simm.s32 $0x93C0;
	s3 =	sadd.s32 s1, s19  }
0x1c6: {  	[hbm4b:s3+s10] =	stream.linear.scatter [tilespmem:s5], [sflag:$0x7], $0x80, $0x38;
	[tilespmem:$0xA900] =	vst v63  }
0x1c7: {  	s8 =	simm.s32 $0x9448;
	s6 =	sadd.s32 $0x10, s3  }
0x1c8: {  	[hbm4b:s6+s10] =	stream.linear.scatter [tilespmem:s8], [sflag:$0x7], $0x80, $0x38;
	[tilespmem:$0xA900] =	vst v63  }
0x1c9: {  	s6 =	sadd.s32 $0x20, s3;
	s8 =	simm.s32 $0x94D0  }
0x1ca: {  	[hbm4b:s6+s10] =	stream.linear.scatter [tilespmem:s8], [sflag:$0x7], $0x80, $0x38;
	[tilespmem:$0xA900] =	vst v63  }
0x1cb: {  	s6 =	sadd.s32 $0x30, s3;
	s8 =	simm.s32 $0x9558  }
0x1cc: {  	[hbm4b:s6+s10] =	stream.linear.scatter [tilespmem:s8], [sflag:$0x7], $0x80, $0x38;
	[tilespmem:$0xA900] =	vst v63  }
0x1cd: {  	s6 =	sadd.s32 $0x40, s3;
	s8 =	simm.s32 $0x95E0  }
0x1ce: {  	[hbm4b:s6+s10] =	stream.linear.scatter [tilespmem:s8], [sflag:$0x7], $0x80, $0x38;
	[tilespmem:$0xA900] =	vst v63  }
0x1cf: {  	s6 =	sadd.s32 $0x50, s3;
	s8 =	simm.s32 $0x9668  }
0x1d0: {  	[hbm4b:s6+s10] =	stream.linear.scatter [tilespmem:s8], [sflag:$0x7], $0x80, $0x38;
	[tilespmem:$0xA900] =	vst v63  }
0x1d1: {  	s5 =	sadd.s32 $0x60, s3;
	s6 =	simm.s32 $0x96F0  }
0x1d2: {  	[hbm4b:s5+s10] =	stream.linear.scatter [tilespmem:s6], [sflag:$0x7], $0x80, $0x38;
	[tilespmem:$0xA900] =	vst v63  }
0x1d3: {  	s3 =	sadd.s32 $0x70, s3;
	s8 =	simm.s32 $0x9778  }
0x1d4: {  	[hbm4b:s3+s10] =	stream.linear.scatter [tilespmem:s8], [sflag:$0x7], $0x80, $0x38;
	[tilespmem:$0xA900] =	vst v63  }
0x1d5: {  	s5 =	simm.s32 $0x9800;
	s3 =	sadd.s32 s1, s20  }
0x1d6: {  	[hbm4b:s3+s10] =	stream.linear.scatter [tilespmem:s5], [sflag:$0x7], $0x80, $0x38;
	[tilespmem:$0xA900] =	vst v63  }
0x1d7: {  	s8 =	simm.s32 $0x9888;
	s6 =	sadd.s32 $0x10, s3  }
0x1d8: {  	[hbm4b:s6+s10] =	stream.linear.scatter [tilespmem:s8], [sflag:$0x7], $0x80, $0x38;
	[tilespmem:$0xA900] =	vst v63  }
0x1d9: {  	s6 =	sadd.s32 $0x20, s3;
	s8 =	simm.s32 $0x9910  }
0x1da: {  	[hbm4b:s6+s10] =	stream.linear.scatter [tilespmem:s8], [sflag:$0x7], $0x80, $0x38;
	[tilespmem:$0xA900] =	vst v63  }
0x1db: {  	s6 =	sadd.s32 $0x30, s3;
	s8 =	simm.s32 $0x9998  }
0x1dc: {  	[hbm4b:s6+s10] =	stream.linear.scatter [tilespmem:s8], [sflag:$0x7], $0x80, $0x38;
	[tilespmem:$0xA900] =	vst v63  }
0x1dd: {  	s6 =	sadd.s32 $0x40, s3;
	s8 =	simm.s32 $0x9A20  }
0x1de: {  	[hbm4b:s6+s10] =	stream.linear.scatter [tilespmem:s8], [sflag:$0x7], $0x80, $0x38;
	[tilespmem:$0xA900] =	vst v63  }
0x1df: {  	s6 =	sadd.s32 $0x50, s3;
	s8 =	simm.s32 $0x9AA8  }
0x1e0: {  	[hbm4b:s6+s10] =	stream.linear.scatter [tilespmem:s8], [sflag:$0x7], $0x80, $0x38;
	[tilespmem:$0xA900] =	vst v63  }
0x1e1: {  	s5 =	sadd.s32 $0x60, s3;
	s6 =	simm.s32 $0x9B30  }
0x1e2: {  	[hbm4b:s5+s10] =	stream.linear.scatter [tilespmem:s6], [sflag:$0x7], $0x80, $0x38;
	[tilespmem:$0xA900] =	vst v63  }
0x1e3: {  	s3 =	sadd.s32 $0x70, s3;
	s8 =	simm.s32 $0x9BB8  }
0x1e4: {  	[hbm4b:s3+s10] =	stream.linear.scatter [tilespmem:s8], [sflag:$0x7], $0x80, $0x38;
	[tilespmem:$0xA900] =	vst v63  }
0x1e5: {  	s5 =	simm.s32 $0x9C40;
	s3 =	sadd.s32 s1, s21  }
0x1e6: {  	[hbm4b:s3+s10] =	stream.linear.scatter [tilespmem:s5], [sflag:$0x7], $0x80, $0x38;
	[tilespmem:$0xA900] =	vst v63  }
0x1e7: {  	s8 =	simm.s32 $0x9CC8;
	s6 =	sadd.s32 $0x10, s3  }
0x1e8: {  	[hbm4b:s6+s10] =	stream.linear.scatter [tilespmem:s8], [sflag:$0x7], $0x80, $0x38;
	[tilespmem:$0xA900] =	vst v63  }
0x1e9: {  	s6 =	sadd.s32 $0x20, s3;
	s8 =	simm.s32 $0x9D50  }
0x1ea: {  	[hbm4b:s6+s10] =	stream.linear.scatter [tilespmem:s8], [sflag:$0x7], $0x80, $0x38;
	[tilespmem:$0xA900] =	vst v63  }
0x1eb: {  	s6 =	sadd.s32 $0x30, s3;
	s8 =	simm.s32 $0x9DD8  }
0x1ec: {  	[hbm4b:s6+s10] =	stream.linear.scatter [tilespmem:s8], [sflag:$0x7], $0x80, $0x38;
	[tilespmem:$0xA900] =	vst v63  }
0x1ed: {  	s6 =	sadd.s32 $0x40, s3;
	s8 =	simm.s32 $0x9E60  }
0x1ee: {  	[hbm4b:s6+s10] =	stream.linear.scatter [tilespmem:s8], [sflag:$0x7], $0x80, $0x38;
	[tilespmem:$0xA900] =	vst v63  }
0x1ef: {  	s6 =	sadd.s32 $0x50, s3;
	s8 =	simm.s32 $0x9EE8  }
0x1f0: {  	[hbm4b:s6+s10] =	stream.linear.scatter [tilespmem:s8], [sflag:$0x7], $0x80, $0x38;
	[tilespmem:$0xA900] =	vst v63  }
0x1f1: {  	s5 =	sadd.s32 $0x60, s3;
	s6 =	simm.s32 $0x9F70  }
0x1f2: {  	[hbm4b:s5+s10] =	stream.linear.scatter [tilespmem:s6], [sflag:$0x7], $0x80, $0x38;
	[tilespmem:$0xA900] =	vst v63  }
0x1f3: {  	s3 =	sadd.s32 $0x70, s3;
	s8 =	simm.s32 $0x9FF8  }
0x1f4: {  	[hbm4b:s3+s10] =	stream.linear.scatter [tilespmem:s8], [sflag:$0x7], $0x80, $0x38;
	[tilespmem:$0xA900] =	vst v63  }
0x1f5: {  	s5 =	simm.s32 $0xA080;
	s3 =	sadd.s32 s1, s22  }
0x1f6: {  	[hbm4b:s3+s10] =	stream.linear.scatter [tilespmem:s5], [sflag:$0x7], $0x80, $0x38;
	[tilespmem:$0xA900] =	vst v63  }
0x1f7: {  	s8 =	simm.s32 $0xA108;
	s6 =	sadd.s32 $0x10, s3  }
0x1f8: {  	[hbm4b:s6+s10] =	stream.linear.scatter [tilespmem:s8], [sflag:$0x7], $0x80, $0x38;
	[tilespmem:$0xA900] =	vst v63  }
0x1f9: {  	s6 =	sadd.s32 $0x20, s3;
	s8 =	simm.s32 $0xA190  }
0x1fa: {  	[hbm4b:s6+s10] =	stream.linear.scatter [tilespmem:s8], [sflag:$0x7], $0x80, $0x38;
	[tilespmem:$0xA900] =	vst v63  }
0x1fb: {  	s6 =	sadd.s32 $0x30, s3;
	s8 =	simm.s32 $0xA218  }
0x1fc: {  	[hbm4b:s6+s10] =	stream.linear.scatter [tilespmem:s8], [sflag:$0x7], $0x80, $0x38;
	[tilespmem:$0xA900] =	vst v63  }
0x1fd: {  	s6 =	sadd.s32 $0x40, s3;
	s8 =	simm.s32 $0xA2A0  }
0x1fe: {  	[hbm4b:s6+s10] =	stream.linear.scatter [tilespmem:s8], [sflag:$0x7], $0x80, $0x38;
	[tilespmem:$0xA900] =	vst v63  }
0x1ff: {  	s6 =	sadd.s32 $0x50, s3;
	s8 =	simm.s32 $0xA328  }
0x200: {  	[hbm4b:s6+s10] =	stream.linear.scatter [tilespmem:s8], [sflag:$0x7], $0x80, $0x38;
	[tilespmem:$0xA900] =	vst v63  }
0x201: {  	s5 =	sadd.s32 $0x60, s3;
	s6 =	simm.s32 $0xA3B0  }
0x202: {  	[hbm4b:s5+s10] =	stream.linear.scatter [tilespmem:s6], [sflag:$0x7], $0x80, $0x38;
	[tilespmem:$0xA900] =	vst v63  }
0x203: {  	s3 =	sadd.s32 $0x70, s3;
	s8 =	simm.s32 $0xA438  }
0x204: {  	[hbm4b:s3+s10] =	stream.linear.scatter [tilespmem:s8], [sflag:$0x7], $0x80, $0x38;
	[tilespmem:$0xA900] =	vst v63  }
0x205: {  	s1 =	sadd.s32 s1, s23;
	s5 =	simm.s32 $0xA4C0  }
0x206: {  	[hbm4b:s1+s10] =	stream.linear.scatter [tilespmem:s5], [sflag:$0x7], $0x80, $0x38;
	[tilespmem:$0xA900] =	vst v63  }
0x207: {  	s6 =	sadd.s32 $0x10, s1;
	s8 =	simm.s32 $0xA548  }
0x208: {  	[hbm4b:s6+s10] =	stream.linear.scatter [tilespmem:s8], [sflag:$0x7], $0x80, $0x38;
	[tilespmem:$0xA900] =	vst v63  }
0x209: {  	s4 =	sadd.s32 $0x20, s1;
	s5 =	simm.s32 $0xA5D0  }
0x20a: {  	[hbm4b:s4+s10] =	stream.linear.scatter [tilespmem:s5], [sflag:$0x7], $0x80, $0x38;
	[tilespmem:$0xA900] =	vst v63  }
0x20b: {  	s6 =	sadd.s32 $0x30, s1;
	s8 =	simm.s32 $0xA658  }
0x20c: {  	[hbm4b:s6+s10] =	stream.linear.scatter [tilespmem:s8], [sflag:$0x7], $0x80, $0x38;
	[tilespmem:$0xA900] =	vst v63  }
0x20d: {  	s4 =	sadd.s32 $0x40, s1;
	s5 =	simm.s32 $0xA6E0  }
0x20e: {  	[hbm4b:s4+s10] =	stream.linear.scatter [tilespmem:s5], [sflag:$0x7], $0x80, $0x38;
	[tilespmem:$0xA900] =	vst v63  }
0x20f: {  	s6 =	sadd.s32 $0x50, s1;
	s8 =	simm.s32 $0xA768  }
0x210: {  	[hbm4b:s6+s10] =	stream.linear.scatter [tilespmem:s8], [sflag:$0x7], $0x80, $0x38;
	[tilespmem:$0xA900] =	vst v63  }
0x211: {  	s5 =	sadd.s32 $0x60, s1;
	s6 =	simm.s32 $0xA7F0  }
0x212: {  	[hbm4b:s5+s10] =	stream.linear.scatter [tilespmem:s6], [sflag:$0x7], $0x80, $0x38;
	[tilespmem:$0xA900] =	vst v63  }
0x213: {  	s1 =	sadd.s32 $0x70, s1;
	s8 =	simm.s32 $0xA878  }
0x214: {  	[hbm4b:s1+s10] =	stream.linear.scatter [tilespmem:s8], [sflag:$0x7], $0x80, $0x38;
	[tilespmem:$0xA900] =	vst v63  }
0x215: {  	s1 =	simm.s32 @!p0 $0x1  }
0x216: {  	_ =	swait.ge @!p0 [sflag:s1], $0x80  }
0x217: {  	[sflag:s1] =	ssyncset.done @!p0 $0x0  }
0x218: {  	[sflag:s1] =	ssyncadd.s32 @!p0 $0xFFFFFF80  }
0x219: {  	_ =	swait.ge @!p0 [sflag:s1], $0x80  }
0x21a: {  	[sflag:s1] =	ssyncset.done @!p0 $0x0  }
0x21b: {  	[sflag:s1] =	ssyncadd.s32 @!p0 $0xFFFFFF80  }
0x21c: {  	_ =	swait.ge @!p0 [sflag:s1], $0x80  }
0x21d: {  	[sflag:s1] =	ssyncset.done @!p0 $0x0  }
0x21e: {  	[sflag:s1] =	ssyncadd.s32 @!p0 $0xFFFFFF80  }
0x21f: {  	_ =	swait.ge @!p0 [sflag:s1], $0x80  }
0x220: {  	[sflag:s1] =	ssyncset.done @!p0 $0x0  }
0x221: {  	[sflag:s1] =	ssyncadd.s32 @!p0 $0xFFFFFF80  }
0x222: {  	_ =	swait.ge @!p0 [sflag:s1], $0x80  }
0x223: {  	[sflag:s1] =	ssyncset.done @!p0 $0x0  }
0x224: {  	[sflag:s1] =	ssyncadd.s32 @!p0 $0xFFFFFF80  }
0x225: {  	_ =	swait.ge @!p0 [sflag:s1], $0x80  }
0x226: {  	[sflag:s1] =	ssyncset.done @!p0 $0x0  }
0x227: {  	[sflag:s1] =	ssyncadd.s32 @!p0 $0xFFFFFF80  }
0x228: {  	_ =	swait.ge @!p0 [sflag:s1], $0x80  }
0x229: {  	s3 =	simm.s32 @!p0 $0x700;
	[sflag:s1] =	ssyncset.done @!p0 $0x0  }
0x22a: {  	s4 =	simm.s32 @!p0 $0x0;
	[sflag:s1] =	ssyncadd.s32 @!p0 $0xFFFFFF80;
	s1 =	simm.s32 @!p0 $0x80  }
0x22b: {  	[tilespmem:s3], [sflag:$0x3] =	stream.indirect.gather @!p0 [hbm4b:s11+s1], $0x40, s4, s1, $0xb8;
	[tilespmem:$0xA900] =	vst v63  }
0x22c: {  	s5 =	simm.s32 @!p0 $0x300;
	s6 =	simm.s32 @!p0 $0x4700  }
0x22d: {  	[tilespmem:s6], [sflag:$0x5] =	stream.indirect.gather @!p0 [hbm4b:s15+s1], $0x40, s5, s1, $0xb8;
	[tilespmem:$0xA900] =	vst v63  }
0x22e: {  	_ =	swait.ge [sflag:s9], $0x2000  }
0x22f: {  	[sflag:s9] =	ssyncset.done $0x0  }
0x230: {  	[sflag:s9] =	ssyncadd.s32 $0xFFFFE000  }
0x231: {  	_ =	swait.ge [sflag:s9], $0x2000  }
0x232: {  	[sflag:s9] =	ssyncset.done $0x0  }
0x233: {  	[sflag:s9] =	ssyncadd.s32 $0xFFFFE000  }
0x234: {  	_ =	swait.ge [sflag:s9], $0x2000  }
0x235: {  	[sflag:s9] =	ssyncset.done $0x0  }
0x236: {  	[sflag:s9] =	ssyncadd.s32 $0xFFFFE000  }
0x237: {  	_ =	swait.ge [sflag:s9], $0x2000  }
0x238: {  	[sflag:s9] =	ssyncset.done $0x0  }
0x239: {  	[sflag:s9] =	ssyncadd.s32 $0xFFFFE000  }
0x23a: {  	_ =	swait.ge [sflag:s9], $0x2000  }
0x23b: {  	[sflag:s9] =	ssyncset.done $0x0  }
0x23c: {  	[sflag:s9] =	ssyncadd.s32 $0xFFFFE000  }
0x23d: {  	_ =	swait.ge [sflag:s9], $0x2000  }
0x23e: {  	s5 =	rddreg [dreg:$0x19]  }
0x23f: {  	s0 =	sadd.s32 @!p0 s0, s5  }
0x240: {  	[sflag:s9] =	ssyncset.done $0x0;
	s0 =	sshrl.u32 @!p0 s0, $0x3  }
0x241: {  	s6 =	simm.s32 @!p0 $0x380;
	[sflag:s9] =	ssyncadd.s32 $0xFFFFE000;
	s5 =	sadd.s32 @!p0 s30, s0  }
0x242: {  	[tilespmem:s6], [sflag:$0x2] =	stream.linear.gather @!p0 [hbm4b:s5+s4], $0x80, $0x38;
	[tilespmem:$0xA900] =	vst v63  }
0x243: {  	s5 =	rddreg [dreg:$0x2]  }
0x244: {  	s6 =	simm.s32 @!p0 $0x400;
	s5 =	sadd.s32 @!p0 s5, s0  }
0x245: {  	[tilespmem:s6], [sflag:$0x2] =	stream.linear.gather @!p0 [hbm4b:s5+s4], $0x80, $0x38;
	[tilespmem:$0xA900] =	vst v63  }
0x246: {  	s5 =	rddreg [dreg:$0x3]  }
0x247: {  	s6 =	simm.s32 @!p0 $0x480;
	s5 =	sadd.s32 @!p0 s5, s0  }
0x248: {  	[tilespmem:s6], [sflag:$0x2] =	stream.linear.gather @!p0 [hbm4b:s5+s4], $0x80, $0x38;
	[tilespmem:$0xA900] =	vst v63  }
0x249: {  	s5 =	rddreg [dreg:$0x4]  }
0x24a: {  	s6 =	simm.s32 @!p0 $0x500;
	s5 =	sadd.s32 @!p0 s5, s0  }
0x24b: {  	[tilespmem:s6], [sflag:$0x2] =	stream.linear.gather @!p0 [hbm4b:s5+s4], $0x80, $0x38;
	[tilespmem:$0xA900] =	vst v63  }
0x24c: {  	s5 =	rddreg [dreg:$0x5]  }
0x24d: {  	s6 =	simm.s32 @!p0 $0x580;
	s5 =	sadd.s32 @!p0 s5, s0  }
0x24e: {  	[tilespmem:s6], [sflag:$0x2] =	stream.linear.gather @!p0 [hbm4b:s5+s4], $0x80, $0x38;
	[tilespmem:$0xA900] =	vst v63  }
0x24f: {  	s5 =	rddreg [dreg:$0x6]  }
0x250: {  	s6 =	simm.s32 @!p0 $0x600;
	s5 =	sadd.s32 @!p0 s5, s0  }
0x251: {  	[tilespmem:s6], [sflag:$0x2] =	stream.linear.gather @!p0 [hbm4b:s5+s4], $0x80, $0x38;
	[tilespmem:$0xA900] =	vst v63  }
0x252: {  	s5 =	rddreg [dreg:$0x7]  }
0x253: {  	s0 =	sadd.s32 @!p0 s5, s0;
	s5 =	simm.s32 @!p0 $0x680  }
0x254: {  	[tilespmem:s5], [sflag:$0x2] =	stream.linear.gather @!p0 [hbm4b:s0+s4], $0x80, $0x38;
	[tilespmem:$0xA900] =	vst v63  }
0x255: {  	_ =	swait.ge [sflag:s2], $0x400  }
0x256: {  	[sflag:s2] =	ssyncset.done $0x0  }
0x257: {  	[sflag:s2] =	ssyncadd.s32 $0xFFFFFC00  }
0x258: {  	_ =	swait.ge [sflag:s2], $0x400  }
0x259: {  	[sflag:s2] =	ssyncset.done $0x0  }
0x25a: {  	[sflag:s2] =	ssyncadd.s32 $0xFFFFFC00  }
0x25b: {  	_ =	swait.ge [sflag:s2], $0x400  }
0x25c: {  	[sflag:s2] =	ssyncset.done $0x0  }
0x25d: {  	[sflag:s2] =	ssyncadd.s32 $0xFFFFFC00  }
0x25e: {  	_ =	swait.ge [sflag:s2], $0x400  }
0x25f: {  	[sflag:s2] =	ssyncset.done $0x0  }
0x260: {  	[sflag:s2] =	ssyncadd.s32 $0xFFFFFC00  }
0x261: {  	_ =	swait.ge [sflag:s2], $0x400  }
0x262: {  	[sflag:s2] =	ssyncset.done $0x0  }
0x263: {  	[sflag:s2] =	ssyncadd.s32 $0xFFFFFC00  }
0x264: {  	_ =	swait.ge [sflag:s2], $0x400  }
0x265: {  	[sflag:s2] =	ssyncset.done $0x0  }
0x266: {  	[sflag:s2] =	ssyncadd.s32 $0xFFFFFC00  }
0x267: {  	_ =	swait.ge [sflag:s2], $0x400  }
0x268: {  	[sflag:s2] =	ssyncset.done $0x0  }
0x269: {  	[sflag:s2] =	ssyncadd.s32 $0xFFFFFC00  }
0x26a: {  	_ =	swait.ge [sflag:s2], $0x400  }
0x26b: {  	[sflag:s2] =	ssyncset.done $0x0  }
0x26c: {  	s0 =	simm.s32 @!p0 $0x3;
	[sflag:s2] =	ssyncadd.s32 $0xFFFFFC00  }
0x26d: {  	_ =	swait.ge @!p0 [sflag:s0], $0x2000  }
0x26e: {  	[sflag:s0] =	ssyncset.done @!p0 $0x0  }
0x26f: {  	[sflag:s0] =	ssyncadd.s32 @!p0 $0xFFFFE000  }
0x270: {  	[tilespmem:s3], [sflag:$0x5] =	stream.indirect.gather.add.f32 @!p0 [hbm:s12], $0x40, s1, s1, $0xb8;
	[tilespmem:$0xA900] =	vst v63  }
0x271: {  	s0 =	simm.s32 @!p0 $0x100  }
0x272: {  	[tilespmem:s3], [sflag:$0x5] =	stream.indirect.gather.add.f32 @!p0 [hbm:s11], $0x40, s0, s1, $0xb8;
	[tilespmem:$0xA900] =	vst v63  }
0x273: {  	s0 =	simm.s32 @!p0 $0x180  }
0x274: {  	[tilespmem:s3], [sflag:$0x5] =	stream.indirect.gather.add.f32 @!p0 [hbm:s12], $0x40, s0, s1, $0xb8;
	[tilespmem:$0xA900] =	vst v63  }
0x275: {  	s0 =	simm.s32 @!p0 $0x200  }
0x276: {  	[tilespmem:s3], [sflag:$0x5] =	stream.indirect.gather.add.f32 @!p0 [hbm:s13], $0x40, s0, s1, $0xb8;
	[tilespmem:$0xA900] =	vst v63  }
0x277: {  	s0 =	simm.s32 @!p0 $0x280  }
0x278: {  	[tilespmem:s3], [sflag:$0x5] =	stream.indirect.gather.add.f32 @!p0 [hbm:s14], $0x40, s0, s1, $0xb8;
	[tilespmem:$0xA900] =	vst v63  }
0x279: {  	s0 =	simm.s32 $0x2780  }
0x27a: {  	s4 =	simm.s32 $0x0;
	s1 =	simm.s32 $0x6780;
	v4 =	vld [tilespmem:s0+$0xFFFFFF80]  }
0x27b: {  	v6 =	vmov s4;
	v5 =	vld [tilespmem:s1+$0xFFFFFF80]  }
0x27c: {  	v6 =	vand.u32 $0x7C, v6  }
0x27d: {  	v7 =	vadd.s32 v0, v6;
	_ =	sdelay $0x1  }
0x27e: {  	v4 =	vmax.f32 v4, $0.0e+00  }
0x27f: {  	v4 =	vadd.f32 v4, v5;
	_ =	sdelay $0x1  }
0x280: {  	[tilespmem:v7+s16+$0x0] =	vst.idx.msk $0xffff, v4  }
0x281: {  	v4 =	vld [tilespmem:s0+$0xFFFFFF90]  }
0x282: {  	v5 =	vld [tilespmem:s1+$0xFFFFFF90];
	_ =	sdelay $0x1  }
0x283: {  	v7 =	vadd.s32 v1, v6;
	_ =	sdelay $0x1  }
0x284: {  	v4 =	vmax.f32 v4, $0.0e+00  }
0x285: {  	v4 =	vadd.f32 v4, v5;
	_ =	sdelay $0x1  }
0x286: {  	[tilespmem:v7+s16+$0x0] =	vst.idx.msk $0xffff, v4  }
0x287: {  	v4 =	vld [tilespmem:s0+$0xFFFFFFA0]  }
0x288: {  	v5 =	vld [tilespmem:s1+$0xFFFFFFA0];
	_ =	sdelay $0x1  }
0x289: {  	v7 =	vadd.s32 v2, v6;
	_ =	sdelay $0x1  }
0x28a: {  	v4 =	vmax.f32 v4, $0.0e+00  }
0x28b: {  	v4 =	vadd.f32 v4, v5;
	_ =	sdelay $0x1  }
0x28c: {  	[tilespmem:v7+s16+$0x0] =	vst.idx.msk $0xffff, v4  }
0x28d: {  	v4 =	vld [tilespmem:s0+$0xFFFFFFB0]  }
0x28e: {  	v5 =	vld [tilespmem:s1+$0xFFFFFFB0];
	_ =	sdelay $0x1  }
0x28f: {  	v6 =	vadd.s32 v3, v6;
	_ =	sdelay $0x1  }
0x290: {  	v4 =	vmax.f32 v4, $0.0e+00  }
0x291: {  	v4 =	vadd.f32 v4, v5;
	_ =	sdelay $0x1  }
0x292: {  	[tilespmem:v6+s16+$0x0] =	vst.idx.msk $0xffff, v4  }
0x293: {  	s5 =	simm.s32 $0x1;
	v4 =	vld [tilespmem:s0+$0xFFFFFFC0]  }
0x294: {  	v6 =	vmov s5;
	v5 =	vld [tilespmem:s1+$0xFFFFFFC0]  }
0x295: {  	v6 =	vand.u32 $0x7D, v6  }
0x296: {  	v7 =	vadd.s32 v0, v6;
	_ =	sdelay $0x1  }
0x297: {  	v4 =	vmax.f32 v4, $0.0e+00  }
0x298: {  	v4 =	vadd.f32 v4, v5;
	_ =	sdelay $0x1  }
0x299: {  	[tilespmem:v7+s16+$0x0] =	vst.idx.msk $0xffff, v4  }
0x29a: {  	v4 =	vld [tilespmem:s0+$0xFFFFFFD0]  }
0x29b: {  	v5 =	vld [tilespmem:s1+$0xFFFFFFD0];
	_ =	sdelay $0x1  }
0x29c: {  	v7 =	vadd.s32 v1, v6;
	_ =	sdelay $0x1  }
0x29d: {  	v4 =	vmax.f32 v4, $0.0e+00  }
0x29e: {  	v4 =	vadd.f32 v4, v5;
	_ =	sdelay $0x1  }
0x29f: {  	[tilespmem:v7+s16+$0x0] =	vst.idx.msk $0xffff, v4  }
0x2a0: {  	v4 =	vld [tilespmem:s0+$0xFFFFFFE0]  }
0x2a1: {  	v5 =	vld [tilespmem:s1+$0xFFFFFFE0];
	_ =	sdelay $0x1  }
0x2a2: {  	v7 =	vadd.s32 v2, v6;
	_ =	sdelay $0x1  }
0x2a3: {  	v4 =	vmax.f32 v4, $0.0e+00  }
0x2a4: {  	v4 =	vadd.f32 v4, v5;
	_ =	sdelay $0x1  }
0x2a5: {  	[tilespmem:v7+s16+$0x0] =	vst.idx.msk $0xffff, v4  }
0x2a6: {  	v4 =	vld [tilespmem:s0+$0xFFFFFFF0]  }
0x2a7: {  	v5 =	vld [tilespmem:s1+$0xFFFFFFF0];
	_ =	sdelay $0x1  }
0x2a8: {  	v6 =	vadd.s32 v3, v6;
	_ =	sdelay $0x1  }
0x2a9: {  	v4 =	vmax.f32 v4, $0.0e+00  }
0x2aa: {  	v4 =	vadd.f32 v4, v5;
	_ =	sdelay $0x1  }
0x2ab: {  	[tilespmem:v6+s16+$0x0] =	vst.idx.msk $0xffff, v4  }
0x2ac: {  	s6 =	simm.s32 $0x2;
	v4 =	vld [tilespmem:s0+$0x0]  }
0x2ad: {  	v6 =	vmov s6;
	v5 =	vld [tilespmem:s1+$0x0]  }
0x2ae: {  	v6 =	vand.u32 $0x7E, v6  }
0x2af: {  	v7 =	vadd.s32 v0, v6;
	_ =	sdelay $0x1  }
0x2b0: {  	v4 =	vmax.f32 v4, $0.0e+00  }
0x2b1: {  	v4 =	vadd.f32 v4, v5;
	_ =	sdelay $0x1  }
0x2b2: {  	[tilespmem:v7+s16+$0x0] =	vst.idx.msk $0xffff, v4  }
0x2b3: {  	v4 =	vld [tilespmem:s0+$0x10]  }
0x2b4: {  	v5 =	vld [tilespmem:s1+$0x10];
	_ =	sdelay $0x1  }
0x2b5: {  	v7 =	vadd.s32 v1, v6;
	_ =	sdelay $0x1  }
0x2b6: {  	v4 =	vmax.f32 v4, $0.0e+00  }
0x2b7: {  	v4 =	vadd.f32 v4, v5;
	_ =	sdelay $0x1  }
0x2b8: {  	[tilespmem:v7+s16+$0x0] =	vst.idx.msk $0xffff, v4  }
0x2b9: {  	v4 =	vld [tilespmem:s0+$0x20]  }
0x2ba: {  	v5 =	vld [tilespmem:s1+$0x20];
	_ =	sdelay $0x1  }
0x2bb: {  	v7 =	vadd.s32 v2, v6;
	_ =	sdelay $0x1  }
0x2bc: {  	v4 =	vmax.f32 v4, $0.0e+00  }
0x2bd: {  	v4 =	vadd.f32 v4, v5;
	_ =	sdelay $0x1  }
0x2be: {  	[tilespmem:v7+s16+$0x0] =	vst.idx.msk $0xffff, v4  }
0x2bf: {  	v4 =	vld [tilespmem:s0+$0x30]  }
0x2c0: {  	v5 =	vld [tilespmem:s1+$0x30];
	_ =	sdelay $0x1  }
0x2c1: {  	v6 =	vadd.s32 v3, v6;
	_ =	sdelay $0x1  }
0x2c2: {  	v4 =	vmax.f32 v4, $0.0e+00  }
0x2c3: {  	v4 =	vadd.f32 v4, v5;
	_ =	sdelay $0x1  }
0x2c4: {  	[tilespmem:v6+s16+$0x0] =	vst.idx.msk $0xffff, v4  }
0x2c5: {  	s8 =	smov.u32 s30;
	s30 =	simm.s32 $0x3;
	v4 =	vld [tilespmem:s0+$0x40]  }
0x2c6: {  	v6 =	vmov s30;
	v5 =	vld [tilespmem:s1+$0x40]  }
0x2c7: {  	v6 =	vand.u32 $0x7F, v6  }
0x2c8: {  	v7 =	vadd.s32 v0, v6;
	_ =	sdelay $0x1  }
0x2c9: {  	v4 =	vmax.f32 v4, $0.0e+00  }
0x2ca: {  	v4 =	vadd.f32 v4, v5;
	_ =	sdelay $0x1  }
0x2cb: {  	[tilespmem:v7+s16+$0x0] =	vst.idx.msk $0xffff, v4  }
0x2cc: {  	v4 =	vld [tilespmem:s0+$0x50]  }
0x2cd: {  	v5 =	vld [tilespmem:s1+$0x50];
	_ =	sdelay $0x1  }
0x2ce: {  	v7 =	vadd.s32 v1, v6;
	_ =	sdelay $0x1  }
0x2cf: {  	v4 =	vmax.f32 v4, $0.0e+00  }
0x2d0: {  	v4 =	vadd.f32 v4, v5;
	_ =	sdelay $0x1  }
0x2d1: {  	[tilespmem:v7+s16+$0x0] =	vst.idx.msk $0xffff, v4  }
0x2d2: {  	v4 =	vld [tilespmem:s0+$0x60]  }
0x2d3: {  	v5 =	vld [tilespmem:s1+$0x60];
	_ =	sdelay $0x1  }
0x2d4: {  	v7 =	vadd.s32 v2, v6;
	_ =	sdelay $0x1  }
0x2d5: {  	v4 =	vmax.f32 v4, $0.0e+00  }
0x2d6: {  	v4 =	vadd.f32 v4, v5;
	_ =	sdelay $0x1  }
0x2d7: {  	[tilespmem:v7+s16+$0x0] =	vst.idx.msk $0xffff, v4  }
0x2d8: {  	v4 =	vld [tilespmem:s0+$0x70];
	_ =	sdelay $0x2  }
0x2d9: {  	v5 =	vld [tilespmem:s1+$0x70];
	_ =	sdelay $0x1  }
0x2da: {  	v7 =	vmax.f32 v4, $0.0e+00;
	v4 =	vadd.s32 v3, v6;
	_ =	sdelay $0x2  }
0x2db: {  	s3 =	simm.s32 $0x4;
	v5 =	vadd.f32 v7, v5  }
.LBB2_5:
0x2dc: {  	_ = 	snop  }
0x2dd: {  	p0 =	slt.u32 s3, $0x7C;
	s0 =	sadd.s32 $0x100, s0;
	s1 =	sadd.s32 $0x100, s1;
	[tilespmem:v4+s16+$0x0] =	vst.idx.msk $0xffff, v5  }
0x2de: {  	s4 =	smov.u32 s3;
	s3 =	sadd.s32 $0x4, s3;
	v4 =	vld [tilespmem:s0+$0xFFFFFF80]  }
0x2df: {  	v6 =	vmov s4;
	v5 =	vld [tilespmem:s1+$0xFFFFFF80]  }
0x2e0: {  	v6 =	vand.u32 $0x7C, v6  }
0x2e1: {  	v7 =	vadd.s32 v0, v6;
	_ =	sdelay $0x1  }
0x2e2: {  	v4 =	vmax.f32 v4, $0.0e+00  }
0x2e3: {  	v4 =	vadd.f32 v4, v5;
	_ =	sdelay $0x1  }
0x2e4: {  	[tilespmem:v7+s16+$0x0] =	vst.idx.msk $0xffff, v4  }
0x2e5: {  	v4 =	vld [tilespmem:s0+$0xFFFFFF90]  }
0x2e6: {  	v5 =	vld [tilespmem:s1+$0xFFFFFF90];
	_ =	sdelay $0x1  }
0x2e7: {  	v7 =	vadd.s32 v1, v6;
	_ =	sdelay $0x1  }
0x2e8: {  	v4 =	vmax.f32 v4, $0.0e+00  }
0x2e9: {  	v4 =	vadd.f32 v4, v5;
	_ =	sdelay $0x1  }
0x2ea: {  	[tilespmem:v7+s16+$0x0] =	vst.idx.msk $0xffff, v4  }
0x2eb: {  	v4 =	vld [tilespmem:s0+$0xFFFFFFA0]  }
0x2ec: {  	v5 =	vld [tilespmem:s1+$0xFFFFFFA0];
	_ =	sdelay $0x1  }
0x2ed: {  	v7 =	vadd.s32 v2, v6;
	_ =	sdelay $0x1  }
0x2ee: {  	v4 =	vmax.f32 v4, $0.0e+00  }
0x2ef: {  	v4 =	vadd.f32 v4, v5;
	_ =	sdelay $0x1  }
0x2f0: {  	[tilespmem:v7+s16+$0x0] =	vst.idx.msk $0xffff, v4  }
0x2f1: {  	v4 =	vld [tilespmem:s0+$0xFFFFFFB0]  }
0x2f2: {  	v5 =	vld [tilespmem:s1+$0xFFFFFFB0];
	_ =	sdelay $0x1  }
0x2f3: {  	v6 =	vadd.s32 v3, v6;
	_ =	sdelay $0x1  }
0x2f4: {  	v4 =	vmax.f32 v4, $0.0e+00  }
0x2f5: {  	v4 =	vadd.f32 v4, v5;
	_ =	sdelay $0x1  }
0x2f6: {  	[tilespmem:v6+s16+$0x0] =	vst.idx.msk $0xffff, v4  }
0x2f7: {  	s5 =	sadd.s32 $0x1, s4;
	v4 =	vld [tilespmem:s0+$0xFFFFFFC0]  }
0x2f8: {  	v6 =	vmov s5;
	v5 =	vld [tilespmem:s1+$0xFFFFFFC0]  }
0x2f9: {  	v6 =	vand.u32 $0x7D, v6  }
0x2fa: {  	v7 =	vadd.s32 v0, v6;
	_ =	sdelay $0x1  }
0x2fb: {  	v4 =	vmax.f32 v4, $0.0e+00  }
0x2fc: {  	v4 =	vadd.f32 v4, v5;
	_ =	sdelay $0x1  }
0x2fd: {  	[tilespmem:v7+s16+$0x0] =	vst.idx.msk $0xffff, v4  }
0x2fe: {  	v4 =	vld [tilespmem:s0+$0xFFFFFFD0]  }
0x2ff: {  	v5 =	vld [tilespmem:s1+$0xFFFFFFD0];
	_ =	sdelay $0x1  }
0x300: {  	v7 =	vadd.s32 v1, v6;
	_ =	sdelay $0x1  }
0x301: {  	v4 =	vmax.f32 v4, $0.0e+00  }
0x302: {  	v4 =	vadd.f32 v4, v5;
	_ =	sdelay $0x1  }
0x303: {  	[tilespmem:v7+s16+$0x0] =	vst.idx.msk $0xffff, v4  }
0x304: {  	v4 =	vld [tilespmem:s0+$0xFFFFFFE0]  }
0x305: {  	v5 =	vld [tilespmem:s1+$0xFFFFFFE0];
	_ =	sdelay $0x1  }
0x306: {  	v7 =	vadd.s32 v2, v6;
	_ =	sdelay $0x1  }
0x307: {  	v4 =	vmax.f32 v4, $0.0e+00  }
0x308: {  	v4 =	vadd.f32 v4, v5;
	_ =	sdelay $0x1  }
0x309: {  	[tilespmem:v7+s16+$0x0] =	vst.idx.msk $0xffff, v4  }
0x30a: {  	v4 =	vld [tilespmem:s0+$0xFFFFFFF0]  }
0x30b: {  	v5 =	vld [tilespmem:s1+$0xFFFFFFF0];
	_ =	sdelay $0x1  }
0x30c: {  	v6 =	vadd.s32 v3, v6;
	_ =	sdelay $0x1  }
0x30d: {  	v4 =	vmax.f32 v4, $0.0e+00  }
0x30e: {  	v4 =	vadd.f32 v4, v5;
	_ =	sdelay $0x1  }
0x30f: {  	[tilespmem:v6+s16+$0x0] =	vst.idx.msk $0xffff, v4  }
0x310: {  	s5 =	sadd.s32 $0x2, s4;
	v4 =	vld [tilespmem:s0+$0x0]  }
0x311: {  	v6 =	vmov s5;
	v5 =	vld [tilespmem:s1+$0x0]  }
0x312: {  	v6 =	vand.u32 $0x7E, v6  }
0x313: {  	v7 =	vadd.s32 v0, v6;
	_ =	sdelay $0x1  }
0x314: {  	v4 =	vmax.f32 v4, $0.0e+00  }
0x315: {  	v4 =	vadd.f32 v4, v5;
	_ =	sdelay $0x1  }
0x316: {  	[tilespmem:v7+s16+$0x0] =	vst.idx.msk $0xffff, v4  }
0x317: {  	v4 =	vld [tilespmem:s0+$0x10]  }
0x318: {  	v5 =	vld [tilespmem:s1+$0x10];
	_ =	sdelay $0x1  }
0x319: {  	v7 =	vadd.s32 v1, v6;
	_ =	sdelay $0x1  }
0x31a: {  	v4 =	vmax.f32 v4, $0.0e+00  }
0x31b: {  	v4 =	vadd.f32 v4, v5;
	_ =	sdelay $0x1  }
0x31c: {  	[tilespmem:v7+s16+$0x0] =	vst.idx.msk $0xffff, v4  }
0x31d: {  	v4 =	vld [tilespmem:s0+$0x20]  }
0x31e: {  	v5 =	vld [tilespmem:s1+$0x20];
	_ =	sdelay $0x1  }
0x31f: {  	v7 =	vadd.s32 v2, v6;
	_ =	sdelay $0x1  }
0x320: {  	v4 =	vmax.f32 v4, $0.0e+00  }
0x321: {  	v4 =	vadd.f32 v4, v5;
	_ =	sdelay $0x1  }
0x322: {  	[tilespmem:v7+s16+$0x0] =	vst.idx.msk $0xffff, v4  }
0x323: {  	v4 =	vld [tilespmem:s0+$0x30]  }
0x324: {  	v5 =	vld [tilespmem:s1+$0x30];
	_ =	sdelay $0x1  }
0x325: {  	v6 =	vadd.s32 v3, v6;
	_ =	sdelay $0x1  }
0x326: {  	v4 =	vmax.f32 v4, $0.0e+00  }
0x327: {  	v4 =	vadd.f32 v4, v5;
	_ =	sdelay $0x1  }
0x328: {  	[tilespmem:v6+s16+$0x0] =	vst.idx.msk $0xffff, v4  }
0x329: {  	s4 =	sadd.s32 $0x3, s4;
	v4 =	vld [tilespmem:s0+$0x40]  }
0x32a: {  	v6 =	vmov s4;
	v5 =	vld [tilespmem:s1+$0x40]  }
0x32b: {  	v6 =	vand.u32 $0x7F, v6  }
0x32c: {  	v7 =	vadd.s32 v0, v6;
	_ =	sdelay $0x1  }
0x32d: {  	v4 =	vmax.f32 v4, $0.0e+00  }
0x32e: {  	v4 =	vadd.f32 v4, v5;
	_ =	sdelay $0x1  }
0x32f: {  	[tilespmem:v7+s16+$0x0] =	vst.idx.msk $0xffff, v4  }
0x330: {  	v4 =	vld [tilespmem:s0+$0x50]  }
0x331: {  	v5 =	vld [tilespmem:s1+$0x50];
	_ =	sdelay $0x1  }
0x332: {  	v7 =	vadd.s32 v1, v6;
	_ =	sdelay $0x1  }
0x333: {  	v4 =	vmax.f32 v4, $0.0e+00  }
0x334: {  	v4 =	vadd.f32 v4, v5;
	_ =	sdelay $0x1  }
0x335: {  	[tilespmem:v7+s16+$0x0] =	vst.idx.msk $0xffff, v4  }
0x336: {  	v4 =	vld [tilespmem:s0+$0x60]  }
0x337: {  	v5 =	vld [tilespmem:s1+$0x60];
	_ =	sdelay $0x1  }
0x338: {  	v7 =	vadd.s32 v2, v6;
	_ =	sdelay $0x1  }
0x339: {  	v4 =	vmax.f32 v4, $0.0e+00  }
0x33a: {  	v4 =	vadd.f32 v4, v5;
	_ =	sdelay $0x1  }
0x33b: {  	[tilespmem:v7+s16+$0x0] =	vst.idx.msk $0xffff, v4  }
0x33c: {  	v5 =	vld [tilespmem:s0+$0x70]  }
0x33d: {  	v7 =	vld [tilespmem:s1+$0x70]  }
.Ltmp1:
0x33e: {  	(pc) =	sbr.rel @p0 .LBB2_5-.Ltmp1, $3  }
0x33f: {  	v4 =	vadd.s32 v3, v6;
	_ =	sdelay $0x1  }
0x340: {  	v5 =	vmax.f32 v5, $0.0e+00  }
0x341: {  	v5 =	vadd.f32 v5, v7  }
0x342: {  	s0 =	sadd.s32 s31, s25;
	s1 =	sshll.u32 s25, $0xB  }
0x343: {  	s3 =	sand.u32 $0xF8, s0;
	s0 =	sshll.u32 s0, $0x6;
	s1 =	sand.u32 $0x3800, s1  }
0x344: {  	s0 =	sand.u32 $0x1FFC000, s0;
	s1 =	sor.u32 s1, s3  }
0x345: {  	s0 =	sor.u32 s0, s1  }
0x346: {  	s5 =	rddreg [dreg:$0x8];
	s0 =	sshll.u32 s0, $0x4  }
0x347: {  	[tilespmem:v4+s16+$0x0] =	vst.idx.msk $0xffff, v5;
	s1 =	sadd.s32 s5, s0  }
0x348: {  	[hbm4b:s1+s10] =	stream.linear.scatter [tilespmem:s16], [sflag:$0x7], $0x80, $0x38;
	[tilespmem:$0xA900] =	vst v63  }
0x349: {  	s4 =	simm.s32 $0x8788;
	s6 =	sadd.s32 $0x10, s1  }
0x34a: {  	[hbm4b:s6+s10] =	stream.linear.scatter [tilespmem:s4], [sflag:$0x7], $0x80, $0x38;
	[tilespmem:$0xA900] =	vst v63  }
0x34b: {  	s30 =	simm.s32 $0x8810;
	s25 =	sadd.s32 $0x20, s1  }
0x34c: {  	[hbm4b:s25+s10] =	stream.linear.scatter [tilespmem:s30], [sflag:$0x7], $0x80, $0x38;
	[tilespmem:$0xA900] =	vst v63  }
0x34d: {  	s5 =	sadd.s32 $0x30, s1;
	s6 =	simm.s32 $0x8898  }
0x34e: {  	[hbm4b:s5+s10] =	stream.linear.scatter [tilespmem:s6], [sflag:$0x7], $0x80, $0x38;
	[tilespmem:$0xA900] =	vst v63  }
0x34f: {  	s25 =	sadd.s32 $0x40, s1;
	s30 =	simm.s32 $0x8920  }
0x350: {  	[hbm4b:s25+s10] =	stream.linear.scatter [tilespmem:s30], [sflag:$0x7], $0x80, $0x38;
	[tilespmem:$0xA900] =	vst v63  }
0x351: {  	s4 =	sadd.s32 $0x50, s1;
	s5 =	simm.s32 $0x89A8  }
0x352: {  	[hbm4b:s4+s10] =	stream.linear.scatter [tilespmem:s5], [sflag:$0x7], $0x80, $0x38;
	[tilespmem:$0xA900] =	vst v63  }
0x353: {  	s6 =	sadd.s32 $0x60, s1;
	s25 =	simm.s32 $0x8A30  }
0x354: {  	[hbm4b:s6+s10] =	stream.linear.scatter [tilespmem:s25], [sflag:$0x7], $0x80, $0x38;
	[tilespmem:$0xA900] =	vst v63  }
0x355: {  	s1 =	sadd.s32 $0x70, s1;
	s30 =	simm.s32 $0x8AB8  }
0x356: {  	[hbm4b:s1+s10] =	stream.linear.scatter [tilespmem:s30], [sflag:$0x7], $0x80, $0x38;
	[tilespmem:$0xA900] =	vst v63  }
0x357: {  	s4 =	simm.s32 $0x8B40;
	s1 =	sadd.s32 s0, s17  }
0x358: {  	[hbm4b:s1+s10] =	stream.linear.scatter [tilespmem:s4], [sflag:$0x7], $0x80, $0x38;
	[tilespmem:$0xA900] =	vst v63  }
0x359: {  	s6 =	simm.s32 $0x8BC8;
	s5 =	sadd.s32 $0x10, s1  }
0x35a: {  	[hbm4b:s5+s10] =	stream.linear.scatter [tilespmem:s6], [sflag:$0x7], $0x80, $0x38;
	[tilespmem:$0xA900] =	vst v63  }
0x35b: {  	s30 =	simm.s32 $0x8C50;
	s25 =	sadd.s32 $0x20, s1  }
0x35c: {  	[hbm4b:s25+s10] =	stream.linear.scatter [tilespmem:s30], [sflag:$0x7], $0x80, $0x38;
	[tilespmem:$0xA900] =	vst v63  }
0x35d: {  	s5 =	sadd.s32 $0x30, s1;
	s6 =	simm.s32 $0x8CD8  }
0x35e: {  	[hbm4b:s5+s10] =	stream.linear.scatter [tilespmem:s6], [sflag:$0x7], $0x80, $0x38;
	[tilespmem:$0xA900] =	vst v63  }
0x35f: {  	s25 =	sadd.s32 $0x40, s1;
	s30 =	simm.s32 $0x8D60  }
0x360: {  	[hbm4b:s25+s10] =	stream.linear.scatter [tilespmem:s30], [sflag:$0x7], $0x80, $0x38;
	[tilespmem:$0xA900] =	vst v63  }
0x361: {  	s4 =	sadd.s32 $0x50, s1;
	s5 =	simm.s32 $0x8DE8  }
0x362: {  	[hbm4b:s4+s10] =	stream.linear.scatter [tilespmem:s5], [sflag:$0x7], $0x80, $0x38;
	[tilespmem:$0xA900] =	vst v63  }
0x363: {  	s6 =	sadd.s32 $0x60, s1;
	s25 =	simm.s32 $0x8E70  }
0x364: {  	[hbm4b:s6+s10] =	stream.linear.scatter [tilespmem:s25], [sflag:$0x7], $0x80, $0x38;
	[tilespmem:$0xA900] =	vst v63  }
0x365: {  	s1 =	sadd.s32 $0x70, s1;
	s30 =	simm.s32 $0x8EF8  }
0x366: {  	[hbm4b:s1+s10] =	stream.linear.scatter [tilespmem:s30], [sflag:$0x7], $0x80, $0x38;
	[tilespmem:$0xA900] =	vst v63  }
0x367: {  	s4 =	simm.s32 $0x8F80;
	s1 =	sadd.s32 s0, s18  }
0x368: {  	[hbm4b:s1+s10] =	stream.linear.scatter [tilespmem:s4], [sflag:$0x7], $0x80, $0x38;
	[tilespmem:$0xA900] =	vst v63  }
0x369: {  	s6 =	simm.s32 $0x9008;
	s5 =	sadd.s32 $0x10, s1  }
0x36a: {  	[hbm4b:s5+s10] =	stream.linear.scatter [tilespmem:s6], [sflag:$0x7], $0x80, $0x38;
	[tilespmem:$0xA900] =	vst v63  }
0x36b: {  	s30 =	simm.s32 $0x9090;
	s25 =	sadd.s32 $0x20, s1  }
0x36c: {  	[hbm4b:s25+s10] =	stream.linear.scatter [tilespmem:s30], [sflag:$0x7], $0x80, $0x38;
	[tilespmem:$0xA900] =	vst v63  }
0x36d: {  	s5 =	sadd.s32 $0x30, s1;
	s6 =	simm.s32 $0x9118  }
0x36e: {  	[hbm4b:s5+s10] =	stream.linear.scatter [tilespmem:s6], [sflag:$0x7], $0x80, $0x38;
	[tilespmem:$0xA900] =	vst v63  }
0x36f: {  	s25 =	sadd.s32 $0x40, s1;
	s30 =	simm.s32 $0x91A0  }
0x370: {  	[hbm4b:s25+s10] =	stream.linear.scatter [tilespmem:s30], [sflag:$0x7], $0x80, $0x38;
	[tilespmem:$0xA900] =	vst v63  }
0x371: {  	s4 =	sadd.s32 $0x50, s1;
	s5 =	simm.s32 $0x9228  }
0x372: {  	[hbm4b:s4+s10] =	stream.linear.scatter [tilespmem:s5], [sflag:$0x7], $0x80, $0x38;
	[tilespmem:$0xA900] =	vst v63  }
0x373: {  	s6 =	sadd.s32 $0x60, s1;
	s25 =	simm.s32 $0x92B0  }
0x374: {  	[hbm4b:s6+s10] =	stream.linear.scatter [tilespmem:s25], [sflag:$0x7], $0x80, $0x38;
	[tilespmem:$0xA900] =	vst v63  }
0x375: {  	s1 =	sadd.s32 $0x70, s1;
	s30 =	simm.s32 $0x9338  }
0x376: {  	[hbm4b:s1+s10] =	stream.linear.scatter [tilespmem:s30], [sflag:$0x7], $0x80, $0x38;
	[tilespmem:$0xA900] =	vst v63  }
0x377: {  	s4 =	simm.s32 $0x93C0;
	s1 =	sadd.s32 s0, s19  }
0x378: {  	[hbm4b:s1+s10] =	stream.linear.scatter [tilespmem:s4], [sflag:$0x7], $0x80, $0x38;
	[tilespmem:$0xA900] =	vst v63  }
0x379: {  	s6 =	simm.s32 $0x9448;
	s5 =	sadd.s32 $0x10, s1  }
0x37a: {  	[hbm4b:s5+s10] =	stream.linear.scatter [tilespmem:s6], [sflag:$0x7], $0x80, $0x38;
	[tilespmem:$0xA900] =	vst v63  }
0x37b: {  	s30 =	simm.s32 $0x94D0;
	s25 =	sadd.s32 $0x20, s1  }
0x37c: {  	[hbm4b:s25+s10] =	stream.linear.scatter [tilespmem:s30], [sflag:$0x7], $0x80, $0x38;
	[tilespmem:$0xA900] =	vst v63  }
0x37d: {  	s5 =	sadd.s32 $0x30, s1;
	s6 =	simm.s32 $0x9558  }
0x37e: {  	[hbm4b:s5+s10] =	stream.linear.scatter [tilespmem:s6], [sflag:$0x7], $0x80, $0x38;
	[tilespmem:$0xA900] =	vst v63  }
0x37f: {  	s25 =	sadd.s32 $0x40, s1;
	s30 =	simm.s32 $0x95E0  }
0x380: {  	[hbm4b:s25+s10] =	stream.linear.scatter [tilespmem:s30], [sflag:$0x7], $0x80, $0x38;
	[tilespmem:$0xA900] =	vst v63  }
0x381: {  	s4 =	sadd.s32 $0x50, s1;
	s5 =	simm.s32 $0x9668  }
0x382: {  	[hbm4b:s4+s10] =	stream.linear.scatter [tilespmem:s5], [sflag:$0x7], $0x80, $0x38;
	[tilespmem:$0xA900] =	vst v63  }
0x383: {  	s6 =	sadd.s32 $0x60, s1;
	s25 =	simm.s32 $0x96F0  }
0x384: {  	[hbm4b:s6+s10] =	stream.linear.scatter [tilespmem:s25], [sflag:$0x7], $0x80, $0x38;
	[tilespmem:$0xA900] =	vst v63  }
0x385: {  	s1 =	sadd.s32 $0x70, s1;
	s30 =	simm.s32 $0x9778  }
0x386: {  	[hbm4b:s1+s10] =	stream.linear.scatter [tilespmem:s30], [sflag:$0x7], $0x80, $0x38;
	[tilespmem:$0xA900] =	vst v63  }
0x387: {  	s4 =	simm.s32 $0x9800;
	s1 =	sadd.s32 s0, s20  }
0x388: {  	[hbm4b:s1+s10] =	stream.linear.scatter [tilespmem:s4], [sflag:$0x7], $0x80, $0x38;
	[tilespmem:$0xA900] =	vst v63  }
0x389: {  	s6 =	simm.s32 $0x9888;
	s5 =	sadd.s32 $0x10, s1  }
0x38a: {  	[hbm4b:s5+s10] =	stream.linear.scatter [tilespmem:s6], [sflag:$0x7], $0x80, $0x38;
	[tilespmem:$0xA900] =	vst v63  }
0x38b: {  	s30 =	simm.s32 $0x9910;
	s25 =	sadd.s32 $0x20, s1  }
0x38c: {  	[hbm4b:s25+s10] =	stream.linear.scatter [tilespmem:s30], [sflag:$0x7], $0x80, $0x38;
	[tilespmem:$0xA900] =	vst v63  }
0x38d: {  	s5 =	sadd.s32 $0x30, s1;
	s6 =	simm.s32 $0x9998  }
0x38e: {  	[hbm4b:s5+s10] =	stream.linear.scatter [tilespmem:s6], [sflag:$0x7], $0x80, $0x38;
	[tilespmem:$0xA900] =	vst v63  }
0x38f: {  	s25 =	sadd.s32 $0x40, s1;
	s30 =	simm.s32 $0x9A20  }
0x390: {  	[hbm4b:s25+s10] =	stream.linear.scatter [tilespmem:s30], [sflag:$0x7], $0x80, $0x38;
	[tilespmem:$0xA900] =	vst v63  }
0x391: {  	s4 =	sadd.s32 $0x50, s1;
	s5 =	simm.s32 $0x9AA8  }
0x392: {  	[hbm4b:s4+s10] =	stream.linear.scatter [tilespmem:s5], [sflag:$0x7], $0x80, $0x38;
	[tilespmem:$0xA900] =	vst v63  }
0x393: {  	s6 =	sadd.s32 $0x60, s1;
	s25 =	simm.s32 $0x9B30  }
0x394: {  	[hbm4b:s6+s10] =	stream.linear.scatter [tilespmem:s25], [sflag:$0x7], $0x80, $0x38;
	[tilespmem:$0xA900] =	vst v63  }
0x395: {  	s1 =	sadd.s32 $0x70, s1;
	s30 =	simm.s32 $0x9BB8  }
0x396: {  	[hbm4b:s1+s10] =	stream.linear.scatter [tilespmem:s30], [sflag:$0x7], $0x80, $0x38;
	[tilespmem:$0xA900] =	vst v63  }
0x397: {  	s4 =	simm.s32 $0x9C40;
	s1 =	sadd.s32 s0, s21  }
0x398: {  	[hbm4b:s1+s10] =	stream.linear.scatter [tilespmem:s4], [sflag:$0x7], $0x80, $0x38;
	[tilespmem:$0xA900] =	vst v63  }
0x399: {  	s6 =	simm.s32 $0x9CC8;
	s5 =	sadd.s32 $0x10, s1  }
0x39a: {  	[hbm4b:s5+s10] =	stream.linear.scatter [tilespmem:s6], [sflag:$0x7], $0x80, $0x38;
	[tilespmem:$0xA900] =	vst v63  }
0x39b: {  	s30 =	simm.s32 $0x9D50;
	s25 =	sadd.s32 $0x20, s1  }
0x39c: {  	[hbm4b:s25+s10] =	stream.linear.scatter [tilespmem:s30], [sflag:$0x7], $0x80, $0x38;
	[tilespmem:$0xA900] =	vst v63  }
0x39d: {  	s5 =	sadd.s32 $0x30, s1;
	s6 =	simm.s32 $0x9DD8  }
0x39e: {  	[hbm4b:s5+s10] =	stream.linear.scatter [tilespmem:s6], [sflag:$0x7], $0x80, $0x38;
	[tilespmem:$0xA900] =	vst v63  }
0x39f: {  	s25 =	sadd.s32 $0x40, s1;
	s30 =	simm.s32 $0x9E60  }
0x3a0: {  	[hbm4b:s25+s10] =	stream.linear.scatter [tilespmem:s30], [sflag:$0x7], $0x80, $0x38;
	[tilespmem:$0xA900] =	vst v63  }
0x3a1: {  	s4 =	sadd.s32 $0x50, s1;
	s5 =	simm.s32 $0x9EE8  }
0x3a2: {  	[hbm4b:s4+s10] =	stream.linear.scatter [tilespmem:s5], [sflag:$0x7], $0x80, $0x38;
	[tilespmem:$0xA900] =	vst v63  }
0x3a3: {  	s6 =	sadd.s32 $0x60, s1;
	s25 =	simm.s32 $0x9F70  }
0x3a4: {  	[hbm4b:s6+s10] =	stream.linear.scatter [tilespmem:s25], [sflag:$0x7], $0x80, $0x38;
	[tilespmem:$0xA900] =	vst v63  }
0x3a5: {  	s1 =	sadd.s32 $0x70, s1;
	s30 =	simm.s32 $0x9FF8  }
0x3a6: {  	[hbm4b:s1+s10] =	stream.linear.scatter [tilespmem:s30], [sflag:$0x7], $0x80, $0x38;
	[tilespmem:$0xA900] =	vst v63  }
0x3a7: {  	s4 =	simm.s32 $0xA080;
	s1 =	sadd.s32 s0, s22  }
0x3a8: {  	[hbm4b:s1+s10] =	stream.linear.scatter [tilespmem:s4], [sflag:$0x7], $0x80, $0x38;
	[tilespmem:$0xA900] =	vst v63  }
0x3a9: {  	s6 =	simm.s32 $0xA108;
	s5 =	sadd.s32 $0x10, s1  }
0x3aa: {  	[hbm4b:s5+s10] =	stream.linear.scatter [tilespmem:s6], [sflag:$0x7], $0x80, $0x38;
	[tilespmem:$0xA900] =	vst v63  }
0x3ab: {  	s30 =	simm.s32 $0xA190;
	s25 =	sadd.s32 $0x20, s1  }
0x3ac: {  	[hbm4b:s25+s10] =	stream.linear.scatter [tilespmem:s30], [sflag:$0x7], $0x80, $0x38;
	[tilespmem:$0xA900] =	vst v63  }
0x3ad: {  	s5 =	sadd.s32 $0x30, s1;
	s6 =	simm.s32 $0xA218  }
0x3ae: {  	[hbm4b:s5+s10] =	stream.linear.scatter [tilespmem:s6], [sflag:$0x7], $0x80, $0x38;
	[tilespmem:$0xA900] =	vst v63  }
0x3af: {  	s25 =	sadd.s32 $0x40, s1;
	s30 =	simm.s32 $0xA2A0  }
0x3b0: {  	[hbm4b:s25+s10] =	stream.linear.scatter [tilespmem:s30], [sflag:$0x7], $0x80, $0x38;
	[tilespmem:$0xA900] =	vst v63  }
0x3b1: {  	s5 =	sadd.s32 $0x50, s1;
	s6 =	simm.s32 $0xA328  }
0x3b2: {  	[hbm4b:s5+s10] =	stream.linear.scatter [tilespmem:s6], [sflag:$0x7], $0x80, $0x38;
	[tilespmem:$0xA900] =	vst v63  }
0x3b3: {  	s25 =	sadd.s32 $0x60, s1;
	s30 =	simm.s32 $0xA3B0  }
0x3b4: {  	[hbm4b:s25+s10] =	stream.linear.scatter [tilespmem:s30], [sflag:$0x7], $0x80, $0x38;
	[tilespmem:$0xA900] =	vst v63  }
0x3b5: {  	s1 =	sadd.s32 $0x70, s1;
	s5 =	simm.s32 $0xA438  }
0x3b6: {  	[hbm4b:s1+s10] =	stream.linear.scatter [tilespmem:s5], [sflag:$0x7], $0x80, $0x38;
	[tilespmem:$0xA900] =	vst v63  }
0x3b7: {  	s0 =	sadd.s32 s0, s23;
	s6 =	simm.s32 $0xA4C0  }
0x3b8: {  	[hbm4b:s0+s10] =	stream.linear.scatter [tilespmem:s6], [sflag:$0x7], $0x80, $0x38;
	[tilespmem:$0xA900] =	vst v63  }
0x3b9: {  	s25 =	sadd.s32 $0x10, s0;
	s30 =	simm.s32 $0xA548  }
0x3ba: {  	[hbm4b:s25+s10] =	stream.linear.scatter [tilespmem:s30], [sflag:$0x7], $0x80, $0x38;
	[tilespmem:$0xA900] =	vst v63  }
0x3bb: {  	s3 =	sadd.s32 $0x20, s0;
	s4 =	simm.s32 $0xA5D0  }
0x3bc: {  	[hbm4b:s3+s10] =	stream.linear.scatter [tilespmem:s4], [sflag:$0x7], $0x80, $0x38;
	[tilespmem:$0xA900] =	vst v63  }
0x3bd: {  	s5 =	sadd.s32 $0x30, s0;
	s6 =	simm.s32 $0xA658  }
0x3be: {  	[hbm4b:s5+s10] =	stream.linear.scatter [tilespmem:s6], [sflag:$0x7], $0x80, $0x38;
	[tilespmem:$0xA900] =	vst v63  }
0x3bf: {  	s7 =	sadd.s32 $0x1, s7;
	s25 =	sadd.s32 $0x40, s0;
	s30 =	simm.s32 $0xA6E0  }
0x3c0: {  	[hbm4b:s25+s10] =	stream.linear.scatter [tilespmem:s30], [sflag:$0x7], $0x80, $0x38;
	[tilespmem:$0xA900] =	vst v63  }
0x3c1: {  	p0 =	sne.s32 s7, $0x64;
	s4 =	sadd.s32 $0x50, s0;
	s5 =	simm.s32 $0xA768  }
0x3c2: {  	[hbm4b:s4+s10] =	stream.linear.scatter [tilespmem:s5], [sflag:$0x7], $0x80, $0x38;
	[tilespmem:$0xA900] =	vst v63  }
.Ltmp2:
0x3c3: {  	_ = 	snop;
	(pc) =	sbr.rel @p0 .LBB2_2-.Ltmp2, $4  }
0x3c4: {  	s6 =	sadd.s32 $0x60, s0;
	s25 =	simm.s32 $0xA7F0  }
0x3c5: {  	[hbm4b:s6+s10] =	stream.linear.scatter [tilespmem:s25], [sflag:$0x7], $0x80, $0x38;
	[tilespmem:$0xA900] =	vst v63  }
0x3c6: {  	s0 =	sadd.s32 $0x70, s0;
	s30 =	simm.s32 $0xA878  }
0x3c7: {  	[hbm4b:s0+s10] =	stream.linear.scatter [tilespmem:s30], [sflag:$0x7], $0x80, $0x38;
	[tilespmem:$0xA900] =	vst v63  }
0x3c8: {  	_ =	swait.ge [sflag:s2], $0x400  }
0x3c9: {  	[sflag:s2] =	ssyncset.done $0x0  }
0x3ca: {  	[sflag:s2] =	ssyncadd.s32 $0xFFFFFC00  }
0x3cb: {  	_ =	swait.ge [sflag:s2], $0x400  }
0x3cc: {  	[sflag:s2] =	ssyncset.done $0x0  }
0x3cd: {  	[sflag:s2] =	ssyncadd.s32 $0xFFFFFC00  }
0x3ce: {  	_ =	swait.ge [sflag:s2], $0x400  }
0x3cf: {  	[sflag:s2] =	ssyncset.done $0x0  }
0x3d0: {  	[sflag:s2] =	ssyncadd.s32 $0xFFFFFC00  }
0x3d1: {  	_ =	swait.ge [sflag:s2], $0x400  }
0x3d2: {  	[sflag:s2] =	ssyncset.done $0x0  }
0x3d3: {  	[sflag:s2] =	ssyncadd.s32 $0xFFFFFC00  }
0x3d4: {  	_ =	swait.ge [sflag:s2], $0x400  }
0x3d5: {  	[sflag:s2] =	ssyncset.done $0x0  }
0x3d6: {  	[sflag:s2] =	ssyncadd.s32 $0xFFFFFC00  }
0x3d7: {  	_ =	swait.ge [sflag:s2], $0x400  }
0x3d8: {  	[sflag:s2] =	ssyncset.done $0x0  }
0x3d9: {  	[sflag:s2] =	ssyncadd.s32 $0xFFFFFC00  }
0x3da: {  	_ =	swait.ge [sflag:s2], $0x400  }
0x3db: {  	[sflag:s2] =	ssyncset.done $0x0  }
0x3dc: {  	[sflag:s2] =	ssyncadd.s32 $0xFFFFFC00  }
0x3dd: {  	_ =	swait.ge [sflag:s2], $0x400  }
0x3de: {  	s1 =	rddreg [dreg:$0x1b]  }
0x3df: {  	s0 =	rddreg [dreg:$0x1a];
	s1 =	sadd.s32 $0x1, s1  }
0x3e0: {  	p0 =	sne.s32 s1, s0  }
.Ltmp3:
0x3e1: {  	_ = 	snop;
	(pc) =	sbr.rel @p0 .LBB2_1-.Ltmp3, $3  }
0x3e2: {  	_ =	sdelay $0x1  }
0x3e3: {  	[sflag:s2] =	ssyncset.done $0x0  }
0x3e4: {  	[sflag:s2] =	ssyncadd.s32 $0xFFFFFC00  }
0x3e5: {  	_ =	sfence.sel $0x180000  }
0x3e6: {  	[bflag:$0x0] =	sbarrier.arrive $0xFFFF  }
0x3e7: {  	_ =	strace $0x90000047  }
0x3e8: {  	s0 =	stileid.u32;
	[bflag:$0x2] =	sbarrier.arrive $0xFFFF  }
0x3e9: {  	p0 =	sne.s32 s0, $0x0;
	s0 =	rddreg [dreg:$0x9]  }
0x3ea: {  	s0 =	sadd.s32 @!p0 $0x100000, s0  }
0x3eb: {  	[sflag:s0] =	ssyncadd.tile.s32 @!p0 $0x1;
	_ =	shalt  }
.Lfunc_end2:
_tile_overlayer_lowered:
.L_overlay_start_2:
0x3ec: {  	(tag) =	ssettag $0x2  }
0x3ed: {  	s0 =	rddreg [dreg:$0x0];
	s2 =	stileid.u32  }
0x3ee: {  	s1 =	rddreg [dreg:$0x1];
	p0 =	sne.s32 s2, $0x0  }
0x3ef: {  	s3 =	rddreg [dreg:$0x2];
	[bflag:$0x3] =	sbarrier.arrive $0xFFFF;
	s2 =	simm.s32 @!p0 $0x1C08  }
0x3f0: {  	[timem:s3], [sflag:s2] =	dma.local @!p0 [hbm:s0], s1  }
0x3f1: {  	s0 =	simm.s32 @!p0 $0x8  }
0x3f2: {  	_ =	swait.ge @!p0 [sflag:s0], s1  }
0x3f3: {  	s1 =	ssub.s32 @!p0 $0x0, s1;
	[sflag:s0] =	ssyncset.done @!p0 $0x0  }
0x3f4: {  	[sflag:s0] =	ssyncadd.s32 @!p0 s1  }
0x3f5: {  	[bflag:$0x3] =	sbarrier.arrive $0xFFFF  }
0x3f6: {  	_ =	shalt  }

</sc_bundles>
